<compile_context>
chip_gen: v7x
topology: tpu7x:2x2x1
jax: 0.10.2.dev20260603
libtpu: 0.0.44.dev20260713+nightly
codegen_flags: <defaults>
</compile_context>

<pallas_src>
import functools

import jax
import jax.numpy as jnp
from jax import lax
from jax.experimental import pallas as pl
from jax.experimental.pallas import tpu as pltpu
from jax.experimental.pallas import tpu_sc as plsc

N = 10000
E = 160000
HID = 256
NSUB = 16
E16 = E // NSUB
E32 = E // 2 // NSUB
B = 80
B0 = 40
NCH = E16 // B
NCH0 = E32 // B0
NP = 10240
RS = NP // NSUB

BN = 1000
BE = 2000

_EPS = 1e-5


def _pack_halves(v):
    lo = jax.lax.bitcast_convert_type(
        v[:, :128].astype(jnp.bfloat16).astype(jnp.float32), jnp.uint32)
    hi = jax.lax.bitcast_convert_type(
        v[:, 128:].astype(jnp.bfloat16).astype(jnp.float32), jnp.uint32)
    packed = (lo >> jnp.uint32(16)) | (hi & jnp.uint32(0xFFFF0000))
    return jax.lax.bitcast_convert_type(packed, jnp.int32)


def _ln(v, g, b):
    m = jnp.mean(v, axis=-1, keepdims=True)
    var = jnp.mean((v - m) ** 2, axis=-1, keepdims=True)
    return (v - m) / jnp.sqrt(var + _EPS) * g + b



def _node_enc_body(x_ref, w_ref, b_ref, g_ref, bb_ref, o_ref):
    v = jnp.maximum(jnp.dot(x_ref[...], w_ref[...]) + b_ref[...], 0.0)
    o_ref[...] = _ln(v, g_ref[...], bb_ref[...])


def _edge_proj_a_body(ea_ref, we_ref, be_ref, ge_ref, bbe_ref,
                      b1_ref, c1_ref, o1_ref):
    raw = ea_ref[...]
    enc = _ln(jnp.maximum(jnp.dot(raw, we_ref[...]) + be_ref[...], 0.0),
              ge_ref[...], bbe_ref[...])
    o1_ref[...] = _pack_halves(jnp.dot(enc, b1_ref[...]) + c1_ref[...])


def _edge_proj_b_body(ea_ref, we_ref, be_ref, ge_ref, bbe_ref,
                      b2_ref, c2_ref, cc_ref, ccb_ref, o2_ref, oc_ref):
    raw = ea_ref[...]
    enc = _ln(jnp.maximum(jnp.dot(raw, we_ref[...]) + be_ref[...], 0.0),
              ge_ref[...], bbe_ref[...])
    o2_ref[...] = _pack_halves(jnp.dot(enc, b2_ref[...]) + c2_ref[...])
    oc_ref[...] = _pack_halves(jnp.dot(raw, cc_ref[...]) + ccb_ref[...])


def _ha_body(h_ref, a_ref, o_ref):
    o_ref[...] = jnp.dot(h_ref[...], a_ref[0])


def _upd_body(h_ref, m0_ref, m1_ref, ca_ref, cb_ref, wu0_ref, wu1_ref,
              wu2_ref, bu_ref, g_ref, b_ref, o_ref):
    h = h_ref[...]
    cnt = ca_ref[:, 0:1] + cb_ref[:, 0:1]
    inv = 1.0 / jnp.maximum(cnt, 1.0)
    u = (jnp.dot(h, wu0_ref[...]) + jnp.dot(m0_ref[...] * inv, wu1_ref[...])
         + jnp.dot(m1_ref[...] * inv, wu2_ref[...]) + bu_ref[...])
    u = _ln(u, g_ref[...], b_ref[...])
    o_ref[...] = jnp.maximum(u + h, 0.0)


def _pred_body(zl_ref, zh_ref, w2_ref, b2_ref, w3_ref, b3_ref, o_ref):
    z = jnp.maximum(jnp.concatenate([zl_ref[...], zh_ref[...]], axis=1), 0.0)
    z = jnp.maximum(jnp.dot(z, w2_ref[...]) + b2_ref[...], 0.0)
    o_ref[...] = jax.nn.sigmoid(jnp.dot(z, w3_ref[...]) + b3_ref[...])



@functools.cache
def _sc_kernels():
  mesh = plsc.VectorSubcoreMesh(
      core_axis_name="c", subcore_axis_name="s", num_cores=2, num_subcores=NSUB)

  @functools.partial(
    pl.kernel,
    out_type=(jax.ShapeDtypeStruct((NP, 128), jnp.float32),
              jax.ShapeDtypeStruct((NP, 128), jnp.float32)),
    mesh=mesh,
    scratch_types=[
        pltpu.VMEM((B0,), jnp.int32),
        pltpu.VMEM((B0, 128), jnp.float32),
        pltpu.VMEM_SHARED((NP, 128), jnp.float32),
    ],
  )
  def _s0(dst, ones, zeros, out0, out1, dstv, onesv, shared):
    c = lax.axis_index("c")
    s = lax.axis_index("s")
    pltpu.sync_copy(zeros.at[pl.ds(s * RS, RS)], shared.at[pl.ds(s * RS, RS)])
    pltpu.sync_copy(ones, onesv)
    plsc.subcore_barrier()
    base = c * (E // 2) + s * E32

    def chunk(j, carry):
        pltpu.sync_copy(dst.at[pl.ds(base + j * B0, B0)], dstv)
        pltpu.sync_copy(onesv, shared.at[dstv], add=True)
        return carry

    lax.fori_loop(0, NCH0, chunk, 0)
    plsc.subcore_barrier()

    @pl.when(c == 0)
    def _():
        pltpu.sync_copy(shared.at[pl.ds(s * RS, RS)], out0.at[pl.ds(s * RS, RS)])

    @pl.when(c == 1)
    def _():
        pltpu.sync_copy(shared.at[pl.ds(s * RS, RS)], out1.at[pl.ds(s * RS, RS)])

  @functools.partial(
    pl.kernel,
    out_type=(jax.ShapeDtypeStruct((NP, 128), jnp.float32),
              jax.ShapeDtypeStruct((NP, 128), jnp.float32)),
    mesh=mesh,
    scratch_types=[
        pltpu.VMEM((2, B), jnp.int32),
        pltpu.VMEM((2, B), jnp.int32),
        pltpu.VMEM((2, B, 128), jnp.int32),
        pltpu.VMEM((2, B, 128), jnp.float32),
        pltpu.VMEM_SHARED((NP, 128), jnp.float32),
        pltpu.SemaphoreType.DMA,
        pltpu.SemaphoreType.DMA,
        pltpu.SemaphoreType.DMA,
        pltpu.SemaphoreType.DMA,
        pltpu.SemaphoreType.DMA,
        pltpu.SemaphoreType.DMA,
        pltpu.SemaphoreType.DMA,
        pltpu.SemaphoreType.DMA,
    ],
  )
  def _s1(hA, eaB, srcx4, dst3, zeros, out0, out1, srcv, dstv, ebuf, gbuf,
          shared, se0, se1, sg0, sg1, si0, si1, sd0, sd1):
    c = lax.axis_index("c")
    s = lax.axis_index("s")
    se = (se0, se1)
    sg = (sg0, sg1)
    si = (si0, si1)
    sd = (sd0, sd1)
    w = c * NSUB + s
    pltpu.sync_copy(zeros.at[pl.ds(s * RS, RS)], shared.at[pl.ds(s * RS, RS)])
    plsc.subcore_barrier()
    ebase = c * E + s * E16

    def src_copy(j, slot):
        return pltpu.make_async_copy(srcx4.at[w, j], srcv.at[slot], si[slot])

    def dst_copy(j, slot):
        return pltpu.make_async_copy(dst3.at[s, j], dstv.at[slot], sd[slot])

    sbase = s * E16
    shift = 16 * (1 - c)

    def eaB_copy(j, slot):
        return pltpu.make_async_copy(
            eaB.at[pl.ds(sbase + j * B, B)], ebuf.at[slot], se[slot])

    def gather_copy(slot):
        return pltpu.make_async_copy(
            hA.at[srcv.at[slot]], gbuf.at[slot], sg[slot])

    pltpu.sync_copy(srcx4.at[w, 0], srcv.at[0])
    pltpu.sync_copy(dst3.at[s, 0], dstv.at[0])
    src_copy(1, 1).start()
    dst_copy(1, 1).start()
    gather_copy(0).start()
    eaB_copy(0, 0).start()
    eaB_copy(1, 1).start()

    def body(j, slot):
        nslot = 1 - slot
        gather_copy(slot).wait()
        eaB_copy(j, slot).wait()

        def row(r, carry2):
            for k in range(128 // 16):
                sl = pl.ds(k * 16, 16)
                u = ebuf[slot, r, sl]
                v = jax.lax.bitcast_convert_type(
                    (u << shift) & jnp.int32(-65536), jnp.float32)
                gbuf[slot, r, sl] = jnp.maximum(gbuf[slot, r, sl] + v, 0.0)
            return carry2

        lax.fori_loop(0, B, row, 0)

        @pl.when(j + 1 < NCH)
        def _():
            src_copy(j + 1, nslot).wait()
            gather_copy(nslot).start()

        @pl.when(j > 0)
        def _():
            dst_copy(j, slot).wait()

        pltpu.sync_copy(gbuf.at[slot], shared.at[dstv.at[slot]], add=True)

        @pl.when(j + 2 < NCH)
        def _():
            src_copy(j + 2, slot).start()
            dst_copy(j + 2, slot).start()
            eaB_copy(j + 2, slot).start()

    def chunk(j, carry):
        @pl.when(j % 2 == 0)
        def _():
            body(j, 0)

        @pl.when(j % 2 == 1)
        def _():
            body(j, 1)

        return carry

    lax.fori_loop(0, NCH, chunk, 0)
    plsc.subcore_barrier()

    @pl.when(c == 0)
    def _():
        pltpu.sync_copy(shared.at[pl.ds(s * RS, RS)], out0.at[pl.ds(s * RS, RS)])

    @pl.when(c == 1)
    def _():
        pltpu.sync_copy(shared.at[pl.ds(s * RS, RS)], out1.at[pl.ds(s * RS, RS)])

  @functools.partial(
    pl.kernel,
    out_type=jax.ShapeDtypeStruct((2 * E, 128), jnp.float32),
    mesh=mesh,
    scratch_types=[
        pltpu.VMEM((NCH, B), jnp.int32),
        pltpu.VMEM((NCH, B), jnp.int32),
        pltpu.VMEM((2, B, 128), jnp.int32),
        pltpu.VMEM((2, B, 128), jnp.float32),
        pltpu.VMEM((2, B, 128), jnp.float32),
        pltpu.VMEM((2, B, 128), jnp.float32),
        pltpu.SemaphoreType.DMA,
        pltpu.SemaphoreType.DMA,
        pltpu.SemaphoreType.DMA,
        pltpu.SemaphoreType.DMA,
        pltpu.SemaphoreType.DMA,
        pltpu.SemaphoreType.DMA,
        pltpu.SemaphoreType.DMA,
        pltpu.SemaphoreType.DMA,
    ],
  )
  def _s2(T, eC, srcx4, dstx4, out, src_t, dst_t, ebuf, g1, g2, obuf,
          se0, se1, sa0, sa1, sb0, sb1, sw0, sw1):
    c = lax.axis_index("c")
    s = lax.axis_index("s")
    se = (se0, se1)
    sa = (sa0, sa1)
    sb = (sb0, sb1)
    sw = (sw0, sw1)
    pltpu.sync_copy(srcx4.at[c * NSUB + s], src_t)
    pltpu.sync_copy(dstx4.at[c * NSUB + s], dst_t)
    ebase = c * E + s * E16

    sbase = s * E16
    shift = 16 * (1 - c)

    def eC_copy(j, slot):
        return pltpu.make_async_copy(
            eC.at[pl.ds(sbase + j * B, B)], ebuf.at[slot], se[slot])

    def ga_copy(j, slot):
        return pltpu.make_async_copy(T.at[src_t.at[j]], g1.at[slot], sa[slot])

    def gb_copy(j, slot):
        return pltpu.make_async_copy(T.at[dst_t.at[j]], g2.at[slot], sb[slot])

    def out_copy(j, slot):
        return pltpu.make_async_copy(
            obuf.at[slot], out.at[pl.ds(ebase + j * B, B)], sw[slot])

    for slot in (0, 1):
        eC_copy(slot, slot).start()
        ga_copy(slot, slot).start()
        gb_copy(slot, slot).start()

    def body(j, slot):
        eC_copy(j, slot).wait()
        ga_copy(j, slot).wait()
        gb_copy(j, slot).wait()

        @pl.when(j >= 2)
        def _():
            out_copy(j, slot).wait()

        def row(r, carry2):
            for k in range(128 // 16):
                sl = pl.ds(k * 16, 16)
                u = ebuf[slot, r, sl]
                v = jax.lax.bitcast_convert_type(
                    (u << shift) & jnp.int32(-65536), jnp.float32)
                obuf[slot, r, sl] = g1[slot, r, sl] + g2[slot, r, sl] + v
            return carry2

        lax.fori_loop(0, B, row, 0)
        out_copy(j, slot).start()

        @pl.when(j + 2 < NCH)
        def _():
            eC_copy(j + 2, slot).start()
            ga_copy(j + 2, slot).start()
            gb_copy(j + 2, slot).start()

    def chunk(j, carry):
        @pl.when(j % 2 == 0)
        def _():
            body(j, 0)

        @pl.when(j % 2 == 1)
        def _():
            body(j, 1)

        return carry

    lax.fori_loop(0, NCH, chunk, 0)
    out_copy(NCH - 2, (NCH - 2) % 2).wait()
    out_copy(NCH - 1, (NCH - 1) % 2).wait()

  return _s0, _s1, _s2



def _row2(m):
    return m.reshape(1, -1)


def _split_stack(w):
    return w.reshape(w.shape[0], 2, 128).transpose(1, 0, 2)


def kernel(x, edge_index, edge_attr, params):
    src = edge_index[0]
    dst = edge_index[1]
    nE = E // BE
    nN = N // BN

    pn = params["node_enc"]
    pe = params["edge_enc"]
    pp = params["pred"]

    h = pl.pallas_call(
        _node_enc_body,
        grid=(nN,),
        in_specs=[
            pl.BlockSpec((BN, 128), lambda i: (i, 0)),
            pl.BlockSpec((128, 256), lambda i: (0, 0)),
            pl.BlockSpec((1, 256), lambda i: (0, 0)),
            pl.BlockSpec((1, 256), lambda i: (0, 0)),
            pl.BlockSpec((1, 256), lambda i: (0, 0)),
        ],
        out_specs=pl.BlockSpec((BN, 256), lambda i: (i, 0)),
        out_shape=jax.ShapeDtypeStruct((N, 256), jnp.float32),
    )(x, pn["lin"]["w"], _row2(pn["lin"]["b"]), _row2(pn["ln_g"]),
      _row2(pn["ln_b"]))

    Bst = [cp["msg"]["w"][256:] for cp in params["convs"]]
    bst = [_row2(cp["msg"]["b"]) for cp in params["convs"]]
    W1 = pp["l1"]["w"]
    Cst = W1[512:]
    cbs = _row2(pp["l1"]["b"])

    _enc_specs = [
        pl.BlockSpec((BE, 16), lambda i: (i, 0)),
        pl.BlockSpec((16, 256), lambda i: (0, 0)),
        pl.BlockSpec((1, 256), lambda i: (0, 0)),
        pl.BlockSpec((1, 256), lambda i: (0, 0)),
        pl.BlockSpec((1, 256), lambda i: (0, 0)),
    ]
    _enc_args = (edge_attr, pe["lin"]["w"], _row2(pe["lin"]["b"]),
                 _row2(pe["ln_g"]), _row2(pe["ln_b"]))
    _eout = pl.BlockSpec((BE, 128), lambda i: (i, 0))

    srcx4 = jnp.concatenate([src, src + N]).reshape(2 * NSUB, NCH, B)
    dstx4 = jnp.concatenate([dst + 2 * N, dst + 3 * N]).reshape(2 * NSUB, NCH, B)
    dst3 = dst.reshape(NSUB, NCH, B)
    zeros = jnp.zeros((NP, 128), jnp.float32)
    ones = jnp.ones((B0, 128), jnp.float32)
    _s0, _s1, _s2 = _sc_kernels()

    cnta, cntb = _s0(dst, ones, zeros)

    eaB1 = pl.pallas_call(
        _edge_proj_a_body,
        grid=(nE,),
        in_specs=_enc_specs + [
            pl.BlockSpec((256, 256), lambda i: (0, 0)),
            pl.BlockSpec((1, 256), lambda i: (0, 0)),
        ],
        out_specs=_eout,
        out_shape=jax.ShapeDtypeStruct((E, 128), jnp.int32),
    )(*_enc_args, Bst[0], bst[0])

    eaB2 = eC = None
    for li, cp in enumerate(params["convs"]):
        Ast = _split_stack(cp["msg"]["w"][:256])
        hA = pl.pallas_call(
            _ha_body,
            grid=(2, nN),
            in_specs=[
                pl.BlockSpec((BN, 256), lambda c, i: (i, 0)),
                pl.BlockSpec((1, 256, 128), lambda c, i: (c, 0, 0)),
            ],
            out_specs=pl.BlockSpec((BN, 128), lambda c, i: (c * (N // BN) + i, 0)),
            out_shape=jax.ShapeDtypeStruct((2 * N, 128), jnp.float32),
        )(h, Ast)

        msum0, msum1 = _s1(hA, eaB1 if li == 0 else eaB2, srcx4, dst3, zeros)

        if li == 0:
            eaB2, eC = pl.pallas_call(
                _edge_proj_b_body,
                grid=(nE,),
                in_specs=_enc_specs + [
                    pl.BlockSpec((256, 256), lambda i: (0, 0)),
                    pl.BlockSpec((1, 256), lambda i: (0, 0)),
                    pl.BlockSpec((16, 256), lambda i: (0, 0)),
                    pl.BlockSpec((1, 256), lambda i: (0, 0)),
                ],
                out_specs=[_eout, _eout],
                out_shape=[
                    jax.ShapeDtypeStruct((E, 128), jnp.int32),
                    jax.ShapeDtypeStruct((E, 128), jnp.int32),
                ],
            )(*_enc_args, Bst[1], bst[1], Cst, cbs)

        Wu = cp["upd"]["w"]
        h = pl.pallas_call(
            _upd_body,
            grid=(nN,),
            in_specs=[
                pl.BlockSpec((BN, 256), lambda i: (i, 0)),
                pl.BlockSpec((BN, 128), lambda i: (i, 0)),
                pl.BlockSpec((BN, 128), lambda i: (i, 0)),
                pl.BlockSpec((BN, 128), lambda i: (i, 0)),
                pl.BlockSpec((BN, 128), lambda i: (i, 0)),
                pl.BlockSpec((256, 256), lambda i: (0, 0)),
                pl.BlockSpec((128, 256), lambda i: (0, 0)),
                pl.BlockSpec((128, 256), lambda i: (0, 0)),
                pl.BlockSpec((1, 256), lambda i: (0, 0)),
                pl.BlockSpec((1, 256), lambda i: (0, 0)),
                pl.BlockSpec((1, 256), lambda i: (0, 0)),
            ],
            out_specs=pl.BlockSpec((BN, 256), lambda i: (i, 0)),
            out_shape=jax.ShapeDtypeStruct((N, 256), jnp.float32),
        )(h, msum0, msum1, cnta, cntb, Wu[:256], Wu[256:384], Wu[384:512],
          _row2(cp["upd"]["b"]), _row2(cp["ln_g"]), _row2(cp["ln_b"]))

    Wt = jnp.stack([
        W1[:256, :128], W1[:256, 128:256], W1[256:512, :128], W1[256:512, 128:256],
    ])
    T = pl.pallas_call(
        _ha_body,
        grid=(4, nN),
        in_specs=[
            pl.BlockSpec((BN, 256), lambda c, i: (i, 0)),
            pl.BlockSpec((1, 256, 128), lambda c, i: (c, 0, 0)),
        ],
        out_specs=pl.BlockSpec((BN, 128), lambda c, i: (c * (N // BN) + i, 0)),
        out_shape=jax.ShapeDtypeStruct((4 * N, 128), jnp.float32),
    )(h, Wt)

    z1pre = _s2(T, eC, srcx4, dstx4)

    out = pl.pallas_call(
        _pred_body,
        grid=(nE,),
        in_specs=[
            pl.BlockSpec((BE, 128), lambda i: (i, 0)),
            pl.BlockSpec((BE, 128), lambda i: (E // BE + i, 0)),
            pl.BlockSpec((256, 128), lambda i: (0, 0)),
            pl.BlockSpec((1, 128), lambda i: (0, 0)),
            pl.BlockSpec((128, 1), lambda i: (0, 0)),
            pl.BlockSpec((1, 1), lambda i: (0, 0)),
        ],
        out_specs=pl.BlockSpec((BE, 1), lambda i: (i, 0)),
        out_shape=jax.ShapeDtypeStruct((E, 1), jnp.float32),
    )(z1pre, z1pre, pp["l2"]["w"], _row2(pp["l2"]["b"]), pp["l3"]["w"],
      _row2(pp["l3"]["b"]))

    return out

# --- scband reference (transcript-rebuilt; emitter-appended) ---
"""Pipeline reference for scband-scene-graph-gnn-1468878815658 (READ-ONLY COPY).

The authoritative reference and input builder live on the scoring server;
editing this copy changes nothing except your own understanding.
"""

import jax, jax.numpy as jnp
import numpy as np

N, E = 10000, 160000
NODE_DIM, EDGE_DIM, HID, NUM_LAYERS = 128, 16, 256, 2

def _lin(key, fi, fo):
    kw, kb = jax.random.split(key)
    return {"w": jax.random.normal(kw, (fi, fo), jnp.float32) / np.sqrt(fi),
            "b": jnp.zeros((fo,), jnp.float32)}

def setup_inputs(seed: int = 0):
    key = jax.random.key(seed)
    ks = jax.random.split(key, 16)
    x = jax.random.normal(ks[0], (N, NODE_DIM), jnp.float32)
    edge_index = jax.random.randint(ks[1], (2, E), 0, N, dtype=jnp.int32)
    edge_attr = jax.random.normal(ks[2], (E, EDGE_DIM), jnp.float32)
    params = {
        "node_enc": {"lin": _lin(ks[3], NODE_DIM, HID),
                      "ln_g": jnp.ones((HID,), jnp.float32), "ln_b": jnp.zeros((HID,), jnp.float32)},
        "edge_enc": {"lin": _lin(ks[4], EDGE_DIM, HID),
                      "ln_g": jnp.ones((HID,), jnp.float32), "ln_b": jnp.zeros((HID,), jnp.float32)},
        "convs": [
            {"msg": _lin(ks[5 + 2 * i], 2 * HID, HID),
             "upd": _lin(ks[6 + 2 * i], 2 * HID, HID),
             "ln_g": jnp.ones((HID,), jnp.float32), "ln_b": jnp.zeros((HID,), jnp.float32)}
            for i in range(NUM_LAYERS)
        ],
        "pred": {"l1": _lin(ks[10], 2 * HID + EDGE_DIM, HID),
                  "l2": _lin(ks[11], HID, HID // 2),
                  "l3": _lin(ks[12], HID // 2, 1)},
    }
    return {"x": x, "edge_index": edge_index, "edge_attr": edge_attr, "params": params}

def _ln(v, g, b):
    m = v.mean(axis=-1, keepdims=True)
    var = ((v - m) ** 2).mean(axis=-1, keepdims=True)
    return (v - m) / jnp.sqrt(var + 1e-5) * g + b

def _apply_lin(p, v):
    return v @ p["w"] + p["b"]

def reference(x, edge_index, edge_attr, params):
    n = x.shape[0]
    src = edge_index[0]
    dst = edge_index[1]
    # node encoder: Linear -> ReLU -> LayerNorm
    h = _ln(jax.nn.relu(_apply_lin(params["node_enc"]["lin"], x)),
            params["node_enc"]["ln_g"], params["node_enc"]["ln_b"])
    # edge encoder: Linear -> ReLU -> LayerNorm
    ea = _ln(jax.nn.relu(_apply_lin(params["edge_enc"]["lin"], edge_attr)),
             params["edge_enc"]["ln_g"], params["edge_enc"]["ln_b"])
    for cp in params["convs"]:
        # message_net: Linear(2*hid -> hid) -> ReLU, on [x[src], edge_attr_encoded]
        combined = jnp.concatenate([h[src], ea], axis=1)
        msgs = jax.nn.relu(_apply_lin(cp["msg"], combined))
        # mean-aggregate messages by destination node; zero for isolated nodes
        msum = jnp.zeros((n, msgs.shape[1]), msgs.dtype).at[dst].add(msgs)
        cnt = jnp.zeros((n,), msgs.dtype).at[dst].add(1.0)
        agg = msum / jnp.maximum(cnt, 1.0)[:, None]
        # update_net: Linear(2*hid -> hid) -> LayerNorm, then residual + ReLU
        upd = _ln(_apply_lin(cp["upd"], jnp.concatenate([h, agg], axis=1)),
                  cp["ln_g"], cp["ln_b"])
        h = jax.nn.relu(upd + h)
    # edge predictor (dropout is identity in eval)
    ef = jnp.concatenate([h[src], h[dst], edge_attr], axis=1)
    z = jax.nn.relu(_apply_lin(params["pred"]["l1"], ef))
    z = jax.nn.relu(_apply_lin(params["pred"]["l2"], z))
    edge_probs = jax.nn.sigmoid(_apply_lin(params["pred"]["l3"], z))
    return edge_probs

if __name__ == "__main__":
    import jax
    _d = setup_inputs()
    print(jax.jit(kernel)(*tuple(_d.values())))

</pallas_src>

<mosaic_0001>
#map = affine_map<(d0, d1) -> (0, 0)>
#map1 = affine_map<(d0, d1) -> (0, 0, 0)>
module attributes {stable_mosaic.version = 14 : i64} {
  func.func @_s2(%arg0: i32, %arg1: i32, %arg2: memref<40000x128xf32, #tpu.memory_space<hbm>>, %arg3: memref<160000x128xi32, #tpu.memory_space<hbm>>, %arg4: memref<32x125x80xi32, #tpu.memory_space<hbm>>, %arg5: memref<32x125x80xi32, #tpu.memory_space<hbm>>, %arg6: memref<320000x128xf32, #tpu.memory_space<hbm>>, %arg7: memref<125x80xi32, #tpu.memory_space<vmem>>, %arg8: memref<125x80xi32, #tpu.memory_space<vmem>>, %arg9: memref<2x80x128xi32, #tpu.memory_space<vmem>>, %arg10: memref<2x80x128xf32, #tpu.memory_space<vmem>>, %arg11: memref<2x80x128xf32, #tpu.memory_space<vmem>>, %arg12: memref<2x80x128xf32, #tpu.memory_space<vmem>>, %arg13: memref<!tpu.dma_semaphore, #tpu.memory_space<semaphore_mem>>, %arg14: memref<!tpu.dma_semaphore, #tpu.memory_space<semaphore_mem>>, %arg15: memref<!tpu.dma_semaphore, #tpu.memory_space<semaphore_mem>>, %arg16: memref<!tpu.dma_semaphore, #tpu.memory_space<semaphore_mem>>, %arg17: memref<!tpu.dma_semaphore, #tpu.memory_space<semaphore_mem>>, %arg18: memref<!tpu.dma_semaphore, #tpu.memory_space<semaphore_mem>>, %arg19: memref<!tpu.dma_semaphore, #tpu.memory_space<semaphore_mem>>, %arg20: memref<!tpu.dma_semaphore, #tpu.memory_space<semaphore_mem>>) attributes {dimension_semantics = [#tpu.dimension_semantics<core_parallel>, #tpu.dimension_semantics<subcore_parallel>], iteration_bounds = array<i64: 2, 16>, scalar_prefetch = 0 : i64, scratch_operands = 14 : i64, tpu.core_type = #tpu.core_type<sc_vector_subcore>, window_params = [{transform_indices = #map}, {transform_indices = #map}, {transform_indices = #map1}, {transform_indices = #map1}, {transform_indices = #map}]} {
    %mul3A = arith.constant 16 : i32
    %mul3A_0 = arith.muli %arg0, %mul3A : i32
    %add3A = arith.addi %mul3A_0, %arg1 : i32
    "tpu.region"() ({
      %run_scoped3A = tpu.sem_alloc : memref<!tpu.dma_semaphore, #tpu.memory_space<semaphore_mem>>
      %dma_start3A_125 = arith.constant 0 : i32
      %dma_start3A_126 = arith.constant 0 : i32
      %dma_start3A_127 = tpu.memref_slice %arg4[%add3A, %dma_start3A_125, %dma_start3A_126] : memref<32x125x80xi32, #tpu.memory_space<hbm>> -> memref<1x125x80xi32, #tpu.memory_space<hbm>>
      %dma_start3A_128 = tpu.memref_squeeze %dma_start3A_127 : memref<1x125x80xi32, #tpu.memory_space<hbm>> -> memref<125x80xi32, #tpu.memory_space<hbm>>
      %dma_start3A_129 = arith.constant 0 : i32
      %dma_start3A_130 = arith.constant 0 : i32
      %dma_start3A_131 = tpu.memref_slice %arg4[%add3A, %dma_start3A_129, %dma_start3A_130] : memref<32x125x80xi32, #tpu.memory_space<hbm>> -> memref<1x125x80xi32, #tpu.memory_space<hbm>>
      %dma_start3A_132 = tpu.memref_squeeze %dma_start3A_131 : memref<1x125x80xi32, #tpu.memory_space<hbm>> -> memref<125x80xi32, #tpu.memory_space<hbm>>
      tpu.enqueue_dma source(%dma_start3A_132 : memref<125x80xi32, #tpu.memory_space<hbm>>) target(%arg7 : memref<125x80xi32, #tpu.memory_space<vmem>>) target_semaphore(%run_scoped3A : memref<!tpu.dma_semaphore, #tpu.memory_space<semaphore_mem>>)
      %dma_wait3A_133 = arith.constant 0 : i32
      %dma_wait3A_134 = arith.constant 0 : i32
      %dma_wait3A_135 = tpu.memref_slice %arg4[%add3A, %dma_wait3A_133, %dma_wait3A_134] : memref<32x125x80xi32, #tpu.memory_space<hbm>> -> memref<1x125x80xi32, #tpu.memory_space<hbm>>
      %dma_wait3A_136 = tpu.memref_squeeze %dma_wait3A_135 : memref<1x125x80xi32, #tpu.memory_space<hbm>> -> memref<125x80xi32, #tpu.memory_space<hbm>>
      %dma_wait3A_137 = arith.constant 0 : i32
      %dma_wait3A_138 = arith.constant 0 : i32
      %dma_wait3A_139 = tpu.memref_slice %arg4[%add3A, %dma_wait3A_137, %dma_wait3A_138] : memref<32x125x80xi32, #tpu.memory_space<hbm>> -> memref<1x125x80xi32, #tpu.memory_space<hbm>>
      %dma_wait3A_140 = tpu.memref_squeeze %dma_wait3A_139 : memref<1x125x80xi32, #tpu.memory_space<hbm>> -> memref<125x80xi32, #tpu.memory_space<hbm>>
      tpu.wait_dma2 semaphore(%run_scoped3A : memref<!tpu.dma_semaphore, #tpu.memory_space<semaphore_mem>>) src(%dma_wait3A_140 : memref<125x80xi32, #tpu.memory_space<hbm>>) dst(%arg7 : memref<125x80xi32, #tpu.memory_space<vmem>>)
      tpu.yield
    }) : () -> ()
    %mul3A_1 = arith.constant 16 : i32
    %mul3A_2 = arith.muli %arg0, %mul3A_1 : i32
    %add3A_3 = arith.addi %mul3A_2, %arg1 : i32
    "tpu.region"() ({
      %run_scoped3A = tpu.sem_alloc : memref<!tpu.dma_semaphore, #tpu.memory_space<semaphore_mem>>
      %dma_start3A_125 = arith.constant 0 : i32
      %dma_start3A_126 = arith.constant 0 : i32
      %dma_start3A_127 = tpu.memref_slice %arg5[%add3A_3, %dma_start3A_125, %dma_start3A_126] : memref<32x125x80xi32, #tpu.memory_space<hbm>> -> memref<1x125x80xi32, #tpu.memory_space<hbm>>
      %dma_start3A_128 = tpu.memref_squeeze %dma_start3A_127 : memref<1x125x80xi32, #tpu.memory_space<hbm>> -> memref<125x80xi32, #tpu.memory_space<hbm>>
      %dma_start3A_129 = arith.constant 0 : i32
      %dma_start3A_130 = arith.constant 0 : i32
      %dma_start3A_131 = tpu.memref_slice %arg5[%add3A_3, %dma_start3A_129, %dma_start3A_130] : memref<32x125x80xi32, #tpu.memory_space<hbm>> -> memref<1x125x80xi32, #tpu.memory_space<hbm>>
      %dma_start3A_132 = tpu.memref_squeeze %dma_start3A_131 : memref<1x125x80xi32, #tpu.memory_space<hbm>> -> memref<125x80xi32, #tpu.memory_space<hbm>>
      tpu.enqueue_dma source(%dma_start3A_132 : memref<125x80xi32, #tpu.memory_space<hbm>>) target(%arg8 : memref<125x80xi32, #tpu.memory_space<vmem>>) target_semaphore(%run_scoped3A : memref<!tpu.dma_semaphore, #tpu.memory_space<semaphore_mem>>)
      %dma_wait3A_133 = arith.constant 0 : i32
      %dma_wait3A_134 = arith.constant 0 : i32
      %dma_wait3A_135 = tpu.memref_slice %arg5[%add3A_3, %dma_wait3A_133, %dma_wait3A_134] : memref<32x125x80xi32, #tpu.memory_space<hbm>> -> memref<1x125x80xi32, #tpu.memory_space<hbm>>
      %dma_wait3A_136 = tpu.memref_squeeze %dma_wait3A_135 : memref<1x125x80xi32, #tpu.memory_space<hbm>> -> memref<125x80xi32, #tpu.memory_space<hbm>>
      %dma_wait3A_137 = arith.constant 0 : i32
      %dma_wait3A_138 = arith.constant 0 : i32
      %dma_wait3A_139 = tpu.memref_slice %arg5[%add3A_3, %dma_wait3A_137, %dma_wait3A_138] : memref<32x125x80xi32, #tpu.memory_space<hbm>> -> memref<1x125x80xi32, #tpu.memory_space<hbm>>
      %dma_wait3A_140 = tpu.memref_squeeze %dma_wait3A_139 : memref<1x125x80xi32, #tpu.memory_space<hbm>> -> memref<125x80xi32, #tpu.memory_space<hbm>>
      tpu.wait_dma2 semaphore(%run_scoped3A : memref<!tpu.dma_semaphore, #tpu.memory_space<semaphore_mem>>) src(%dma_wait3A_140 : memref<125x80xi32, #tpu.memory_space<hbm>>) dst(%arg8 : memref<125x80xi32, #tpu.memory_space<vmem>>)
      tpu.yield
    }) : () -> ()
    %mul3A_4 = arith.constant 160000 : i32
    %mul3A_5 = arith.muli %arg0, %mul3A_4 : i32
    %mul3A_6 = arith.constant 10000 : i32
    %mul3A_7 = arith.muli %arg1, %mul3A_6 : i32
    %add3A_8 = arith.addi %mul3A_5, %mul3A_7 : i32
    %mul3A_9 = arith.constant 10000 : i32
    %mul3A_10 = arith.muli %arg1, %mul3A_9 : i32
    %sub3A = arith.constant 1 : i32
    %sub3A_11 = arith.subi %sub3A, %arg0 : i32
    %mul3A_12 = arith.constant 16 : i32
    %mul3A_13 = arith.muli %mul3A_12, %sub3A_11 : i32
    %add3A_14 = arith.constant 0 : i32
    %add3A_15 = arith.addi %mul3A_10, %add3A_14 : i32
    %dma_start3A = arith.constant 0 : i32
    %dma_start3A_16 = arith.constant 0 : i32
    %dma_start3A_17 = arith.constant 0 : i32
    %dma_start3A_18 = tpu.memref_slice %arg9[%dma_start3A, %dma_start3A_16, %dma_start3A_17] : memref<2x80x128xi32, #tpu.memory_space<vmem>> -> memref<1x80x128xi32, #tpu.memory_space<vmem>>
    %dma_start3A_19 = tpu.memref_squeeze %dma_start3A_18 : memref<1x80x128xi32, #tpu.memory_space<vmem>> -> memref<80x128xi32, #tpu.memory_space<vmem>>
    %dma_start3A_20 = arith.constant 0 : i32
    %dma_start3A_21 = tpu.memref_slice %arg3[%add3A_15, %dma_start3A_20] : memref<160000x128xi32, #tpu.memory_space<hbm>> -> memref<80x128xi32, #tpu.memory_space<hbm>>
    %dma_start3A_22 = arith.constant 0 : i32
    %dma_start3A_23 = arith.constant 0 : i32
    %dma_start3A_24 = tpu.memref_slice %arg9[%dma_start3A, %dma_start3A_22, %dma_start3A_23] : memref<2x80x128xi32, #tpu.memory_space<vmem>> -> memref<1x80x128xi32, #tpu.memory_space<vmem>>
    %dma_start3A_25 = tpu.memref_squeeze %dma_start3A_24 : memref<1x80x128xi32, #tpu.memory_space<vmem>> -> memref<80x128xi32, #tpu.memory_space<vmem>>
    %dma_start3A_26 = arith.constant 0 : i32
    %dma_start3A_27 = tpu.memref_slice %arg3[%add3A_15, %dma_start3A_26] : memref<160000x128xi32, #tpu.memory_space<hbm>> -> memref<80x128xi32, #tpu.memory_space<hbm>>
    tpu.enqueue_dma source(%dma_start3A_27 : memref<80x128xi32, #tpu.memory_space<hbm>>) target(%dma_start3A_25 : memref<80x128xi32, #tpu.memory_space<vmem>>) target_semaphore(%arg13 : memref<!tpu.dma_semaphore, #tpu.memory_space<semaphore_mem>>)
    %dma_start3A_28 = arith.constant 0 : i32
    %dma_start3A_29 = arith.constant 0 : i32
    %dma_start3A_30 = arith.constant 0 : i32
    %dma_start3A_31 = arith.constant 0 : i32
    %dma_start3A_32 = tpu.memref_slice %arg10[%dma_start3A_29, %dma_start3A_30, %dma_start3A_31] : memref<2x80x128xf32, #tpu.memory_space<vmem>> -> memref<1x80x128xf32, #tpu.memory_space<vmem>>
    %dma_start3A_33 = tpu.memref_squeeze %dma_start3A_32 : memref<1x80x128xf32, #tpu.memory_space<vmem>> -> memref<80x128xf32, #tpu.memory_space<vmem>>
    %dma_start3A_34 = arith.constant 0 : i32
    %dma_start3A_35 = tpu.memref_slice %arg7[%dma_start3A_28, %dma_start3A_34] : memref<125x80xi32, #tpu.memory_space<vmem>> -> memref<1x80xi32, #tpu.memory_space<vmem>>
    %dma_start3A_36 = tpu.memref_squeeze %dma_start3A_35 : memref<1x80xi32, #tpu.memory_space<vmem>> -> memref<80xi32, #tpu.memory_space<vmem>>
    %dma_start3A_37 = arith.constant 0 : i32
    %dma_start3A_38 = arith.constant 0 : i32
    %dma_start3A_39 = tpu.memref_slice %arg2[%dma_start3A_37, %dma_start3A_38] : memref<40000x128xf32, #tpu.memory_space<hbm>> -> memref<40000x128xf32, #tpu.memory_space<hbm>>
    tpu.enqueue_indirect_dma source(%dma_start3A_39 : memref<40000x128xf32, #tpu.memory_space<hbm>>) target(%dma_start3A_33 : memref<80x128xf32, #tpu.memory_space<vmem>>) offsets(%dma_start3A_36 : memref<80xi32, #tpu.memory_space<vmem>>) semaphore(%arg15 : memref<!tpu.dma_semaphore, #tpu.memory_space<semaphore_mem>>)
    %dma_start3A_40 = arith.constant 0 : i32
    %dma_start3A_41 = arith.constant 0 : i32
    %dma_start3A_42 = arith.constant 0 : i32
    %dma_start3A_43 = arith.constant 0 : i32
    %dma_start3A_44 = tpu.memref_slice %arg11[%dma_start3A_41, %dma_start3A_42, %dma_start3A_43] : memref<2x80x128xf32, #tpu.memory_space<vmem>> -> memref<1x80x128xf32, #tpu.memory_space<vmem>>
    %dma_start3A_45 = tpu.memref_squeeze %dma_start3A_44 : memref<1x80x128xf32, #tpu.memory_space<vmem>> -> memref<80x128xf32, #tpu.memory_space<vmem>>
    %dma_start3A_46 = arith.constant 0 : i32
    %dma_start3A_47 = tpu.memref_slice %arg8[%dma_start3A_40, %dma_start3A_46] : memref<125x80xi32, #tpu.memory_space<vmem>> -> memref<1x80xi32, #tpu.memory_space<vmem>>
    %dma_start3A_48 = tpu.memref_squeeze %dma_start3A_47 : memref<1x80xi32, #tpu.memory_space<vmem>> -> memref<80xi32, #tpu.memory_space<vmem>>
    %dma_start3A_49 = arith.constant 0 : i32
    %dma_start3A_50 = arith.constant 0 : i32
    %dma_start3A_51 = tpu.memref_slice %arg2[%dma_start3A_49, %dma_start3A_50] : memref<40000x128xf32, #tpu.memory_space<hbm>> -> memref<40000x128xf32, #tpu.memory_space<hbm>>
    tpu.enqueue_indirect_dma source(%dma_start3A_51 : memref<40000x128xf32, #tpu.memory_space<hbm>>) target(%dma_start3A_45 : memref<80x128xf32, #tpu.memory_space<vmem>>) offsets(%dma_start3A_48 : memref<80xi32, #tpu.memory_space<vmem>>) semaphore(%arg17 : memref<!tpu.dma_semaphore, #tpu.memory_space<semaphore_mem>>)
    %add3A_52 = arith.constant 80 : i32
    %add3A_53 = arith.addi %mul3A_10, %add3A_52 : i32
    %dma_start3A_54 = arith.constant 1 : i32
    %dma_start3A_55 = arith.constant 0 : i32
    %dma_start3A_56 = arith.constant 0 : i32
    %dma_start3A_57 = tpu.memref_slice %arg9[%dma_start3A_54, %dma_start3A_55, %dma_start3A_56] : memref<2x80x128xi32, #tpu.memory_space<vmem>> -> memref<1x80x128xi32, #tpu.memory_space<vmem>>
    %dma_start3A_58 = tpu.memref_squeeze %dma_start3A_57 : memref<1x80x128xi32, #tpu.memory_space<vmem>> -> memref<80x128xi32, #tpu.memory_space<vmem>>
    %dma_start3A_59 = arith.constant 0 : i32
    %dma_start3A_60 = tpu.memref_slice %arg3[%add3A_53, %dma_start3A_59] : memref<160000x128xi32, #tpu.memory_space<hbm>> -> memref<80x128xi32, #tpu.memory_space<hbm>>
    %dma_start3A_61 = arith.constant 0 : i32
    %dma_start3A_62 = arith.constant 0 : i32
    %dma_start3A_63 = tpu.memref_slice %arg9[%dma_start3A_54, %dma_start3A_61, %dma_start3A_62] : memref<2x80x128xi32, #tpu.memory_space<vmem>> -> memref<1x80x128xi32, #tpu.memory_space<vmem>>
    %dma_start3A_64 = tpu.memref_squeeze %dma_start3A_63 : memref<1x80x128xi32, #tpu.memory_space<vmem>> -> memref<80x128xi32, #tpu.memory_space<vmem>>
    %dma_start3A_65 = arith.constant 0 : i32
    %dma_start3A_66 = tpu.memref_slice %arg3[%add3A_53, %dma_start3A_65] : memref<160000x128xi32, #tpu.memory_space<hbm>> -> memref<80x128xi32, #tpu.memory_space<hbm>>
    tpu.enqueue_dma source(%dma_start3A_66 : memref<80x128xi32, #tpu.memory_space<hbm>>) target(%dma_start3A_64 : memref<80x128xi32, #tpu.memory_space<vmem>>) target_semaphore(%arg14 : memref<!tpu.dma_semaphore, #tpu.memory_space<semaphore_mem>>)
    %dma_start3A_67 = arith.constant 1 : i32
    %dma_start3A_68 = arith.constant 1 : i32
    %dma_start3A_69 = arith.constant 0 : i32
    %dma_start3A_70 = arith.constant 0 : i32
    %dma_start3A_71 = tpu.memref_slice %arg10[%dma_start3A_68, %dma_start3A_69, %dma_start3A_70] : memref<2x80x128xf32, #tpu.memory_space<vmem>> -> memref<1x80x128xf32, #tpu.memory_space<vmem>>
    %dma_start3A_72 = tpu.memref_squeeze %dma_start3A_71 : memref<1x80x128xf32, #tpu.memory_space<vmem>> -> memref<80x128xf32, #tpu.memory_space<vmem>>
    %dma_start3A_73 = arith.constant 0 : i32
    %dma_start3A_74 = tpu.memref_slice %arg7[%dma_start3A_67, %dma_start3A_73] : memref<125x80xi32, #tpu.memory_space<vmem>> -> memref<1x80xi32, #tpu.memory_space<vmem>>
    %dma_start3A_75 = tpu.memref_squeeze %dma_start3A_74 : memref<1x80xi32, #tpu.memory_space<vmem>> -> memref<80xi32, #tpu.memory_space<vmem>>
    %dma_start3A_76 = arith.constant 0 : i32
    %dma_start3A_77 = arith.constant 0 : i32
    %dma_start3A_78 = tpu.memref_slice %arg2[%dma_start3A_76, %dma_start3A_77] : memref<40000x128xf32, #tpu.memory_space<hbm>> -> memref<40000x128xf32, #tpu.memory_space<hbm>>
    tpu.enqueue_indirect_dma source(%dma_start3A_78 : memref<40000x128xf32, #tpu.memory_space<hbm>>) target(%dma_start3A_72 : memref<80x128xf32, #tpu.memory_space<vmem>>) offsets(%dma_start3A_75 : memref<80xi32, #tpu.memory_space<vmem>>) semaphore(%arg16 : memref<!tpu.dma_semaphore, #tpu.memory_space<semaphore_mem>>)
    %dma_start3A_79 = arith.constant 1 : i32
    %dma_start3A_80 = arith.constant 1 : i32
    %dma_start3A_81 = arith.constant 0 : i32
    %dma_start3A_82 = arith.constant 0 : i32
    %dma_start3A_83 = tpu.memref_slice %arg11[%dma_start3A_80, %dma_start3A_81, %dma_start3A_82] : memref<2x80x128xf32, #tpu.memory_space<vmem>> -> memref<1x80x128xf32, #tpu.memory_space<vmem>>
    %dma_start3A_84 = tpu.memref_squeeze %dma_start3A_83 : memref<1x80x128xf32, #tpu.memory_space<vmem>> -> memref<80x128xf32, #tpu.memory_space<vmem>>
    %dma_start3A_85 = arith.constant 0 : i32
    %dma_start3A_86 = tpu.memref_slice %arg8[%dma_start3A_79, %dma_start3A_85] : memref<125x80xi32, #tpu.memory_space<vmem>> -> memref<1x80xi32, #tpu.memory_space<vmem>>
    %dma_start3A_87 = tpu.memref_squeeze %dma_start3A_86 : memref<1x80xi32, #tpu.memory_space<vmem>> -> memref<80xi32, #tpu.memory_space<vmem>>
    %dma_start3A_88 = arith.constant 0 : i32
    %dma_start3A_89 = arith.constant 0 : i32
    %dma_start3A_90 = tpu.memref_slice %arg2[%dma_start3A_88, %dma_start3A_89] : memref<40000x128xf32, #tpu.memory_space<hbm>> -> memref<40000x128xf32, #tpu.memory_space<hbm>>
    tpu.enqueue_indirect_dma source(%dma_start3A_90 : memref<40000x128xf32, #tpu.memory_space<hbm>>) target(%dma_start3A_84 : memref<80x128xf32, #tpu.memory_space<vmem>>) offsets(%dma_start3A_87 : memref<80xi32, #tpu.memory_space<vmem>>) semaphore(%arg18 : memref<!tpu.dma_semaphore, #tpu.memory_space<semaphore_mem>>)
    %scan3A = arith.constant 0 : i32
    %scan3A_91 = arith.constant 0 : i32
    %scan3A_92 = arith.constant 125 : i32
    %scan3A_93 = arith.addi %scan3A_91, %scan3A_92 : i32
    %scan3A_94 = arith.constant 1 : i32
    scf.for %scan3A_125 = %scan3A_91 to %scan3A_93 step %scan3A_94  : i32 {
      %jit3A = arith.constant 2 : i32
      %eq3A = arith.constant 0 : i32
      %eq3A_126 = arith.cmpi eq, %jit3A, %eq3A : i32
      %jit3A_127 = arith.constant 1 : i32
      %select_n3A = arith.select %eq3A_126, %jit3A_127, %jit3A : i32
      %rem3A = arith.remsi %scan3A_125, %select_n3A : i32
      %ne3A = arith.constant 0 : i32
      %ne3A_128 = arith.cmpi ne, %rem3A, %ne3A : i32
      %lt3A = arith.constant 0 : i32
      %lt3A_129 = arith.cmpi slt, %rem3A, %lt3A : i32
      %lt3A_130 = arith.constant 0 : i32
      %lt3A_131 = arith.cmpi slt, %select_n3A, %lt3A_130 : i32
      %ne3A_132 = arith.xori %lt3A_129, %lt3A_131 : i1
      %and3A = arith.andi %ne3A_132, %ne3A_128 : i1
      %add3A_133 = arith.addi %rem3A, %select_n3A : i32
      %select_n3A_134 = arith.select %and3A, %add3A_133, %rem3A : i32
      %eq3A_135 = arith.constant 0 : i32
      %eq3A_136 = arith.cmpi eq, %select_n3A_134, %eq3A_135 : i32
      %convert_element_type3A = arith.extui %eq3A_136 : i1 to i32
      %cond3A = arith.constant 0 : i32
      %cond3A_137 = arith.cmpi ne, %convert_element_type3A, %cond3A : i32
      scf.if %cond3A_137 {
        %mul3A_159 = arith.constant 80 : i32
        %mul3A_160 = arith.muli %scan3A_125, %mul3A_159 : i32
        %add3A_161 = arith.addi %mul3A_10, %mul3A_160 : i32
        %dma_wait3A_162 = arith.constant 0 : i32
        %dma_wait3A_163 = arith.constant 0 : i32
        %dma_wait3A_164 = arith.constant 0 : i32
        %dma_wait3A_165 = tpu.memref_slice %arg9[%dma_wait3A_162, %dma_wait3A_163, %dma_wait3A_164] : memref<2x80x128xi32, #tpu.memory_space<vmem>> -> memref<1x80x128xi32, #tpu.memory_space<vmem>>
        %dma_wait3A_166 = tpu.memref_squeeze %dma_wait3A_165 : memref<1x80x128xi32, #tpu.memory_space<vmem>> -> memref<80x128xi32, #tpu.memory_space<vmem>>
        %dma_wait3A_167 = arith.constant 0 : i32
        %dma_wait3A_168 = tpu.memref_slice %arg3[%add3A_161, %dma_wait3A_167] : memref<160000x128xi32, #tpu.memory_space<hbm>> -> memref<80x128xi32, #tpu.memory_space<hbm>>
        %dma_wait3A_169 = arith.constant 0 : i32
        %dma_wait3A_170 = arith.constant 0 : i32
        %dma_wait3A_171 = tpu.memref_slice %arg9[%dma_wait3A_162, %dma_wait3A_169, %dma_wait3A_170] : memref<2x80x128xi32, #tpu.memory_space<vmem>> -> memref<1x80x128xi32, #tpu.memory_space<vmem>>
        %dma_wait3A_172 = tpu.memref_squeeze %dma_wait3A_171 : memref<1x80x128xi32, #tpu.memory_space<vmem>> -> memref<80x128xi32, #tpu.memory_space<vmem>>
        %dma_wait3A_173 = arith.constant 0 : i32
        %dma_wait3A_174 = tpu.memref_slice %arg3[%add3A_161, %dma_wait3A_173] : memref<160000x128xi32, #tpu.memory_space<hbm>> -> memref<80x128xi32, #tpu.memory_space<hbm>>
        tpu.wait_dma2 semaphore(%arg13 : memref<!tpu.dma_semaphore, #tpu.memory_space<semaphore_mem>>) src(%dma_wait3A_174 : memref<80x128xi32, #tpu.memory_space<hbm>>) dst(%dma_wait3A_172 : memref<80x128xi32, #tpu.memory_space<vmem>>)
        %dma_wait3A_175 = arith.constant 0 : i32
        %dma_wait3A_176 = arith.constant 0 : i32
        %dma_wait3A_177 = arith.constant 0 : i32
        %dma_wait3A_178 = tpu.memref_slice %arg10[%dma_wait3A_175, %dma_wait3A_176, %dma_wait3A_177] : memref<2x80x128xf32, #tpu.memory_space<vmem>> -> memref<1x80x128xf32, #tpu.memory_space<vmem>>
        %dma_wait3A_179 = tpu.memref_squeeze %dma_wait3A_178 : memref<1x80x128xf32, #tpu.memory_space<vmem>> -> memref<80x128xf32, #tpu.memory_space<vmem>>
        %dma_wait3A_180 = arith.constant 0 : i32
        %dma_wait3A_181 = tpu.memref_slice %arg7[%scan3A_125, %dma_wait3A_180] : memref<125x80xi32, #tpu.memory_space<vmem>> -> memref<1x80xi32, #tpu.memory_space<vmem>>
        %dma_wait3A_182 = tpu.memref_squeeze %dma_wait3A_181 : memref<1x80xi32, #tpu.memory_space<vmem>> -> memref<80xi32, #tpu.memory_space<vmem>>
        %dma_wait3A_183 = arith.constant 0 : i32
        %dma_wait3A_184 = arith.constant 0 : i32
        %dma_wait3A_185 = tpu.memref_slice %arg2[%dma_wait3A_183, %dma_wait3A_184] : memref<40000x128xf32, #tpu.memory_space<hbm>> -> memref<40000x128xf32, #tpu.memory_space<hbm>>
        tpu.wait_indirect_dma semaphore(%arg15 : memref<!tpu.dma_semaphore, #tpu.memory_space<semaphore_mem>>) src(%dma_wait3A_185 : memref<40000x128xf32, #tpu.memory_space<hbm>>) dst(%dma_wait3A_179 : memref<80x128xf32, #tpu.memory_space<vmem>>)
        %dma_wait3A_186 = arith.constant 0 : i32
        %dma_wait3A_187 = arith.constant 0 : i32
        %dma_wait3A_188 = arith.constant 0 : i32
        %dma_wait3A_189 = tpu.memref_slice %arg11[%dma_wait3A_186, %dma_wait3A_187, %dma_wait3A_188] : memref<2x80x128xf32, #tpu.memory_space<vmem>> -> memref<1x80x128xf32, #tpu.memory_space<vmem>>
        %dma_wait3A_190 = tpu.memref_squeeze %dma_wait3A_189 : memref<1x80x128xf32, #tpu.memory_space<vmem>> -> memref<80x128xf32, #tpu.memory_space<vmem>>
        %dma_wait3A_191 = arith.constant 0 : i32
        %dma_wait3A_192 = tpu.memref_slice %arg8[%scan3A_125, %dma_wait3A_191] : memref<125x80xi32, #tpu.memory_space<vmem>> -> memref<1x80xi32, #tpu.memory_space<vmem>>
        %dma_wait3A_193 = tpu.memref_squeeze %dma_wait3A_192 : memref<1x80xi32, #tpu.memory_space<vmem>> -> memref<80xi32, #tpu.memory_space<vmem>>
        %dma_wait3A_194 = arith.constant 0 : i32
        %dma_wait3A_195 = arith.constant 0 : i32
        %dma_wait3A_196 = tpu.memref_slice %arg2[%dma_wait3A_194, %dma_wait3A_195] : memref<40000x128xf32, #tpu.memory_space<hbm>> -> memref<40000x128xf32, #tpu.memory_space<hbm>>
        tpu.wait_indirect_dma semaphore(%arg17 : memref<!tpu.dma_semaphore, #tpu.memory_space<semaphore_mem>>) src(%dma_wait3A_196 : memref<40000x128xf32, #tpu.memory_space<hbm>>) dst(%dma_wait3A_190 : memref<80x128xf32, #tpu.memory_space<vmem>>)
        %ge3A = arith.constant 2 : i32
        %ge3A_197 = arith.cmpi sge, %scan3A_125, %ge3A : i32
        %convert_element_type3A_198 = arith.extui %ge3A_197 : i1 to i32
        %cond3A_199 = arith.constant 0 : i32
        %cond3A_200 = arith.cmpi ne, %convert_element_type3A_198, %cond3A_199 : i32
        scf.if %cond3A_200 {
          %mul3A_230 = arith.constant 80 : i32
          %mul3A_231 = arith.muli %scan3A_125, %mul3A_230 : i32
          %add3A_232 = arith.addi %add3A_8, %mul3A_231 : i32
          %dma_wait3A_233 = arith.constant 0 : i32
          %dma_wait3A_234 = arith.constant 0 : i32
          %dma_wait3A_235 = arith.constant 0 : i32
          %dma_wait3A_236 = tpu.memref_slice %arg12[%dma_wait3A_233, %dma_wait3A_234, %dma_wait3A_235] : memref<2x80x128xf32, #tpu.memory_space<vmem>> -> memref<1x80x128xf32, #tpu.memory_space<vmem>>
          %dma_wait3A_237 = tpu.memref_squeeze %dma_wait3A_236 : memref<1x80x128xf32, #tpu.memory_space<vmem>> -> memref<80x128xf32, #tpu.memory_space<vmem>>
          %dma_wait3A_238 = arith.constant 0 : i32
          %dma_wait3A_239 = tpu.memref_slice %arg6[%add3A_232, %dma_wait3A_238] : memref<320000x128xf32, #tpu.memory_space<hbm>> -> memref<80x128xf32, #tpu.memory_space<hbm>>
          %dma_wait3A_240 = arith.constant 0 : i32
          %dma_wait3A_241 = tpu.memref_slice %arg6[%add3A_232, %dma_wait3A_240] : memref<320000x128xf32, #tpu.memory_space<hbm>> -> memref<80x128xf32, #tpu.memory_space<hbm>>
          %dma_wait3A_242 = arith.constant 0 : i32
          %dma_wait3A_243 = arith.constant 0 : i32
          %dma_wait3A_244 = tpu.memref_slice %arg12[%dma_wait3A_233, %dma_wait3A_242, %dma_wait3A_243] : memref<2x80x128xf32, #tpu.memory_space<vmem>> -> memref<1x80x128xf32, #tpu.memory_space<vmem>>
          %dma_wait3A_245 = tpu.memref_squeeze %dma_wait3A_244 : memref<1x80x128xf32, #tpu.memory_space<vmem>> -> memref<80x128xf32, #tpu.memory_space<vmem>>
          tpu.wait_dma2 semaphore(%arg19 : memref<!tpu.dma_semaphore, #tpu.memory_space<semaphore_mem>>) src(%dma_wait3A_245 : memref<80x128xf32, #tpu.memory_space<vmem>>) dst(%dma_wait3A_241 : memref<80x128xf32, #tpu.memory_space<hbm>>)
        } else {
        }
        %scan3A_201 = arith.constant 0 : i32
        %scan3A_202 = arith.constant 0 : i32
        %scan3A_203 = arith.constant 80 : i32
        %scan3A_204 = arith.addi %scan3A_202, %scan3A_203 : i32
        %scan3A_205 = arith.constant 1 : i32
        scf.for %scan3A_230 = %scan3A_202 to %scan3A_204 step %scan3A_205  : i32 {
          %get3A = arith.constant 0 : i32
          %get3A_231 = arith.index_cast %get3A : i32 to index
          %get3A_232 = arith.index_cast %scan3A_230 : i32 to index
          %get3A_233 = arith.constant 0 : index
          %get3A_234 = tpu.vector_load %arg9[%get3A_231, %get3A_232, %get3A_233] {strides = array<i32>} : memref<2x80x128xi32, #tpu.memory_space<vmem>>, vector<1x1x16xi32>,
          %get3A_235 = vector.shape_cast %get3A_234 : vector<1x1x16xi32> to vector<16xi32>
          %shift_left3A = vector.broadcast %mul3A_13 : i32 to vector<16xi32>
          %shift_left3A_236 = arith.shli %get3A_235, %shift_left3A : vector<16xi32>
          %and3A_237 = arith.constant -65536 : i32
          %and3A_238 = vector.broadcast %and3A_237 : i32 to vector<16xi32>
          %and3A_239 = arith.andi %shift_left3A_236, %and3A_238 : vector<16xi32>
          %bitcast_convert_type3A = tpu.bitcast %and3A_239 : vector<16xi32> -> vector<16xf32>
          %get3A_240 = arith.constant 0 : i32
          %get3A_241 = arith.index_cast %get3A_240 : i32 to index
          %get3A_242 = arith.index_cast %scan3A_230 : i32 to index
          %get3A_243 = arith.constant 0 : index
          %get3A_244 = tpu.vector_load %arg10[%get3A_241, %get3A_242, %get3A_243] {strides = array<i32>} : memref<2x80x128xf32, #tpu.memory_space<vmem>>, vector<1x1x16xf32>,
          %get3A_245 = vector.shape_cast %get3A_244 : vector<1x1x16xf32> to vector<16xf32>
          %get3A_246 = arith.constant 0 : i32
          %get3A_247 = arith.index_cast %get3A_246 : i32 to index
          %get3A_248 = arith.index_cast %scan3A_230 : i32 to index
          %get3A_249 = arith.constant 0 : index
          %get3A_250 = tpu.vector_load %arg11[%get3A_247, %get3A_248, %get3A_249] {strides = array<i32>} : memref<2x80x128xf32, #tpu.memory_space<vmem>>, vector<1x1x16xf32>,
          %get3A_251 = vector.shape_cast %get3A_250 : vector<1x1x16xf32> to vector<16xf32>
          %add3A_252 = arith.addf %get3A_245, %get3A_251 : vector<16xf32>
          %add3A_253 = arith.addf %add3A_252, %bitcast_convert_type3A : vector<16xf32>
          %swap3A = arith.constant 0 : i32
          %swap3A_254 = arith.index_cast %swap3A : i32 to index
          %swap3A_255 = arith.index_cast %scan3A_230 : i32 to index
          %swap3A_256 = arith.constant 0 : index
          %swap3A_257 = tpu.vector_load %arg12[%swap3A_254, %swap3A_255, %swap3A_256] {strides = array<i32>} : memref<2x80x128xf32, #tpu.memory_space<vmem>>, vector<1x1x16xf32>,
          %swap3A_258 = vector.shape_cast %swap3A_257 : vector<1x1x16xf32> to vector<16xf32>
          %swap3A_259 = vector.shape_cast %add3A_253 : vector<16xf32> to vector<1x1x16xf32>
          tpu.vector_store %arg12[%swap3A_254, %swap3A_255, %swap3A_256], %swap3A_259 {strides = array<i32>} : memref<2x80x128xf32, #tpu.memory_space<vmem>>, vector<1x1x16xf32>,
          %get3A_260 = arith.constant 0 : i32
          %get3A_261 = arith.index_cast %get3A_260 : i32 to index
          %get3A_262 = arith.index_cast %scan3A_230 : i32 to index
          %get3A_263 = arith.constant 16 : index
          %get3A_264 = tpu.vector_load %arg9[%get3A_261, %get3A_262, %get3A_263] {strides = array<i32>} : memref<2x80x128xi32, #tpu.memory_space<vmem>>, vector<1x1x16xi32>,
          %get3A_265 = vector.shape_cast %get3A_264 : vector<1x1x16xi32> to vector<16xi32>
          %shift_left3A_266 = vector.broadcast %mul3A_13 : i32 to vector<16xi32>
          %shift_left3A_267 = arith.shli %get3A_265, %shift_left3A_266 : vector<16xi32>
          %and3A_268 = arith.constant -65536 : i32
          %and3A_269 = vector.broadcast %and3A_268 : i32 to vector<16xi32>
          %and3A_270 = arith.andi %shift_left3A_267, %and3A_269 : vector<16xi32>
          %bitcast_convert_type3A_271 = tpu.bitcast %and3A_270 : vector<16xi32> -> vector<16xf32>
          %get3A_272 = arith.constant 0 : i32
          %get3A_273 = arith.index_cast %get3A_272 : i32 to index
          %get3A_274 = arith.index_cast %scan3A_230 : i32 to index
          %get3A_275 = arith.constant 16 : index
          %get3A_276 = tpu.vector_load %arg10[%get3A_273, %get3A_274, %get3A_275] {strides = array<i32>} : memref<2x80x128xf32, #tpu.memory_space<vmem>>, vector<1x1x16xf32>,
          %get3A_277 = vector.shape_cast %get3A_276 : vector<1x1x16xf32> to vector<16xf32>
          %get3A_278 = arith.constant 0 : i32
          %get3A_279 = arith.index_cast %get3A_278 : i32 to index
          %get3A_280 = arith.index_cast %scan3A_230 : i32 to index
          %get3A_281 = arith.constant 16 : index
          %get3A_282 = tpu.vector_load %arg11[%get3A_279, %get3A_280, %get3A_281] {strides = array<i32>} : memref<2x80x128xf32, #tpu.memory_space<vmem>>, vector<1x1x16xf32>,
          %get3A_283 = vector.shape_cast %get3A_282 : vector<1x1x16xf32> to vector<16xf32>
          %add3A_284 = arith.addf %get3A_277, %get3A_283 : vector<16xf32>
          %add3A_285 = arith.addf %add3A_284, %bitcast_convert_type3A_271 : vector<16xf32>
          %swap3A_286 = arith.constant 0 : i32
          %swap3A_287 = arith.index_cast %swap3A_286 : i32 to index
          %swap3A_288 = arith.index_cast %scan3A_230 : i32 to index
          %swap3A_289 = arith.constant 16 : index
          %swap3A_290 = tpu.vector_load %arg12[%swap3A_287, %swap3A_288, %swap3A_289] {strides = array<i32>} : memref<2x80x128xf32, #tpu.memory_space<vmem>>, vector<1x1x16xf32>,
          %swap3A_291 = vector.shape_cast %swap3A_290 : vector<1x1x16xf32> to vector<16xf32>
          %swap3A_292 = vector.shape_cast %add3A_285 : vector<16xf32> to vector<1x1x16xf32>
          tpu.vector_store %arg12[%swap3A_287, %swap3A_288, %swap3A_289], %swap3A_292 {strides = array<i32>} : memref<2x80x128xf32, #tpu.memory_space<vmem>>, vector<1x1x16xf32>,
          %get3A_293 = arith.constant 0 : i32
          %get3A_294 = arith.index_cast %get3A_293 : i32 to index
          %get3A_295 = arith.index_cast %scan3A_230 : i32 to index
          %get3A_296 = arith.constant 32 : index
          %get3A_297 = tpu.vector_load %arg9[%get3A_294, %get3A_295, %get3A_296] {strides = array<i32>} : memref<2x80x128xi32, #tpu.memory_space<vmem>>, vector<1x1x16xi32>,
          %get3A_298 = vector.shape_cast %get3A_297 : vector<1x1x16xi32> to vector<16xi32>
          %shift_left3A_299 = vector.broadcast %mul3A_13 : i32 to vector<16xi32>
          %shift_left3A_300 = arith.shli %get3A_298, %shift_left3A_299 : vector<16xi32>
          %and3A_301 = arith.constant -65536 : i32
          %and3A_302 = vector.broadcast %and3A_301 : i32 to vector<16xi32>
          %and3A_303 = arith.andi %shift_left3A_300, %and3A_302 : vector<16xi32>
          %bitcast_convert_type3A_304 = tpu.bitcast %and3A_303 : vector<16xi32> -> vector<16xf32>
          %get3A_305 = arith.constant 0 : i32
          %get3A_306 = arith.index_cast %get3A_305 : i32 to index
          %get3A_307 = arith.index_cast %scan3A_230 : i32 to index
          %get3A_308 = arith.constant 32 : index
          %get3A_309 = tpu.vector_load %arg10[%get3A_306, %get3A_307, %get3A_308] {strides = array<i32>} : memref<2x80x128xf32, #tpu.memory_space<vmem>>, vector<1x1x16xf32>,
          %get3A_310 = vector.shape_cast %get3A_309 : vector<1x1x16xf32> to vector<16xf32>
          %get3A_311 = arith.constant 0 : i32
          %get3A_312 = arith.index_cast %get3A_311 : i32 to index
          %get3A_313 = arith.index_cast %scan3A_230 : i32 to index
          %get3A_314 = arith.constant 32 : index
          %get3A_315 = tpu.vector_load %arg11[%get3A_312, %get3A_313, %get3A_314] {strides = array<i32>} : memref<2x80x128xf32, #tpu.memory_space<vmem>>, vector<1x1x16xf32>,
          %get3A_316 = vector.shape_cast %get3A_315 : vector<1x1x16xf32> to vector<16xf32>
          %add3A_317 = arith.addf %get3A_310, %get3A_316 : vector<16xf32>
          %add3A_318 = arith.addf %add3A_317, %bitcast_convert_type3A_304 : vector<16xf32>
          %swap3A_319 = arith.constant 0 : i32
          %swap3A_320 = arith.index_cast %swap3A_319 : i32 to index
          %swap3A_321 = arith.index_cast %scan3A_230 : i32 to index
          %swap3A_322 = arith.constant 32 : index
          %swap3A_323 = tpu.vector_load %arg12[%swap3A_320, %swap3A_321, %swap3A_322] {strides = array<i32>} : memref<2x80x128xf32, #tpu.memory_space<vmem>>, vector<1x1x16xf32>,
          %swap3A_324 = vector.shape_cast %swap3A_323 : vector<1x1x16xf32> to vector<16xf32>
          %swap3A_325 = vector.shape_cast %add3A_318 : vector<16xf32> to vector<1x1x16xf32>
          tpu.vector_store %arg12[%swap3A_320, %swap3A_321, %swap3A_322], %swap3A_325 {strides = array<i32>} : memref<2x80x128xf32, #tpu.memory_space<vmem>>, vector<1x1x16xf32>,
          %get3A_326 = arith.constant 0 : i32
          %get3A_327 = arith.index_cast %get3A_326 : i32 to index
          %get3A_328 = arith.index_cast %scan3A_230 : i32 to index
          %get3A_329 = arith.constant 48 : index
          %get3A_330 = tpu.vector_load %arg9[%get3A_327, %get3A_328, %get3A_329] {strides = array<i32>} : memref<2x80x128xi32, #tpu.memory_space<vmem>>, vector<1x1x16xi32>,
          %get3A_331 = vector.shape_cast %get3A_330 : vector<1x1x16xi32> to vector<16xi32>
          %shift_left3A_332 = vector.broadcast %mul3A_13 : i32 to vector<16xi32>
          %shift_left3A_333 = arith.shli %get3A_331, %shift_left3A_332 : vector<16xi32>
          %and3A_334 = arith.constant -65536 : i32
          %and3A_335 = vector.broadcast %and3A_334 : i32 to vector<16xi32>
          %and3A_336 = arith.andi %shift_left3A_333, %and3A_335 : vector<16xi32>
          %bitcast_convert_type3A_337 = tpu.bitcast %and3A_336 : vector<16xi32> -> vector<16xf32>
          %get3A_338 = arith.constant 0 : i32
          %get3A_339 = arith.index_cast %get3A_338 : i32 to index
          %get3A_340 = arith.index_cast %scan3A_230 : i32 to index
          %get3A_341 = arith.constant 48 : index
          %get3A_342 = tpu.vector_load %arg10[%get3A_339, %get3A_340, %get3A_341] {strides = array<i32>} : memref<2x80x128xf32, #tpu.memory_space<vmem>>, vector<1x1x16xf32>,
          %get3A_343 = vector.shape_cast %get3A_342 : vector<1x1x16xf32> to vector<16xf32>
          %get3A_344 = arith.constant 0 : i32
          %get3A_345 = arith.index_cast %get3A_344 : i32 to index
          %get3A_346 = arith.index_cast %scan3A_230 : i32 to index
          %get3A_347 = arith.constant 48 : index
          %get3A_348 = tpu.vector_load %arg11[%get3A_345, %get3A_346, %get3A_347] {strides = array<i32>} : memref<2x80x128xf32, #tpu.memory_space<vmem>>, vector<1x1x16xf32>,
          %get3A_349 = vector.shape_cast %get3A_348 : vector<1x1x16xf32> to vector<16xf32>
          %add3A_350 = arith.addf %get3A_343, %get3A_349 : vector<16xf32>
          %add3A_351 = arith.addf %add3A_350, %bitcast_convert_type3A_337 : vector<16xf32>
          %swap3A_352 = arith.constant 0 : i32
          %swap3A_353 = arith.index_cast %swap3A_352 : i32 to index
          %swap3A_354 = arith.index_cast %scan3A_230 : i32 to index
          %swap3A_355 = arith.constant 48 : index
          %swap3A_356 = tpu.vector_load %arg12[%swap3A_353, %swap3A_354, %swap3A_355] {strides = array<i32>} : memref<2x80x128xf32, #tpu.memory_space<vmem>>, vector<1x1x16xf32>,
          %swap3A_357 = vector.shape_cast %swap3A_356 : vector<1x1x16xf32> to vector<16xf32>
          %swap3A_358 = vector.shape_cast %add3A_351 : vector<16xf32> to vector<1x1x16xf32>
          tpu.vector_store %arg12[%swap3A_353, %swap3A_354, %swap3A_355], %swap3A_358 {strides = array<i32>} : memref<2x80x128xf32, #tpu.memory_space<vmem>>, vector<1x1x16xf32>,
          %get3A_359 = arith.constant 0 : i32
          %get3A_360 = arith.index_cast %get3A_359 : i32 to index
          %get3A_361 = arith.index_cast %scan3A_230 : i32 to index
          %get3A_362 = arith.constant 64 : index
          %get3A_363 = tpu.vector_load %arg9[%get3A_360, %get3A_361, %get3A_362] {strides = array<i32>} : memref<2x80x128xi32, #tpu.memory_space<vmem>>, vector<1x1x16xi32>,
          %get3A_364 = vector.shape_cast %get3A_363 : vector<1x1x16xi32> to vector<16xi32>
          %shift_left3A_365 = vector.broadcast %mul3A_13 : i32 to vector<16xi32>
          %shift_left3A_366 = arith.shli %get3A_364, %shift_left3A_365 : vector<16xi32>
          %and3A_367 = arith.constant -65536 : i32
          %and3A_368 = vector.broadcast %and3A_367 : i32 to vector<16xi32>
          %and3A_369 = arith.andi %shift_left3A_366, %and3A_368 : vector<16xi32>
          %bitcast_convert_type3A_370 = tpu.bitcast %and3A_369 : vector<16xi32> -> vector<16xf32>
          %get3A_371 = arith.constant 0 : i32
          %get3A_372 = arith.index_cast %get3A_371 : i32 to index
          %get3A_373 = arith.index_cast %scan3A_230 : i32 to index
          %get3A_374 = arith.constant 64 : index
          %get3A_375 = tpu.vector_load %arg10[%get3A_372, %get3A_373, %get3A_374] {strides = array<i32>} : memref<2x80x128xf32, #tpu.memory_space<vmem>>, vector<1x1x16xf32>,
          %get3A_376 = vector.shape_cast %get3A_375 : vector<1x1x16xf32> to vector<16xf32>
          %get3A_377 = arith.constant 0 : i32
          %get3A_378 = arith.index_cast %get3A_377 : i32 to index
          %get3A_379 = arith.index_cast %scan3A_230 : i32 to index
          %get3A_380 = arith.constant 64 : index
          %get3A_381 = tpu.vector_load %arg11[%get3A_378, %get3A_379, %get3A_380] {strides = array<i32>} : memref<2x80x128xf32, #tpu.memory_space<vmem>>, vector<1x1x16xf32>,
          %get3A_382 = vector.shape_cast %get3A_381 : vector<1x1x16xf32> to vector<16xf32>
          %add3A_383 = arith.addf %get3A_376, %get3A_382 : vector<16xf32>
          %add3A_384 = arith.addf %add3A_383, %bitcast_convert_type3A_370 : vector<16xf32>
          %swap3A_385 = arith.constant 0 : i32
          %swap3A_386 = arith.index_cast %swap3A_385 : i32 to index
          %swap3A_387 = arith.index_cast %scan3A_230 : i32 to index
          %swap3A_388 = arith.constant 64 : index
          %swap3A_389 = tpu.vector_load %arg12[%swap3A_386, %swap3A_387, %swap3A_388] {strides = array<i32>} : memref<2x80x128xf32, #tpu.memory_space<vmem>>, vector<1x1x16xf32>,
          %swap3A_390 = vector.shape_cast %swap3A_389 : vector<1x1x16xf32> to vector<16xf32>
          %swap3A_391 = vector.shape_cast %add3A_384 : vector<16xf32> to vector<1x1x16xf32>
          tpu.vector_store %arg12[%swap3A_386, %swap3A_387, %swap3A_388], %swap3A_391 {strides = array<i32>} : memref<2x80x128xf32, #tpu.memory_space<vmem>>, vector<1x1x16xf32>,
          %get3A_392 = arith.constant 0 : i32
          %get3A_393 = arith.index_cast %get3A_392 : i32 to index
          %get3A_394 = arith.index_cast %scan3A_230 : i32 to index
          %get3A_395 = arith.constant 80 : index
          %get3A_396 = tpu.vector_load %arg9[%get3A_393, %get3A_394, %get3A_395] {strides = array<i32>} : memref<2x80x128xi32, #tpu.memory_space<vmem>>, vector<1x1x16xi32>,
          %get3A_397 = vector.shape_cast %get3A_396 : vector<1x1x16xi32> to vector<16xi32>
          %shift_left3A_398 = vector.broadcast %mul3A_13 : i32 to vector<16xi32>
          %shift_left3A_399 = arith.shli %get3A_397, %shift_left3A_398 : vector<16xi32>
          %and3A_400 = arith.constant -65536 : i32
          %and3A_401 = vector.broadcast %and3A_400 : i32 to vector<16xi32>
          %and3A_402 = arith.andi %shift_left3A_399, %and3A_401 : vector<16xi32>
          %bitcast_convert_type3A_403 = tpu.bitcast %and3A_402 : vector<16xi32> -> vector<16xf32>
          %get3A_404 = arith.constant 0 : i32
          %get3A_405 = arith.index_cast %get3A_404 : i32 to index
          %get3A_406 = arith.index_cast %scan3A_230 : i32 to index
          %get3A_407 = arith.constant 80 : index
          %get3A_408 = tpu.vector_load %arg10[%get3A_405, %get3A_406, %get3A_407] {strides = array<i32>} : memref<2x80x128xf32, #tpu.memory_space<vmem>>, vector<1x1x16xf32>,
          %get3A_409 = vector.shape_cast %get3A_408 : vector<1x1x16xf32> to vector<16xf32>
          %get3A_410 = arith.constant 0 : i32
          %get3A_411 = arith.index_cast %get3A_410 : i32 to index
          %get3A_412 = arith.index_cast %scan3A_230 : i32 to index
          %get3A_413 = arith.constant 80 : index
          %get3A_414 = tpu.vector_load %arg11[%get3A_411, %get3A_412, %get3A_413] {strides = array<i32>} : memref<2x80x128xf32, #tpu.memory_space<vmem>>, vector<1x1x16xf32>,
          %get3A_415 = vector.shape_cast %get3A_414 : vector<1x1x16xf32> to vector<16xf32>
          %add3A_416 = arith.addf %get3A_409, %get3A_415 : vector<16xf32>
          %add3A_417 = arith.addf %add3A_416, %bitcast_convert_type3A_403 : vector<16xf32>
          %swap3A_418 = arith.constant 0 : i32
          %swap3A_419 = arith.index_cast %swap3A_418 : i32 to index
          %swap3A_420 = arith.index_cast %scan3A_230 : i32 to index
          %swap3A_421 = arith.constant 80 : index
          %swap3A_422 = tpu.vector_load %arg12[%swap3A_419, %swap3A_420, %swap3A_421] {strides = array<i32>} : memref<2x80x128xf32, #tpu.memory_space<vmem>>, vector<1x1x16xf32>,
          %swap3A_423 = vector.shape_cast %swap3A_422 : vector<1x1x16xf32> to vector<16xf32>
          %swap3A_424 = vector.shape_cast %add3A_417 : vector<16xf32> to vector<1x1x16xf32>
          tpu.vector_store %arg12[%swap3A_419, %swap3A_420, %swap3A_421], %swap3A_424 {strides = array<i32>} : memref<2x80x128xf32, #tpu.memory_space<vmem>>, vector<1x1x16xf32>,
          %get3A_425 = arith.constant 0 : i32
          %get3A_426 = arith.index_cast %get3A_425 : i32 to index
          %get3A_427 = arith.index_cast %scan3A_230 : i32 to index
          %get3A_428 = arith.constant 96 : index
          %get3A_429 = tpu.vector_load %arg9[%get3A_426, %get3A_427, %get3A_428] {strides = array<i32>} : memref<2x80x128xi32, #tpu.memory_space<vmem>>, vector<1x1x16xi32>,
          %get3A_430 = vector.shape_cast %get3A_429 : vector<1x1x16xi32> to vector<16xi32>
          %shift_left3A_431 = vector.broadcast %mul3A_13 : i32 to vector<16xi32>
          %shift_left3A_432 = arith.shli %get3A_430, %shift_left3A_431 : vector<16xi32>
          %and3A_433 = arith.constant -65536 : i32
          %and3A_434 = vector.broadcast %and3A_433 : i32 to vector<16xi32>
          %and3A_435 = arith.andi %shift_left3A_432, %and3A_434 : vector<16xi32>
          %bitcast_convert_type3A_436 = tpu.bitcast %and3A_435 : vector<16xi32> -> vector<16xf32>
          %get3A_437 = arith.constant 0 : i32
          %get3A_438 = arith.index_cast %get3A_437 : i32 to index
          %get3A_439 = arith.index_cast %scan3A_230 : i32 to index
          %get3A_440 = arith.constant 96 : index
          %get3A_441 = tpu.vector_load %arg10[%get3A_438, %get3A_439, %get3A_440] {strides = array<i32>} : memref<2x80x128xf32, #tpu.memory_space<vmem>>, vector<1x1x16xf32>,
          %get3A_442 = vector.shape_cast %get3A_441 : vector<1x1x16xf32> to vector<16xf32>
          %get3A_443 = arith.constant 0 : i32
          %get3A_444 = arith.index_cast %get3A_443 : i32 to index
          %get3A_445 = arith.index_cast %scan3A_230 : i32 to index
          %get3A_446 = arith.constant 96 : index
          %get3A_447 = tpu.vector_load %arg11[%get3A_444, %get3A_445, %get3A_446] {strides = array<i32>} : memref<2x80x128xf32, #tpu.memory_space<vmem>>, vector<1x1x16xf32>,
          %get3A_448 = vector.shape_cast %get3A_447 : vector<1x1x16xf32> to vector<16xf32>
          %add3A_449 = arith.addf %get3A_442, %get3A_448 : vector<16xf32>
          %add3A_450 = arith.addf %add3A_449, %bitcast_convert_type3A_436 : vector<16xf32>
          %swap3A_451 = arith.constant 0 : i32
          %swap3A_452 = arith.index_cast %swap3A_451 : i32 to index
          %swap3A_453 = arith.index_cast %scan3A_230 : i32 to index
          %swap3A_454 = arith.constant 96 : index
          %swap3A_455 = tpu.vector_load %arg12[%swap3A_452, %swap3A_453, %swap3A_454] {strides = array<i32>} : memref<2x80x128xf32, #tpu.memory_space<vmem>>, vector<1x1x16xf32>,
          %swap3A_456 = vector.shape_cast %swap3A_455 : vector<1x1x16xf32> to vector<16xf32>
          %swap3A_457 = vector.shape_cast %add3A_450 : vector<16xf32> to vector<1x1x16xf32>
          tpu.vector_store %arg12[%swap3A_452, %swap3A_453, %swap3A_454], %swap3A_457 {strides = array<i32>} : memref<2x80x128xf32, #tpu.memory_space<vmem>>, vector<1x1x16xf32>,
          %get3A_458 = arith.constant 0 : i32
          %get3A_459 = arith.index_cast %get3A_458 : i32 to index
          %get3A_460 = arith.index_cast %scan3A_230 : i32 to index
          %get3A_461 = arith.constant 112 : index
          %get3A_462 = tpu.vector_load %arg9[%get3A_459, %get3A_460, %get3A_461] {strides = array<i32>} : memref<2x80x128xi32, #tpu.memory_space<vmem>>, vector<1x1x16xi32>,
          %get3A_463 = vector.shape_cast %get3A_462 : vector<1x1x16xi32> to vector<16xi32>
          %shift_left3A_464 = vector.broadcast %mul3A_13 : i32 to vector<16xi32>
          %shift_left3A_465 = arith.shli %get3A_463, %shift_left3A_464 : vector<16xi32>
          %and3A_466 = arith.constant -65536 : i32
          %and3A_467 = vector.broadcast %and3A_466 : i32 to vector<16xi32>
          %and3A_468 = arith.andi %shift_left3A_465, %and3A_467 : vector<16xi32>
          %bitcast_convert_type3A_469 = tpu.bitcast %and3A_468 : vector<16xi32> -> vector<16xf32>
          %get3A_470 = arith.constant 0 : i32
          %get3A_471 = arith.index_cast %get3A_470 : i32 to index
          %get3A_472 = arith.index_cast %scan3A_230 : i32 to index
          %get3A_473 = arith.constant 112 : index
          %get3A_474 = tpu.vector_load %arg10[%get3A_471, %get3A_472, %get3A_473] {strides = array<i32>} : memref<2x80x128xf32, #tpu.memory_space<vmem>>, vector<1x1x16xf32>,
          %get3A_475 = vector.shape_cast %get3A_474 : vector<1x1x16xf32> to vector<16xf32>
          %get3A_476 = arith.constant 0 : i32
          %get3A_477 = arith.index_cast %get3A_476 : i32 to index
          %get3A_478 = arith.index_cast %scan3A_230 : i32 to index
          %get3A_479 = arith.constant 112 : index
          %get3A_480 = tpu.vector_load %arg11[%get3A_477, %get3A_478, %get3A_479] {strides = array<i32>} : memref<2x80x128xf32, #tpu.memory_space<vmem>>, vector<1x1x16xf32>,
          %get3A_481 = vector.shape_cast %get3A_480 : vector<1x1x16xf32> to vector<16xf32>
          %add3A_482 = arith.addf %get3A_475, %get3A_481 : vector<16xf32>
          %add3A_483 = arith.addf %add3A_482, %bitcast_convert_type3A_469 : vector<16xf32>
          %swap3A_484 = arith.constant 0 : i32
          %swap3A_485 = arith.index_cast %swap3A_484 : i32 to index
          %swap3A_486 = arith.index_cast %scan3A_230 : i32 to index
          %swap3A_487 = arith.constant 112 : index
          %swap3A_488 = tpu.vector_load %arg12[%swap3A_485, %swap3A_486, %swap3A_487] {strides = array<i32>} : memref<2x80x128xf32, #tpu.memory_space<vmem>>, vector<1x1x16xf32>,
          %swap3A_489 = vector.shape_cast %swap3A_488 : vector<1x1x16xf32> to vector<16xf32>
          %swap3A_490 = vector.shape_cast %add3A_483 : vector<16xf32> to vector<1x1x16xf32>
          tpu.vector_store %arg12[%swap3A_485, %swap3A_486, %swap3A_487], %swap3A_490 {strides = array<i32>} : memref<2x80x128xf32, #tpu.memory_space<vmem>>, vector<1x1x16xf32>,
        }
        %scan3A_206 = arith.constant 80 : i32
        %mul3A_207 = arith.constant 80 : i32
        %mul3A_208 = arith.muli %scan3A_125, %mul3A_207 : i32
        %add3A_209 = arith.addi %add3A_8, %mul3A_208 : i32
        %dma_start3A_210 = arith.constant 0 : i32
        %dma_start3A_211 = arith.constant 0 : i32
        %dma_start3A_212 = arith.constant 0 : i32
        %dma_start3A_213 = tpu.memref_slice %arg12[%dma_start3A_210, %dma_start3A_211, %dma_start3A_212] : memref<2x80x128xf32, #tpu.memory_space<vmem>> -> memref<1x80x128xf32, #tpu.memory_space<vmem>>
        %dma_start3A_214 = tpu.memref_squeeze %dma_start3A_213 : memref<1x80x128xf32, #tpu.memory_space<vmem>> -> memref<80x128xf32, #tpu.memory_space<vmem>>
        %dma_start3A_215 = arith.constant 0 : i32
        %dma_start3A_216 = tpu.memref_slice %arg6[%add3A_209, %dma_start3A_215] : memref<320000x128xf32, #tpu.memory_space<hbm>> -> memref<80x128xf32, #tpu.memory_space<hbm>>
        %dma_start3A_217 = arith.constant 0 : i32
        %dma_start3A_218 = tpu.memref_slice %arg6[%add3A_209, %dma_start3A_217] : memref<320000x128xf32, #tpu.memory_space<hbm>> -> memref<80x128xf32, #tpu.memory_space<hbm>>
        %dma_start3A_219 = arith.constant 0 : i32
        %dma_start3A_220 = arith.constant 0 : i32
        %dma_start3A_221 = tpu.memref_slice %arg12[%dma_start3A_210, %dma_start3A_219, %dma_start3A_220] : memref<2x80x128xf32, #tpu.memory_space<vmem>> -> memref<1x80x128xf32, #tpu.memory_space<vmem>>
        %dma_start3A_222 = tpu.memref_squeeze %dma_start3A_221 : memref<1x80x128xf32, #tpu.memory_space<vmem>> -> memref<80x128xf32, #tpu.memory_space<vmem>>
        tpu.enqueue_dma source(%dma_start3A_222 : memref<80x128xf32, #tpu.memory_space<vmem>>) target(%dma_start3A_218 : memref<80x128xf32, #tpu.memory_space<hbm>>) target_semaphore(%arg19 : memref<!tpu.dma_semaphore, #tpu.memory_space<semaphore_mem>>)
        %add3A_223 = arith.constant 2 : i32
        %add3A_224 = arith.addi %scan3A_125, %add3A_223 : i32
        %lt3A_225 = arith.constant 125 : i32
        %lt3A_226 = arith.cmpi slt, %add3A_224, %lt3A_225 : i32
        %convert_element_type3A_227 = arith.extui %lt3A_226 : i1 to i32
        %cond3A_228 = arith.constant 0 : i32
        %cond3A_229 = arith.cmpi ne, %convert_element_type3A_227, %cond3A_228 : i32
        scf.if %cond3A_229 {
          %add3A_230 = arith.constant 2 : i32
          %add3A_231 = arith.addi %scan3A_125, %add3A_230 : i32
          %mul3A_232 = arith.constant 80 : i32
          %mul3A_233 = arith.muli %add3A_231, %mul3A_232 : i32
          %add3A_234 = arith.addi %mul3A_10, %mul3A_233 : i32
          %dma_start3A_235 = arith.constant 0 : i32
          %dma_start3A_236 = arith.constant 0 : i32
          %dma_start3A_237 = arith.constant 0 : i32
          %dma_start3A_238 = tpu.memref_slice %arg9[%dma_start3A_235, %dma_start3A_236, %dma_start3A_237] : memref<2x80x128xi32, #tpu.memory_space<vmem>> -> memref<1x80x128xi32, #tpu.memory_space<vmem>>
          %dma_start3A_239 = tpu.memref_squeeze %dma_start3A_238 : memref<1x80x128xi32, #tpu.memory_space<vmem>> -> memref<80x128xi32, #tpu.memory_space<vmem>>
          %dma_start3A_240 = arith.constant 0 : i32
          %dma_start3A_241 = tpu.memref_slice %arg3[%add3A_234, %dma_start3A_240] : memref<160000x128xi32, #tpu.memory_space<hbm>> -> memref<80x128xi32, #tpu.memory_space<hbm>>
          %dma_start3A_242 = arith.constant 0 : i32
          %dma_start3A_243 = arith.constant 0 : i32
          %dma_start3A_244 = tpu.memref_slice %arg9[%dma_start3A_235, %dma_start3A_242, %dma_start3A_243] : memref<2x80x128xi32, #tpu.memory_space<vmem>> -> memref<1x80x128xi32, #tpu.memory_space<vmem>>
          %dma_start3A_245 = tpu.memref_squeeze %dma_start3A_244 : memref<1x80x128xi32, #tpu.memory_space<vmem>> -> memref<80x128xi32, #tpu.memory_space<vmem>>
          %dma_start3A_246 = arith.constant 0 : i32
          %dma_start3A_247 = tpu.memref_slice %arg3[%add3A_234, %dma_start3A_246] : memref<160000x128xi32, #tpu.memory_space<hbm>> -> memref<80x128xi32, #tpu.memory_space<hbm>>
          tpu.enqueue_dma source(%dma_start3A_247 : memref<80x128xi32, #tpu.memory_space<hbm>>) target(%dma_start3A_245 : memref<80x128xi32, #tpu.memory_space<vmem>>) target_semaphore(%arg13 : memref<!tpu.dma_semaphore, #tpu.memory_space<semaphore_mem>>)
          %add3A_248 = arith.constant 2 : i32
          %add3A_249 = arith.addi %scan3A_125, %add3A_248 : i32
          %dma_start3A_250 = arith.constant 0 : i32
          %dma_start3A_251 = arith.constant 0 : i32
          %dma_start3A_252 = arith.constant 0 : i32
          %dma_start3A_253 = tpu.memref_slice %arg10[%dma_start3A_250, %dma_start3A_251, %dma_start3A_252] : memref<2x80x128xf32, #tpu.memory_space<vmem>> -> memref<1x80x128xf32, #tpu.memory_space<vmem>>
          %dma_start3A_254 = tpu.memref_squeeze %dma_start3A_253 : memref<1x80x128xf32, #tpu.memory_space<vmem>> -> memref<80x128xf32, #tpu.memory_space<vmem>>
          %dma_start3A_255 = arith.constant 0 : i32
          %dma_start3A_256 = tpu.memref_slice %arg7[%add3A_249, %dma_start3A_255] : memref<125x80xi32, #tpu.memory_space<vmem>> -> memref<1x80xi32, #tpu.memory_space<vmem>>
          %dma_start3A_257 = tpu.memref_squeeze %dma_start3A_256 : memref<1x80xi32, #tpu.memory_space<vmem>> -> memref<80xi32, #tpu.memory_space<vmem>>
          %dma_start3A_258 = arith.constant 0 : i32
          %dma_start3A_259 = arith.constant 0 : i32
          %dma_start3A_260 = tpu.memref_slice %arg2[%dma_start3A_258, %dma_start3A_259] : memref<40000x128xf32, #tpu.memory_space<hbm>> -> memref<40000x128xf32, #tpu.memory_space<hbm>>
          tpu.enqueue_indirect_dma source(%dma_start3A_260 : memref<40000x128xf32, #tpu.memory_space<hbm>>) target(%dma_start3A_254 : memref<80x128xf32, #tpu.memory_space<vmem>>) offsets(%dma_start3A_257 : memref<80xi32, #tpu.memory_space<vmem>>) semaphore(%arg15 : memref<!tpu.dma_semaphore, #tpu.memory_space<semaphore_mem>>)
          %add3A_261 = arith.constant 2 : i32
          %add3A_262 = arith.addi %scan3A_125, %add3A_261 : i32
          %dma_start3A_263 = arith.constant 0 : i32
          %dma_start3A_264 = arith.constant 0 : i32
          %dma_start3A_265 = arith.constant 0 : i32
          %dma_start3A_266 = tpu.memref_slice %arg11[%dma_start3A_263, %dma_start3A_264, %dma_start3A_265] : memref<2x80x128xf32, #tpu.memory_space<vmem>> -> memref<1x80x128xf32, #tpu.memory_space<vmem>>
          %dma_start3A_267 = tpu.memref_squeeze %dma_start3A_266 : memref<1x80x128xf32, #tpu.memory_space<vmem>> -> memref<80x128xf32, #tpu.memory_space<vmem>>
          %dma_start3A_268 = arith.constant 0 : i32
          %dma_start3A_269 = tpu.memref_slice %arg8[%add3A_262, %dma_start3A_268] : memref<125x80xi32, #tpu.memory_space<vmem>> -> memref<1x80xi32, #tpu.memory_space<vmem>>
          %dma_start3A_270 = tpu.memref_squeeze %dma_start3A_269 : memref<1x80xi32, #tpu.memory_space<vmem>> -> memref<80xi32, #tpu.memory_space<vmem>>
          %dma_start3A_271 = arith.constant 0 : i32
          %dma_start3A_272 = arith.constant 0 : i32
          %dma_start3A_273 = tpu.memref_slice %arg2[%dma_start3A_271, %dma_start3A_272] : memref<40000x128xf32, #tpu.memory_space<hbm>> -> memref<40000x128xf32, #tpu.memory_space<hbm>>
          tpu.enqueue_indirect_dma source(%dma_start3A_273 : memref<40000x128xf32, #tpu.memory_space<hbm>>) target(%dma_start3A_267 : memref<80x128xf32, #tpu.memory_space<vmem>>) offsets(%dma_start3A_270 : memref<80xi32, #tpu.memory_space<vmem>>) semaphore(%arg17 : memref<!tpu.dma_semaphore, #tpu.memory_space<semaphore_mem>>)
        } else {
        }
      } else {
      }
      %jit3A_138 = arith.constant 2 : i32
      %eq3A_139 = arith.constant 0 : i32
      %eq3A_140 = arith.cmpi eq, %jit3A_138, %eq3A_139 : i32
      %jit3A_141 = arith.constant 1 : i32
      %select_n3A_142 = arith.select %eq3A_140, %jit3A_141, %jit3A_138 : i32
      %rem3A_143 = arith.remsi %scan3A_125, %select_n3A_142 : i32
      %ne3A_144 = arith.constant 0 : i32
      %ne3A_145 = arith.cmpi ne, %rem3A_143, %ne3A_144 : i32
      %lt3A_146 = arith.constant 0 : i32
      %lt3A_147 = arith.cmpi slt, %rem3A_143, %lt3A_146 : i32
      %lt3A_148 = arith.constant 0 : i32
      %lt3A_149 = arith.cmpi slt, %select_n3A_142, %lt3A_148 : i32
      %ne3A_150 = arith.xori %lt3A_147, %lt3A_149 : i1
      %and3A_151 = arith.andi %ne3A_150, %ne3A_145 : i1
      %add3A_152 = arith.addi %rem3A_143, %select_n3A_142 : i32
      %select_n3A_153 = arith.select %and3A_151, %add3A_152, %rem3A_143 : i32
      %eq3A_154 = arith.constant 1 : i32
      %eq3A_155 = arith.cmpi eq, %select_n3A_153, %eq3A_154 : i32
      %convert_element_type3A_156 = arith.extui %eq3A_155 : i1 to i32
      %cond3A_157 = arith.constant 0 : i32
      %cond3A_158 = arith.cmpi ne, %convert_element_type3A_156, %cond3A_157 : i32
      scf.if %cond3A_158 {
        %mul3A_159 = arith.constant 80 : i32
        %mul3A_160 = arith.muli %scan3A_125, %mul3A_159 : i32
        %add3A_161 = arith.addi %mul3A_10, %mul3A_160 : i32
        %dma_wait3A_162 = arith.constant 1 : i32
        %dma_wait3A_163 = arith.constant 0 : i32
        %dma_wait3A_164 = arith.constant 0 : i32
        %dma_wait3A_165 = tpu.memref_slice %arg9[%dma_wait3A_162, %dma_wait3A_163, %dma_wait3A_164] : memref<2x80x128xi32, #tpu.memory_space<vmem>> -> memref<1x80x128xi32, #tpu.memory_space<vmem>>
        %dma_wait3A_166 = tpu.memref_squeeze %dma_wait3A_165 : memref<1x80x128xi32, #tpu.memory_space<vmem>> -> memref<80x128xi32, #tpu.memory_space<vmem>>
        %dma_wait3A_167 = arith.constant 0 : i32
        %dma_wait3A_168 = tpu.memref_slice %arg3[%add3A_161, %dma_wait3A_167] : memref<160000x128xi32, #tpu.memory_space<hbm>> -> memref<80x128xi32, #tpu.memory_space<hbm>>
        %dma_wait3A_169 = arith.constant 0 : i32
        %dma_wait3A_170 = arith.constant 0 : i32
        %dma_wait3A_171 = tpu.memref_slice %arg9[%dma_wait3A_162, %dma_wait3A_169, %dma_wait3A_170] : memref<2x80x128xi32, #tpu.memory_space<vmem>> -> memref<1x80x128xi32, #tpu.memory_space<vmem>>
        %dma_wait3A_172 = tpu.memref_squeeze %dma_wait3A_171 : memref<1x80x128xi32, #tpu.memory_space<vmem>> -> memref<80x128xi32, #tpu.memory_space<vmem>>
        %dma_wait3A_173 = arith.constant 0 : i32
        %dma_wait3A_174 = tpu.memref_slice %arg3[%add3A_161, %dma_wait3A_173] : memref<160000x128xi32, #tpu.memory_space<hbm>> -> memref<80x128xi32, #tpu.memory_space<hbm>>
        tpu.wait_dma2 semaphore(%arg14 : memref<!tpu.dma_semaphore, #tpu.memory_space<semaphore_mem>>) src(%dma_wait3A_174 : memref<80x128xi32, #tpu.memory_space<hbm>>) dst(%dma_wait3A_172 : memref<80x128xi32, #tpu.memory_space<vmem>>)
        %dma_wait3A_175 = arith.constant 1 : i32
        %dma_wait3A_176 = arith.constant 0 : i32
        %dma_wait3A_177 = arith.constant 0 : i32
        %dma_wait3A_178 = tpu.memref_slice %arg10[%dma_wait3A_175, %dma_wait3A_176, %dma_wait3A_177] : memref<2x80x128xf32, #tpu.memory_space<vmem>> -> memref<1x80x128xf32, #tpu.memory_space<vmem>>
        %dma_wait3A_179 = tpu.memref_squeeze %dma_wait3A_178 : memref<1x80x128xf32, #tpu.memory_space<vmem>> -> memref<80x128xf32, #tpu.memory_space<vmem>>
        %dma_wait3A_180 = arith.constant 0 : i32
        %dma_wait3A_181 = tpu.memref_slice %arg7[%scan3A_125, %dma_wait3A_180] : memref<125x80xi32, #tpu.memory_space<vmem>> -> memref<1x80xi32, #tpu.memory_space<vmem>>
        %dma_wait3A_182 = tpu.memref_squeeze %dma_wait3A_181 : memref<1x80xi32, #tpu.memory_space<vmem>> -> memref<80xi32, #tpu.memory_space<vmem>>
        %dma_wait3A_183 = arith.constant 0 : i32
        %dma_wait3A_184 = arith.constant 0 : i32
        %dma_wait3A_185 = tpu.memref_slice %arg2[%dma_wait3A_183, %dma_wait3A_184] : memref<40000x128xf32, #tpu.memory_space<hbm>> -> memref<40000x128xf32, #tpu.memory_space<hbm>>
        tpu.wait_indirect_dma semaphore(%arg16 : memref<!tpu.dma_semaphore, #tpu.memory_space<semaphore_mem>>) src(%dma_wait3A_185 : memref<40000x128xf32, #tpu.memory_space<hbm>>) dst(%dma_wait3A_179 : memref<80x128xf32, #tpu.memory_space<vmem>>)
        %dma_wait3A_186 = arith.constant 1 : i32
        %dma_wait3A_187 = arith.constant 0 : i32
        %dma_wait3A_188 = arith.constant 0 : i32
        %dma_wait3A_189 = tpu.memref_slice %arg11[%dma_wait3A_186, %dma_wait3A_187, %dma_wait3A_188] : memref<2x80x128xf32, #tpu.memory_space<vmem>> -> memref<1x80x128xf32, #tpu.memory_space<vmem>>
        %dma_wait3A_190 = tpu.memref_squeeze %dma_wait3A_189 : memref<1x80x128xf32, #tpu.memory_space<vmem>> -> memref<80x128xf32, #tpu.memory_space<vmem>>
        %dma_wait3A_191 = arith.constant 0 : i32
        %dma_wait3A_192 = tpu.memref_slice %arg8[%scan3A_125, %dma_wait3A_191] : memref<125x80xi32, #tpu.memory_space<vmem>> -> memref<1x80xi32, #tpu.memory_space<vmem>>
        %dma_wait3A_193 = tpu.memref_squeeze %dma_wait3A_192 : memref<1x80xi32, #tpu.memory_space<vmem>> -> memref<80xi32, #tpu.memory_space<vmem>>
        %dma_wait3A_194 = arith.constant 0 : i32
        %dma_wait3A_195 = arith.constant 0 : i32
        %dma_wait3A_196 = tpu.memref_slice %arg2[%dma_wait3A_194, %dma_wait3A_195] : memref<40000x128xf32, #tpu.memory_space<hbm>> -> memref<40000x128xf32, #tpu.memory_space<hbm>>
        tpu.wait_indirect_dma semaphore(%arg18 : memref<!tpu.dma_semaphore, #tpu.memory_space<semaphore_mem>>) src(%dma_wait3A_196 : memref<40000x128xf32, #tpu.memory_space<hbm>>) dst(%dma_wait3A_190 : memref<80x128xf32, #tpu.memory_space<vmem>>)
        %ge3A = arith.constant 2 : i32
        %ge3A_197 = arith.cmpi sge, %scan3A_125, %ge3A : i32
        %convert_element_type3A_198 = arith.extui %ge3A_197 : i1 to i32
        %cond3A_199 = arith.constant 0 : i32
        %cond3A_200 = arith.cmpi ne, %convert_element_type3A_198, %cond3A_199 : i32
        scf.if %cond3A_200 {
          %mul3A_230 = arith.constant 80 : i32
          %mul3A_231 = arith.muli %scan3A_125, %mul3A_230 : i32
          %add3A_232 = arith.addi %add3A_8, %mul3A_231 : i32
          %dma_wait3A_233 = arith.constant 1 : i32
          %dma_wait3A_234 = arith.constant 0 : i32
          %dma_wait3A_235 = arith.constant 0 : i32
          %dma_wait3A_236 = tpu.memref_slice %arg12[%dma_wait3A_233, %dma_wait3A_234, %dma_wait3A_235] : memref<2x80x128xf32, #tpu.memory_space<vmem>> -> memref<1x80x128xf32, #tpu.memory_space<vmem>>
          %dma_wait3A_237 = tpu.memref_squeeze %dma_wait3A_236 : memref<1x80x128xf32, #tpu.memory_space<vmem>> -> memref<80x128xf32, #tpu.memory_space<vmem>>
          %dma_wait3A_238 = arith.constant 0 : i32
          %dma_wait3A_239 = tpu.memref_slice %arg6[%add3A_232, %dma_wait3A_238] : memref<320000x128xf32, #tpu.memory_space<hbm>> -> memref<80x128xf32, #tpu.memory_space<hbm>>
          %dma_wait3A_240 = arith.constant 0 : i32
          %dma_wait3A_241 = tpu.memref_slice %arg6[%add3A_232, %dma_wait3A_240] : memref<320000x128xf32, #tpu.memory_space<hbm>> -> memref<80x128xf32, #tpu.memory_space<hbm>>
          %dma_wait3A_242 = arith.constant 0 : i32
          %dma_wait3A_243 = arith.constant 0 : i32
          %dma_wait3A_244 = tpu.memref_slice %arg12[%dma_wait3A_233, %dma_wait3A_242, %dma_wait3A_243] : memref<2x80x128xf32, #tpu.memory_space<vmem>> -> memref<1x80x128xf32, #tpu.memory_space<vmem>>
          %dma_wait3A_245 = tpu.memref_squeeze %dma_wait3A_244 : memref<1x80x128xf32, #tpu.memory_space<vmem>> -> memref<80x128xf32, #tpu.memory_space<vmem>>
          tpu.wait_dma2 semaphore(%arg20 : memref<!tpu.dma_semaphore, #tpu.memory_space<semaphore_mem>>) src(%dma_wait3A_245 : memref<80x128xf32, #tpu.memory_space<vmem>>) dst(%dma_wait3A_241 : memref<80x128xf32, #tpu.memory_space<hbm>>)
        } else {
        }
        %scan3A_201 = arith.constant 0 : i32
        %scan3A_202 = arith.constant 0 : i32
        %scan3A_203 = arith.constant 80 : i32
        %scan3A_204 = arith.addi %scan3A_202, %scan3A_203 : i32
        %scan3A_205 = arith.constant 1 : i32
        scf.for %scan3A_230 = %scan3A_202 to %scan3A_204 step %scan3A_205  : i32 {
          %get3A = arith.constant 1 : i32
          %get3A_231 = arith.index_cast %get3A : i32 to index
          %get3A_232 = arith.index_cast %scan3A_230 : i32 to index
          %get3A_233 = arith.constant 0 : index
          %get3A_234 = tpu.vector_load %arg9[%get3A_231, %get3A_232, %get3A_233] {strides = array<i32>} : memref<2x80x128xi32, #tpu.memory_space<vmem>>, vector<1x1x16xi32>,
          %get3A_235 = vector.shape_cast %get3A_234 : vector<1x1x16xi32> to vector<16xi32>
          %shift_left3A = vector.broadcast %mul3A_13 : i32 to vector<16xi32>
          %shift_left3A_236 = arith.shli %get3A_235, %shift_left3A : vector<16xi32>
          %and3A_237 = arith.constant -65536 : i32
          %and3A_238 = vector.broadcast %and3A_237 : i32 to vector<16xi32>
          %and3A_239 = arith.andi %shift_left3A_236, %and3A_238 : vector<16xi32>
          %bitcast_convert_type3A = tpu.bitcast %and3A_239 : vector<16xi32> -> vector<16xf32>
          %get3A_240 = arith.constant 1 : i32
          %get3A_241 = arith.index_cast %get3A_240 : i32 to index
          %get3A_242 = arith.index_cast %scan3A_230 : i32 to index
          %get3A_243 = arith.constant 0 : index
          %get3A_244 = tpu.vector_load %arg10[%get3A_241, %get3A_242, %get3A_243] {strides = array<i32>} : memref<2x80x128xf32, #tpu.memory_space<vmem>>, vector<1x1x16xf32>,
          %get3A_245 = vector.shape_cast %get3A_244 : vector<1x1x16xf32> to vector<16xf32>
          %get3A_246 = arith.constant 1 : i32
          %get3A_247 = arith.index_cast %get3A_246 : i32 to index
          %get3A_248 = arith.index_cast %scan3A_230 : i32 to index
          %get3A_249 = arith.constant 0 : index
          %get3A_250 = tpu.vector_load %arg11[%get3A_247, %get3A_248, %get3A_249] {strides = array<i32>} : memref<2x80x128xf32, #tpu.memory_space<vmem>>, vector<1x1x16xf32>,
          %get3A_251 = vector.shape_cast %get3A_250 : vector<1x1x16xf32> to vector<16xf32>
          %add3A_252 = arith.addf %get3A_245, %get3A_251 : vector<16xf32>
          %add3A_253 = arith.addf %add3A_252, %bitcast_convert_type3A : vector<16xf32>
          %swap3A = arith.constant 1 : i32
          %swap3A_254 = arith.index_cast %swap3A : i32 to index
          %swap3A_255 = arith.index_cast %scan3A_230 : i32 to index
          %swap3A_256 = arith.constant 0 : index
          %swap3A_257 = tpu.vector_load %arg12[%swap3A_254, %swap3A_255, %swap3A_256] {strides = array<i32>} : memref<2x80x128xf32, #tpu.memory_space<vmem>>, vector<1x1x16xf32>,
          %swap3A_258 = vector.shape_cast %swap3A_257 : vector<1x1x16xf32> to vector<16xf32>
          %swap3A_259 = vector.shape_cast %add3A_253 : vector<16xf32> to vector<1x1x16xf32>
          tpu.vector_store %arg12[%swap3A_254, %swap3A_255, %swap3A_256], %swap3A_259 {strides = array<i32>} : memref<2x80x128xf32, #tpu.memory_space<vmem>>, vector<1x1x16xf32>,
          %get3A_260 = arith.constant 1 : i32
          %get3A_261 = arith.index_cast %get3A_260 : i32 to index
          %get3A_262 = arith.index_cast %scan3A_230 : i32 to index
          %get3A_263 = arith.constant 16 : index
          %get3A_264 = tpu.vector_load %arg9[%get3A_261, %get3A_262, %get3A_263] {strides = array<i32>} : memref<2x80x128xi32, #tpu.memory_space<vmem>>, vector<1x1x16xi32>,
          %get3A_265 = vector.shape_cast %get3A_264 : vector<1x1x16xi32> to vector<16xi32>
          %shift_left3A_266 = vector.broadcast %mul3A_13 : i32 to vector<16xi32>
          %shift_left3A_267 = arith.shli %get3A_265, %shift_left3A_266 : vector<16xi32>
          %and3A_268 = arith.constant -65536 : i32
          %and3A_269 = vector.broadcast %and3A_268 : i32 to vector<16xi32>
          %and3A_270 = arith.andi %shift_left3A_267, %and3A_269 : vector<16xi32>
          %bitcast_convert_type3A_271 = tpu.bitcast %and3A_270 : vector<16xi32> -> vector<16xf32>
          %get3A_272 = arith.constant 1 : i32
          %get3A_273 = arith.index_cast %get3A_272 : i32 to index
          %get3A_274 = arith.index_cast %scan3A_230 : i32 to index
          %get3A_275 = arith.constant 16 : index
          %get3A_276 = tpu.vector_load %arg10[%get3A_273, %get3A_274, %get3A_275] {strides = array<i32>} : memref<2x80x128xf32, #tpu.memory_space<vmem>>, vector<1x1x16xf32>,
          %get3A_277 = vector.shape_cast %get3A_276 : vector<1x1x16xf32> to vector<16xf32>
          %get3A_278 = arith.constant 1 : i32
          %get3A_279 = arith.index_cast %get3A_278 : i32 to index
          %get3A_280 = arith.index_cast %scan3A_230 : i32 to index
          %get3A_281 = arith.constant 16 : index
          %get3A_282 = tpu.vector_load %arg11[%get3A_279, %get3A_280, %get3A_281] {strides = array<i32>} : memref<2x80x128xf32, #tpu.memory_space<vmem>>, vector<1x1x16xf32>,
          %get3A_283 = vector.shape_cast %get3A_282 : vector<1x1x16xf32> to vector<16xf32>
          %add3A_284 = arith.addf %get3A_277, %get3A_283 : vector<16xf32>
          %add3A_285 = arith.addf %add3A_284, %bitcast_convert_type3A_271 : vector<16xf32>
          %swap3A_286 = arith.constant 1 : i32
          %swap3A_287 = arith.index_cast %swap3A_286 : i32 to index
          %swap3A_288 = arith.index_cast %scan3A_230 : i32 to index
          %swap3A_289 = arith.constant 16 : index
          %swap3A_290 = tpu.vector_load %arg12[%swap3A_287, %swap3A_288, %swap3A_289] {strides = array<i32>} : memref<2x80x128xf32, #tpu.memory_space<vmem>>, vector<1x1x16xf32>,
          %swap3A_291 = vector.shape_cast %swap3A_290 : vector<1x1x16xf32> to vector<16xf32>
          %swap3A_292 = vector.shape_cast %add3A_285 : vector<16xf32> to vector<1x1x16xf32>
          tpu.vector_store %arg12[%swap3A_287, %swap3A_288, %swap3A_289], %swap3A_292 {strides = array<i32>} : memref<2x80x128xf32, #tpu.memory_space<vmem>>, vector<1x1x16xf32>,
          %get3A_293 = arith.constant 1 : i32
          %get3A_294 = arith.index_cast %get3A_293 : i32 to index
          %get3A_295 = arith.index_cast %scan3A_230 : i32 to index
          %get3A_296 = arith.constant 32 : index
          %get3A_297 = tpu.vector_load %arg9[%get3A_294, %get3A_295, %get3A_296] {strides = array<i32>} : memref<2x80x128xi32, #tpu.memory_space<vmem>>, vector<1x1x16xi32>,
          %get3A_298 = vector.shape_cast %get3A_297 : vector<1x1x16xi32> to vector<16xi32>
          %shift_left3A_299 = vector.broadcast %mul3A_13 : i32 to vector<16xi32>
          %shift_left3A_300 = arith.shli %get3A_298, %shift_left3A_299 : vector<16xi32>
          %and3A_301 = arith.constant -65536 : i32
          %and3A_302 = vector.broadcast %and3A_301 : i32 to vector<16xi32>
          %and3A_303 = arith.andi %shift_left3A_300, %and3A_302 : vector<16xi32>
          %bitcast_convert_type3A_304 = tpu.bitcast %and3A_303 : vector<16xi32> -> vector<16xf32>
          %get3A_305 = arith.constant 1 : i32
          %get3A_306 = arith.index_cast %get3A_305 : i32 to index
          %get3A_307 = arith.index_cast %scan3A_230 : i32 to index
          %get3A_308 = arith.constant 32 : index
          %get3A_309 = tpu.vector_load %arg10[%get3A_306, %get3A_307, %get3A_308] {strides = array<i32>} : memref<2x80x128xf32, #tpu.memory_space<vmem>>, vector<1x1x16xf32>,
          %get3A_310 = vector.shape_cast %get3A_309 : vector<1x1x16xf32> to vector<16xf32>
          %get3A_311 = arith.constant 1 : i32
          %get3A_312 = arith.index_cast %get3A_311 : i32 to index
          %get3A_313 = arith.index_cast %scan3A_230 : i32 to index
          %get3A_314 = arith.constant 32 : index
          %get3A_315 = tpu.vector_load %arg11[%get3A_312, %get3A_313, %get3A_314] {strides = array<i32>} : memref<2x80x128xf32, #tpu.memory_space<vmem>>, vector<1x1x16xf32>,
          %get3A_316 = vector.shape_cast %get3A_315 : vector<1x1x16xf32> to vector<16xf32>
          %add3A_317 = arith.addf %get3A_310, %get3A_316 : vector<16xf32>
          %add3A_318 = arith.addf %add3A_317, %bitcast_convert_type3A_304 : vector<16xf32>
          %swap3A_319 = arith.constant 1 : i32
          %swap3A_320 = arith.index_cast %swap3A_319 : i32 to index
          %swap3A_321 = arith.index_cast %scan3A_230 : i32 to index
          %swap3A_322 = arith.constant 32 : index
          %swap3A_323 = tpu.vector_load %arg12[%swap3A_320, %swap3A_321, %swap3A_322] {strides = array<i32>} : memref<2x80x128xf32, #tpu.memory_space<vmem>>, vector<1x1x16xf32>,
          %swap3A_324 = vector.shape_cast %swap3A_323 : vector<1x1x16xf32> to vector<16xf32>
          %swap3A_325 = vector.shape_cast %add3A_318 : vector<16xf32> to vector<1x1x16xf32>
          tpu.vector_store %arg12[%swap3A_320, %swap3A_321, %swap3A_322], %swap3A_325 {strides = array<i32>} : memref<2x80x128xf32, #tpu.memory_space<vmem>>, vector<1x1x16xf32>,
          %get3A_326 = arith.constant 1 : i32
          %get3A_327 = arith.index_cast %get3A_326 : i32 to index
          %get3A_328 = arith.index_cast %scan3A_230 : i32 to index
          %get3A_329 = arith.constant 48 : index
          %get3A_330 = tpu.vector_load %arg9[%get3A_327, %get3A_328, %get3A_329] {strides = array<i32>} : memref<2x80x128xi32, #tpu.memory_space<vmem>>, vector<1x1x16xi32>,
          %get3A_331 = vector.shape_cast %get3A_330 : vector<1x1x16xi32> to vector<16xi32>
          %shift_left3A_332 = vector.broadcast %mul3A_13 : i32 to vector<16xi32>
          %shift_left3A_333 = arith.shli %get3A_331, %shift_left3A_332 : vector<16xi32>
          %and3A_334 = arith.constant -65536 : i32
          %and3A_335 = vector.broadcast %and3A_334 : i32 to vector<16xi32>
          %and3A_336 = arith.andi %shift_left3A_333, %and3A_335 : vector<16xi32>
          %bitcast_convert_type3A_337 = tpu.bitcast %and3A_336 : vector<16xi32> -> vector<16xf32>
          %get3A_338 = arith.constant 1 : i32
          %get3A_339 = arith.index_cast %get3A_338 : i32 to index
          %get3A_340 = arith.index_cast %scan3A_230 : i32 to index
          %get3A_341 = arith.constant 48 : index
          %get3A_342 = tpu.vector_load %arg10[%get3A_339, %get3A_340, %get3A_341] {strides = array<i32>} : memref<2x80x128xf32, #tpu.memory_space<vmem>>, vector<1x1x16xf32>,
          %get3A_343 = vector.shape_cast %get3A_342 : vector<1x1x16xf32> to vector<16xf32>
          %get3A_344 = arith.constant 1 : i32
          %get3A_345 = arith.index_cast %get3A_344 : i32 to index
          %get3A_346 = arith.index_cast %scan3A_230 : i32 to index
          %get3A_347 = arith.constant 48 : index
          %get3A_348 = tpu.vector_load %arg11[%get3A_345, %get3A_346, %get3A_347] {strides = array<i32>} : memref<2x80x128xf32, #tpu.memory_space<vmem>>, vector<1x1x16xf32>,
          %get3A_349 = vector.shape_cast %get3A_348 : vector<1x1x16xf32> to vector<16xf32>
          %add3A_350 = arith.addf %get3A_343, %get3A_349 : vector<16xf32>
          %add3A_351 = arith.addf %add3A_350, %bitcast_convert_type3A_337 : vector<16xf32>
          %swap3A_352 = arith.constant 1 : i32
          %swap3A_353 = arith.index_cast %swap3A_352 : i32 to index
          %swap3A_354 = arith.index_cast %scan3A_230 : i32 to index
          %swap3A_355 = arith.constant 48 : index
          %swap3A_356 = tpu.vector_load %arg12[%swap3A_353, %swap3A_354, %swap3A_355] {strides = array<i32>} : memref<2x80x128xf32, #tpu.memory_space<vmem>>, vector<1x1x16xf32>,
          %swap3A_357 = vector.shape_cast %swap3A_356 : vector<1x1x16xf32> to vector<16xf32>
          %swap3A_358 = vector.shape_cast %add3A_351 : vector<16xf32> to vector<1x1x16xf32>
          tpu.vector_store %arg12[%swap3A_353, %swap3A_354, %swap3A_355], %swap3A_358 {strides = array<i32>} : memref<2x80x128xf32, #tpu.memory_space<vmem>>, vector<1x1x16xf32>,
          %get3A_359 = arith.constant 1 : i32
          %get3A_360 = arith.index_cast %get3A_359 : i32 to index
          %get3A_361 = arith.index_cast %scan3A_230 : i32 to index
          %get3A_362 = arith.constant 64 : index
          %get3A_363 = tpu.vector_load %arg9[%get3A_360, %get3A_361, %get3A_362] {strides = array<i32>} : memref<2x80x128xi32, #tpu.memory_space<vmem>>, vector<1x1x16xi32>,
          %get3A_364 = vector.shape_cast %get3A_363 : vector<1x1x16xi32> to vector<16xi32>
          %shift_left3A_365 = vector.broadcast %mul3A_13 : i32 to vector<16xi32>
          %shift_left3A_366 = arith.shli %get3A_364, %shift_left3A_365 : vector<16xi32>
          %and3A_367 = arith.constant -65536 : i32
          %and3A_368 = vector.broadcast %and3A_367 : i32 to vector<16xi32>
          %and3A_369 = arith.andi %shift_left3A_366, %and3A_368 : vector<16xi32>
          %bitcast_convert_type3A_370 = tpu.bitcast %and3A_369 : vector<16xi32> -> vector<16xf32>
          %get3A_371 = arith.constant 1 : i32
          %get3A_372 = arith.index_cast %get3A_371 : i32 to index
          %get3A_373 = arith.index_cast %scan3A_230 : i32 to index
          %get3A_374 = arith.constant 64 : index
          %get3A_375 = tpu.vector_load %arg10[%get3A_372, %get3A_373, %get3A_374] {strides = array<i32>} : memref<2x80x128xf32, #tpu.memory_space<vmem>>, vector<1x1x16xf32>,
          %get3A_376 = vector.shape_cast %get3A_375 : vector<1x1x16xf32> to vector<16xf32>
          %get3A_377 = arith.constant 1 : i32
          %get3A_378 = arith.index_cast %get3A_377 : i32 to index
          %get3A_379 = arith.index_cast %scan3A_230 : i32 to index
          %get3A_380 = arith.constant 64 : index
          %get3A_381 = tpu.vector_load %arg11[%get3A_378, %get3A_379, %get3A_380] {strides = array<i32>} : memref<2x80x128xf32, #tpu.memory_space<vmem>>, vector<1x1x16xf32>,
          %get3A_382 = vector.shape_cast %get3A_381 : vector<1x1x16xf32> to vector<16xf32>
          %add3A_383 = arith.addf %get3A_376, %get3A_382 : vector<16xf32>
          %add3A_384 = arith.addf %add3A_383, %bitcast_convert_type3A_370 : vector<16xf32>
          %swap3A_385 = arith.constant 1 : i32
          %swap3A_386 = arith.index_cast %swap3A_385 : i32 to index
          %swap3A_387 = arith.index_cast %scan3A_230 : i32 to index
          %swap3A_388 = arith.constant 64 : index
          %swap3A_389 = tpu.vector_load %arg12[%swap3A_386, %swap3A_387, %swap3A_388] {strides = array<i32>} : memref<2x80x128xf32, #tpu.memory_space<vmem>>, vector<1x1x16xf32>,
          %swap3A_390 = vector.shape_cast %swap3A_389 : vector<1x1x16xf32> to vector<16xf32>
          %swap3A_391 = vector.shape_cast %add3A_384 : vector<16xf32> to vector<1x1x16xf32>
          tpu.vector_store %arg12[%swap3A_386, %swap3A_387, %swap3A_388], %swap3A_391 {strides = array<i32>} : memref<2x80x128xf32, #tpu.memory_space<vmem>>, vector<1x1x16xf32>,
          %get3A_392 = arith.constant 1 : i32
          %get3A_393 = arith.index_cast %get3A_392 : i32 to index
          %get3A_394 = arith.index_cast %scan3A_230 : i32 to index
          %get3A_395 = arith.constant 80 : index
          %get3A_396 = tpu.vector_load %arg9[%get3A_393, %get3A_394, %get3A_395] {strides = array<i32>} : memref<2x80x128xi32, #tpu.memory_space<vmem>>, vector<1x1x16xi32>,
          %get3A_397 = vector.shape_cast %get3A_396 : vector<1x1x16xi32> to vector<16xi32>
          %shift_left3A_398 = vector.broadcast %mul3A_13 : i32 to vector<16xi32>
          %shift_left3A_399 = arith.shli %get3A_397, %shift_left3A_398 : vector<16xi32>
          %and3A_400 = arith.constant -65536 : i32
          %and3A_401 = vector.broadcast %and3A_400 : i32 to vector<16xi32>
          %and3A_402 = arith.andi %shift_left3A_399, %and3A_401 : vector<16xi32>
          %bitcast_convert_type3A_403 = tpu.bitcast %and3A_402 : vector<16xi32> -> vector<16xf32>
          %get3A_404 = arith.constant 1 : i32
          %get3A_405 = arith.index_cast %get3A_404 : i32 to index
          %get3A_406 = arith.index_cast %scan3A_230 : i32 to index
          %get3A_407 = arith.constant 80 : index
          %get3A_408 = tpu.vector_load %arg10[%get3A_405, %get3A_406, %get3A_407] {strides = array<i32>} : memref<2x80x128xf32, #tpu.memory_space<vmem>>, vector<1x1x16xf32>,
          %get3A_409 = vector.shape_cast %get3A_408 : vector<1x1x16xf32> to vector<16xf32>
          %get3A_410 = arith.constant 1 : i32
          %get3A_411 = arith.index_cast %get3A_410 : i32 to index
          %get3A_412 = arith.index_cast %scan3A_230 : i32 to index
          %get3A_413 = arith.constant 80 : index
          %get3A_414 = tpu.vector_load %arg11[%get3A_411, %get3A_412, %get3A_413] {strides = array<i32>} : memref<2x80x128xf32, #tpu.memory_space<vmem>>, vector<1x1x16xf32>,
          %get3A_415 = vector.shape_cast %get3A_414 : vector<1x1x16xf32> to vector<16xf32>
          %add3A_416 = arith.addf %get3A_409, %get3A_415 : vector<16xf32>
          %add3A_417 = arith.addf %add3A_416, %bitcast_convert_type3A_403 : vector<16xf32>
          %swap3A_418 = arith.constant 1 : i32
          %swap3A_419 = arith.index_cast %swap3A_418 : i32 to index
          %swap3A_420 = arith.index_cast %scan3A_230 : i32 to index
          %swap3A_421 = arith.constant 80 : index
          %swap3A_422 = tpu.vector_load %arg12[%swap3A_419, %swap3A_420, %swap3A_421] {strides = array<i32>} : memref<2x80x128xf32, #tpu.memory_space<vmem>>, vector<1x1x16xf32>,
          %swap3A_423 = vector.shape_cast %swap3A_422 : vector<1x1x16xf32> to vector<16xf32>
          %swap3A_424 = vector.shape_cast %add3A_417 : vector<16xf32> to vector<1x1x16xf32>
          tpu.vector_store %arg12[%swap3A_419, %swap3A_420, %swap3A_421], %swap3A_424 {strides = array<i32>} : memref<2x80x128xf32, #tpu.memory_space<vmem>>, vector<1x1x16xf32>,
          %get3A_425 = arith.constant 1 : i32
          %get3A_426 = arith.index_cast %get3A_425 : i32 to index
          %get3A_427 = arith.index_cast %scan3A_230 : i32 to index
          %get3A_428 = arith.constant 96 : index
          %get3A_429 = tpu.vector_load %arg9[%get3A_426, %get3A_427, %get3A_428] {strides = array<i32>} : memref<2x80x128xi32, #tpu.memory_space<vmem>>, vector<1x1x16xi32>,
          %get3A_430 = vector.shape_cast %get3A_429 : vector<1x1x16xi32> to vector<16xi32>
          %shift_left3A_431 = vector.broadcast %mul3A_13 : i32 to vector<16xi32>
          %shift_left3A_432 = arith.shli %get3A_430, %shift_left3A_431 : vector<16xi32>
          %and3A_433 = arith.constant -65536 : i32
          %and3A_434 = vector.broadcast %and3A_433 : i32 to vector<16xi32>
          %and3A_435 = arith.andi %shift_left3A_432, %and3A_434 : vector<16xi32>
          %bitcast_convert_type3A_436 = tpu.bitcast %and3A_435 : vector<16xi32> -> vector<16xf32>
          %get3A_437 = arith.constant 1 : i32
          %get3A_438 = arith.index_cast %get3A_437 : i32 to index
          %get3A_439 = arith.index_cast %scan3A_230 : i32 to index
          %get3A_440 = arith.constant 96 : index
          %get3A_441 = tpu.vector_load %arg10[%get3A_438, %get3A_439, %get3A_440] {strides = array<i32>} : memref<2x80x128xf32, #tpu.memory_space<vmem>>, vector<1x1x16xf32>,
          %get3A_442 = vector.shape_cast %get3A_441 : vector<1x1x16xf32> to vector<16xf32>
          %get3A_443 = arith.constant 1 : i32
          %get3A_444 = arith.index_cast %get3A_443 : i32 to index
          %get3A_445 = arith.index_cast %scan3A_230 : i32 to index
          %get3A_446 = arith.constant 96 : index
          %get3A_447 = tpu.vector_load %arg11[%get3A_444, %get3A_445, %get3A_446] {strides = array<i32>} : memref<2x80x128xf32, #tpu.memory_space<vmem>>, vector<1x1x16xf32>,
          %get3A_448 = vector.shape_cast %get3A_447 : vector<1x1x16xf32> to vector<16xf32>
          %add3A_449 = arith.addf %get3A_442, %get3A_448 : vector<16xf32>
          %add3A_450 = arith.addf %add3A_449, %bitcast_convert_type3A_436 : vector<16xf32>
          %swap3A_451 = arith.constant 1 : i32
          %swap3A_452 = arith.index_cast %swap3A_451 : i32 to index
          %swap3A_453 = arith.index_cast %scan3A_230 : i32 to index
          %swap3A_454 = arith.constant 96 : index
          %swap3A_455 = tpu.vector_load %arg12[%swap3A_452, %swap3A_453, %swap3A_454] {strides = array<i32>} : memref<2x80x128xf32, #tpu.memory_space<vmem>>, vector<1x1x16xf32>,
          %swap3A_456 = vector.shape_cast %swap3A_455 : vector<1x1x16xf32> to vector<16xf32>
          %swap3A_457 = vector.shape_cast %add3A_450 : vector<16xf32> to vector<1x1x16xf32>
          tpu.vector_store %arg12[%swap3A_452, %swap3A_453, %swap3A_454], %swap3A_457 {strides = array<i32>} : memref<2x80x128xf32, #tpu.memory_space<vmem>>, vector<1x1x16xf32>,
          %get3A_458 = arith.constant 1 : i32
          %get3A_459 = arith.index_cast %get3A_458 : i32 to index
          %get3A_460 = arith.index_cast %scan3A_230 : i32 to index
          %get3A_461 = arith.constant 112 : index
          %get3A_462 = tpu.vector_load %arg9[%get3A_459, %get3A_460, %get3A_461] {strides = array<i32>} : memref<2x80x128xi32, #tpu.memory_space<vmem>>, vector<1x1x16xi32>,
          %get3A_463 = vector.shape_cast %get3A_462 : vector<1x1x16xi32> to vector<16xi32>
          %shift_left3A_464 = vector.broadcast %mul3A_13 : i32 to vector<16xi32>
          %shift_left3A_465 = arith.shli %get3A_463, %shift_left3A_464 : vector<16xi32>
          %and3A_466 = arith.constant -65536 : i32
          %and3A_467 = vector.broadcast %and3A_466 : i32 to vector<16xi32>
          %and3A_468 = arith.andi %shift_left3A_465, %and3A_467 : vector<16xi32>
          %bitcast_convert_type3A_469 = tpu.bitcast %and3A_468 : vector<16xi32> -> vector<16xf32>
          %get3A_470 = arith.constant 1 : i32
          %get3A_471 = arith.index_cast %get3A_470 : i32 to index
          %get3A_472 = arith.index_cast %scan3A_230 : i32 to index
          %get3A_473 = arith.constant 112 : index
          %get3A_474 = tpu.vector_load %arg10[%get3A_471, %get3A_472, %get3A_473] {strides = array<i32>} : memref<2x80x128xf32, #tpu.memory_space<vmem>>, vector<1x1x16xf32>,
          %get3A_475 = vector.shape_cast %get3A_474 : vector<1x1x16xf32> to vector<16xf32>
          %get3A_476 = arith.constant 1 : i32
          %get3A_477 = arith.index_cast %get3A_476 : i32 to index
          %get3A_478 = arith.index_cast %scan3A_230 : i32 to index
          %get3A_479 = arith.constant 112 : index
          %get3A_480 = tpu.vector_load %arg11[%get3A_477, %get3A_478, %get3A_479] {strides = array<i32>} : memref<2x80x128xf32, #tpu.memory_space<vmem>>, vector<1x1x16xf32>,
          %get3A_481 = vector.shape_cast %get3A_480 : vector<1x1x16xf32> to vector<16xf32>
          %add3A_482 = arith.addf %get3A_475, %get3A_481 : vector<16xf32>
          %add3A_483 = arith.addf %add3A_482, %bitcast_convert_type3A_469 : vector<16xf32>
          %swap3A_484 = arith.constant 1 : i32
          %swap3A_485 = arith.index_cast %swap3A_484 : i32 to index
          %swap3A_486 = arith.index_cast %scan3A_230 : i32 to index
          %swap3A_487 = arith.constant 112 : index
          %swap3A_488 = tpu.vector_load %arg12[%swap3A_485, %swap3A_486, %swap3A_487] {strides = array<i32>} : memref<2x80x128xf32, #tpu.memory_space<vmem>>, vector<1x1x16xf32>,
          %swap3A_489 = vector.shape_cast %swap3A_488 : vector<1x1x16xf32> to vector<16xf32>
          %swap3A_490 = vector.shape_cast %add3A_483 : vector<16xf32> to vector<1x1x16xf32>
          tpu.vector_store %arg12[%swap3A_485, %swap3A_486, %swap3A_487], %swap3A_490 {strides = array<i32>} : memref<2x80x128xf32, #tpu.memory_space<vmem>>, vector<1x1x16xf32>,
        }
        %scan3A_206 = arith.constant 80 : i32
        %mul3A_207 = arith.constant 80 : i32
        %mul3A_208 = arith.muli %scan3A_125, %mul3A_207 : i32
        %add3A_209 = arith.addi %add3A_8, %mul3A_208 : i32
        %dma_start3A_210 = arith.constant 1 : i32
        %dma_start3A_211 = arith.constant 0 : i32
        %dma_start3A_212 = arith.constant 0 : i32
        %dma_start3A_213 = tpu.memref_slice %arg12[%dma_start3A_210, %dma_start3A_211, %dma_start3A_212] : memref<2x80x128xf32, #tpu.memory_space<vmem>> -> memref<1x80x128xf32, #tpu.memory_space<vmem>>
        %dma_start3A_214 = tpu.memref_squeeze %dma_start3A_213 : memref<1x80x128xf32, #tpu.memory_space<vmem>> -> memref<80x128xf32, #tpu.memory_space<vmem>>
        %dma_start3A_215 = arith.constant 0 : i32
        %dma_start3A_216 = tpu.memref_slice %arg6[%add3A_209, %dma_start3A_215] : memref<320000x128xf32, #tpu.memory_space<hbm>> -> memref<80x128xf32, #tpu.memory_space<hbm>>
        %dma_start3A_217 = arith.constant 0 : i32
        %dma_start3A_218 = tpu.memref_slice %arg6[%add3A_209, %dma_start3A_217] : memref<320000x128xf32, #tpu.memory_space<hbm>> -> memref<80x128xf32, #tpu.memory_space<hbm>>
        %dma_start3A_219 = arith.constant 0 : i32
        %dma_start3A_220 = arith.constant 0 : i32
        %dma_start3A_221 = tpu.memref_slice %arg12[%dma_start3A_210, %dma_start3A_219, %dma_start3A_220] : memref<2x80x128xf32, #tpu.memory_space<vmem>> -> memref<1x80x128xf32, #tpu.memory_space<vmem>>
        %dma_start3A_222 = tpu.memref_squeeze %dma_start3A_221 : memref<1x80x128xf32, #tpu.memory_space<vmem>> -> memref<80x128xf32, #tpu.memory_space<vmem>>
        tpu.enqueue_dma source(%dma_start3A_222 : memref<80x128xf32, #tpu.memory_space<vmem>>) target(%dma_start3A_218 : memref<80x128xf32, #tpu.memory_space<hbm>>) target_semaphore(%arg20 : memref<!tpu.dma_semaphore, #tpu.memory_space<semaphore_mem>>)
        %add3A_223 = arith.constant 2 : i32
        %add3A_224 = arith.addi %scan3A_125, %add3A_223 : i32
        %lt3A_225 = arith.constant 125 : i32
        %lt3A_226 = arith.cmpi slt, %add3A_224, %lt3A_225 : i32
        %convert_element_type3A_227 = arith.extui %lt3A_226 : i1 to i32
        %cond3A_228 = arith.constant 0 : i32
        %cond3A_229 = arith.cmpi ne, %convert_element_type3A_227, %cond3A_228 : i32
        scf.if %cond3A_229 {
          %add3A_230 = arith.constant 2 : i32
          %add3A_231 = arith.addi %scan3A_125, %add3A_230 : i32
          %mul3A_232 = arith.constant 80 : i32
          %mul3A_233 = arith.muli %add3A_231, %mul3A_232 : i32
          %add3A_234 = arith.addi %mul3A_10, %mul3A_233 : i32
          %dma_start3A_235 = arith.constant 1 : i32
          %dma_start3A_236 = arith.constant 0 : i32
          %dma_start3A_237 = arith.constant 0 : i32
          %dma_start3A_238 = tpu.memref_slice %arg9[%dma_start3A_235, %dma_start3A_236, %dma_start3A_237] : memref<2x80x128xi32, #tpu.memory_space<vmem>> -> memref<1x80x128xi32, #tpu.memory_space<vmem>>
          %dma_start3A_239 = tpu.memref_squeeze %dma_start3A_238 : memref<1x80x128xi32, #tpu.memory_space<vmem>> -> memref<80x128xi32, #tpu.memory_space<vmem>>
          %dma_start3A_240 = arith.constant 0 : i32
          %dma_start3A_241 = tpu.memref_slice %arg3[%add3A_234, %dma_start3A_240] : memref<160000x128xi32, #tpu.memory_space<hbm>> -> memref<80x128xi32, #tpu.memory_space<hbm>>
          %dma_start3A_242 = arith.constant 0 : i32
          %dma_start3A_243 = arith.constant 0 : i32
          %dma_start3A_244 = tpu.memref_slice %arg9[%dma_start3A_235, %dma_start3A_242, %dma_start3A_243] : memref<2x80x128xi32, #tpu.memory_space<vmem>> -> memref<1x80x128xi32, #tpu.memory_space<vmem>>
          %dma_start3A_245 = tpu.memref_squeeze %dma_start3A_244 : memref<1x80x128xi32, #tpu.memory_space<vmem>> -> memref<80x128xi32, #tpu.memory_space<vmem>>
          %dma_start3A_246 = arith.constant 0 : i32
          %dma_start3A_247 = tpu.memref_slice %arg3[%add3A_234, %dma_start3A_246] : memref<160000x128xi32, #tpu.memory_space<hbm>> -> memref<80x128xi32, #tpu.memory_space<hbm>>
          tpu.enqueue_dma source(%dma_start3A_247 : memref<80x128xi32, #tpu.memory_space<hbm>>) target(%dma_start3A_245 : memref<80x128xi32, #tpu.memory_space<vmem>>) target_semaphore(%arg14 : memref<!tpu.dma_semaphore, #tpu.memory_space<semaphore_mem>>)
          %add3A_248 = arith.constant 2 : i32
          %add3A_249 = arith.addi %scan3A_125, %add3A_248 : i32
          %dma_start3A_250 = arith.constant 1 : i32
          %dma_start3A_251 = arith.constant 0 : i32
          %dma_start3A_252 = arith.constant 0 : i32
          %dma_start3A_253 = tpu.memref_slice %arg10[%dma_start3A_250, %dma_start3A_251, %dma_start3A_252] : memref<2x80x128xf32, #tpu.memory_space<vmem>> -> memref<1x80x128xf32, #tpu.memory_space<vmem>>
          %dma_start3A_254 = tpu.memref_squeeze %dma_start3A_253 : memref<1x80x128xf32, #tpu.memory_space<vmem>> -> memref<80x128xf32, #tpu.memory_space<vmem>>
          %dma_start3A_255 = arith.constant 0 : i32
          %dma_start3A_256 = tpu.memref_slice %arg7[%add3A_249, %dma_start3A_255] : memref<125x80xi32, #tpu.memory_space<vmem>> -> memref<1x80xi32, #tpu.memory_space<vmem>>
          %dma_start3A_257 = tpu.memref_squeeze %dma_start3A_256 : memref<1x80xi32, #tpu.memory_space<vmem>> -> memref<80xi32, #tpu.memory_space<vmem>>
          %dma_start3A_258 = arith.constant 0 : i32
          %dma_start3A_259 = arith.constant 0 : i32
          %dma_start3A_260 = tpu.memref_slice %arg2[%dma_start3A_258, %dma_start3A_259] : memref<40000x128xf32, #tpu.memory_space<hbm>> -> memref<40000x128xf32, #tpu.memory_space<hbm>>
          tpu.enqueue_indirect_dma source(%dma_start3A_260 : memref<40000x128xf32, #tpu.memory_space<hbm>>) target(%dma_start3A_254 : memref<80x128xf32, #tpu.memory_space<vmem>>) offsets(%dma_start3A_257 : memref<80xi32, #tpu.memory_space<vmem>>) semaphore(%arg16 : memref<!tpu.dma_semaphore, #tpu.memory_space<semaphore_mem>>)
          %add3A_261 = arith.constant 2 : i32
          %add3A_262 = arith.addi %scan3A_125, %add3A_261 : i32
          %dma_start3A_263 = arith.constant 1 : i32
          %dma_start3A_264 = arith.constant 0 : i32
          %dma_start3A_265 = arith.constant 0 : i32
          %dma_start3A_266 = tpu.memref_slice %arg11[%dma_start3A_263, %dma_start3A_264, %dma_start3A_265] : memref<2x80x128xf32, #tpu.memory_space<vmem>> -> memref<1x80x128xf32, #tpu.memory_space<vmem>>
          %dma_start3A_267 = tpu.memref_squeeze %dma_start3A_266 : memref<1x80x128xf32, #tpu.memory_space<vmem>> -> memref<80x128xf32, #tpu.memory_space<vmem>>
          %dma_start3A_268 = arith.constant 0 : i32
          %dma_start3A_269 = tpu.memref_slice %arg8[%add3A_262, %dma_start3A_268] : memref<125x80xi32, #tpu.memory_space<vmem>> -> memref<1x80xi32, #tpu.memory_space<vmem>>
          %dma_start3A_270 = tpu.memref_squeeze %dma_start3A_269 : memref<1x80xi32, #tpu.memory_space<vmem>> -> memref<80xi32, #tpu.memory_space<vmem>>
          %dma_start3A_271 = arith.constant 0 : i32
          %dma_start3A_272 = arith.constant 0 : i32
          %dma_start3A_273 = tpu.memref_slice %arg2[%dma_start3A_271, %dma_start3A_272] : memref<40000x128xf32, #tpu.memory_space<hbm>> -> memref<40000x128xf32, #tpu.memory_space<hbm>>
          tpu.enqueue_indirect_dma source(%dma_start3A_273 : memref<40000x128xf32, #tpu.memory_space<hbm>>) target(%dma_start3A_267 : memref<80x128xf32, #tpu.memory_space<vmem>>) offsets(%dma_start3A_270 : memref<80xi32, #tpu.memory_space<vmem>>) semaphore(%arg18 : memref<!tpu.dma_semaphore, #tpu.memory_space<semaphore_mem>>)
        } else {
        }
      } else {
      }
    }
    %scan3A_95 = arith.constant 125 : i32
    %add3A_96 = arith.constant 9840 : i32
    %add3A_97 = arith.addi %add3A_8, %add3A_96 : i32
    %dma_wait3A = arith.constant 1 : i32
    %dma_wait3A_98 = arith.constant 0 : i32
    %dma_wait3A_99 = arith.constant 0 : i32
    %dma_wait3A_100 = tpu.memref_slice %arg12[%dma_wait3A, %dma_wait3A_98, %dma_wait3A_99] : memref<2x80x128xf32, #tpu.memory_space<vmem>> -> memref<1x80x128xf32, #tpu.memory_space<vmem>>
    %dma_wait3A_101 = tpu.memref_squeeze %dma_wait3A_100 : memref<1x80x128xf32, #tpu.memory_space<vmem>> -> memref<80x128xf32, #tpu.memory_space<vmem>>
    %dma_wait3A_102 = arith.constant 0 : i32
    %dma_wait3A_103 = tpu.memref_slice %arg6[%add3A_97, %dma_wait3A_102] : memref<320000x128xf32, #tpu.memory_space<hbm>> -> memref<80x128xf32, #tpu.memory_space<hbm>>
    %dma_wait3A_104 = arith.constant 0 : i32
    %dma_wait3A_105 = tpu.memref_slice %arg6[%add3A_97, %dma_wait3A_104] : memref<320000x128xf32, #tpu.memory_space<hbm>> -> memref<80x128xf32, #tpu.memory_space<hbm>>
    %dma_wait3A_106 = arith.constant 0 : i32
    %dma_wait3A_107 = arith.constant 0 : i32
    %dma_wait3A_108 = tpu.memref_slice %arg12[%dma_wait3A, %dma_wait3A_106, %dma_wait3A_107] : memref<2x80x128xf32, #tpu.memory_space<vmem>> -> memref<1x80x128xf32, #tpu.memory_space<vmem>>
    %dma_wait3A_109 = tpu.memref_squeeze %dma_wait3A_108 : memref<1x80x128xf32, #tpu.memory_space<vmem>> -> memref<80x128xf32, #tpu.memory_space<vmem>>
    tpu.wait_dma2 semaphore(%arg20 : memref<!tpu.dma_semaphore, #tpu.memory_space<semaphore_mem>>) src(%dma_wait3A_109 : memref<80x128xf32, #tpu.memory_space<vmem>>) dst(%dma_wait3A_105 : memref<80x128xf32, #tpu.memory_space<hbm>>)
    %add3A_110 = arith.constant 9920 : i32
    %add3A_111 = arith.addi %add3A_8, %add3A_110 : i32
    %dma_wait3A_112 = arith.constant 0 : i32
    %dma_wait3A_113 = arith.constant 0 : i32
    %dma_wait3A_114 = arith.constant 0 : i32
    %dma_wait3A_115 = tpu.memref_slice %arg12[%dma_wait3A_112, %dma_wait3A_113, %dma_wait3A_114] : memref<2x80x128xf32, #tpu.memory_space<vmem>> -> memref<1x80x128xf32, #tpu.memory_space<vmem>>
    %dma_wait3A_116 = tpu.memref_squeeze %dma_wait3A_115 : memref<1x80x128xf32, #tpu.memory_space<vmem>> -> memref<80x128xf32, #tpu.memory_space<vmem>>
    %dma_wait3A_117 = arith.constant 0 : i32
    %dma_wait3A_118 = tpu.memref_slice %arg6[%add3A_111, %dma_wait3A_117] : memref<320000x128xf32, #tpu.memory_space<hbm>> -> memref<80x128xf32, #tpu.memory_space<hbm>>
    %dma_wait3A_119 = arith.constant 0 : i32
    %dma_wait3A_120 = tpu.memref_slice %arg6[%add3A_111, %dma_wait3A_119] : memref<320000x128xf32, #tpu.memory_space<hbm>> -> memref<80x128xf32, #tpu.memory_space<hbm>>
    %dma_wait3A_121 = arith.constant 0 : i32
    %dma_wait3A_122 = arith.constant 0 : i32
    %dma_wait3A_123 = tpu.memref_slice %arg12[%dma_wait3A_112, %dma_wait3A_121, %dma_wait3A_122] : memref<2x80x128xf32, #tpu.memory_space<vmem>> -> memref<1x80x128xf32, #tpu.memory_space<vmem>>
    %dma_wait3A_124 = tpu.memref_squeeze %dma_wait3A_123 : memref<1x80x128xf32, #tpu.memory_space<vmem>> -> memref<80x128xf32, #tpu.memory_space<vmem>>
    tpu.wait_dma2 semaphore(%arg19 : memref<!tpu.dma_semaphore, #tpu.memory_space<semaphore_mem>>) src(%dma_wait3A_124 : memref<80x128xf32, #tpu.memory_space<vmem>>) dst(%dma_wait3A_120 : memref<80x128xf32, #tpu.memory_space<hbm>>)
    return
  }
}

#map = affine_map<(d0, d1) -> (0, 0)>
#map1 = affine_map<(d0, d1) -> (0, 0, 0)>
module attributes {stable_mosaic.version = 14 : i64} {
  func.func @_s1(%arg0: i32, %arg1: i32, %arg2: memref<20000x128xf32, #tpu.memory_space<hbm>>, %arg3: memref<160000x128xi32, #tpu.memory_space<hbm>>, %arg4: memref<32x125x80xi32, #tpu.memory_space<hbm>>, %arg5: memref<16x125x80xi32, #tpu.memory_space<hbm>>, %arg6: memref<10240x128xf32, #tpu.memory_space<hbm>>, %arg7: memref<10240x128xf32, #tpu.memory_space<hbm>>, %arg8: memref<10240x128xf32, #tpu.memory_space<hbm>>, %arg9: memref<2x80xi32, #tpu.memory_space<vmem>>, %arg10: memref<2x80xi32, #tpu.memory_space<vmem>>, %arg11: memref<2x80x128xi32, #tpu.memory_space<vmem>>, %arg12: memref<2x80x128xf32, #tpu.memory_space<vmem>>, %arg13: memref<10240x128xf32, #tpu.memory_space<vmem_shared>>, %arg14: memref<!tpu.dma_semaphore, #tpu.memory_space<semaphore_mem>>, %arg15: memref<!tpu.dma_semaphore, #tpu.memory_space<semaphore_mem>>, %arg16: memref<!tpu.dma_semaphore, #tpu.memory_space<semaphore_mem>>, %arg17: memref<!tpu.dma_semaphore, #tpu.memory_space<semaphore_mem>>, %arg18: memref<!tpu.dma_semaphore, #tpu.memory_space<semaphore_mem>>, %arg19: memref<!tpu.dma_semaphore, #tpu.memory_space<semaphore_mem>>, %arg20: memref<!tpu.dma_semaphore, #tpu.memory_space<semaphore_mem>>, %arg21: memref<!tpu.dma_semaphore, #tpu.memory_space<semaphore_mem>>) attributes {dimension_semantics = [#tpu.dimension_semantics<core_parallel>, #tpu.dimension_semantics<subcore_parallel>], iteration_bounds = array<i64: 2, 16>, scalar_prefetch = 0 : i64, scratch_operands = 13 : i64, tpu.core_type = #tpu.core_type<sc_vector_subcore>, window_params = [{transform_indices = #map}, {transform_indices = #map}, {transform_indices = #map1}, {transform_indices = #map1}, {transform_indices = #map}, {transform_indices = #map}, {transform_indices = #map}]} {
    %mul3A = arith.constant 16 : i32
    %mul3A_0 = arith.muli %arg0, %mul3A : i32
    %add3A = arith.addi %mul3A_0, %arg1 : i32
    %mul3A_1 = arith.constant 640 : i32
    %mul3A_2 = arith.muli %arg1, %mul3A_1 : i32
    %mul3A_3 = arith.constant 640 : i32
    %mul3A_4 = arith.muli %arg1, %mul3A_3 : i32
    "tpu.region"() ({
      %run_scoped3A_100 = tpu.sem_alloc : memref<!tpu.dma_semaphore, #tpu.memory_space<semaphore_mem>>
      %dma_start3A_101 = arith.constant 0 : i32
      %dma_start3A_102 = tpu.memref_slice %arg13[%mul3A_4, %dma_start3A_101] : memref<10240x128xf32, #tpu.memory_space<vmem_shared>> -> memref<640x128xf32, #tpu.memory_space<vmem_shared>>
      %dma_start3A_103 = arith.constant 0 : i32
      %dma_start3A_104 = tpu.memref_slice %arg6[%mul3A_2, %dma_start3A_103] : memref<10240x128xf32, #tpu.memory_space<hbm>> -> memref<640x128xf32, #tpu.memory_space<hbm>>
      tpu.enqueue_dma source(%dma_start3A_104 : memref<640x128xf32, #tpu.memory_space<hbm>>) target(%dma_start3A_102 : memref<640x128xf32, #tpu.memory_space<vmem_shared>>) target_semaphore(%run_scoped3A_100 : memref<!tpu.dma_semaphore, #tpu.memory_space<semaphore_mem>>)
      %dma_wait3A = arith.constant 0 : i32
      %dma_wait3A_105 = tpu.memref_slice %arg13[%mul3A_4, %dma_wait3A] : memref<10240x128xf32, #tpu.memory_space<vmem_shared>> -> memref<640x128xf32, #tpu.memory_space<vmem_shared>>
      %dma_wait3A_106 = arith.constant 0 : i32
      %dma_wait3A_107 = tpu.memref_slice %arg6[%mul3A_2, %dma_wait3A_106] : memref<10240x128xf32, #tpu.memory_space<hbm>> -> memref<640x128xf32, #tpu.memory_space<hbm>>
      tpu.wait_dma2 semaphore(%run_scoped3A_100 : memref<!tpu.dma_semaphore, #tpu.memory_space<semaphore_mem>>) src(%dma_wait3A_107 : memref<640x128xf32, #tpu.memory_space<hbm>>) dst(%dma_wait3A_105 : memref<640x128xf32, #tpu.memory_space<vmem_shared>>)
      tpu.yield
    }) : () -> ()
    %barrier3A = arith.constant 0 : index
    tpu.barrier barrier_id(%barrier3A)
    %mul3A_5 = arith.constant 160000 : i32
    %mul3A_6 = arith.muli %arg0, %mul3A_5 : i32
    %mul3A_7 = arith.constant 10000 : i32
    %mul3A_8 = arith.muli %arg1, %mul3A_7 : i32
    %add3A_9 = arith.addi %mul3A_6, %mul3A_8 : i32
    %mul3A_10 = arith.constant 10000 : i32
    %mul3A_11 = arith.muli %arg1, %mul3A_10 : i32
    %sub3A = arith.constant 1 : i32
    %sub3A_12 = arith.subi %sub3A, %arg0 : i32
    %mul3A_13 = arith.constant 16 : i32
    %mul3A_14 = arith.muli %mul3A_13, %sub3A_12 : i32
    %run_scoped3A = arith.constant 0 : i32
    %run_scoped3A_15 = arith.constant 0 : i32
    "tpu.region"() ({
      %run_scoped3A_100 = tpu.sem_alloc : memref<!tpu.dma_semaphore, #tpu.memory_space<semaphore_mem>>
      %dma_start3A_101 = arith.constant 0 : i32
      %dma_start3A_102 = tpu.memref_slice %arg9[%run_scoped3A_15, %dma_start3A_101] : memref<2x80xi32, #tpu.memory_space<vmem>> -> memref<1x80xi32, #tpu.memory_space<vmem>>
      %dma_start3A_103 = tpu.memref_squeeze %dma_start3A_102 : memref<1x80xi32, #tpu.memory_space<vmem>> -> memref<80xi32, #tpu.memory_space<vmem>>
      %dma_start3A_104 = arith.constant 0 : i32
      %dma_start3A_105 = tpu.memref_slice %arg4[%add3A, %run_scoped3A, %dma_start3A_104] : memref<32x125x80xi32, #tpu.memory_space<hbm>> -> memref<1x1x80xi32, #tpu.memory_space<hbm>>
      %dma_start3A_106 = tpu.memref_squeeze %dma_start3A_105 : memref<1x1x80xi32, #tpu.memory_space<hbm>> -> memref<80xi32, #tpu.memory_space<hbm>>
      %dma_start3A_107 = arith.constant 0 : i32
      %dma_start3A_108 = tpu.memref_slice %arg9[%run_scoped3A_15, %dma_start3A_107] : memref<2x80xi32, #tpu.memory_space<vmem>> -> memref<1x80xi32, #tpu.memory_space<vmem>>
      %dma_start3A_109 = tpu.memref_squeeze %dma_start3A_108 : memref<1x80xi32, #tpu.memory_space<vmem>> -> memref<80xi32, #tpu.memory_space<vmem>>
      %dma_start3A_110 = arith.constant 0 : i32
      %dma_start3A_111 = tpu.memref_slice %arg4[%add3A, %run_scoped3A, %dma_start3A_110] : memref<32x125x80xi32, #tpu.memory_space<hbm>> -> memref<1x1x80xi32, #tpu.memory_space<hbm>>
      %dma_start3A_112 = tpu.memref_squeeze %dma_start3A_111 : memref<1x1x80xi32, #tpu.memory_space<hbm>> -> memref<80xi32, #tpu.memory_space<hbm>>
      tpu.enqueue_dma source(%dma_start3A_112 : memref<80xi32, #tpu.memory_space<hbm>>) target(%dma_start3A_109 : memref<80xi32, #tpu.memory_space<vmem>>) target_semaphore(%run_scoped3A_100 : memref<!tpu.dma_semaphore, #tpu.memory_space<semaphore_mem>>)
      %dma_wait3A = arith.constant 0 : i32
      %dma_wait3A_113 = tpu.memref_slice %arg9[%run_scoped3A_15, %dma_wait3A] : memref<2x80xi32, #tpu.memory_space<vmem>> -> memref<1x80xi32, #tpu.memory_space<vmem>>
      %dma_wait3A_114 = tpu.memref_squeeze %dma_wait3A_113 : memref<1x80xi32, #tpu.memory_space<vmem>> -> memref<80xi32, #tpu.memory_space<vmem>>
      %dma_wait3A_115 = arith.constant 0 : i32
      %dma_wait3A_116 = tpu.memref_slice %arg4[%add3A, %run_scoped3A, %dma_wait3A_115] : memref<32x125x80xi32, #tpu.memory_space<hbm>> -> memref<1x1x80xi32, #tpu.memory_space<hbm>>
      %dma_wait3A_117 = tpu.memref_squeeze %dma_wait3A_116 : memref<1x1x80xi32, #tpu.memory_space<hbm>> -> memref<80xi32, #tpu.memory_space<hbm>>
      %dma_wait3A_118 = arith.constant 0 : i32
      %dma_wait3A_119 = tpu.memref_slice %arg9[%run_scoped3A_15, %dma_wait3A_118] : memref<2x80xi32, #tpu.memory_space<vmem>> -> memref<1x80xi32, #tpu.memory_space<vmem>>
      %dma_wait3A_120 = tpu.memref_squeeze %dma_wait3A_119 : memref<1x80xi32, #tpu.memory_space<vmem>> -> memref<80xi32, #tpu.memory_space<vmem>>
      %dma_wait3A_121 = arith.constant 0 : i32
      %dma_wait3A_122 = tpu.memref_slice %arg4[%add3A, %run_scoped3A, %dma_wait3A_121] : memref<32x125x80xi32, #tpu.memory_space<hbm>> -> memref<1x1x80xi32, #tpu.memory_space<hbm>>
      %dma_wait3A_123 = tpu.memref_squeeze %dma_wait3A_122 : memref<1x1x80xi32, #tpu.memory_space<hbm>> -> memref<80xi32, #tpu.memory_space<hbm>>
      tpu.wait_dma2 semaphore(%run_scoped3A_100 : memref<!tpu.dma_semaphore, #tpu.memory_space<semaphore_mem>>) src(%dma_wait3A_123 : memref<80xi32, #tpu.memory_space<hbm>>) dst(%dma_wait3A_120 : memref<80xi32, #tpu.memory_space<vmem>>)
      tpu.yield
    }) : () -> ()
    %run_scoped3A_16 = arith.constant 0 : i32
    %run_scoped3A_17 = arith.constant 0 : i32
    "tpu.region"() ({
      %run_scoped3A_100 = tpu.sem_alloc : memref<!tpu.dma_semaphore, #tpu.memory_space<semaphore_mem>>
      %dma_start3A_101 = arith.constant 0 : i32
      %dma_start3A_102 = tpu.memref_slice %arg10[%run_scoped3A_17, %dma_start3A_101] : memref<2x80xi32, #tpu.memory_space<vmem>> -> memref<1x80xi32, #tpu.memory_space<vmem>>
      %dma_start3A_103 = tpu.memref_squeeze %dma_start3A_102 : memref<1x80xi32, #tpu.memory_space<vmem>> -> memref<80xi32, #tpu.memory_space<vmem>>
      %dma_start3A_104 = arith.constant 0 : i32
      %dma_start3A_105 = tpu.memref_slice %arg5[%arg1, %run_scoped3A_16, %dma_start3A_104] : memref<16x125x80xi32, #tpu.memory_space<hbm>> -> memref<1x1x80xi32, #tpu.memory_space<hbm>>
      %dma_start3A_106 = tpu.memref_squeeze %dma_start3A_105 : memref<1x1x80xi32, #tpu.memory_space<hbm>> -> memref<80xi32, #tpu.memory_space<hbm>>
      %dma_start3A_107 = arith.constant 0 : i32
      %dma_start3A_108 = tpu.memref_slice %arg10[%run_scoped3A_17, %dma_start3A_107] : memref<2x80xi32, #tpu.memory_space<vmem>> -> memref<1x80xi32, #tpu.memory_space<vmem>>
      %dma_start3A_109 = tpu.memref_squeeze %dma_start3A_108 : memref<1x80xi32, #tpu.memory_space<vmem>> -> memref<80xi32, #tpu.memory_space<vmem>>
      %dma_start3A_110 = arith.constant 0 : i32
      %dma_start3A_111 = tpu.memref_slice %arg5[%arg1, %run_scoped3A_16, %dma_start3A_110] : memref<16x125x80xi32, #tpu.memory_space<hbm>> -> memref<1x1x80xi32, #tpu.memory_space<hbm>>
      %dma_start3A_112 = tpu.memref_squeeze %dma_start3A_111 : memref<1x1x80xi32, #tpu.memory_space<hbm>> -> memref<80xi32, #tpu.memory_space<hbm>>
      tpu.enqueue_dma source(%dma_start3A_112 : memref<80xi32, #tpu.memory_space<hbm>>) target(%dma_start3A_109 : memref<80xi32, #tpu.memory_space<vmem>>) target_semaphore(%run_scoped3A_100 : memref<!tpu.dma_semaphore, #tpu.memory_space<semaphore_mem>>)
      %dma_wait3A = arith.constant 0 : i32
      %dma_wait3A_113 = tpu.memref_slice %arg10[%run_scoped3A_17, %dma_wait3A] : memref<2x80xi32, #tpu.memory_space<vmem>> -> memref<1x80xi32, #tpu.memory_space<vmem>>
      %dma_wait3A_114 = tpu.memref_squeeze %dma_wait3A_113 : memref<1x80xi32, #tpu.memory_space<vmem>> -> memref<80xi32, #tpu.memory_space<vmem>>
      %dma_wait3A_115 = arith.constant 0 : i32
      %dma_wait3A_116 = tpu.memref_slice %arg5[%arg1, %run_scoped3A_16, %dma_wait3A_115] : memref<16x125x80xi32, #tpu.memory_space<hbm>> -> memref<1x1x80xi32, #tpu.memory_space<hbm>>
      %dma_wait3A_117 = tpu.memref_squeeze %dma_wait3A_116 : memref<1x1x80xi32, #tpu.memory_space<hbm>> -> memref<80xi32, #tpu.memory_space<hbm>>
      %dma_wait3A_118 = arith.constant 0 : i32
      %dma_wait3A_119 = tpu.memref_slice %arg10[%run_scoped3A_17, %dma_wait3A_118] : memref<2x80xi32, #tpu.memory_space<vmem>> -> memref<1x80xi32, #tpu.memory_space<vmem>>
      %dma_wait3A_120 = tpu.memref_squeeze %dma_wait3A_119 : memref<1x80xi32, #tpu.memory_space<vmem>> -> memref<80xi32, #tpu.memory_space<vmem>>
      %dma_wait3A_121 = arith.constant 0 : i32
      %dma_wait3A_122 = tpu.memref_slice %arg5[%arg1, %run_scoped3A_16, %dma_wait3A_121] : memref<16x125x80xi32, #tpu.memory_space<hbm>> -> memref<1x1x80xi32, #tpu.memory_space<hbm>>
      %dma_wait3A_123 = tpu.memref_squeeze %dma_wait3A_122 : memref<1x1x80xi32, #tpu.memory_space<hbm>> -> memref<80xi32, #tpu.memory_space<hbm>>
      tpu.wait_dma2 semaphore(%run_scoped3A_100 : memref<!tpu.dma_semaphore, #tpu.memory_space<semaphore_mem>>) src(%dma_wait3A_123 : memref<80xi32, #tpu.memory_space<hbm>>) dst(%dma_wait3A_120 : memref<80xi32, #tpu.memory_space<vmem>>)
      tpu.yield
    }) : () -> ()
    %dma_start3A = arith.constant 1 : i32
    %dma_start3A_18 = arith.constant 1 : i32
    %dma_start3A_19 = arith.constant 0 : i32
    %dma_start3A_20 = tpu.memref_slice %arg9[%dma_start3A_18, %dma_start3A_19] : memref<2x80xi32, #tpu.memory_space<vmem>> -> memref<1x80xi32, #tpu.memory_space<vmem>>
    %dma_start3A_21 = tpu.memref_squeeze %dma_start3A_20 : memref<1x80xi32, #tpu.memory_space<vmem>> -> memref<80xi32, #tpu.memory_space<vmem>>
    %dma_start3A_22 = arith.constant 0 : i32
    %dma_start3A_23 = tpu.memref_slice %arg4[%add3A, %dma_start3A, %dma_start3A_22] : memref<32x125x80xi32, #tpu.memory_space<hbm>> -> memref<1x1x80xi32, #tpu.memory_space<hbm>>
    %dma_start3A_24 = tpu.memref_squeeze %dma_start3A_23 : memref<1x1x80xi32, #tpu.memory_space<hbm>> -> memref<80xi32, #tpu.memory_space<hbm>>
    %dma_start3A_25 = arith.constant 0 : i32
    %dma_start3A_26 = tpu.memref_slice %arg9[%dma_start3A_18, %dma_start3A_25] : memref<2x80xi32, #tpu.memory_space<vmem>> -> memref<1x80xi32, #tpu.memory_space<vmem>>
    %dma_start3A_27 = tpu.memref_squeeze %dma_start3A_26 : memref<1x80xi32, #tpu.memory_space<vmem>> -> memref<80xi32, #tpu.memory_space<vmem>>
    %dma_start3A_28 = arith.constant 0 : i32
    %dma_start3A_29 = tpu.memref_slice %arg4[%add3A, %dma_start3A, %dma_start3A_28] : memref<32x125x80xi32, #tpu.memory_space<hbm>> -> memref<1x1x80xi32, #tpu.memory_space<hbm>>
    %dma_start3A_30 = tpu.memref_squeeze %dma_start3A_29 : memref<1x1x80xi32, #tpu.memory_space<hbm>> -> memref<80xi32, #tpu.memory_space<hbm>>
    tpu.enqueue_dma source(%dma_start3A_30 : memref<80xi32, #tpu.memory_space<hbm>>) target(%dma_start3A_27 : memref<80xi32, #tpu.memory_space<vmem>>) target_semaphore(%arg19 : memref<!tpu.dma_semaphore, #tpu.memory_space<semaphore_mem>>)
    %dma_start3A_31 = arith.constant 1 : i32
    %dma_start3A_32 = arith.constant 1 : i32
    %dma_start3A_33 = arith.constant 0 : i32
    %dma_start3A_34 = tpu.memref_slice %arg10[%dma_start3A_32, %dma_start3A_33] : memref<2x80xi32, #tpu.memory_space<vmem>> -> memref<1x80xi32, #tpu.memory_space<vmem>>
    %dma_start3A_35 = tpu.memref_squeeze %dma_start3A_34 : memref<1x80xi32, #tpu.memory_space<vmem>> -> memref<80xi32, #tpu.memory_space<vmem>>
    %dma_start3A_36 = arith.constant 0 : i32
    %dma_start3A_37 = tpu.memref_slice %arg5[%arg1, %dma_start3A_31, %dma_start3A_36] : memref<16x125x80xi32, #tpu.memory_space<hbm>> -> memref<1x1x80xi32, #tpu.memory_space<hbm>>
    %dma_start3A_38 = tpu.memref_squeeze %dma_start3A_37 : memref<1x1x80xi32, #tpu.memory_space<hbm>> -> memref<80xi32, #tpu.memory_space<hbm>>
    %dma_start3A_39 = arith.constant 0 : i32
    %dma_start3A_40 = tpu.memref_slice %arg10[%dma_start3A_32, %dma_start3A_39] : memref<2x80xi32, #tpu.memory_space<vmem>> -> memref<1x80xi32, #tpu.memory_space<vmem>>
    %dma_start3A_41 = tpu.memref_squeeze %dma_start3A_40 : memref<1x80xi32, #tpu.memory_space<vmem>> -> memref<80xi32, #tpu.memory_space<vmem>>
    %dma_start3A_42 = arith.constant 0 : i32
    %dma_start3A_43 = tpu.memref_slice %arg5[%arg1, %dma_start3A_31, %dma_start3A_42] : memref<16x125x80xi32, #tpu.memory_space<hbm>> -> memref<1x1x80xi32, #tpu.memory_space<hbm>>
    %dma_start3A_44 = tpu.memref_squeeze %dma_start3A_43 : memref<1x1x80xi32, #tpu.memory_space<hbm>> -> memref<80xi32, #tpu.memory_space<hbm>>
    tpu.enqueue_dma source(%dma_start3A_44 : memref<80xi32, #tpu.memory_space<hbm>>) target(%dma_start3A_41 : memref<80xi32, #tpu.memory_space<vmem>>) target_semaphore(%arg21 : memref<!tpu.dma_semaphore, #tpu.memory_space<semaphore_mem>>)
    %dma_start3A_45 = arith.constant 0 : i32
    %dma_start3A_46 = arith.constant 0 : i32
    %dma_start3A_47 = arith.constant 0 : i32
    %dma_start3A_48 = arith.constant 0 : i32
    %dma_start3A_49 = tpu.memref_slice %arg12[%dma_start3A_46, %dma_start3A_47, %dma_start3A_48] : memref<2x80x128xf32, #tpu.memory_space<vmem>> -> memref<1x80x128xf32, #tpu.memory_space<vmem>>
    %dma_start3A_50 = tpu.memref_squeeze %dma_start3A_49 : memref<1x80x128xf32, #tpu.memory_space<vmem>> -> memref<80x128xf32, #tpu.memory_space<vmem>>
    %dma_start3A_51 = arith.constant 0 : i32
    %dma_start3A_52 = tpu.memref_slice %arg9[%dma_start3A_45, %dma_start3A_51] : memref<2x80xi32, #tpu.memory_space<vmem>> -> memref<1x80xi32, #tpu.memory_space<vmem>>
    %dma_start3A_53 = tpu.memref_squeeze %dma_start3A_52 : memref<1x80xi32, #tpu.memory_space<vmem>> -> memref<80xi32, #tpu.memory_space<vmem>>
    %dma_start3A_54 = arith.constant 0 : i32
    %dma_start3A_55 = arith.constant 0 : i32
    %dma_start3A_56 = tpu.memref_slice %arg2[%dma_start3A_54, %dma_start3A_55] : memref<20000x128xf32, #tpu.memory_space<hbm>> -> memref<20000x128xf32, #tpu.memory_space<hbm>>
    tpu.enqueue_indirect_dma source(%dma_start3A_56 : memref<20000x128xf32, #tpu.memory_space<hbm>>) target(%dma_start3A_50 : memref<80x128xf32, #tpu.memory_space<vmem>>) offsets(%dma_start3A_53 : memref<80xi32, #tpu.memory_space<vmem>>) semaphore(%arg16 : memref<!tpu.dma_semaphore, #tpu.memory_space<semaphore_mem>>)
    %add3A_57 = arith.constant 0 : i32
    %add3A_58 = arith.addi %mul3A_11, %add3A_57 : i32
    %dma_start3A_59 = arith.constant 0 : i32
    %dma_start3A_60 = arith.constant 0 : i32
    %dma_start3A_61 = arith.constant 0 : i32
    %dma_start3A_62 = tpu.memref_slice %arg11[%dma_start3A_59, %dma_start3A_60, %dma_start3A_61] : memref<2x80x128xi32, #tpu.memory_space<vmem>> -> memref<1x80x128xi32, #tpu.memory_space<vmem>>
    %dma_start3A_63 = tpu.memref_squeeze %dma_start3A_62 : memref<1x80x128xi32, #tpu.memory_space<vmem>> -> memref<80x128xi32, #tpu.memory_space<vmem>>
    %dma_start3A_64 = arith.constant 0 : i32
    %dma_start3A_65 = tpu.memref_slice %arg3[%add3A_58, %dma_start3A_64] : memref<160000x128xi32, #tpu.memory_space<hbm>> -> memref<80x128xi32, #tpu.memory_space<hbm>>
    %dma_start3A_66 = arith.constant 0 : i32
    %dma_start3A_67 = arith.constant 0 : i32
    %dma_start3A_68 = tpu.memref_slice %arg11[%dma_start3A_59, %dma_start3A_66, %dma_start3A_67] : memref<2x80x128xi32, #tpu.memory_space<vmem>> -> memref<1x80x128xi32, #tpu.memory_space<vmem>>
    %dma_start3A_69 = tpu.memref_squeeze %dma_start3A_68 : memref<1x80x128xi32, #tpu.memory_space<vmem>> -> memref<80x128xi32, #tpu.memory_space<vmem>>
    %dma_start3A_70 = arith.constant 0 : i32
    %dma_start3A_71 = tpu.memref_slice %arg3[%add3A_58, %dma_start3A_70] : memref<160000x128xi32, #tpu.memory_space<hbm>> -> memref<80x128xi32, #tpu.memory_space<hbm>>
    tpu.enqueue_dma source(%dma_start3A_71 : memref<80x128xi32, #tpu.memory_space<hbm>>) target(%dma_start3A_69 : memref<80x128xi32, #tpu.memory_space<vmem>>) target_semaphore(%arg14 : memref<!tpu.dma_semaphore, #tpu.memory_space<semaphore_mem>>)
    %add3A_72 = arith.constant 80 : i32
    %add3A_73 = arith.addi %mul3A_11, %add3A_72 : i32
    %dma_start3A_74 = arith.constant 1 : i32
    %dma_start3A_75 = arith.constant 0 : i32
    %dma_start3A_76 = arith.constant 0 : i32
    %dma_start3A_77 = tpu.memref_slice %arg11[%dma_start3A_74, %dma_start3A_75, %dma_start3A_76] : memref<2x80x128xi32, #tpu.memory_space<vmem>> -> memref<1x80x128xi32, #tpu.memory_space<vmem>>
    %dma_start3A_78 = tpu.memref_squeeze %dma_start3A_77 : memref<1x80x128xi32, #tpu.memory_space<vmem>> -> memref<80x128xi32, #tpu.memory_space<vmem>>
    %dma_start3A_79 = arith.constant 0 : i32
    %dma_start3A_80 = tpu.memref_slice %arg3[%add3A_73, %dma_start3A_79] : memref<160000x128xi32, #tpu.memory_space<hbm>> -> memref<80x128xi32, #tpu.memory_space<hbm>>
    %dma_start3A_81 = arith.constant 0 : i32
    %dma_start3A_82 = arith.constant 0 : i32
    %dma_start3A_83 = tpu.memref_slice %arg11[%dma_start3A_74, %dma_start3A_81, %dma_start3A_82] : memref<2x80x128xi32, #tpu.memory_space<vmem>> -> memref<1x80x128xi32, #tpu.memory_space<vmem>>
    %dma_start3A_84 = tpu.memref_squeeze %dma_start3A_83 : memref<1x80x128xi32, #tpu.memory_space<vmem>> -> memref<80x128xi32, #tpu.memory_space<vmem>>
    %dma_start3A_85 = arith.constant 0 : i32
    %dma_start3A_86 = tpu.memref_slice %arg3[%add3A_73, %dma_start3A_85] : memref<160000x128xi32, #tpu.memory_space<hbm>> -> memref<80x128xi32, #tpu.memory_space<hbm>>
    tpu.enqueue_dma source(%dma_start3A_86 : memref<80x128xi32, #tpu.memory_space<hbm>>) target(%dma_start3A_84 : memref<80x128xi32, #tpu.memory_space<vmem>>) target_semaphore(%arg15 : memref<!tpu.dma_semaphore, #tpu.memory_space<semaphore_mem>>)
    %scan3A = arith.constant 0 : i32
    %scan3A_87 = arith.constant 0 : i32
    %scan3A_88 = arith.constant 125 : i32
    %scan3A_89 = arith.addi %scan3A_87, %scan3A_88 : i32
    %scan3A_90 = arith.constant 1 : i32
    scf.for %scan3A_100 = %scan3A_87 to %scan3A_89 step %scan3A_90  : i32 {
      %jit3A = arith.constant 2 : i32
      %eq3A_101 = arith.constant 0 : i32
      %eq3A_102 = arith.cmpi eq, %jit3A, %eq3A_101 : i32
      %jit3A_103 = arith.constant 1 : i32
      %select_n3A = arith.select %eq3A_102, %jit3A_103, %jit3A : i32
      %rem3A = arith.remsi %scan3A_100, %select_n3A : i32
      %ne3A = arith.constant 0 : i32
      %ne3A_104 = arith.cmpi ne, %rem3A, %ne3A : i32
      %lt3A = arith.constant 0 : i32
      %lt3A_105 = arith.cmpi slt, %rem3A, %lt3A : i32
      %lt3A_106 = arith.constant 0 : i32
      %lt3A_107 = arith.cmpi slt, %select_n3A, %lt3A_106 : i32
      %ne3A_108 = arith.xori %lt3A_105, %lt3A_107 : i1
      %and3A = arith.andi %ne3A_108, %ne3A_104 : i1
      %add3A_109 = arith.addi %rem3A, %select_n3A : i32
      %select_n3A_110 = arith.select %and3A, %add3A_109, %rem3A : i32
      %eq3A_111 = arith.constant 0 : i32
      %eq3A_112 = arith.cmpi eq, %select_n3A_110, %eq3A_111 : i32
      %convert_element_type3A_113 = arith.extui %eq3A_112 : i1 to i32
      %cond3A_114 = arith.constant 0 : i32
      %cond3A_115 = arith.cmpi ne, %convert_element_type3A_113, %cond3A_114 : i32
      scf.if %cond3A_115 {
        %dma_wait3A = arith.constant 0 : i32
        %dma_wait3A_137 = arith.constant 0 : i32
        %dma_wait3A_138 = arith.constant 0 : i32
        %dma_wait3A_139 = arith.constant 0 : i32
        %dma_wait3A_140 = tpu.memref_slice %arg12[%dma_wait3A_137, %dma_wait3A_138, %dma_wait3A_139] : memref<2x80x128xf32, #tpu.memory_space<vmem>> -> memref<1x80x128xf32, #tpu.memory_space<vmem>>
        %dma_wait3A_141 = tpu.memref_squeeze %dma_wait3A_140 : memref<1x80x128xf32, #tpu.memory_space<vmem>> -> memref<80x128xf32, #tpu.memory_space<vmem>>
        %dma_wait3A_142 = arith.constant 0 : i32
        %dma_wait3A_143 = tpu.memref_slice %arg9[%dma_wait3A, %dma_wait3A_142] : memref<2x80xi32, #tpu.memory_space<vmem>> -> memref<1x80xi32, #tpu.memory_space<vmem>>
        %dma_wait3A_144 = tpu.memref_squeeze %dma_wait3A_143 : memref<1x80xi32, #tpu.memory_space<vmem>> -> memref<80xi32, #tpu.memory_space<vmem>>
        %dma_wait3A_145 = arith.constant 0 : i32
        %dma_wait3A_146 = arith.constant 0 : i32
        %dma_wait3A_147 = tpu.memref_slice %arg2[%dma_wait3A_145, %dma_wait3A_146] : memref<20000x128xf32, #tpu.memory_space<hbm>> -> memref<20000x128xf32, #tpu.memory_space<hbm>>
        tpu.wait_indirect_dma semaphore(%arg16 : memref<!tpu.dma_semaphore, #tpu.memory_space<semaphore_mem>>) src(%dma_wait3A_147 : memref<20000x128xf32, #tpu.memory_space<hbm>>) dst(%dma_wait3A_141 : memref<80x128xf32, #tpu.memory_space<vmem>>)
        %mul3A_148 = arith.constant 80 : i32
        %mul3A_149 = arith.muli %scan3A_100, %mul3A_148 : i32
        %add3A_150 = arith.addi %mul3A_11, %mul3A_149 : i32
        %dma_wait3A_151 = arith.constant 0 : i32
        %dma_wait3A_152 = arith.constant 0 : i32
        %dma_wait3A_153 = arith.constant 0 : i32
        %dma_wait3A_154 = tpu.memref_slice %arg11[%dma_wait3A_151, %dma_wait3A_152, %dma_wait3A_153] : memref<2x80x128xi32, #tpu.memory_space<vmem>> -> memref<1x80x128xi32, #tpu.memory_space<vmem>>
        %dma_wait3A_155 = tpu.memref_squeeze %dma_wait3A_154 : memref<1x80x128xi32, #tpu.memory_space<vmem>> -> memref<80x128xi32, #tpu.memory_space<vmem>>
        %dma_wait3A_156 = arith.constant 0 : i32
        %dma_wait3A_157 = tpu.memref_slice %arg3[%add3A_150, %dma_wait3A_156] : memref<160000x128xi32, #tpu.memory_space<hbm>> -> memref<80x128xi32, #tpu.memory_space<hbm>>
        %dma_wait3A_158 = arith.constant 0 : i32
        %dma_wait3A_159 = arith.constant 0 : i32
        %dma_wait3A_160 = tpu.memref_slice %arg11[%dma_wait3A_151, %dma_wait3A_158, %dma_wait3A_159] : memref<2x80x128xi32, #tpu.memory_space<vmem>> -> memref<1x80x128xi32, #tpu.memory_space<vmem>>
        %dma_wait3A_161 = tpu.memref_squeeze %dma_wait3A_160 : memref<1x80x128xi32, #tpu.memory_space<vmem>> -> memref<80x128xi32, #tpu.memory_space<vmem>>
        %dma_wait3A_162 = arith.constant 0 : i32
        %dma_wait3A_163 = tpu.memref_slice %arg3[%add3A_150, %dma_wait3A_162] : memref<160000x128xi32, #tpu.memory_space<hbm>> -> memref<80x128xi32, #tpu.memory_space<hbm>>
        tpu.wait_dma2 semaphore(%arg14 : memref<!tpu.dma_semaphore, #tpu.memory_space<semaphore_mem>>) src(%dma_wait3A_163 : memref<80x128xi32, #tpu.memory_space<hbm>>) dst(%dma_wait3A_161 : memref<80x128xi32, #tpu.memory_space<vmem>>)
        %scan3A_164 = arith.constant 0 : i32
        %scan3A_165 = arith.constant 0 : i32
        %scan3A_166 = arith.constant 80 : i32
        %scan3A_167 = arith.addi %scan3A_165, %scan3A_166 : i32
        %scan3A_168 = arith.constant 1 : i32
        scf.for %scan3A_190 = %scan3A_165 to %scan3A_167 step %scan3A_168  : i32 {
          %get3A = arith.constant 0 : i32
          %get3A_191 = arith.index_cast %get3A : i32 to index
          %get3A_192 = arith.index_cast %scan3A_190 : i32 to index
          %get3A_193 = arith.constant 0 : index
          %get3A_194 = tpu.vector_load %arg11[%get3A_191, %get3A_192, %get3A_193] {strides = array<i32>} : memref<2x80x128xi32, #tpu.memory_space<vmem>>, vector<1x1x16xi32>,
          %get3A_195 = vector.shape_cast %get3A_194 : vector<1x1x16xi32> to vector<16xi32>
          %shift_left3A = vector.broadcast %mul3A_14 : i32 to vector<16xi32>
          %shift_left3A_196 = arith.shli %get3A_195, %shift_left3A : vector<16xi32>
          %and3A_197 = arith.constant -65536 : i32
          %and3A_198 = vector.broadcast %and3A_197 : i32 to vector<16xi32>
          %and3A_199 = arith.andi %shift_left3A_196, %and3A_198 : vector<16xi32>
          %bitcast_convert_type3A = tpu.bitcast %and3A_199 : vector<16xi32> -> vector<16xf32>
          %get3A_200 = arith.constant 0 : i32
          %get3A_201 = arith.index_cast %get3A_200 : i32 to index
          %get3A_202 = arith.index_cast %scan3A_190 : i32 to index
          %get3A_203 = arith.constant 0 : index
          %get3A_204 = tpu.vector_load %arg12[%get3A_201, %get3A_202, %get3A_203] {strides = array<i32>} : memref<2x80x128xf32, #tpu.memory_space<vmem>>, vector<1x1x16xf32>,
          %get3A_205 = vector.shape_cast %get3A_204 : vector<1x1x16xf32> to vector<16xf32>
          %add3A_206 = arith.addf %get3A_205, %bitcast_convert_type3A : vector<16xf32>
          %max3A = arith.constant 0.000000e+00 : f32
          %max3A_207 = vector.broadcast %max3A : f32 to vector<16xf32>
          %max3A_208 = arith.maximumf %add3A_206, %max3A_207 : vector<16xf32>
          %swap3A = arith.constant 0 : i32
          %swap3A_209 = arith.index_cast %swap3A : i32 to index
          %swap3A_210 = arith.index_cast %scan3A_190 : i32 to index
          %swap3A_211 = arith.constant 0 : index
          %swap3A_212 = tpu.vector_load %arg12[%swap3A_209, %swap3A_210, %swap3A_211] {strides = array<i32>} : memref<2x80x128xf32, #tpu.memory_space<vmem>>, vector<1x1x16xf32>,
          %swap3A_213 = vector.shape_cast %swap3A_212 : vector<1x1x16xf32> to vector<16xf32>
          %swap3A_214 = vector.shape_cast %max3A_208 : vector<16xf32> to vector<1x1x16xf32>
          tpu.vector_store %arg12[%swap3A_209, %swap3A_210, %swap3A_211], %swap3A_214 {strides = array<i32>} : memref<2x80x128xf32, #tpu.memory_space<vmem>>, vector<1x1x16xf32>,
          %get3A_215 = arith.constant 0 : i32
          %get3A_216 = arith.index_cast %get3A_215 : i32 to index
          %get3A_217 = arith.index_cast %scan3A_190 : i32 to index
          %get3A_218 = arith.constant 16 : index
          %get3A_219 = tpu.vector_load %arg11[%get3A_216, %get3A_217, %get3A_218] {strides = array<i32>} : memref<2x80x128xi32, #tpu.memory_space<vmem>>, vector<1x1x16xi32>,
          %get3A_220 = vector.shape_cast %get3A_219 : vector<1x1x16xi32> to vector<16xi32>
          %shift_left3A_221 = vector.broadcast %mul3A_14 : i32 to vector<16xi32>
          %shift_left3A_222 = arith.shli %get3A_220, %shift_left3A_221 : vector<16xi32>
          %and3A_223 = arith.constant -65536 : i32
          %and3A_224 = vector.broadcast %and3A_223 : i32 to vector<16xi32>
          %and3A_225 = arith.andi %shift_left3A_222, %and3A_224 : vector<16xi32>
          %bitcast_convert_type3A_226 = tpu.bitcast %and3A_225 : vector<16xi32> -> vector<16xf32>
          %get3A_227 = arith.constant 0 : i32
          %get3A_228 = arith.index_cast %get3A_227 : i32 to index
          %get3A_229 = arith.index_cast %scan3A_190 : i32 to index
          %get3A_230 = arith.constant 16 : index
          %get3A_231 = tpu.vector_load %arg12[%get3A_228, %get3A_229, %get3A_230] {strides = array<i32>} : memref<2x80x128xf32, #tpu.memory_space<vmem>>, vector<1x1x16xf32>,
          %get3A_232 = vector.shape_cast %get3A_231 : vector<1x1x16xf32> to vector<16xf32>
          %add3A_233 = arith.addf %get3A_232, %bitcast_convert_type3A_226 : vector<16xf32>
          %max3A_234 = arith.constant 0.000000e+00 : f32
          %max3A_235 = vector.broadcast %max3A_234 : f32 to vector<16xf32>
          %max3A_236 = arith.maximumf %add3A_233, %max3A_235 : vector<16xf32>
          %swap3A_237 = arith.constant 0 : i32
          %swap3A_238 = arith.index_cast %swap3A_237 : i32 to index
          %swap3A_239 = arith.index_cast %scan3A_190 : i32 to index
          %swap3A_240 = arith.constant 16 : index
          %swap3A_241 = tpu.vector_load %arg12[%swap3A_238, %swap3A_239, %swap3A_240] {strides = array<i32>} : memref<2x80x128xf32, #tpu.memory_space<vmem>>, vector<1x1x16xf32>,
          %swap3A_242 = vector.shape_cast %swap3A_241 : vector<1x1x16xf32> to vector<16xf32>
          %swap3A_243 = vector.shape_cast %max3A_236 : vector<16xf32> to vector<1x1x16xf32>
          tpu.vector_store %arg12[%swap3A_238, %swap3A_239, %swap3A_240], %swap3A_243 {strides = array<i32>} : memref<2x80x128xf32, #tpu.memory_space<vmem>>, vector<1x1x16xf32>,
          %get3A_244 = arith.constant 0 : i32
          %get3A_245 = arith.index_cast %get3A_244 : i32 to index
          %get3A_246 = arith.index_cast %scan3A_190 : i32 to index
          %get3A_247 = arith.constant 32 : index
          %get3A_248 = tpu.vector_load %arg11[%get3A_245, %get3A_246, %get3A_247] {strides = array<i32>} : memref<2x80x128xi32, #tpu.memory_space<vmem>>, vector<1x1x16xi32>,
          %get3A_249 = vector.shape_cast %get3A_248 : vector<1x1x16xi32> to vector<16xi32>
          %shift_left3A_250 = vector.broadcast %mul3A_14 : i32 to vector<16xi32>
          %shift_left3A_251 = arith.shli %get3A_249, %shift_left3A_250 : vector<16xi32>
          %and3A_252 = arith.constant -65536 : i32
          %and3A_253 = vector.broadcast %and3A_252 : i32 to vector<16xi32>
          %and3A_254 = arith.andi %shift_left3A_251, %and3A_253 : vector<16xi32>
          %bitcast_convert_type3A_255 = tpu.bitcast %and3A_254 : vector<16xi32> -> vector<16xf32>
          %get3A_256 = arith.constant 0 : i32
          %get3A_257 = arith.index_cast %get3A_256 : i32 to index
          %get3A_258 = arith.index_cast %scan3A_190 : i32 to index
          %get3A_259 = arith.constant 32 : index
          %get3A_260 = tpu.vector_load %arg12[%get3A_257, %get3A_258, %get3A_259] {strides = array<i32>} : memref<2x80x128xf32, #tpu.memory_space<vmem>>, vector<1x1x16xf32>,
          %get3A_261 = vector.shape_cast %get3A_260 : vector<1x1x16xf32> to vector<16xf32>
          %add3A_262 = arith.addf %get3A_261, %bitcast_convert_type3A_255 : vector<16xf32>
          %max3A_263 = arith.constant 0.000000e+00 : f32
          %max3A_264 = vector.broadcast %max3A_263 : f32 to vector<16xf32>
          %max3A_265 = arith.maximumf %add3A_262, %max3A_264 : vector<16xf32>
          %swap3A_266 = arith.constant 0 : i32
          %swap3A_267 = arith.index_cast %swap3A_266 : i32 to index
          %swap3A_268 = arith.index_cast %scan3A_190 : i32 to index
          %swap3A_269 = arith.constant 32 : index
          %swap3A_270 = tpu.vector_load %arg12[%swap3A_267, %swap3A_268, %swap3A_269] {strides = array<i32>} : memref<2x80x128xf32, #tpu.memory_space<vmem>>, vector<1x1x16xf32>,
          %swap3A_271 = vector.shape_cast %swap3A_270 : vector<1x1x16xf32> to vector<16xf32>
          %swap3A_272 = vector.shape_cast %max3A_265 : vector<16xf32> to vector<1x1x16xf32>
          tpu.vector_store %arg12[%swap3A_267, %swap3A_268, %swap3A_269], %swap3A_272 {strides = array<i32>} : memref<2x80x128xf32, #tpu.memory_space<vmem>>, vector<1x1x16xf32>,
          %get3A_273 = arith.constant 0 : i32
          %get3A_274 = arith.index_cast %get3A_273 : i32 to index
          %get3A_275 = arith.index_cast %scan3A_190 : i32 to index
          %get3A_276 = arith.constant 48 : index
          %get3A_277 = tpu.vector_load %arg11[%get3A_274, %get3A_275, %get3A_276] {strides = array<i32>} : memref<2x80x128xi32, #tpu.memory_space<vmem>>, vector<1x1x16xi32>,
          %get3A_278 = vector.shape_cast %get3A_277 : vector<1x1x16xi32> to vector<16xi32>
          %shift_left3A_279 = vector.broadcast %mul3A_14 : i32 to vector<16xi32>
          %shift_left3A_280 = arith.shli %get3A_278, %shift_left3A_279 : vector<16xi32>
          %and3A_281 = arith.constant -65536 : i32
          %and3A_282 = vector.broadcast %and3A_281 : i32 to vector<16xi32>
          %and3A_283 = arith.andi %shift_left3A_280, %and3A_282 : vector<16xi32>
          %bitcast_convert_type3A_284 = tpu.bitcast %and3A_283 : vector<16xi32> -> vector<16xf32>
          %get3A_285 = arith.constant 0 : i32
          %get3A_286 = arith.index_cast %get3A_285 : i32 to index
          %get3A_287 = arith.index_cast %scan3A_190 : i32 to index
          %get3A_288 = arith.constant 48 : index
          %get3A_289 = tpu.vector_load %arg12[%get3A_286, %get3A_287, %get3A_288] {strides = array<i32>} : memref<2x80x128xf32, #tpu.memory_space<vmem>>, vector<1x1x16xf32>,
          %get3A_290 = vector.shape_cast %get3A_289 : vector<1x1x16xf32> to vector<16xf32>
          %add3A_291 = arith.addf %get3A_290, %bitcast_convert_type3A_284 : vector<16xf32>
          %max3A_292 = arith.constant 0.000000e+00 : f32
          %max3A_293 = vector.broadcast %max3A_292 : f32 to vector<16xf32>
          %max3A_294 = arith.maximumf %add3A_291, %max3A_293 : vector<16xf32>
          %swap3A_295 = arith.constant 0 : i32
          %swap3A_296 = arith.index_cast %swap3A_295 : i32 to index
          %swap3A_297 = arith.index_cast %scan3A_190 : i32 to index
          %swap3A_298 = arith.constant 48 : index
          %swap3A_299 = tpu.vector_load %arg12[%swap3A_296, %swap3A_297, %swap3A_298] {strides = array<i32>} : memref<2x80x128xf32, #tpu.memory_space<vmem>>, vector<1x1x16xf32>,
          %swap3A_300 = vector.shape_cast %swap3A_299 : vector<1x1x16xf32> to vector<16xf32>
          %swap3A_301 = vector.shape_cast %max3A_294 : vector<16xf32> to vector<1x1x16xf32>
          tpu.vector_store %arg12[%swap3A_296, %swap3A_297, %swap3A_298], %swap3A_301 {strides = array<i32>} : memref<2x80x128xf32, #tpu.memory_space<vmem>>, vector<1x1x16xf32>,
          %get3A_302 = arith.constant 0 : i32
          %get3A_303 = arith.index_cast %get3A_302 : i32 to index
          %get3A_304 = arith.index_cast %scan3A_190 : i32 to index
          %get3A_305 = arith.constant 64 : index
          %get3A_306 = tpu.vector_load %arg11[%get3A_303, %get3A_304, %get3A_305] {strides = array<i32>} : memref<2x80x128xi32, #tpu.memory_space<vmem>>, vector<1x1x16xi32>,
          %get3A_307 = vector.shape_cast %get3A_306 : vector<1x1x16xi32> to vector<16xi32>
          %shift_left3A_308 = vector.broadcast %mul3A_14 : i32 to vector<16xi32>
          %shift_left3A_309 = arith.shli %get3A_307, %shift_left3A_308 : vector<16xi32>
          %and3A_310 = arith.constant -65536 : i32
          %and3A_311 = vector.broadcast %and3A_310 : i32 to vector<16xi32>
          %and3A_312 = arith.andi %shift_left3A_309, %and3A_311 : vector<16xi32>
          %bitcast_convert_type3A_313 = tpu.bitcast %and3A_312 : vector<16xi32> -> vector<16xf32>
          %get3A_314 = arith.constant 0 : i32
          %get3A_315 = arith.index_cast %get3A_314 : i32 to index
          %get3A_316 = arith.index_cast %scan3A_190 : i32 to index
          %get3A_317 = arith.constant 64 : index
          %get3A_318 = tpu.vector_load %arg12[%get3A_315, %get3A_316, %get3A_317] {strides = array<i32>} : memref<2x80x128xf32, #tpu.memory_space<vmem>>, vector<1x1x16xf32>,
          %get3A_319 = vector.shape_cast %get3A_318 : vector<1x1x16xf32> to vector<16xf32>
          %add3A_320 = arith.addf %get3A_319, %bitcast_convert_type3A_313 : vector<16xf32>
          %max3A_321 = arith.constant 0.000000e+00 : f32
          %max3A_322 = vector.broadcast %max3A_321 : f32 to vector<16xf32>
          %max3A_323 = arith.maximumf %add3A_320, %max3A_322 : vector<16xf32>
          %swap3A_324 = arith.constant 0 : i32
          %swap3A_325 = arith.index_cast %swap3A_324 : i32 to index
          %swap3A_326 = arith.index_cast %scan3A_190 : i32 to index
          %swap3A_327 = arith.constant 64 : index
          %swap3A_328 = tpu.vector_load %arg12[%swap3A_325, %swap3A_326, %swap3A_327] {strides = array<i32>} : memref<2x80x128xf32, #tpu.memory_space<vmem>>, vector<1x1x16xf32>,
          %swap3A_329 = vector.shape_cast %swap3A_328 : vector<1x1x16xf32> to vector<16xf32>
          %swap3A_330 = vector.shape_cast %max3A_323 : vector<16xf32> to vector<1x1x16xf32>
          tpu.vector_store %arg12[%swap3A_325, %swap3A_326, %swap3A_327], %swap3A_330 {strides = array<i32>} : memref<2x80x128xf32, #tpu.memory_space<vmem>>, vector<1x1x16xf32>,
          %get3A_331 = arith.constant 0 : i32
          %get3A_332 = arith.index_cast %get3A_331 : i32 to index
          %get3A_333 = arith.index_cast %scan3A_190 : i32 to index
          %get3A_334 = arith.constant 80 : index
          %get3A_335 = tpu.vector_load %arg11[%get3A_332, %get3A_333, %get3A_334] {strides = array<i32>} : memref<2x80x128xi32, #tpu.memory_space<vmem>>, vector<1x1x16xi32>,
          %get3A_336 = vector.shape_cast %get3A_335 : vector<1x1x16xi32> to vector<16xi32>
          %shift_left3A_337 = vector.broadcast %mul3A_14 : i32 to vector<16xi32>
          %shift_left3A_338 = arith.shli %get3A_336, %shift_left3A_337 : vector<16xi32>
          %and3A_339 = arith.constant -65536 : i32
          %and3A_340 = vector.broadcast %and3A_339 : i32 to vector<16xi32>
          %and3A_341 = arith.andi %shift_left3A_338, %and3A_340 : vector<16xi32>
          %bitcast_convert_type3A_342 = tpu.bitcast %and3A_341 : vector<16xi32> -> vector<16xf32>
          %get3A_343 = arith.constant 0 : i32
          %get3A_344 = arith.index_cast %get3A_343 : i32 to index
          %get3A_345 = arith.index_cast %scan3A_190 : i32 to index
          %get3A_346 = arith.constant 80 : index
          %get3A_347 = tpu.vector_load %arg12[%get3A_344, %get3A_345, %get3A_346] {strides = array<i32>} : memref<2x80x128xf32, #tpu.memory_space<vmem>>, vector<1x1x16xf32>,
          %get3A_348 = vector.shape_cast %get3A_347 : vector<1x1x16xf32> to vector<16xf32>
          %add3A_349 = arith.addf %get3A_348, %bitcast_convert_type3A_342 : vector<16xf32>
          %max3A_350 = arith.constant 0.000000e+00 : f32
          %max3A_351 = vector.broadcast %max3A_350 : f32 to vector<16xf32>
          %max3A_352 = arith.maximumf %add3A_349, %max3A_351 : vector<16xf32>
          %swap3A_353 = arith.constant 0 : i32
          %swap3A_354 = arith.index_cast %swap3A_353 : i32 to index
          %swap3A_355 = arith.index_cast %scan3A_190 : i32 to index
          %swap3A_356 = arith.constant 80 : index
          %swap3A_357 = tpu.vector_load %arg12[%swap3A_354, %swap3A_355, %swap3A_356] {strides = array<i32>} : memref<2x80x128xf32, #tpu.memory_space<vmem>>, vector<1x1x16xf32>,
          %swap3A_358 = vector.shape_cast %swap3A_357 : vector<1x1x16xf32> to vector<16xf32>
          %swap3A_359 = vector.shape_cast %max3A_352 : vector<16xf32> to vector<1x1x16xf32>
          tpu.vector_store %arg12[%swap3A_354, %swap3A_355, %swap3A_356], %swap3A_359 {strides = array<i32>} : memref<2x80x128xf32, #tpu.memory_space<vmem>>, vector<1x1x16xf32>,
          %get3A_360 = arith.constant 0 : i32
          %get3A_361 = arith.index_cast %get3A_360 : i32 to index
          %get3A_362 = arith.index_cast %scan3A_190 : i32 to index
          %get3A_363 = arith.constant 96 : index
          %get3A_364 = tpu.vector_load %arg11[%get3A_361, %get3A_362, %get3A_363] {strides = array<i32>} : memref<2x80x128xi32, #tpu.memory_space<vmem>>, vector<1x1x16xi32>,
          %get3A_365 = vector.shape_cast %get3A_364 : vector<1x1x16xi32> to vector<16xi32>
          %shift_left3A_366 = vector.broadcast %mul3A_14 : i32 to vector<16xi32>
          %shift_left3A_367 = arith.shli %get3A_365, %shift_left3A_366 : vector<16xi32>
          %and3A_368 = arith.constant -65536 : i32
          %and3A_369 = vector.broadcast %and3A_368 : i32 to vector<16xi32>
          %and3A_370 = arith.andi %shift_left3A_367, %and3A_369 : vector<16xi32>
          %bitcast_convert_type3A_371 = tpu.bitcast %and3A_370 : vector<16xi32> -> vector<16xf32>
          %get3A_372 = arith.constant 0 : i32
          %get3A_373 = arith.index_cast %get3A_372 : i32 to index
          %get3A_374 = arith.index_cast %scan3A_190 : i32 to index
          %get3A_375 = arith.constant 96 : index
          %get3A_376 = tpu.vector_load %arg12[%get3A_373, %get3A_374, %get3A_375] {strides = array<i32>} : memref<2x80x128xf32, #tpu.memory_space<vmem>>, vector<1x1x16xf32>,
          %get3A_377 = vector.shape_cast %get3A_376 : vector<1x1x16xf32> to vector<16xf32>
          %add3A_378 = arith.addf %get3A_377, %bitcast_convert_type3A_371 : vector<16xf32>
          %max3A_379 = arith.constant 0.000000e+00 : f32
          %max3A_380 = vector.broadcast %max3A_379 : f32 to vector<16xf32>
          %max3A_381 = arith.maximumf %add3A_378, %max3A_380 : vector<16xf32>
          %swap3A_382 = arith.constant 0 : i32
          %swap3A_383 = arith.index_cast %swap3A_382 : i32 to index
          %swap3A_384 = arith.index_cast %scan3A_190 : i32 to index
          %swap3A_385 = arith.constant 96 : index
          %swap3A_386 = tpu.vector_load %arg12[%swap3A_383, %swap3A_384, %swap3A_385] {strides = array<i32>} : memref<2x80x128xf32, #tpu.memory_space<vmem>>, vector<1x1x16xf32>,
          %swap3A_387 = vector.shape_cast %swap3A_386 : vector<1x1x16xf32> to vector<16xf32>
          %swap3A_388 = vector.shape_cast %max3A_381 : vector<16xf32> to vector<1x1x16xf32>
          tpu.vector_store %arg12[%swap3A_383, %swap3A_384, %swap3A_385], %swap3A_388 {strides = array<i32>} : memref<2x80x128xf32, #tpu.memory_space<vmem>>, vector<1x1x16xf32>,
          %get3A_389 = arith.constant 0 : i32
          %get3A_390 = arith.index_cast %get3A_389 : i32 to index
          %get3A_391 = arith.index_cast %scan3A_190 : i32 to index
          %get3A_392 = arith.constant 112 : index
          %get3A_393 = tpu.vector_load %arg11[%get3A_390, %get3A_391, %get3A_392] {strides = array<i32>} : memref<2x80x128xi32, #tpu.memory_space<vmem>>, vector<1x1x16xi32>,
          %get3A_394 = vector.shape_cast %get3A_393 : vector<1x1x16xi32> to vector<16xi32>
          %shift_left3A_395 = vector.broadcast %mul3A_14 : i32 to vector<16xi32>
          %shift_left3A_396 = arith.shli %get3A_394, %shift_left3A_395 : vector<16xi32>
          %and3A_397 = arith.constant -65536 : i32
          %and3A_398 = vector.broadcast %and3A_397 : i32 to vector<16xi32>
          %and3A_399 = arith.andi %shift_left3A_396, %and3A_398 : vector<16xi32>
          %bitcast_convert_type3A_400 = tpu.bitcast %and3A_399 : vector<16xi32> -> vector<16xf32>
          %get3A_401 = arith.constant 0 : i32
          %get3A_402 = arith.index_cast %get3A_401 : i32 to index
          %get3A_403 = arith.index_cast %scan3A_190 : i32 to index
          %get3A_404 = arith.constant 112 : index
          %get3A_405 = tpu.vector_load %arg12[%get3A_402, %get3A_403, %get3A_404] {strides = array<i32>} : memref<2x80x128xf32, #tpu.memory_space<vmem>>, vector<1x1x16xf32>,
          %get3A_406 = vector.shape_cast %get3A_405 : vector<1x1x16xf32> to vector<16xf32>
          %add3A_407 = arith.addf %get3A_406, %bitcast_convert_type3A_400 : vector<16xf32>
          %max3A_408 = arith.constant 0.000000e+00 : f32
          %max3A_409 = vector.broadcast %max3A_408 : f32 to vector<16xf32>
          %max3A_410 = arith.maximumf %add3A_407, %max3A_409 : vector<16xf32>
          %swap3A_411 = arith.constant 0 : i32
          %swap3A_412 = arith.index_cast %swap3A_411 : i32 to index
          %swap3A_413 = arith.index_cast %scan3A_190 : i32 to index
          %swap3A_414 = arith.constant 112 : index
          %swap3A_415 = tpu.vector_load %arg12[%swap3A_412, %swap3A_413, %swap3A_414] {strides = array<i32>} : memref<2x80x128xf32, #tpu.memory_space<vmem>>, vector<1x1x16xf32>,
          %swap3A_416 = vector.shape_cast %swap3A_415 : vector<1x1x16xf32> to vector<16xf32>
          %swap3A_417 = vector.shape_cast %max3A_410 : vector<16xf32> to vector<1x1x16xf32>
          tpu.vector_store %arg12[%swap3A_412, %swap3A_413, %swap3A_414], %swap3A_417 {strides = array<i32>} : memref<2x80x128xf32, #tpu.memory_space<vmem>>, vector<1x1x16xf32>,
        }
        %scan3A_169 = arith.constant 80 : i32
        %add3A_170 = arith.constant 1 : i32
        %add3A_171 = arith.addi %scan3A_100, %add3A_170 : i32
        %lt3A_172 = arith.constant 125 : i32
        %lt3A_173 = arith.cmpi slt, %add3A_171, %lt3A_172 : i32
        %convert_element_type3A_174 = arith.extui %lt3A_173 : i1 to i32
        %cond3A_175 = arith.constant 0 : i32
        %cond3A_176 = arith.cmpi ne, %convert_element_type3A_174, %cond3A_175 : i32
        scf.if %cond3A_176 {
          %add3A_190 = arith.constant 1 : i32
          %add3A_191 = arith.addi %scan3A_100, %add3A_190 : i32
          %dma_wait3A_192 = arith.constant 1 : i32
          %dma_wait3A_193 = arith.constant 0 : i32
          %dma_wait3A_194 = tpu.memref_slice %arg9[%dma_wait3A_192, %dma_wait3A_193] : memref<2x80xi32, #tpu.memory_space<vmem>> -> memref<1x80xi32, #tpu.memory_space<vmem>>
          %dma_wait3A_195 = tpu.memref_squeeze %dma_wait3A_194 : memref<1x80xi32, #tpu.memory_space<vmem>> -> memref<80xi32, #tpu.memory_space<vmem>>
          %dma_wait3A_196 = arith.constant 0 : i32
          %dma_wait3A_197 = tpu.memref_slice %arg4[%add3A, %add3A_191, %dma_wait3A_196] : memref<32x125x80xi32, #tpu.memory_space<hbm>> -> memref<1x1x80xi32, #tpu.memory_space<hbm>>
          %dma_wait3A_198 = tpu.memref_squeeze %dma_wait3A_197 : memref<1x1x80xi32, #tpu.memory_space<hbm>> -> memref<80xi32, #tpu.memory_space<hbm>>
          %dma_wait3A_199 = arith.constant 0 : i32
          %dma_wait3A_200 = tpu.memref_slice %arg9[%dma_wait3A_192, %dma_wait3A_199] : memref<2x80xi32, #tpu.memory_space<vmem>> -> memref<1x80xi32, #tpu.memory_space<vmem>>
          %dma_wait3A_201 = tpu.memref_squeeze %dma_wait3A_200 : memref<1x80xi32, #tpu.memory_space<vmem>> -> memref<80xi32, #tpu.memory_space<vmem>>
          %dma_wait3A_202 = arith.constant 0 : i32
          %dma_wait3A_203 = tpu.memref_slice %arg4[%add3A, %add3A_191, %dma_wait3A_202] : memref<32x125x80xi32, #tpu.memory_space<hbm>> -> memref<1x1x80xi32, #tpu.memory_space<hbm>>
          %dma_wait3A_204 = tpu.memref_squeeze %dma_wait3A_203 : memref<1x1x80xi32, #tpu.memory_space<hbm>> -> memref<80xi32, #tpu.memory_space<hbm>>
          tpu.wait_dma2 semaphore(%arg19 : memref<!tpu.dma_semaphore, #tpu.memory_space<semaphore_mem>>) src(%dma_wait3A_204 : memref<80xi32, #tpu.memory_space<hbm>>) dst(%dma_wait3A_201 : memref<80xi32, #tpu.memory_space<vmem>>)
          %dma_start3A_205 = arith.constant 1 : i32
          %dma_start3A_206 = arith.constant 1 : i32
          %dma_start3A_207 = arith.constant 0 : i32
          %dma_start3A_208 = arith.constant 0 : i32
          %dma_start3A_209 = tpu.memref_slice %arg12[%dma_start3A_206, %dma_start3A_207, %dma_start3A_208] : memref<2x80x128xf32, #tpu.memory_space<vmem>> -> memref<1x80x128xf32, #tpu.memory_space<vmem>>
          %dma_start3A_210 = tpu.memref_squeeze %dma_start3A_209 : memref<1x80x128xf32, #tpu.memory_space<vmem>> -> memref<80x128xf32, #tpu.memory_space<vmem>>
          %dma_start3A_211 = arith.constant 0 : i32
          %dma_start3A_212 = tpu.memref_slice %arg9[%dma_start3A_205, %dma_start3A_211] : memref<2x80xi32, #tpu.memory_space<vmem>> -> memref<1x80xi32, #tpu.memory_space<vmem>>
          %dma_start3A_213 = tpu.memref_squeeze %dma_start3A_212 : memref<1x80xi32, #tpu.memory_space<vmem>> -> memref<80xi32, #tpu.memory_space<vmem>>
          %dma_start3A_214 = arith.constant 0 : i32
          %dma_start3A_215 = arith.constant 0 : i32
          %dma_start3A_216 = tpu.memref_slice %arg2[%dma_start3A_214, %dma_start3A_215] : memref<20000x128xf32, #tpu.memory_space<hbm>> -> memref<20000x128xf32, #tpu.memory_space<hbm>>
          tpu.enqueue_indirect_dma source(%dma_start3A_216 : memref<20000x128xf32, #tpu.memory_space<hbm>>) target(%dma_start3A_210 : memref<80x128xf32, #tpu.memory_space<vmem>>) offsets(%dma_start3A_213 : memref<80xi32, #tpu.memory_space<vmem>>) semaphore(%arg17 : memref<!tpu.dma_semaphore, #tpu.memory_space<semaphore_mem>>)
        } else {
        }
        %gt3A = arith.constant 0 : i32
        %gt3A_177 = arith.cmpi sgt, %scan3A_100, %gt3A : i32
        %convert_element_type3A_178 = arith.extui %gt3A_177 : i1 to i32
        %cond3A_179 = arith.constant 0 : i32
        %cond3A_180 = arith.cmpi ne, %convert_element_type3A_178, %cond3A_179 : i32
        scf.if %cond3A_180 {
          %dma_wait3A_190 = arith.constant 0 : i32
          %dma_wait3A_191 = arith.constant 0 : i32
          %dma_wait3A_192 = tpu.memref_slice %arg10[%dma_wait3A_190, %dma_wait3A_191] : memref<2x80xi32, #tpu.memory_space<vmem>> -> memref<1x80xi32, #tpu.memory_space<vmem>>
          %dma_wait3A_193 = tpu.memref_squeeze %dma_wait3A_192 : memref<1x80xi32, #tpu.memory_space<vmem>> -> memref<80xi32, #tpu.memory_space<vmem>>
          %dma_wait3A_194 = arith.constant 0 : i32
          %dma_wait3A_195 = tpu.memref_slice %arg5[%arg1, %scan3A_100, %dma_wait3A_194] : memref<16x125x80xi32, #tpu.memory_space<hbm>> -> memref<1x1x80xi32, #tpu.memory_space<hbm>>
          %dma_wait3A_196 = tpu.memref_squeeze %dma_wait3A_195 : memref<1x1x80xi32, #tpu.memory_space<hbm>> -> memref<80xi32, #tpu.memory_space<hbm>>
          %dma_wait3A_197 = arith.constant 0 : i32
          %dma_wait3A_198 = tpu.memref_slice %arg10[%dma_wait3A_190, %dma_wait3A_197] : memref<2x80xi32, #tpu.memory_space<vmem>> -> memref<1x80xi32, #tpu.memory_space<vmem>>
          %dma_wait3A_199 = tpu.memref_squeeze %dma_wait3A_198 : memref<1x80xi32, #tpu.memory_space<vmem>> -> memref<80xi32, #tpu.memory_space<vmem>>
          %dma_wait3A_200 = arith.constant 0 : i32
          %dma_wait3A_201 = tpu.memref_slice %arg5[%arg1, %scan3A_100, %dma_wait3A_200] : memref<16x125x80xi32, #tpu.memory_space<hbm>> -> memref<1x1x80xi32, #tpu.memory_space<hbm>>
          %dma_wait3A_202 = tpu.memref_squeeze %dma_wait3A_201 : memref<1x1x80xi32, #tpu.memory_space<hbm>> -> memref<80xi32, #tpu.memory_space<hbm>>
          tpu.wait_dma2 semaphore(%arg20 : memref<!tpu.dma_semaphore, #tpu.memory_space<semaphore_mem>>) src(%dma_wait3A_202 : memref<80xi32, #tpu.memory_space<hbm>>) dst(%dma_wait3A_199 : memref<80xi32, #tpu.memory_space<vmem>>)
        } else {
        }
        %run_scoped3A_181 = arith.constant 0 : i32
        %run_scoped3A_182 = arith.constant 0 : i32
        "tpu.region"() ({
          %run_scoped3A_190 = tpu.sem_alloc : memref<!tpu.dma_semaphore, #tpu.memory_space<semaphore_mem>>
          %dma_start3A_191 = arith.constant 0 : i32
          %dma_start3A_192 = arith.constant 0 : i32
          %dma_start3A_193 = tpu.memref_slice %arg12[%run_scoped3A_181, %dma_start3A_191, %dma_start3A_192] : memref<2x80x128xf32, #tpu.memory_space<vmem>> -> memref<1x80x128xf32, #tpu.memory_space<vmem>>
          %dma_start3A_194 = tpu.memref_squeeze %dma_start3A_193 : memref<1x80x128xf32, #tpu.memory_space<vmem>> -> memref<80x128xf32, #tpu.memory_space<vmem>>
          %dma_start3A_195 = arith.constant 0 : i32
          %dma_start3A_196 = tpu.memref_slice %arg10[%run_scoped3A_182, %dma_start3A_195] : memref<2x80xi32, #tpu.memory_space<vmem>> -> memref<1x80xi32, #tpu.memory_space<vmem>>
          %dma_start3A_197 = tpu.memref_squeeze %dma_start3A_196 : memref<1x80xi32, #tpu.memory_space<vmem>> -> memref<80xi32, #tpu.memory_space<vmem>>
          %dma_start3A_198 = arith.constant 0 : i32
          %dma_start3A_199 = arith.constant 0 : i32
          %dma_start3A_200 = tpu.memref_slice %arg13[%dma_start3A_198, %dma_start3A_199] : memref<10240x128xf32, #tpu.memory_space<vmem_shared>> -> memref<10240x128xf32, #tpu.memory_space<vmem_shared>>
          tpu.enqueue_indirect_dma source(%dma_start3A_194 : memref<80x128xf32, #tpu.memory_space<vmem>>) target(%dma_start3A_200 : memref<10240x128xf32, #tpu.memory_space<vmem_shared>>) offsets(%dma_start3A_197 : memref<80xi32, #tpu.memory_space<vmem>>) semaphore(%run_scoped3A_190 : memref<!tpu.dma_semaphore, #tpu.memory_space<semaphore_mem>>) {add = true}
          %dma_wait3A_201 = arith.constant 0 : i32
          %dma_wait3A_202 = arith.constant 0 : i32
          %dma_wait3A_203 = tpu.memref_slice %arg12[%run_scoped3A_181, %dma_wait3A_201, %dma_wait3A_202] : memref<2x80x128xf32, #tpu.memory_space<vmem>> -> memref<1x80x128xf32, #tpu.memory_space<vmem>>
          %dma_wait3A_204 = tpu.memref_squeeze %dma_wait3A_203 : memref<1x80x128xf32, #tpu.memory_space<vmem>> -> memref<80x128xf32, #tpu.memory_space<vmem>>
          %dma_wait3A_205 = arith.constant 0 : i32
          %dma_wait3A_206 = tpu.memref_slice %arg10[%run_scoped3A_182, %dma_wait3A_205] : memref<2x80xi32, #tpu.memory_space<vmem>> -> memref<1x80xi32, #tpu.memory_space<vmem>>
          %dma_wait3A_207 = tpu.memref_squeeze %dma_wait3A_206 : memref<1x80xi32, #tpu.memory_space<vmem>> -> memref<80xi32, #tpu.memory_space<vmem>>
          %dma_wait3A_208 = arith.constant 0 : i32
          %dma_wait3A_209 = arith.constant 0 : i32
          %dma_wait3A_210 = tpu.memref_slice %arg13[%dma_wait3A_208, %dma_wait3A_209] : memref<10240x128xf32, #tpu.memory_space<vmem_shared>> -> memref<10240x128xf32, #tpu.memory_space<vmem_shared>>
          tpu.wait_indirect_dma semaphore(%run_scoped3A_190 : memref<!tpu.dma_semaphore, #tpu.memory_space<semaphore_mem>>) src(%dma_wait3A_204 : memref<80x128xf32, #tpu.memory_space<vmem>>) dst(%dma_wait3A_210 : memref<10240x128xf32, #tpu.memory_space<vmem_shared>>)
          tpu.yield
        }) : () -> ()
        %add3A_183 = arith.constant 2 : i32
        %add3A_184 = arith.addi %scan3A_100, %add3A_183 : i32
        %lt3A_185 = arith.constant 125 : i32
        %lt3A_186 = arith.cmpi slt, %add3A_184, %lt3A_185 : i32
        %convert_element_type3A_187 = arith.extui %lt3A_186 : i1 to i32
        %cond3A_188 = arith.constant 0 : i32
        %cond3A_189 = arith.cmpi ne, %convert_element_type3A_187, %cond3A_188 : i32
        scf.if %cond3A_189 {
          %add3A_190 = arith.constant 2 : i32
          %add3A_191 = arith.addi %scan3A_100, %add3A_190 : i32
          %dma_start3A_192 = arith.constant 0 : i32
          %dma_start3A_193 = arith.constant 0 : i32
          %dma_start3A_194 = tpu.memref_slice %arg9[%dma_start3A_192, %dma_start3A_193] : memref<2x80xi32, #tpu.memory_space<vmem>> -> memref<1x80xi32, #tpu.memory_space<vmem>>
          %dma_start3A_195 = tpu.memref_squeeze %dma_start3A_194 : memref<1x80xi32, #tpu.memory_space<vmem>> -> memref<80xi32, #tpu.memory_space<vmem>>
          %dma_start3A_196 = arith.constant 0 : i32
          %dma_start3A_197 = tpu.memref_slice %arg4[%add3A, %add3A_191, %dma_start3A_196] : memref<32x125x80xi32, #tpu.memory_space<hbm>> -> memref<1x1x80xi32, #tpu.memory_space<hbm>>
          %dma_start3A_198 = tpu.memref_squeeze %dma_start3A_197 : memref<1x1x80xi32, #tpu.memory_space<hbm>> -> memref<80xi32, #tpu.memory_space<hbm>>
          %dma_start3A_199 = arith.constant 0 : i32
          %dma_start3A_200 = tpu.memref_slice %arg9[%dma_start3A_192, %dma_start3A_199] : memref<2x80xi32, #tpu.memory_space<vmem>> -> memref<1x80xi32, #tpu.memory_space<vmem>>
          %dma_start3A_201 = tpu.memref_squeeze %dma_start3A_200 : memref<1x80xi32, #tpu.memory_space<vmem>> -> memref<80xi32, #tpu.memory_space<vmem>>
          %dma_start3A_202 = arith.constant 0 : i32
          %dma_start3A_203 = tpu.memref_slice %arg4[%add3A, %add3A_191, %dma_start3A_202] : memref<32x125x80xi32, #tpu.memory_space<hbm>> -> memref<1x1x80xi32, #tpu.memory_space<hbm>>
          %dma_start3A_204 = tpu.memref_squeeze %dma_start3A_203 : memref<1x1x80xi32, #tpu.memory_space<hbm>> -> memref<80xi32, #tpu.memory_space<hbm>>
          tpu.enqueue_dma source(%dma_start3A_204 : memref<80xi32, #tpu.memory_space<hbm>>) target(%dma_start3A_201 : memref<80xi32, #tpu.memory_space<vmem>>) target_semaphore(%arg18 : memref<!tpu.dma_semaphore, #tpu.memory_space<semaphore_mem>>)
          %add3A_205 = arith.constant 2 : i32
          %add3A_206 = arith.addi %scan3A_100, %add3A_205 : i32
          %dma_start3A_207 = arith.constant 0 : i32
          %dma_start3A_208 = arith.constant 0 : i32
          %dma_start3A_209 = tpu.memref_slice %arg10[%dma_start3A_207, %dma_start3A_208] : memref<2x80xi32, #tpu.memory_space<vmem>> -> memref<1x80xi32, #tpu.memory_space<vmem>>
          %dma_start3A_210 = tpu.memref_squeeze %dma_start3A_209 : memref<1x80xi32, #tpu.memory_space<vmem>> -> memref<80xi32, #tpu.memory_space<vmem>>
          %dma_start3A_211 = arith.constant 0 : i32
          %dma_start3A_212 = tpu.memref_slice %arg5[%arg1, %add3A_206, %dma_start3A_211] : memref<16x125x80xi32, #tpu.memory_space<hbm>> -> memref<1x1x80xi32, #tpu.memory_space<hbm>>
          %dma_start3A_213 = tpu.memref_squeeze %dma_start3A_212 : memref<1x1x80xi32, #tpu.memory_space<hbm>> -> memref<80xi32, #tpu.memory_space<hbm>>
          %dma_start3A_214 = arith.constant 0 : i32
          %dma_start3A_215 = tpu.memref_slice %arg10[%dma_start3A_207, %dma_start3A_214] : memref<2x80xi32, #tpu.memory_space<vmem>> -> memref<1x80xi32, #tpu.memory_space<vmem>>
          %dma_start3A_216 = tpu.memref_squeeze %dma_start3A_215 : memref<1x80xi32, #tpu.memory_space<vmem>> -> memref<80xi32, #tpu.memory_space<vmem>>
          %dma_start3A_217 = arith.constant 0 : i32
          %dma_start3A_218 = tpu.memref_slice %arg5[%arg1, %add3A_206, %dma_start3A_217] : memref<16x125x80xi32, #tpu.memory_space<hbm>> -> memref<1x1x80xi32, #tpu.memory_space<hbm>>
          %dma_start3A_219 = tpu.memref_squeeze %dma_start3A_218 : memref<1x1x80xi32, #tpu.memory_space<hbm>> -> memref<80xi32, #tpu.memory_space<hbm>>
          tpu.enqueue_dma source(%dma_start3A_219 : memref<80xi32, #tpu.memory_space<hbm>>) target(%dma_start3A_216 : memref<80xi32, #tpu.memory_space<vmem>>) target_semaphore(%arg20 : memref<!tpu.dma_semaphore, #tpu.memory_space<semaphore_mem>>)
          %add3A_220 = arith.constant 2 : i32
          %add3A_221 = arith.addi %scan3A_100, %add3A_220 : i32
          %mul3A_222 = arith.constant 80 : i32
          %mul3A_223 = arith.muli %add3A_221, %mul3A_222 : i32
          %add3A_224 = arith.addi %mul3A_11, %mul3A_223 : i32
          %dma_start3A_225 = arith.constant 0 : i32
          %dma_start3A_226 = arith.constant 0 : i32
          %dma_start3A_227 = arith.constant 0 : i32
          %dma_start3A_228 = tpu.memref_slice %arg11[%dma_start3A_225, %dma_start3A_226, %dma_start3A_227] : memref<2x80x128xi32, #tpu.memory_space<vmem>> -> memref<1x80x128xi32, #tpu.memory_space<vmem>>
          %dma_start3A_229 = tpu.memref_squeeze %dma_start3A_228 : memref<1x80x128xi32, #tpu.memory_space<vmem>> -> memref<80x128xi32, #tpu.memory_space<vmem>>
          %dma_start3A_230 = arith.constant 0 : i32
          %dma_start3A_231 = tpu.memref_slice %arg3[%add3A_224, %dma_start3A_230] : memref<160000x128xi32, #tpu.memory_space<hbm>> -> memref<80x128xi32, #tpu.memory_space<hbm>>
          %dma_start3A_232 = arith.constant 0 : i32
          %dma_start3A_233 = arith.constant 0 : i32
          %dma_start3A_234 = tpu.memref_slice %arg11[%dma_start3A_225, %dma_start3A_232, %dma_start3A_233] : memref<2x80x128xi32, #tpu.memory_space<vmem>> -> memref<1x80x128xi32, #tpu.memory_space<vmem>>
          %dma_start3A_235 = tpu.memref_squeeze %dma_start3A_234 : memref<1x80x128xi32, #tpu.memory_space<vmem>> -> memref<80x128xi32, #tpu.memory_space<vmem>>
          %dma_start3A_236 = arith.constant 0 : i32
          %dma_start3A_237 = tpu.memref_slice %arg3[%add3A_224, %dma_start3A_236] : memref<160000x128xi32, #tpu.memory_space<hbm>> -> memref<80x128xi32, #tpu.memory_space<hbm>>
          tpu.enqueue_dma source(%dma_start3A_237 : memref<80x128xi32, #tpu.memory_space<hbm>>) target(%dma_start3A_235 : memref<80x128xi32, #tpu.memory_space<vmem>>) target_semaphore(%arg14 : memref<!tpu.dma_semaphore, #tpu.memory_space<semaphore_mem>>)
        } else {
        }
      } else {
      }
      %jit3A_116 = arith.constant 2 : i32
      %eq3A_117 = arith.constant 0 : i32
      %eq3A_118 = arith.cmpi eq, %jit3A_116, %eq3A_117 : i32
      %jit3A_119 = arith.constant 1 : i32
      %select_n3A_120 = arith.select %eq3A_118, %jit3A_119, %jit3A_116 : i32
      %rem3A_121 = arith.remsi %scan3A_100, %select_n3A_120 : i32
      %ne3A_122 = arith.constant 0 : i32
      %ne3A_123 = arith.cmpi ne, %rem3A_121, %ne3A_122 : i32
      %lt3A_124 = arith.constant 0 : i32
      %lt3A_125 = arith.cmpi slt, %rem3A_121, %lt3A_124 : i32
      %lt3A_126 = arith.constant 0 : i32
      %lt3A_127 = arith.cmpi slt, %select_n3A_120, %lt3A_126 : i32
      %ne3A_128 = arith.xori %lt3A_125, %lt3A_127 : i1
      %and3A_129 = arith.andi %ne3A_128, %ne3A_123 : i1
      %add3A_130 = arith.addi %rem3A_121, %select_n3A_120 : i32
      %select_n3A_131 = arith.select %and3A_129, %add3A_130, %rem3A_121 : i32
      %eq3A_132 = arith.constant 1 : i32
      %eq3A_133 = arith.cmpi eq, %select_n3A_131, %eq3A_132 : i32
      %convert_element_type3A_134 = arith.extui %eq3A_133 : i1 to i32
      %cond3A_135 = arith.constant 0 : i32
      %cond3A_136 = arith.cmpi ne, %convert_element_type3A_134, %cond3A_135 : i32
      scf.if %cond3A_136 {
        %dma_wait3A = arith.constant 1 : i32
        %dma_wait3A_137 = arith.constant 1 : i32
        %dma_wait3A_138 = arith.constant 0 : i32
        %dma_wait3A_139 = arith.constant 0 : i32
        %dma_wait3A_140 = tpu.memref_slice %arg12[%dma_wait3A_137, %dma_wait3A_138, %dma_wait3A_139] : memref<2x80x128xf32, #tpu.memory_space<vmem>> -> memref<1x80x128xf32, #tpu.memory_space<vmem>>
        %dma_wait3A_141 = tpu.memref_squeeze %dma_wait3A_140 : memref<1x80x128xf32, #tpu.memory_space<vmem>> -> memref<80x128xf32, #tpu.memory_space<vmem>>
        %dma_wait3A_142 = arith.constant 0 : i32
        %dma_wait3A_143 = tpu.memref_slice %arg9[%dma_wait3A, %dma_wait3A_142] : memref<2x80xi32, #tpu.memory_space<vmem>> -> memref<1x80xi32, #tpu.memory_space<vmem>>
        %dma_wait3A_144 = tpu.memref_squeeze %dma_wait3A_143 : memref<1x80xi32, #tpu.memory_space<vmem>> -> memref<80xi32, #tpu.memory_space<vmem>>
        %dma_wait3A_145 = arith.constant 0 : i32
        %dma_wait3A_146 = arith.constant 0 : i32
        %dma_wait3A_147 = tpu.memref_slice %arg2[%dma_wait3A_145, %dma_wait3A_146] : memref<20000x128xf32, #tpu.memory_space<hbm>> -> memref<20000x128xf32, #tpu.memory_space<hbm>>
        tpu.wait_indirect_dma semaphore(%arg17 : memref<!tpu.dma_semaphore, #tpu.memory_space<semaphore_mem>>) src(%dma_wait3A_147 : memref<20000x128xf32, #tpu.memory_space<hbm>>) dst(%dma_wait3A_141 : memref<80x128xf32, #tpu.memory_space<vmem>>)
        %mul3A_148 = arith.constant 80 : i32
        %mul3A_149 = arith.muli %scan3A_100, %mul3A_148 : i32
        %add3A_150 = arith.addi %mul3A_11, %mul3A_149 : i32
        %dma_wait3A_151 = arith.constant 1 : i32
        %dma_wait3A_152 = arith.constant 0 : i32
        %dma_wait3A_153 = arith.constant 0 : i32
        %dma_wait3A_154 = tpu.memref_slice %arg11[%dma_wait3A_151, %dma_wait3A_152, %dma_wait3A_153] : memref<2x80x128xi32, #tpu.memory_space<vmem>> -> memref<1x80x128xi32, #tpu.memory_space<vmem>>
        %dma_wait3A_155 = tpu.memref_squeeze %dma_wait3A_154 : memref<1x80x128xi32, #tpu.memory_space<vmem>> -> memref<80x128xi32, #tpu.memory_space<vmem>>
        %dma_wait3A_156 = arith.constant 0 : i32
        %dma_wait3A_157 = tpu.memref_slice %arg3[%add3A_150, %dma_wait3A_156] : memref<160000x128xi32, #tpu.memory_space<hbm>> -> memref<80x128xi32, #tpu.memory_space<hbm>>
        %dma_wait3A_158 = arith.constant 0 : i32
        %dma_wait3A_159 = arith.constant 0 : i32
        %dma_wait3A_160 = tpu.memref_slice %arg11[%dma_wait3A_151, %dma_wait3A_158, %dma_wait3A_159] : memref<2x80x128xi32, #tpu.memory_space<vmem>> -> memref<1x80x128xi32, #tpu.memory_space<vmem>>
        %dma_wait3A_161 = tpu.memref_squeeze %dma_wait3A_160 : memref<1x80x128xi32, #tpu.memory_space<vmem>> -> memref<80x128xi32, #tpu.memory_space<vmem>>
        %dma_wait3A_162 = arith.constant 0 : i32
        %dma_wait3A_163 = tpu.memref_slice %arg3[%add3A_150, %dma_wait3A_162] : memref<160000x128xi32, #tpu.memory_space<hbm>> -> memref<80x128xi32, #tpu.memory_space<hbm>>
        tpu.wait_dma2 semaphore(%arg15 : memref<!tpu.dma_semaphore, #tpu.memory_space<semaphore_mem>>) src(%dma_wait3A_163 : memref<80x128xi32, #tpu.memory_space<hbm>>) dst(%dma_wait3A_161 : memref<80x128xi32, #tpu.memory_space<vmem>>)
        %scan3A_164 = arith.constant 0 : i32
        %scan3A_165 = arith.constant 0 : i32
        %scan3A_166 = arith.constant 80 : i32
        %scan3A_167 = arith.addi %scan3A_165, %scan3A_166 : i32
        %scan3A_168 = arith.constant 1 : i32
        scf.for %scan3A_190 = %scan3A_165 to %scan3A_167 step %scan3A_168  : i32 {
          %get3A = arith.constant 1 : i32
          %get3A_191 = arith.index_cast %get3A : i32 to index
          %get3A_192 = arith.index_cast %scan3A_190 : i32 to index
          %get3A_193 = arith.constant 0 : index
          %get3A_194 = tpu.vector_load %arg11[%get3A_191, %get3A_192, %get3A_193] {strides = array<i32>} : memref<2x80x128xi32, #tpu.memory_space<vmem>>, vector<1x1x16xi32>,
          %get3A_195 = vector.shape_cast %get3A_194 : vector<1x1x16xi32> to vector<16xi32>
          %shift_left3A = vector.broadcast %mul3A_14 : i32 to vector<16xi32>
          %shift_left3A_196 = arith.shli %get3A_195, %shift_left3A : vector<16xi32>
          %and3A_197 = arith.constant -65536 : i32
          %and3A_198 = vector.broadcast %and3A_197 : i32 to vector<16xi32>
          %and3A_199 = arith.andi %shift_left3A_196, %and3A_198 : vector<16xi32>
          %bitcast_convert_type3A = tpu.bitcast %and3A_199 : vector<16xi32> -> vector<16xf32>
          %get3A_200 = arith.constant 1 : i32
          %get3A_201 = arith.index_cast %get3A_200 : i32 to index
          %get3A_202 = arith.index_cast %scan3A_190 : i32 to index
          %get3A_203 = arith.constant 0 : index
          %get3A_204 = tpu.vector_load %arg12[%get3A_201, %get3A_202, %get3A_203] {strides = array<i32>} : memref<2x80x128xf32, #tpu.memory_space<vmem>>, vector<1x1x16xf32>,
          %get3A_205 = vector.shape_cast %get3A_204 : vector<1x1x16xf32> to vector<16xf32>
          %add3A_206 = arith.addf %get3A_205, %bitcast_convert_type3A : vector<16xf32>
          %max3A = arith.constant 0.000000e+00 : f32
          %max3A_207 = vector.broadcast %max3A : f32 to vector<16xf32>
          %max3A_208 = arith.maximumf %add3A_206, %max3A_207 : vector<16xf32>
          %swap3A = arith.constant 1 : i32
          %swap3A_209 = arith.index_cast %swap3A : i32 to index
          %swap3A_210 = arith.index_cast %scan3A_190 : i32 to index
          %swap3A_211 = arith.constant 0 : index
          %swap3A_212 = tpu.vector_load %arg12[%swap3A_209, %swap3A_210, %swap3A_211] {strides = array<i32>} : memref<2x80x128xf32, #tpu.memory_space<vmem>>, vector<1x1x16xf32>,
          %swap3A_213 = vector.shape_cast %swap3A_212 : vector<1x1x16xf32> to vector<16xf32>
          %swap3A_214 = vector.shape_cast %max3A_208 : vector<16xf32> to vector<1x1x16xf32>
          tpu.vector_store %arg12[%swap3A_209, %swap3A_210, %swap3A_211], %swap3A_214 {strides = array<i32>} : memref<2x80x128xf32, #tpu.memory_space<vmem>>, vector<1x1x16xf32>,
          %get3A_215 = arith.constant 1 : i32
          %get3A_216 = arith.index_cast %get3A_215 : i32 to index
          %get3A_217 = arith.index_cast %scan3A_190 : i32 to index
          %get3A_218 = arith.constant 16 : index
          %get3A_219 = tpu.vector_load %arg11[%get3A_216, %get3A_217, %get3A_218] {strides = array<i32>} : memref<2x80x128xi32, #tpu.memory_space<vmem>>, vector<1x1x16xi32>,
          %get3A_220 = vector.shape_cast %get3A_219 : vector<1x1x16xi32> to vector<16xi32>
          %shift_left3A_221 = vector.broadcast %mul3A_14 : i32 to vector<16xi32>
          %shift_left3A_222 = arith.shli %get3A_220, %shift_left3A_221 : vector<16xi32>
          %and3A_223 = arith.constant -65536 : i32
          %and3A_224 = vector.broadcast %and3A_223 : i32 to vector<16xi32>
          %and3A_225 = arith.andi %shift_left3A_222, %and3A_224 : vector<16xi32>
          %bitcast_convert_type3A_226 = tpu.bitcast %and3A_225 : vector<16xi32> -> vector<16xf32>
          %get3A_227 = arith.constant 1 : i32
          %get3A_228 = arith.index_cast %get3A_227 : i32 to index
          %get3A_229 = arith.index_cast %scan3A_190 : i32 to index
          %get3A_230 = arith.constant 16 : index
          %get3A_231 = tpu.vector_load %arg12[%get3A_228, %get3A_229, %get3A_230] {strides = array<i32>} : memref<2x80x128xf32, #tpu.memory_space<vmem>>, vector<1x1x16xf32>,
          %get3A_232 = vector.shape_cast %get3A_231 : vector<1x1x16xf32> to vector<16xf32>
          %add3A_233 = arith.addf %get3A_232, %bitcast_convert_type3A_226 : vector<16xf32>
          %max3A_234 = arith.constant 0.000000e+00 : f32
          %max3A_235 = vector.broadcast %max3A_234 : f32 to vector<16xf32>
          %max3A_236 = arith.maximumf %add3A_233, %max3A_235 : vector<16xf32>
          %swap3A_237 = arith.constant 1 : i32
          %swap3A_238 = arith.index_cast %swap3A_237 : i32 to index
          %swap3A_239 = arith.index_cast %scan3A_190 : i32 to index
          %swap3A_240 = arith.constant 16 : index
          %swap3A_241 = tpu.vector_load %arg12[%swap3A_238, %swap3A_239, %swap3A_240] {strides = array<i32>} : memref<2x80x128xf32, #tpu.memory_space<vmem>>, vector<1x1x16xf32>,
          %swap3A_242 = vector.shape_cast %swap3A_241 : vector<1x1x16xf32> to vector<16xf32>
          %swap3A_243 = vector.shape_cast %max3A_236 : vector<16xf32> to vector<1x1x16xf32>
          tpu.vector_store %arg12[%swap3A_238, %swap3A_239, %swap3A_240], %swap3A_243 {strides = array<i32>} : memref<2x80x128xf32, #tpu.memory_space<vmem>>, vector<1x1x16xf32>,
          %get3A_244 = arith.constant 1 : i32
          %get3A_245 = arith.index_cast %get3A_244 : i32 to index
          %get3A_246 = arith.index_cast %scan3A_190 : i32 to index
          %get3A_247 = arith.constant 32 : index
          %get3A_248 = tpu.vector_load %arg11[%get3A_245, %get3A_246, %get3A_247] {strides = array<i32>} : memref<2x80x128xi32, #tpu.memory_space<vmem>>, vector<1x1x16xi32>,
          %get3A_249 = vector.shape_cast %get3A_248 : vector<1x1x16xi32> to vector<16xi32>
          %shift_left3A_250 = vector.broadcast %mul3A_14 : i32 to vector<16xi32>
          %shift_left3A_251 = arith.shli %get3A_249, %shift_left3A_250 : vector<16xi32>
          %and3A_252 = arith.constant -65536 : i32
          %and3A_253 = vector.broadcast %and3A_252 : i32 to vector<16xi32>
          %and3A_254 = arith.andi %shift_left3A_251, %and3A_253 : vector<16xi32>
          %bitcast_convert_type3A_255 = tpu.bitcast %and3A_254 : vector<16xi32> -> vector<16xf32>
          %get3A_256 = arith.constant 1 : i32
          %get3A_257 = arith.index_cast %get3A_256 : i32 to index
          %get3A_258 = arith.index_cast %scan3A_190 : i32 to index
          %get3A_259 = arith.constant 32 : index
          %get3A_260 = tpu.vector_load %arg12[%get3A_257, %get3A_258, %get3A_259] {strides = array<i32>} : memref<2x80x128xf32, #tpu.memory_space<vmem>>, vector<1x1x16xf32>,
          %get3A_261 = vector.shape_cast %get3A_260 : vector<1x1x16xf32> to vector<16xf32>
          %add3A_262 = arith.addf %get3A_261, %bitcast_convert_type3A_255 : vector<16xf32>
          %max3A_263 = arith.constant 0.000000e+00 : f32
          %max3A_264 = vector.broadcast %max3A_263 : f32 to vector<16xf32>
          %max3A_265 = arith.maximumf %add3A_262, %max3A_264 : vector<16xf32>
          %swap3A_266 = arith.constant 1 : i32
          %swap3A_267 = arith.index_cast %swap3A_266 : i32 to index
          %swap3A_268 = arith.index_cast %scan3A_190 : i32 to index
          %swap3A_269 = arith.constant 32 : index
          %swap3A_270 = tpu.vector_load %arg12[%swap3A_267, %swap3A_268, %swap3A_269] {strides = array<i32>} : memref<2x80x128xf32, #tpu.memory_space<vmem>>, vector<1x1x16xf32>,
          %swap3A_271 = vector.shape_cast %swap3A_270 : vector<1x1x16xf32> to vector<16xf32>
          %swap3A_272 = vector.shape_cast %max3A_265 : vector<16xf32> to vector<1x1x16xf32>
          tpu.vector_store %arg12[%swap3A_267, %swap3A_268, %swap3A_269], %swap3A_272 {strides = array<i32>} : memref<2x80x128xf32, #tpu.memory_space<vmem>>, vector<1x1x16xf32>,
          %get3A_273 = arith.constant 1 : i32
          %get3A_274 = arith.index_cast %get3A_273 : i32 to index
          %get3A_275 = arith.index_cast %scan3A_190 : i32 to index
          %get3A_276 = arith.constant 48 : index
          %get3A_277 = tpu.vector_load %arg11[%get3A_274, %get3A_275, %get3A_276] {strides = array<i32>} : memref<2x80x128xi32, #tpu.memory_space<vmem>>, vector<1x1x16xi32>,
          %get3A_278 = vector.shape_cast %get3A_277 : vector<1x1x16xi32> to vector<16xi32>
          %shift_left3A_279 = vector.broadcast %mul3A_14 : i32 to vector<16xi32>
          %shift_left3A_280 = arith.shli %get3A_278, %shift_left3A_279 : vector<16xi32>
          %and3A_281 = arith.constant -65536 : i32
          %and3A_282 = vector.broadcast %and3A_281 : i32 to vector<16xi32>
          %and3A_283 = arith.andi %shift_left3A_280, %and3A_282 : vector<16xi32>
          %bitcast_convert_type3A_284 = tpu.bitcast %and3A_283 : vector<16xi32> -> vector<16xf32>
          %get3A_285 = arith.constant 1 : i32
          %get3A_286 = arith.index_cast %get3A_285 : i32 to index
          %get3A_287 = arith.index_cast %scan3A_190 : i32 to index
          %get3A_288 = arith.constant 48 : index
          %get3A_289 = tpu.vector_load %arg12[%get3A_286, %get3A_287, %get3A_288] {strides = array<i32>} : memref<2x80x128xf32, #tpu.memory_space<vmem>>, vector<1x1x16xf32>,
          %get3A_290 = vector.shape_cast %get3A_289 : vector<1x1x16xf32> to vector<16xf32>
          %add3A_291 = arith.addf %get3A_290, %bitcast_convert_type3A_284 : vector<16xf32>
          %max3A_292 = arith.constant 0.000000e+00 : f32
          %max3A_293 = vector.broadcast %max3A_292 : f32 to vector<16xf32>
          %max3A_294 = arith.maximumf %add3A_291, %max3A_293 : vector<16xf32>
          %swap3A_295 = arith.constant 1 : i32
          %swap3A_296 = arith.index_cast %swap3A_295 : i32 to index
          %swap3A_297 = arith.index_cast %scan3A_190 : i32 to index
          %swap3A_298 = arith.constant 48 : index
          %swap3A_299 = tpu.vector_load %arg12[%swap3A_296, %swap3A_297, %swap3A_298] {strides = array<i32>} : memref<2x80x128xf32, #tpu.memory_space<vmem>>, vector<1x1x16xf32>,
          %swap3A_300 = vector.shape_cast %swap3A_299 : vector<1x1x16xf32> to vector<16xf32>
          %swap3A_301 = vector.shape_cast %max3A_294 : vector<16xf32> to vector<1x1x16xf32>
          tpu.vector_store %arg12[%swap3A_296, %swap3A_297, %swap3A_298], %swap3A_301 {strides = array<i32>} : memref<2x80x128xf32, #tpu.memory_space<vmem>>, vector<1x1x16xf32>,
          %get3A_302 = arith.constant 1 : i32
          %get3A_303 = arith.index_cast %get3A_302 : i32 to index
          %get3A_304 = arith.index_cast %scan3A_190 : i32 to index
          %get3A_305 = arith.constant 64 : index
          %get3A_306 = tpu.vector_load %arg11[%get3A_303, %get3A_304, %get3A_305] {strides = array<i32>} : memref<2x80x128xi32, #tpu.memory_space<vmem>>, vector<1x1x16xi32>,
          %get3A_307 = vector.shape_cast %get3A_306 : vector<1x1x16xi32> to vector<16xi32>
          %shift_left3A_308 = vector.broadcast %mul3A_14 : i32 to vector<16xi32>
          %shift_left3A_309 = arith.shli %get3A_307, %shift_left3A_308 : vector<16xi32>
          %and3A_310 = arith.constant -65536 : i32
          %and3A_311 = vector.broadcast %and3A_310 : i32 to vector<16xi32>
          %and3A_312 = arith.andi %shift_left3A_309, %and3A_311 : vector<16xi32>
          %bitcast_convert_type3A_313 = tpu.bitcast %and3A_312 : vector<16xi32> -> vector<16xf32>
          %get3A_314 = arith.constant 1 : i32
          %get3A_315 = arith.index_cast %get3A_314 : i32 to index
          %get3A_316 = arith.index_cast %scan3A_190 : i32 to index
          %get3A_317 = arith.constant 64 : index
          %get3A_318 = tpu.vector_load %arg12[%get3A_315, %get3A_316, %get3A_317] {strides = array<i32>} : memref<2x80x128xf32, #tpu.memory_space<vmem>>, vector<1x1x16xf32>,
          %get3A_319 = vector.shape_cast %get3A_318 : vector<1x1x16xf32> to vector<16xf32>
          %add3A_320 = arith.addf %get3A_319, %bitcast_convert_type3A_313 : vector<16xf32>
          %max3A_321 = arith.constant 0.000000e+00 : f32
          %max3A_322 = vector.broadcast %max3A_321 : f32 to vector<16xf32>
          %max3A_323 = arith.maximumf %add3A_320, %max3A_322 : vector<16xf32>
          %swap3A_324 = arith.constant 1 : i32
          %swap3A_325 = arith.index_cast %swap3A_324 : i32 to index
          %swap3A_326 = arith.index_cast %scan3A_190 : i32 to index
          %swap3A_327 = arith.constant 64 : index
          %swap3A_328 = tpu.vector_load %arg12[%swap3A_325, %swap3A_326, %swap3A_327] {strides = array<i32>} : memref<2x80x128xf32, #tpu.memory_space<vmem>>, vector<1x1x16xf32>,
          %swap3A_329 = vector.shape_cast %swap3A_328 : vector<1x1x16xf32> to vector<16xf32>
          %swap3A_330 = vector.shape_cast %max3A_323 : vector<16xf32> to vector<1x1x16xf32>
          tpu.vector_store %arg12[%swap3A_325, %swap3A_326, %swap3A_327], %swap3A_330 {strides = array<i32>} : memref<2x80x128xf32, #tpu.memory_space<vmem>>, vector<1x1x16xf32>,
          %get3A_331 = arith.constant 1 : i32
          %get3A_332 = arith.index_cast %get3A_331 : i32 to index
          %get3A_333 = arith.index_cast %scan3A_190 : i32 to index
          %get3A_334 = arith.constant 80 : index
          %get3A_335 = tpu.vector_load %arg11[%get3A_332, %get3A_333, %get3A_334] {strides = array<i32>} : memref<2x80x128xi32, #tpu.memory_space<vmem>>, vector<1x1x16xi32>,
          %get3A_336 = vector.shape_cast %get3A_335 : vector<1x1x16xi32> to vector<16xi32>
          %shift_left3A_337 = vector.broadcast %mul3A_14 : i32 to vector<16xi32>
          %shift_left3A_338 = arith.shli %get3A_336, %shift_left3A_337 : vector<16xi32>
          %and3A_339 = arith.constant -65536 : i32
          %and3A_340 = vector.broadcast %and3A_339 : i32 to vector<16xi32>
          %and3A_341 = arith.andi %shift_left3A_338, %and3A_340 : vector<16xi32>
          %bitcast_convert_type3A_342 = tpu.bitcast %and3A_341 : vector<16xi32> -> vector<16xf32>
          %get3A_343 = arith.constant 1 : i32
          %get3A_344 = arith.index_cast %get3A_343 : i32 to index
          %get3A_345 = arith.index_cast %scan3A_190 : i32 to index
          %get3A_346 = arith.constant 80 : index
          %get3A_347 = tpu.vector_load %arg12[%get3A_344, %get3A_345, %get3A_346] {strides = array<i32>} : memref<2x80x128xf32, #tpu.memory_space<vmem>>, vector<1x1x16xf32>,
          %get3A_348 = vector.shape_cast %get3A_347 : vector<1x1x16xf32> to vector<16xf32>
          %add3A_349 = arith.addf %get3A_348, %bitcast_convert_type3A_342 : vector<16xf32>
          %max3A_350 = arith.constant 0.000000e+00 : f32
          %max3A_351 = vector.broadcast %max3A_350 : f32 to vector<16xf32>
          %max3A_352 = arith.maximumf %add3A_349, %max3A_351 : vector<16xf32>
          %swap3A_353 = arith.constant 1 : i32
          %swap3A_354 = arith.index_cast %swap3A_353 : i32 to index
          %swap3A_355 = arith.index_cast %scan3A_190 : i32 to index
          %swap3A_356 = arith.constant 80 : index
          %swap3A_357 = tpu.vector_load %arg12[%swap3A_354, %swap3A_355, %swap3A_356] {strides = array<i32>} : memref<2x80x128xf32, #tpu.memory_space<vmem>>, vector<1x1x16xf32>,
          %swap3A_358 = vector.shape_cast %swap3A_357 : vector<1x1x16xf32> to vector<16xf32>
          %swap3A_359 = vector.shape_cast %max3A_352 : vector<16xf32> to vector<1x1x16xf32>
          tpu.vector_store %arg12[%swap3A_354, %swap3A_355, %swap3A_356], %swap3A_359 {strides = array<i32>} : memref<2x80x128xf32, #tpu.memory_space<vmem>>, vector<1x1x16xf32>,
          %get3A_360 = arith.constant 1 : i32
          %get3A_361 = arith.index_cast %get3A_360 : i32 to index
          %get3A_362 = arith.index_cast %scan3A_190 : i32 to index
          %get3A_363 = arith.constant 96 : index
          %get3A_364 = tpu.vector_load %arg11[%get3A_361, %get3A_362, %get3A_363] {strides = array<i32>} : memref<2x80x128xi32, #tpu.memory_space<vmem>>, vector<1x1x16xi32>,
          %get3A_365 = vector.shape_cast %get3A_364 : vector<1x1x16xi32> to vector<16xi32>
          %shift_left3A_366 = vector.broadcast %mul3A_14 : i32 to vector<16xi32>
          %shift_left3A_367 = arith.shli %get3A_365, %shift_left3A_366 : vector<16xi32>
          %and3A_368 = arith.constant -65536 : i32
          %and3A_369 = vector.broadcast %and3A_368 : i32 to vector<16xi32>
          %and3A_370 = arith.andi %shift_left3A_367, %and3A_369 : vector<16xi32>
          %bitcast_convert_type3A_371 = tpu.bitcast %and3A_370 : vector<16xi32> -> vector<16xf32>
          %get3A_372 = arith.constant 1 : i32
          %get3A_373 = arith.index_cast %get3A_372 : i32 to index
          %get3A_374 = arith.index_cast %scan3A_190 : i32 to index
          %get3A_375 = arith.constant 96 : index
          %get3A_376 = tpu.vector_load %arg12[%get3A_373, %get3A_374, %get3A_375] {strides = array<i32>} : memref<2x80x128xf32, #tpu.memory_space<vmem>>, vector<1x1x16xf32>,
          %get3A_377 = vector.shape_cast %get3A_376 : vector<1x1x16xf32> to vector<16xf32>
          %add3A_378 = arith.addf %get3A_377, %bitcast_convert_type3A_371 : vector<16xf32>
          %max3A_379 = arith.constant 0.000000e+00 : f32
          %max3A_380 = vector.broadcast %max3A_379 : f32 to vector<16xf32>
          %max3A_381 = arith.maximumf %add3A_378, %max3A_380 : vector<16xf32>
          %swap3A_382 = arith.constant 1 : i32
          %swap3A_383 = arith.index_cast %swap3A_382 : i32 to index
          %swap3A_384 = arith.index_cast %scan3A_190 : i32 to index
          %swap3A_385 = arith.constant 96 : index
          %swap3A_386 = tpu.vector_load %arg12[%swap3A_383, %swap3A_384, %swap3A_385] {strides = array<i32>} : memref<2x80x128xf32, #tpu.memory_space<vmem>>, vector<1x1x16xf32>,
          %swap3A_387 = vector.shape_cast %swap3A_386 : vector<1x1x16xf32> to vector<16xf32>
          %swap3A_388 = vector.shape_cast %max3A_381 : vector<16xf32> to vector<1x1x16xf32>
          tpu.vector_store %arg12[%swap3A_383, %swap3A_384, %swap3A_385], %swap3A_388 {strides = array<i32>} : memref<2x80x128xf32, #tpu.memory_space<vmem>>, vector<1x1x16xf32>,
          %get3A_389 = arith.constant 1 : i32
          %get3A_390 = arith.index_cast %get3A_389 : i32 to index
          %get3A_391 = arith.index_cast %scan3A_190 : i32 to index
          %get3A_392 = arith.constant 112 : index
          %get3A_393 = tpu.vector_load %arg11[%get3A_390, %get3A_391, %get3A_392] {strides = array<i32>} : memref<2x80x128xi32, #tpu.memory_space<vmem>>, vector<1x1x16xi32>,
          %get3A_394 = vector.shape_cast %get3A_393 : vector<1x1x16xi32> to vector<16xi32>
          %shift_left3A_395 = vector.broadcast %mul3A_14 : i32 to vector<16xi32>
          %shift_left3A_396 = arith.shli %get3A_394, %shift_left3A_395 : vector<16xi32>
          %and3A_397 = arith.constant -65536 : i32
          %and3A_398 = vector.broadcast %and3A_397 : i32 to vector<16xi32>
          %and3A_399 = arith.andi %shift_left3A_396, %and3A_398 : vector<16xi32>
          %bitcast_convert_type3A_400 = tpu.bitcast %and3A_399 : vector<16xi32> -> vector<16xf32>
          %get3A_401 = arith.constant 1 : i32
          %get3A_402 = arith.index_cast %get3A_401 : i32 to index
          %get3A_403 = arith.index_cast %scan3A_190 : i32 to index
          %get3A_404 = arith.constant 112 : index
          %get3A_405 = tpu.vector_load %arg12[%get3A_402, %get3A_403, %get3A_404] {strides = array<i32>} : memref<2x80x128xf32, #tpu.memory_space<vmem>>, vector<1x1x16xf32>,
          %get3A_406 = vector.shape_cast %get3A_405 : vector<1x1x16xf32> to vector<16xf32>
          %add3A_407 = arith.addf %get3A_406, %bitcast_convert_type3A_400 : vector<16xf32>
          %max3A_408 = arith.constant 0.000000e+00 : f32
          %max3A_409 = vector.broadcast %max3A_408 : f32 to vector<16xf32>
          %max3A_410 = arith.maximumf %add3A_407, %max3A_409 : vector<16xf32>
          %swap3A_411 = arith.constant 1 : i32
          %swap3A_412 = arith.index_cast %swap3A_411 : i32 to index
          %swap3A_413 = arith.index_cast %scan3A_190 : i32 to index
          %swap3A_414 = arith.constant 112 : index
          %swap3A_415 = tpu.vector_load %arg12[%swap3A_412, %swap3A_413, %swap3A_414] {strides = array<i32>} : memref<2x80x128xf32, #tpu.memory_space<vmem>>, vector<1x1x16xf32>,
          %swap3A_416 = vector.shape_cast %swap3A_415 : vector<1x1x16xf32> to vector<16xf32>
          %swap3A_417 = vector.shape_cast %max3A_410 : vector<16xf32> to vector<1x1x16xf32>
          tpu.vector_store %arg12[%swap3A_412, %swap3A_413, %swap3A_414], %swap3A_417 {strides = array<i32>} : memref<2x80x128xf32, #tpu.memory_space<vmem>>, vector<1x1x16xf32>,
        }
        %scan3A_169 = arith.constant 80 : i32
        %add3A_170 = arith.constant 1 : i32
        %add3A_171 = arith.addi %scan3A_100, %add3A_170 : i32
        %lt3A_172 = arith.constant 125 : i32
        %lt3A_173 = arith.cmpi slt, %add3A_171, %lt3A_172 : i32
        %convert_element_type3A_174 = arith.extui %lt3A_173 : i1 to i32
        %cond3A_175 = arith.constant 0 : i32
        %cond3A_176 = arith.cmpi ne, %convert_element_type3A_174, %cond3A_175 : i32
        scf.if %cond3A_176 {
          %add3A_190 = arith.constant 1 : i32
          %add3A_191 = arith.addi %scan3A_100, %add3A_190 : i32
          %dma_wait3A_192 = arith.constant 0 : i32
          %dma_wait3A_193 = arith.constant 0 : i32
          %dma_wait3A_194 = tpu.memref_slice %arg9[%dma_wait3A_192, %dma_wait3A_193] : memref<2x80xi32, #tpu.memory_space<vmem>> -> memref<1x80xi32, #tpu.memory_space<vmem>>
          %dma_wait3A_195 = tpu.memref_squeeze %dma_wait3A_194 : memref<1x80xi32, #tpu.memory_space<vmem>> -> memref<80xi32, #tpu.memory_space<vmem>>
          %dma_wait3A_196 = arith.constant 0 : i32
          %dma_wait3A_197 = tpu.memref_slice %arg4[%add3A, %add3A_191, %dma_wait3A_196] : memref<32x125x80xi32, #tpu.memory_space<hbm>> -> memref<1x1x80xi32, #tpu.memory_space<hbm>>
          %dma_wait3A_198 = tpu.memref_squeeze %dma_wait3A_197 : memref<1x1x80xi32, #tpu.memory_space<hbm>> -> memref<80xi32, #tpu.memory_space<hbm>>
          %dma_wait3A_199 = arith.constant 0 : i32
          %dma_wait3A_200 = tpu.memref_slice %arg9[%dma_wait3A_192, %dma_wait3A_199] : memref<2x80xi32, #tpu.memory_space<vmem>> -> memref<1x80xi32, #tpu.memory_space<vmem>>
          %dma_wait3A_201 = tpu.memref_squeeze %dma_wait3A_200 : memref<1x80xi32, #tpu.memory_space<vmem>> -> memref<80xi32, #tpu.memory_space<vmem>>
          %dma_wait3A_202 = arith.constant 0 : i32
          %dma_wait3A_203 = tpu.memref_slice %arg4[%add3A, %add3A_191, %dma_wait3A_202] : memref<32x125x80xi32, #tpu.memory_space<hbm>> -> memref<1x1x80xi32, #tpu.memory_space<hbm>>
          %dma_wait3A_204 = tpu.memref_squeeze %dma_wait3A_203 : memref<1x1x80xi32, #tpu.memory_space<hbm>> -> memref<80xi32, #tpu.memory_space<hbm>>
          tpu.wait_dma2 semaphore(%arg18 : memref<!tpu.dma_semaphore, #tpu.memory_space<semaphore_mem>>) src(%dma_wait3A_204 : memref<80xi32, #tpu.memory_space<hbm>>) dst(%dma_wait3A_201 : memref<80xi32, #tpu.memory_space<vmem>>)
          %dma_start3A_205 = arith.constant 0 : i32
          %dma_start3A_206 = arith.constant 0 : i32
          %dma_start3A_207 = arith.constant 0 : i32
          %dma_start3A_208 = arith.constant 0 : i32
          %dma_start3A_209 = tpu.memref_slice %arg12[%dma_start3A_206, %dma_start3A_207, %dma_start3A_208] : memref<2x80x128xf32, #tpu.memory_space<vmem>> -> memref<1x80x128xf32, #tpu.memory_space<vmem>>
          %dma_start3A_210 = tpu.memref_squeeze %dma_start3A_209 : memref<1x80x128xf32, #tpu.memory_space<vmem>> -> memref<80x128xf32, #tpu.memory_space<vmem>>
          %dma_start3A_211 = arith.constant 0 : i32
          %dma_start3A_212 = tpu.memref_slice %arg9[%dma_start3A_205, %dma_start3A_211] : memref<2x80xi32, #tpu.memory_space<vmem>> -> memref<1x80xi32, #tpu.memory_space<vmem>>
          %dma_start3A_213 = tpu.memref_squeeze %dma_start3A_212 : memref<1x80xi32, #tpu.memory_space<vmem>> -> memref<80xi32, #tpu.memory_space<vmem>>
          %dma_start3A_214 = arith.constant 0 : i32
          %dma_start3A_215 = arith.constant 0 : i32
          %dma_start3A_216 = tpu.memref_slice %arg2[%dma_start3A_214, %dma_start3A_215] : memref<20000x128xf32, #tpu.memory_space<hbm>> -> memref<20000x128xf32, #tpu.memory_space<hbm>>
          tpu.enqueue_indirect_dma source(%dma_start3A_216 : memref<20000x128xf32, #tpu.memory_space<hbm>>) target(%dma_start3A_210 : memref<80x128xf32, #tpu.memory_space<vmem>>) offsets(%dma_start3A_213 : memref<80xi32, #tpu.memory_space<vmem>>) semaphore(%arg16 : memref<!tpu.dma_semaphore, #tpu.memory_space<semaphore_mem>>)
        } else {
        }
        %gt3A = arith.constant 0 : i32
        %gt3A_177 = arith.cmpi sgt, %scan3A_100, %gt3A : i32
        %convert_element_type3A_178 = arith.extui %gt3A_177 : i1 to i32
        %cond3A_179 = arith.constant 0 : i32
        %cond3A_180 = arith.cmpi ne, %convert_element_type3A_178, %cond3A_179 : i32
        scf.if %cond3A_180 {
          %dma_wait3A_190 = arith.constant 1 : i32
          %dma_wait3A_191 = arith.constant 0 : i32
          %dma_wait3A_192 = tpu.memref_slice %arg10[%dma_wait3A_190, %dma_wait3A_191] : memref<2x80xi32, #tpu.memory_space<vmem>> -> memref<1x80xi32, #tpu.memory_space<vmem>>
          %dma_wait3A_193 = tpu.memref_squeeze %dma_wait3A_192 : memref<1x80xi32, #tpu.memory_space<vmem>> -> memref<80xi32, #tpu.memory_space<vmem>>
          %dma_wait3A_194 = arith.constant 0 : i32
          %dma_wait3A_195 = tpu.memref_slice %arg5[%arg1, %scan3A_100, %dma_wait3A_194] : memref<16x125x80xi32, #tpu.memory_space<hbm>> -> memref<1x1x80xi32, #tpu.memory_space<hbm>>
          %dma_wait3A_196 = tpu.memref_squeeze %dma_wait3A_195 : memref<1x1x80xi32, #tpu.memory_space<hbm>> -> memref<80xi32, #tpu.memory_space<hbm>>
          %dma_wait3A_197 = arith.constant 0 : i32
          %dma_wait3A_198 = tpu.memref_slice %arg10[%dma_wait3A_190, %dma_wait3A_197] : memref<2x80xi32, #tpu.memory_space<vmem>> -> memref<1x80xi32, #tpu.memory_space<vmem>>
          %dma_wait3A_199 = tpu.memref_squeeze %dma_wait3A_198 : memref<1x80xi32, #tpu.memory_space<vmem>> -> memref<80xi32, #tpu.memory_space<vmem>>
          %dma_wait3A_200 = arith.constant 0 : i32
          %dma_wait3A_201 = tpu.memref_slice %arg5[%arg1, %scan3A_100, %dma_wait3A_200] : memref<16x125x80xi32, #tpu.memory_space<hbm>> -> memref<1x1x80xi32, #tpu.memory_space<hbm>>
          %dma_wait3A_202 = tpu.memref_squeeze %dma_wait3A_201 : memref<1x1x80xi32, #tpu.memory_space<hbm>> -> memref<80xi32, #tpu.memory_space<hbm>>
          tpu.wait_dma2 semaphore(%arg21 : memref<!tpu.dma_semaphore, #tpu.memory_space<semaphore_mem>>) src(%dma_wait3A_202 : memref<80xi32, #tpu.memory_space<hbm>>) dst(%dma_wait3A_199 : memref<80xi32, #tpu.memory_space<vmem>>)
        } else {
        }
        %run_scoped3A_181 = arith.constant 1 : i32
        %run_scoped3A_182 = arith.constant 1 : i32
        "tpu.region"() ({
          %run_scoped3A_190 = tpu.sem_alloc : memref<!tpu.dma_semaphore, #tpu.memory_space<semaphore_mem>>
          %dma_start3A_191 = arith.constant 0 : i32
          %dma_start3A_192 = arith.constant 0 : i32
          %dma_start3A_193 = tpu.memref_slice %arg12[%run_scoped3A_181, %dma_start3A_191, %dma_start3A_192] : memref<2x80x128xf32, #tpu.memory_space<vmem>> -> memref<1x80x128xf32, #tpu.memory_space<vmem>>
          %dma_start3A_194 = tpu.memref_squeeze %dma_start3A_193 : memref<1x80x128xf32, #tpu.memory_space<vmem>> -> memref<80x128xf32, #tpu.memory_space<vmem>>
          %dma_start3A_195 = arith.constant 0 : i32
          %dma_start3A_196 = tpu.memref_slice %arg10[%run_scoped3A_182, %dma_start3A_195] : memref<2x80xi32, #tpu.memory_space<vmem>> -> memref<1x80xi32, #tpu.memory_space<vmem>>
          %dma_start3A_197 = tpu.memref_squeeze %dma_start3A_196 : memref<1x80xi32, #tpu.memory_space<vmem>> -> memref<80xi32, #tpu.memory_space<vmem>>
          %dma_start3A_198 = arith.constant 0 : i32
          %dma_start3A_199 = arith.constant 0 : i32
          %dma_start3A_200 = tpu.memref_slice %arg13[%dma_start3A_198, %dma_start3A_199] : memref<10240x128xf32, #tpu.memory_space<vmem_shared>> -> memref<10240x128xf32, #tpu.memory_space<vmem_shared>>
          tpu.enqueue_indirect_dma source(%dma_start3A_194 : memref<80x128xf32, #tpu.memory_space<vmem>>) target(%dma_start3A_200 : memref<10240x128xf32, #tpu.memory_space<vmem_shared>>) offsets(%dma_start3A_197 : memref<80xi32, #tpu.memory_space<vmem>>) semaphore(%run_scoped3A_190 : memref<!tpu.dma_semaphore, #tpu.memory_space<semaphore_mem>>) {add = true}
          %dma_wait3A_201 = arith.constant 0 : i32
          %dma_wait3A_202 = arith.constant 0 : i32
          %dma_wait3A_203 = tpu.memref_slice %arg12[%run_scoped3A_181, %dma_wait3A_201, %dma_wait3A_202] : memref<2x80x128xf32, #tpu.memory_space<vmem>> -> memref<1x80x128xf32, #tpu.memory_space<vmem>>
          %dma_wait3A_204 = tpu.memref_squeeze %dma_wait3A_203 : memref<1x80x128xf32, #tpu.memory_space<vmem>> -> memref<80x128xf32, #tpu.memory_space<vmem>>
          %dma_wait3A_205 = arith.constant 0 : i32
          %dma_wait3A_206 = tpu.memref_slice %arg10[%run_scoped3A_182, %dma_wait3A_205] : memref<2x80xi32, #tpu.memory_space<vmem>> -> memref<1x80xi32, #tpu.memory_space<vmem>>
          %dma_wait3A_207 = tpu.memref_squeeze %dma_wait3A_206 : memref<1x80xi32, #tpu.memory_space<vmem>> -> memref<80xi32, #tpu.memory_space<vmem>>
          %dma_wait3A_208 = arith.constant 0 : i32
          %dma_wait3A_209 = arith.constant 0 : i32
          %dma_wait3A_210 = tpu.memref_slice %arg13[%dma_wait3A_208, %dma_wait3A_209] : memref<10240x128xf32, #tpu.memory_space<vmem_shared>> -> memref<10240x128xf32, #tpu.memory_space<vmem_shared>>
          tpu.wait_indirect_dma semaphore(%run_scoped3A_190 : memref<!tpu.dma_semaphore, #tpu.memory_space<semaphore_mem>>) src(%dma_wait3A_204 : memref<80x128xf32, #tpu.memory_space<vmem>>) dst(%dma_wait3A_210 : memref<10240x128xf32, #tpu.memory_space<vmem_shared>>)
          tpu.yield
        }) : () -> ()
        %add3A_183 = arith.constant 2 : i32
        %add3A_184 = arith.addi %scan3A_100, %add3A_183 : i32
        %lt3A_185 = arith.constant 125 : i32
        %lt3A_186 = arith.cmpi slt, %add3A_184, %lt3A_185 : i32
        %convert_element_type3A_187 = arith.extui %lt3A_186 : i1 to i32
        %cond3A_188 = arith.constant 0 : i32
        %cond3A_189 = arith.cmpi ne, %convert_element_type3A_187, %cond3A_188 : i32
        scf.if %cond3A_189 {
          %add3A_190 = arith.constant 2 : i32
          %add3A_191 = arith.addi %scan3A_100, %add3A_190 : i32
          %dma_start3A_192 = arith.constant 1 : i32
          %dma_start3A_193 = arith.constant 0 : i32
          %dma_start3A_194 = tpu.memref_slice %arg9[%dma_start3A_192, %dma_start3A_193] : memref<2x80xi32, #tpu.memory_space<vmem>> -> memref<1x80xi32, #tpu.memory_space<vmem>>
          %dma_start3A_195 = tpu.memref_squeeze %dma_start3A_194 : memref<1x80xi32, #tpu.memory_space<vmem>> -> memref<80xi32, #tpu.memory_space<vmem>>
          %dma_start3A_196 = arith.constant 0 : i32
          %dma_start3A_197 = tpu.memref_slice %arg4[%add3A, %add3A_191, %dma_start3A_196] : memref<32x125x80xi32, #tpu.memory_space<hbm>> -> memref<1x1x80xi32, #tpu.memory_space<hbm>>
          %dma_start3A_198 = tpu.memref_squeeze %dma_start3A_197 : memref<1x1x80xi32, #tpu.memory_space<hbm>> -> memref<80xi32, #tpu.memory_space<hbm>>
          %dma_start3A_199 = arith.constant 0 : i32
          %dma_start3A_200 = tpu.memref_slice %arg9[%dma_start3A_192, %dma_start3A_199] : memref<2x80xi32, #tpu.memory_space<vmem>> -> memref<1x80xi32, #tpu.memory_space<vmem>>
          %dma_start3A_201 = tpu.memref_squeeze %dma_start3A_200 : memref<1x80xi32, #tpu.memory_space<vmem>> -> memref<80xi32, #tpu.memory_space<vmem>>
          %dma_start3A_202 = arith.constant 0 : i32
          %dma_start3A_203 = tpu.memref_slice %arg4[%add3A, %add3A_191, %dma_start3A_202] : memref<32x125x80xi32, #tpu.memory_space<hbm>> -> memref<1x1x80xi32, #tpu.memory_space<hbm>>
          %dma_start3A_204 = tpu.memref_squeeze %dma_start3A_203 : memref<1x1x80xi32, #tpu.memory_space<hbm>> -> memref<80xi32, #tpu.memory_space<hbm>>
          tpu.enqueue_dma source(%dma_start3A_204 : memref<80xi32, #tpu.memory_space<hbm>>) target(%dma_start3A_201 : memref<80xi32, #tpu.memory_space<vmem>>) target_semaphore(%arg19 : memref<!tpu.dma_semaphore, #tpu.memory_space<semaphore_mem>>)
          %add3A_205 = arith.constant 2 : i32
          %add3A_206 = arith.addi %scan3A_100, %add3A_205 : i32
          %dma_start3A_207 = arith.constant 1 : i32
          %dma_start3A_208 = arith.constant 0 : i32
          %dma_start3A_209 = tpu.memref_slice %arg10[%dma_start3A_207, %dma_start3A_208] : memref<2x80xi32, #tpu.memory_space<vmem>> -> memref<1x80xi32, #tpu.memory_space<vmem>>
          %dma_start3A_210 = tpu.memref_squeeze %dma_start3A_209 : memref<1x80xi32, #tpu.memory_space<vmem>> -> memref<80xi32, #tpu.memory_space<vmem>>
          %dma_start3A_211 = arith.constant 0 : i32
          %dma_start3A_212 = tpu.memref_slice %arg5[%arg1, %add3A_206, %dma_start3A_211] : memref<16x125x80xi32, #tpu.memory_space<hbm>> -> memref<1x1x80xi32, #tpu.memory_space<hbm>>
          %dma_start3A_213 = tpu.memref_squeeze %dma_start3A_212 : memref<1x1x80xi32, #tpu.memory_space<hbm>> -> memref<80xi32, #tpu.memory_space<hbm>>
          %dma_start3A_214 = arith.constant 0 : i32
          %dma_start3A_215 = tpu.memref_slice %arg10[%dma_start3A_207, %dma_start3A_214] : memref<2x80xi32, #tpu.memory_space<vmem>> -> memref<1x80xi32, #tpu.memory_space<vmem>>
          %dma_start3A_216 = tpu.memref_squeeze %dma_start3A_215 : memref<1x80xi32, #tpu.memory_space<vmem>> -> memref<80xi32, #tpu.memory_space<vmem>>
          %dma_start3A_217 = arith.constant 0 : i32
          %dma_start3A_218 = tpu.memref_slice %arg5[%arg1, %add3A_206, %dma_start3A_217] : memref<16x125x80xi32, #tpu.memory_space<hbm>> -> memref<1x1x80xi32, #tpu.memory_space<hbm>>
          %dma_start3A_219 = tpu.memref_squeeze %dma_start3A_218 : memref<1x1x80xi32, #tpu.memory_space<hbm>> -> memref<80xi32, #tpu.memory_space<hbm>>
          tpu.enqueue_dma source(%dma_start3A_219 : memref<80xi32, #tpu.memory_space<hbm>>) target(%dma_start3A_216 : memref<80xi32, #tpu.memory_space<vmem>>) target_semaphore(%arg21 : memref<!tpu.dma_semaphore, #tpu.memory_space<semaphore_mem>>)
          %add3A_220 = arith.constant 2 : i32
          %add3A_221 = arith.addi %scan3A_100, %add3A_220 : i32
          %mul3A_222 = arith.constant 80 : i32
          %mul3A_223 = arith.muli %add3A_221, %mul3A_222 : i32
          %add3A_224 = arith.addi %mul3A_11, %mul3A_223 : i32
          %dma_start3A_225 = arith.constant 1 : i32
          %dma_start3A_226 = arith.constant 0 : i32
          %dma_start3A_227 = arith.constant 0 : i32
          %dma_start3A_228 = tpu.memref_slice %arg11[%dma_start3A_225, %dma_start3A_226, %dma_start3A_227] : memref<2x80x128xi32, #tpu.memory_space<vmem>> -> memref<1x80x128xi32, #tpu.memory_space<vmem>>
          %dma_start3A_229 = tpu.memref_squeeze %dma_start3A_228 : memref<1x80x128xi32, #tpu.memory_space<vmem>> -> memref<80x128xi32, #tpu.memory_space<vmem>>
          %dma_start3A_230 = arith.constant 0 : i32
          %dma_start3A_231 = tpu.memref_slice %arg3[%add3A_224, %dma_start3A_230] : memref<160000x128xi32, #tpu.memory_space<hbm>> -> memref<80x128xi32, #tpu.memory_space<hbm>>
          %dma_start3A_232 = arith.constant 0 : i32
          %dma_start3A_233 = arith.constant 0 : i32
          %dma_start3A_234 = tpu.memref_slice %arg11[%dma_start3A_225, %dma_start3A_232, %dma_start3A_233] : memref<2x80x128xi32, #tpu.memory_space<vmem>> -> memref<1x80x128xi32, #tpu.memory_space<vmem>>
          %dma_start3A_235 = tpu.memref_squeeze %dma_start3A_234 : memref<1x80x128xi32, #tpu.memory_space<vmem>> -> memref<80x128xi32, #tpu.memory_space<vmem>>
          %dma_start3A_236 = arith.constant 0 : i32
          %dma_start3A_237 = tpu.memref_slice %arg3[%add3A_224, %dma_start3A_236] : memref<160000x128xi32, #tpu.memory_space<hbm>> -> memref<80x128xi32, #tpu.memory_space<hbm>>
          tpu.enqueue_dma source(%dma_start3A_237 : memref<80x128xi32, #tpu.memory_space<hbm>>) target(%dma_start3A_235 : memref<80x128xi32, #tpu.memory_space<vmem>>) target_semaphore(%arg15 : memref<!tpu.dma_semaphore, #tpu.memory_space<semaphore_mem>>)
        } else {
        }
      } else {
      }
    }
    %scan3A_91 = arith.constant 125 : i32
    %barrier3A_92 = arith.constant 0 : index
    tpu.barrier barrier_id(%barrier3A_92)
    %eq3A = arith.constant 0 : i32
    %eq3A_93 = arith.cmpi eq, %arg0, %eq3A : i32
    %convert_element_type3A = arith.extui %eq3A_93 : i1 to i32
    %cond3A = arith.constant 0 : i32
    %cond3A_94 = arith.cmpi ne, %convert_element_type3A, %cond3A : i32
    scf.if %cond3A_94 {
      %mul3A_100 = arith.constant 640 : i32
      %mul3A_101 = arith.muli %arg1, %mul3A_100 : i32
      %mul3A_102 = arith.constant 640 : i32
      %mul3A_103 = arith.muli %arg1, %mul3A_102 : i32
      "tpu.region"() ({
        %run_scoped3A_104 = tpu.sem_alloc : memref<!tpu.dma_semaphore, #tpu.memory_space<semaphore_mem>>
        %dma_start3A_105 = arith.constant 0 : i32
        %dma_start3A_106 = tpu.memref_slice %arg7[%mul3A_103, %dma_start3A_105] : memref<10240x128xf32, #tpu.memory_space<hbm>> -> memref<640x128xf32, #tpu.memory_space<hbm>>
        %dma_start3A_107 = arith.constant 0 : i32
        %dma_start3A_108 = tpu.memref_slice %arg13[%mul3A_101, %dma_start3A_107] : memref<10240x128xf32, #tpu.memory_space<vmem_shared>> -> memref<640x128xf32, #tpu.memory_space<vmem_shared>>
        tpu.enqueue_dma source(%dma_start3A_108 : memref<640x128xf32, #tpu.memory_space<vmem_shared>>) target(%dma_start3A_106 : memref<640x128xf32, #tpu.memory_space<hbm>>) target_semaphore(%run_scoped3A_104 : memref<!tpu.dma_semaphore, #tpu.memory_space<semaphore_mem>>)
        %dma_wait3A = arith.constant 0 : i32
        %dma_wait3A_109 = tpu.memref_slice %arg7[%mul3A_103, %dma_wait3A] : memref<10240x128xf32, #tpu.memory_space<hbm>> -> memref<640x128xf32, #tpu.memory_space<hbm>>
        %dma_wait3A_110 = arith.constant 0 : i32
        %dma_wait3A_111 = tpu.memref_slice %arg13[%mul3A_101, %dma_wait3A_110] : memref<10240x128xf32, #tpu.memory_space<vmem_shared>> -> memref<640x128xf32, #tpu.memory_space<vmem_shared>>
        tpu.wait_dma2 semaphore(%run_scoped3A_104 : memref<!tpu.dma_semaphore, #tpu.memory_space<semaphore_mem>>) src(%dma_wait3A_111 : memref<640x128xf32, #tpu.memory_space<vmem_shared>>) dst(%dma_wait3A_109 : memref<640x128xf32, #tpu.memory_space<hbm>>)
        tpu.yield
      }) : () -> ()
    } else {
    }
    %eq3A_95 = arith.constant 1 : i32
    %eq3A_96 = arith.cmpi eq, %arg0, %eq3A_95 : i32
    %convert_element_type3A_97 = arith.extui %eq3A_96 : i1 to i32
    %cond3A_98 = arith.constant 0 : i32
    %cond3A_99 = arith.cmpi ne, %convert_element_type3A_97, %cond3A_98 : i32
    scf.if %cond3A_99 {
      %mul3A_100 = arith.constant 640 : i32
      %mul3A_101 = arith.muli %arg1, %mul3A_100 : i32
      %mul3A_102 = arith.constant 640 : i32
      %mul3A_103 = arith.muli %arg1, %mul3A_102 : i32
      "tpu.region"() ({
        %run_scoped3A_104 = tpu.sem_alloc : memref<!tpu.dma_semaphore, #tpu.memory_space<semaphore_mem>>
        %dma_start3A_105 = arith.constant 0 : i32
        %dma_start3A_106 = tpu.memref_slice %arg8[%mul3A_103, %dma_start3A_105] : memref<10240x128xf32, #tpu.memory_space<hbm>> -> memref<640x128xf32, #tpu.memory_space<hbm>>
        %dma_start3A_107 = arith.constant 0 : i32
        %dma_start3A_108 = tpu.memref_slice %arg13[%mul3A_101, %dma_start3A_107] : memref<10240x128xf32, #tpu.memory_space<vmem_shared>> -> memref<640x128xf32, #tpu.memory_space<vmem_shared>>
        tpu.enqueue_dma source(%dma_start3A_108 : memref<640x128xf32, #tpu.memory_space<vmem_shared>>) target(%dma_start3A_106 : memref<640x128xf32, #tpu.memory_space<hbm>>) target_semaphore(%run_scoped3A_104 : memref<!tpu.dma_semaphore, #tpu.memory_space<semaphore_mem>>)
        %dma_wait3A = arith.constant 0 : i32
        %dma_wait3A_109 = tpu.memref_slice %arg8[%mul3A_103, %dma_wait3A] : memref<10240x128xf32, #tpu.memory_space<hbm>> -> memref<640x128xf32, #tpu.memory_space<hbm>>
        %dma_wait3A_110 = arith.constant 0 : i32
        %dma_wait3A_111 = tpu.memref_slice %arg13[%mul3A_101, %dma_wait3A_110] : memref<10240x128xf32, #tpu.memory_space<vmem_shared>> -> memref<640x128xf32, #tpu.memory_space<vmem_shared>>
        tpu.wait_dma2 semaphore(%run_scoped3A_104 : memref<!tpu.dma_semaphore, #tpu.memory_space<semaphore_mem>>) src(%dma_wait3A_111 : memref<640x128xf32, #tpu.memory_space<vmem_shared>>) dst(%dma_wait3A_109 : memref<640x128xf32, #tpu.memory_space<hbm>>)
        tpu.yield
      }) : () -> ()
    } else {
    }
    return
  }
}

#map = affine_map<(d0, d1) -> (0)>
#map1 = affine_map<(d0, d1) -> (0, 0)>
module attributes {stable_mosaic.version = 14 : i64} {
  func.func @_s0(%arg0: i32, %arg1: i32, %arg2: memref<160000xi32, #tpu.memory_space<hbm>>, %arg3: memref<40x128xf32, #tpu.memory_space<hbm>>, %arg4: memref<10240x128xf32, #tpu.memory_space<hbm>>, %arg5: memref<10240x128xf32, #tpu.memory_space<hbm>>, %arg6: memref<10240x128xf32, #tpu.memory_space<hbm>>, %arg7: memref<40xi32, #tpu.memory_space<vmem>>, %arg8: memref<40x128xf32, #tpu.memory_space<vmem>>, %arg9: memref<10240x128xf32, #tpu.memory_space<vmem_shared>>) attributes {dimension_semantics = [#tpu.dimension_semantics<core_parallel>, #tpu.dimension_semantics<subcore_parallel>], iteration_bounds = array<i64: 2, 16>, scalar_prefetch = 0 : i64, scratch_operands = 3 : i64, tpu.core_type = #tpu.core_type<sc_vector_subcore>, window_params = [{transform_indices = #map}, {transform_indices = #map1}, {transform_indices = #map1}, {transform_indices = #map1}, {transform_indices = #map1}]} {
    %mul3A = arith.constant 640 : i32
    %mul3A_0 = arith.muli %arg1, %mul3A : i32
    %mul3A_1 = arith.constant 640 : i32
    %mul3A_2 = arith.muli %arg1, %mul3A_1 : i32
    "tpu.region"() ({
      %run_scoped3A = tpu.sem_alloc : memref<!tpu.dma_semaphore, #tpu.memory_space<semaphore_mem>>
      %dma_start3A = arith.constant 0 : i32
      %dma_start3A_20 = tpu.memref_slice %arg9[%mul3A_2, %dma_start3A] : memref<10240x128xf32, #tpu.memory_space<vmem_shared>> -> memref<640x128xf32, #tpu.memory_space<vmem_shared>>
      %dma_start3A_21 = arith.constant 0 : i32
      %dma_start3A_22 = tpu.memref_slice %arg4[%mul3A_0, %dma_start3A_21] : memref<10240x128xf32, #tpu.memory_space<hbm>> -> memref<640x128xf32, #tpu.memory_space<hbm>>
      tpu.enqueue_dma source(%dma_start3A_22 : memref<640x128xf32, #tpu.memory_space<hbm>>) target(%dma_start3A_20 : memref<640x128xf32, #tpu.memory_space<vmem_shared>>) target_semaphore(%run_scoped3A : memref<!tpu.dma_semaphore, #tpu.memory_space<semaphore_mem>>)
      %dma_wait3A = arith.constant 0 : i32
      %dma_wait3A_23 = tpu.memref_slice %arg9[%mul3A_2, %dma_wait3A] : memref<10240x128xf32, #tpu.memory_space<vmem_shared>> -> memref<640x128xf32, #tpu.memory_space<vmem_shared>>
      %dma_wait3A_24 = arith.constant 0 : i32
      %dma_wait3A_25 = tpu.memref_slice %arg4[%mul3A_0, %dma_wait3A_24] : memref<10240x128xf32, #tpu.memory_space<hbm>> -> memref<640x128xf32, #tpu.memory_space<hbm>>
      tpu.wait_dma2 semaphore(%run_scoped3A : memref<!tpu.dma_semaphore, #tpu.memory_space<semaphore_mem>>) src(%dma_wait3A_25 : memref<640x128xf32, #tpu.memory_space<hbm>>) dst(%dma_wait3A_23 : memref<640x128xf32, #tpu.memory_space<vmem_shared>>)
      tpu.yield
    }) : () -> ()
    "tpu.region"() ({
      %run_scoped3A = tpu.sem_alloc : memref<!tpu.dma_semaphore, #tpu.memory_space<semaphore_mem>>
      tpu.enqueue_dma source(%arg3 : memref<40x128xf32, #tpu.memory_space<hbm>>) target(%arg8 : memref<40x128xf32, #tpu.memory_space<vmem>>) target_semaphore(%run_scoped3A : memref<!tpu.dma_semaphore, #tpu.memory_space<semaphore_mem>>)
      tpu.wait_dma2 semaphore(%run_scoped3A : memref<!tpu.dma_semaphore, #tpu.memory_space<semaphore_mem>>) src(%arg3 : memref<40x128xf32, #tpu.memory_space<hbm>>) dst(%arg8 : memref<40x128xf32, #tpu.memory_space<vmem>>)
      tpu.yield
    }) : () -> ()
    %barrier3A = arith.constant 0 : index
    tpu.barrier barrier_id(%barrier3A)
    %mul3A_3 = arith.constant 80000 : i32
    %mul3A_4 = arith.muli %arg0, %mul3A_3 : i32
    %mul3A_5 = arith.constant 5000 : i32
    %mul3A_6 = arith.muli %arg1, %mul3A_5 : i32
    %add3A = arith.addi %mul3A_4, %mul3A_6 : i32
    %scan3A = arith.constant 0 : i32
    %scan3A_7 = arith.constant 0 : i32
    %scan3A_8 = arith.constant 125 : i32
    %scan3A_9 = arith.addi %scan3A_7, %scan3A_8 : i32
    %scan3A_10 = arith.constant 1 : i32
    scf.for %scan3A_20 = %scan3A_7 to %scan3A_9 step %scan3A_10  : i32 {
      %mul3A_21 = arith.constant 40 : i32
      %mul3A_22 = arith.muli %scan3A_20, %mul3A_21 : i32
      %add3A_23 = arith.addi %add3A, %mul3A_22 : i32
      "tpu.region"() ({
        %run_scoped3A = tpu.sem_alloc : memref<!tpu.dma_semaphore, #tpu.memory_space<semaphore_mem>>
        %dma_start3A = tpu.memref_slice %arg2[%add3A_23] : memref<160000xi32, #tpu.memory_space<hbm>> -> memref<40xi32, #tpu.memory_space<hbm>>
        %dma_start3A_24 = tpu.memref_slice %arg2[%add3A_23] : memref<160000xi32, #tpu.memory_space<hbm>> -> memref<40xi32, #tpu.memory_space<hbm>>
        tpu.enqueue_dma source(%dma_start3A_24 : memref<40xi32, #tpu.memory_space<hbm>>) target(%arg7 : memref<40xi32, #tpu.memory_space<vmem>>) target_semaphore(%run_scoped3A : memref<!tpu.dma_semaphore, #tpu.memory_space<semaphore_mem>>)
        %dma_wait3A = tpu.memref_slice %arg2[%add3A_23] : memref<160000xi32, #tpu.memory_space<hbm>> -> memref<40xi32, #tpu.memory_space<hbm>>
        %dma_wait3A_25 = tpu.memref_slice %arg2[%add3A_23] : memref<160000xi32, #tpu.memory_space<hbm>> -> memref<40xi32, #tpu.memory_space<hbm>>
        tpu.wait_dma2 semaphore(%run_scoped3A : memref<!tpu.dma_semaphore, #tpu.memory_space<semaphore_mem>>) src(%dma_wait3A_25 : memref<40xi32, #tpu.memory_space<hbm>>) dst(%arg7 : memref<40xi32, #tpu.memory_space<vmem>>)
        tpu.yield
      }) : () -> ()
      "tpu.region"() ({
        %run_scoped3A = tpu.sem_alloc : memref<!tpu.dma_semaphore, #tpu.memory_space<semaphore_mem>>
        %dma_start3A = arith.constant 0 : i32
        %dma_start3A_24 = arith.constant 0 : i32
        %dma_start3A_25 = tpu.memref_slice %arg9[%dma_start3A, %dma_start3A_24] : memref<10240x128xf32, #tpu.memory_space<vmem_shared>> -> memref<10240x128xf32, #tpu.memory_space<vmem_shared>>
        tpu.enqueue_indirect_dma source(%arg8 : memref<40x128xf32, #tpu.memory_space<vmem>>) target(%dma_start3A_25 : memref<10240x128xf32, #tpu.memory_space<vmem_shared>>) offsets(%arg7 : memref<40xi32, #tpu.memory_space<vmem>>) semaphore(%run_scoped3A : memref<!tpu.dma_semaphore, #tpu.memory_space<semaphore_mem>>) {add = true}
        %dma_wait3A = arith.constant 0 : i32
        %dma_wait3A_26 = arith.constant 0 : i32
        %dma_wait3A_27 = tpu.memref_slice %arg9[%dma_wait3A, %dma_wait3A_26] : memref<10240x128xf32, #tpu.memory_space<vmem_shared>> -> memref<10240x128xf32, #tpu.memory_space<vmem_shared>>
        tpu.wait_indirect_dma semaphore(%run_scoped3A : memref<!tpu.dma_semaphore, #tpu.memory_space<semaphore_mem>>) src(%arg8 : memref<40x128xf32, #tpu.memory_space<vmem>>) dst(%dma_wait3A_27 : memref<10240x128xf32, #tpu.memory_space<vmem_shared>>)
        tpu.yield
      }) : () -> ()
    }
    %scan3A_11 = arith.constant 125 : i32
    %barrier3A_12 = arith.constant 0 : index
    tpu.barrier barrier_id(%barrier3A_12)
    %eq3A = arith.constant 0 : i32
    %eq3A_13 = arith.cmpi eq, %arg0, %eq3A : i32
    %convert_element_type3A = arith.extui %eq3A_13 : i1 to i32
    %cond3A = arith.constant 0 : i32
    %cond3A_14 = arith.cmpi ne, %convert_element_type3A, %cond3A : i32
    scf.if %cond3A_14 {
      %mul3A_20 = arith.constant 640 : i32
      %mul3A_21 = arith.muli %arg1, %mul3A_20 : i32
      %mul3A_22 = arith.constant 640 : i32
      %mul3A_23 = arith.muli %arg1, %mul3A_22 : i32
      "tpu.region"() ({
        %run_scoped3A = tpu.sem_alloc : memref<!tpu.dma_semaphore, #tpu.memory_space<semaphore_mem>>
        %dma_start3A = arith.constant 0 : i32
        %dma_start3A_24 = tpu.memref_slice %arg5[%mul3A_23, %dma_start3A] : memref<10240x128xf32, #tpu.memory_space<hbm>> -> memref<640x128xf32, #tpu.memory_space<hbm>>
        %dma_start3A_25 = arith.constant 0 : i32
        %dma_start3A_26 = tpu.memref_slice %arg9[%mul3A_21, %dma_start3A_25] : memref<10240x128xf32, #tpu.memory_space<vmem_shared>> -> memref<640x128xf32, #tpu.memory_space<vmem_shared>>
        tpu.enqueue_dma source(%dma_start3A_26 : memref<640x128xf32, #tpu.memory_space<vmem_shared>>) target(%dma_start3A_24 : memref<640x128xf32, #tpu.memory_space<hbm>>) target_semaphore(%run_scoped3A : memref<!tpu.dma_semaphore, #tpu.memory_space<semaphore_mem>>)
        %dma_wait3A = arith.constant 0 : i32
        %dma_wait3A_27 = tpu.memref_slice %arg5[%mul3A_23, %dma_wait3A] : memref<10240x128xf32, #tpu.memory_space<hbm>> -> memref<640x128xf32, #tpu.memory_space<hbm>>
        %dma_wait3A_28 = arith.constant 0 : i32
        %dma_wait3A_29 = tpu.memref_slice %arg9[%mul3A_21, %dma_wait3A_28] : memref<10240x128xf32, #tpu.memory_space<vmem_shared>> -> memref<640x128xf32, #tpu.memory_space<vmem_shared>>
        tpu.wait_dma2 semaphore(%run_scoped3A : memref<!tpu.dma_semaphore, #tpu.memory_space<semaphore_mem>>) src(%dma_wait3A_29 : memref<640x128xf32, #tpu.memory_space<vmem_shared>>) dst(%dma_wait3A_27 : memref<640x128xf32, #tpu.memory_space<hbm>>)
        tpu.yield
      }) : () -> ()
    } else {
    }
    %eq3A_15 = arith.constant 1 : i32
    %eq3A_16 = arith.cmpi eq, %arg0, %eq3A_15 : i32
    %convert_element_type3A_17 = arith.extui %eq3A_16 : i1 to i32
    %cond3A_18 = arith.constant 0 : i32
    %cond3A_19 = arith.cmpi ne, %convert_element_type3A_17, %cond3A_18 : i32
    scf.if %cond3A_19 {
      %mul3A_20 = arith.constant 640 : i32
      %mul3A_21 = arith.muli %arg1, %mul3A_20 : i32
      %mul3A_22 = arith.constant 640 : i32
      %mul3A_23 = arith.muli %arg1, %mul3A_22 : i32
      "tpu.region"() ({
        %run_scoped3A = tpu.sem_alloc : memref<!tpu.dma_semaphore, #tpu.memory_space<semaphore_mem>>
        %dma_start3A = arith.constant 0 : i32
        %dma_start3A_24 = tpu.memref_slice %arg6[%mul3A_23, %dma_start3A] : memref<10240x128xf32, #tpu.memory_space<hbm>> -> memref<640x128xf32, #tpu.memory_space<hbm>>
        %dma_start3A_25 = arith.constant 0 : i32
        %dma_start3A_26 = tpu.memref_slice %arg9[%mul3A_21, %dma_start3A_25] : memref<10240x128xf32, #tpu.memory_space<vmem_shared>> -> memref<640x128xf32, #tpu.memory_space<vmem_shared>>
        tpu.enqueue_dma source(%dma_start3A_26 : memref<640x128xf32, #tpu.memory_space<vmem_shared>>) target(%dma_start3A_24 : memref<640x128xf32, #tpu.memory_space<hbm>>) target_semaphore(%run_scoped3A : memref<!tpu.dma_semaphore, #tpu.memory_space<semaphore_mem>>)
        %dma_wait3A = arith.constant 0 : i32
        %dma_wait3A_27 = tpu.memref_slice %arg6[%mul3A_23, %dma_wait3A] : memref<10240x128xf32, #tpu.memory_space<hbm>> -> memref<640x128xf32, #tpu.memory_space<hbm>>
        %dma_wait3A_28 = arith.constant 0 : i32
        %dma_wait3A_29 = tpu.memref_slice %arg9[%mul3A_21, %dma_wait3A_28] : memref<10240x128xf32, #tpu.memory_space<vmem_shared>> -> memref<640x128xf32, #tpu.memory_space<vmem_shared>>
        tpu.wait_dma2 semaphore(%run_scoped3A : memref<!tpu.dma_semaphore, #tpu.memory_space<semaphore_mem>>) src(%dma_wait3A_29 : memref<640x128xf32, #tpu.memory_space<vmem_shared>>) dst(%dma_wait3A_27 : memref<640x128xf32, #tpu.memory_space<hbm>>)
        tpu.yield
      }) : () -> ()
    } else {
    }
    return
  }
}

#map = affine_map<(d0, d1) -> (0, 0)>
#map1 = affine_map<(d0, d1) -> (0, 0, 0)>
module attributes {stable_mosaic.version = 14 : i64} {
  func.func @_s1(%arg0: i32, %arg1: i32, %arg2: memref<20000x128xf32, #tpu.memory_space<hbm>>, %arg3: memref<160000x128xi32, #tpu.memory_space<hbm>>, %arg4: memref<32x125x80xi32, #tpu.memory_space<hbm>>, %arg5: memref<16x125x80xi32, #tpu.memory_space<hbm>>, %arg6: memref<10240x128xf32, #tpu.memory_space<hbm>>, %arg7: memref<10240x128xf32, #tpu.memory_space<hbm>>, %arg8: memref<10240x128xf32, #tpu.memory_space<hbm>>, %arg9: memref<2x80xi32, #tpu.memory_space<vmem>>, %arg10: memref<2x80xi32, #tpu.memory_space<vmem>>, %arg11: memref<2x80x128xi32, #tpu.memory_space<vmem>>, %arg12: memref<2x80x128xf32, #tpu.memory_space<vmem>>, %arg13: memref<10240x128xf32, #tpu.memory_space<vmem_shared>>, %arg14: memref<!tpu.dma_semaphore, #tpu.memory_space<semaphore_mem>>, %arg15: memref<!tpu.dma_semaphore, #tpu.memory_space<semaphore_mem>>, %arg16: memref<!tpu.dma_semaphore, #tpu.memory_space<semaphore_mem>>, %arg17: memref<!tpu.dma_semaphore, #tpu.memory_space<semaphore_mem>>, %arg18: memref<!tpu.dma_semaphore, #tpu.memory_space<semaphore_mem>>, %arg19: memref<!tpu.dma_semaphore, #tpu.memory_space<semaphore_mem>>, %arg20: memref<!tpu.dma_semaphore, #tpu.memory_space<semaphore_mem>>, %arg21: memref<!tpu.dma_semaphore, #tpu.memory_space<semaphore_mem>>) attributes {dimension_semantics = [#tpu.dimension_semantics<core_parallel>, #tpu.dimension_semantics<subcore_parallel>], iteration_bounds = array<i64: 2, 16>, scalar_prefetch = 0 : i64, scratch_operands = 13 : i64, tpu.core_type = #tpu.core_type<sc_vector_subcore>, window_params = [{transform_indices = #map}, {transform_indices = #map}, {transform_indices = #map1}, {transform_indices = #map1}, {transform_indices = #map}, {transform_indices = #map}, {transform_indices = #map}]} {
    %mul3A = arith.constant 16 : i32
    %mul3A_0 = arith.muli %arg0, %mul3A : i32
    %add3A = arith.addi %mul3A_0, %arg1 : i32
    %mul3A_1 = arith.constant 640 : i32
    %mul3A_2 = arith.muli %arg1, %mul3A_1 : i32
    %mul3A_3 = arith.constant 640 : i32
    %mul3A_4 = arith.muli %arg1, %mul3A_3 : i32
    "tpu.region"() ({
      %run_scoped3A_100 = tpu.sem_alloc : memref<!tpu.dma_semaphore, #tpu.memory_space<semaphore_mem>>
      %dma_start3A_101 = arith.constant 0 : i32
      %dma_start3A_102 = tpu.memref_slice %arg13[%mul3A_4, %dma_start3A_101] : memref<10240x128xf32, #tpu.memory_space<vmem_shared>> -> memref<640x128xf32, #tpu.memory_space<vmem_shared>>
      %dma_start3A_103 = arith.constant 0 : i32
      %dma_start3A_104 = tpu.memref_slice %arg6[%mul3A_2, %dma_start3A_103] : memref<10240x128xf32, #tpu.memory_space<hbm>> -> memref<640x128xf32, #tpu.memory_space<hbm>>
      tpu.enqueue_dma source(%dma_start3A_104 : memref<640x128xf32, #tpu.memory_space<hbm>>) target(%dma_start3A_102 : memref<640x128xf32, #tpu.memory_space<vmem_shared>>) target_semaphore(%run_scoped3A_100 : memref<!tpu.dma_semaphore, #tpu.memory_space<semaphore_mem>>)
      %dma_wait3A = arith.constant 0 : i32
      %dma_wait3A_105 = tpu.memref_slice %arg13[%mul3A_4, %dma_wait3A] : memref<10240x128xf32, #tpu.memory_space<vmem_shared>> -> memref<640x128xf32, #tpu.memory_space<vmem_shared>>
      %dma_wait3A_106 = arith.constant 0 : i32
      %dma_wait3A_107 = tpu.memref_slice %arg6[%mul3A_2, %dma_wait3A_106] : memref<10240x128xf32, #tpu.memory_space<hbm>> -> memref<640x128xf32, #tpu.memory_space<hbm>>
      tpu.wait_dma2 semaphore(%run_scoped3A_100 : memref<!tpu.dma_semaphore, #tpu.memory_space<semaphore_mem>>) src(%dma_wait3A_107 : memref<640x128xf32, #tpu.memory_space<hbm>>) dst(%dma_wait3A_105 : memref<640x128xf32, #tpu.memory_space<vmem_shared>>)
      tpu.yield
    }) : () -> ()
    %barrier3A = arith.constant 0 : index
    tpu.barrier barrier_id(%barrier3A)
    %mul3A_5 = arith.constant 160000 : i32
    %mul3A_6 = arith.muli %arg0, %mul3A_5 : i32
    %mul3A_7 = arith.constant 10000 : i32
    %mul3A_8 = arith.muli %arg1, %mul3A_7 : i32
    %add3A_9 = arith.addi %mul3A_6, %mul3A_8 : i32
    %mul3A_10 = arith.constant 10000 : i32
    %mul3A_11 = arith.muli %arg1, %mul3A_10 : i32
    %sub3A = arith.constant 1 : i32
    %sub3A_12 = arith.subi %sub3A, %arg0 : i32
    %mul3A_13 = arith.constant 16 : i32
    %mul3A_14 = arith.muli %mul3A_13, %sub3A_12 : i32
    %run_scoped3A = arith.constant 0 : i32
    %run_scoped3A_15 = arith.constant 0 : i32
    "tpu.region"() ({
      %run_scoped3A_100 = tpu.sem_alloc : memref<!tpu.dma_semaphore, #tpu.memory_space<semaphore_mem>>
      %dma_start3A_101 = arith.constant 0 : i32
      %dma_start3A_102 = tpu.memref_slice %arg9[%run_scoped3A_15, %dma_start3A_101] : memref<2x80xi32, #tpu.memory_space<vmem>> -> memref<1x80xi32, #tpu.memory_space<vmem>>
      %dma_start3A_103 = tpu.memref_squeeze %dma_start3A_102 : memref<1x80xi32, #tpu.memory_space<vmem>> -> memref<80xi32, #tpu.memory_space<vmem>>
      %dma_start3A_104 = arith.constant 0 : i32
      %dma_start3A_105 = tpu.memref_slice %arg4[%add3A, %run_scoped3A, %dma_start3A_104] : memref<32x125x80xi32, #tpu.memory_space<hbm>> -> memref<1x1x80xi32, #tpu.memory_space<hbm>>
      %dma_start3A_106 = tpu.memref_squeeze %dma_start3A_105 : memref<1x1x80xi32, #tpu.memory_space<hbm>> -> memref<80xi32, #tpu.memory_space<hbm>>
      %dma_start3A_107 = arith.constant 0 : i32
      %dma_start3A_108 = tpu.memref_slice %arg9[%run_scoped3A_15, %dma_start3A_107] : memref<2x80xi32, #tpu.memory_space<vmem>> -> memref<1x80xi32, #tpu.memory_space<vmem>>
      %dma_start3A_109 = tpu.memref_squeeze %dma_start3A_108 : memref<1x80xi32, #tpu.memory_space<vmem>> -> memref<80xi32, #tpu.memory_space<vmem>>
      %dma_start3A_110 = arith.constant 0 : i32
      %dma_start3A_111 = tpu.memref_slice %arg4[%add3A, %run_scoped3A, %dma_start3A_110] : memref<32x125x80xi32, #tpu.memory_space<hbm>> -> memref<1x1x80xi32, #tpu.memory_space<hbm>>
      %dma_start3A_112 = tpu.memref_squeeze %dma_start3A_111 : memref<1x1x80xi32, #tpu.memory_space<hbm>> -> memref<80xi32, #tpu.memory_space<hbm>>
      tpu.enqueue_dma source(%dma_start3A_112 : memref<80xi32, #tpu.memory_space<hbm>>) target(%dma_start3A_109 : memref<80xi32, #tpu.memory_space<vmem>>) target_semaphore(%run_scoped3A_100 : memref<!tpu.dma_semaphore, #tpu.memory_space<semaphore_mem>>)
      %dma_wait3A = arith.constant 0 : i32
      %dma_wait3A_113 = tpu.memref_slice %arg9[%run_scoped3A_15, %dma_wait3A] : memref<2x80xi32, #tpu.memory_space<vmem>> -> memref<1x80xi32, #tpu.memory_space<vmem>>
      %dma_wait3A_114 = tpu.memref_squeeze %dma_wait3A_113 : memref<1x80xi32, #tpu.memory_space<vmem>> -> memref<80xi32, #tpu.memory_space<vmem>>
      %dma_wait3A_115 = arith.constant 0 : i32
      %dma_wait3A_116 = tpu.memref_slice %arg4[%add3A, %run_scoped3A, %dma_wait3A_115] : memref<32x125x80xi32, #tpu.memory_space<hbm>> -> memref<1x1x80xi32, #tpu.memory_space<hbm>>
      %dma_wait3A_117 = tpu.memref_squeeze %dma_wait3A_116 : memref<1x1x80xi32, #tpu.memory_space<hbm>> -> memref<80xi32, #tpu.memory_space<hbm>>
      %dma_wait3A_118 = arith.constant 0 : i32
      %dma_wait3A_119 = tpu.memref_slice %arg9[%run_scoped3A_15, %dma_wait3A_118] : memref<2x80xi32, #tpu.memory_space<vmem>> -> memref<1x80xi32, #tpu.memory_space<vmem>>
      %dma_wait3A_120 = tpu.memref_squeeze %dma_wait3A_119 : memref<1x80xi32, #tpu.memory_space<vmem>> -> memref<80xi32, #tpu.memory_space<vmem>>
      %dma_wait3A_121 = arith.constant 0 : i32
      %dma_wait3A_122 = tpu.memref_slice %arg4[%add3A, %run_scoped3A, %dma_wait3A_121] : memref<32x125x80xi32, #tpu.memory_space<hbm>> -> memref<1x1x80xi32, #tpu.memory_space<hbm>>
      %dma_wait3A_123 = tpu.memref_squeeze %dma_wait3A_122 : memref<1x1x80xi32, #tpu.memory_space<hbm>> -> memref<80xi32, #tpu.memory_space<hbm>>
      tpu.wait_dma2 semaphore(%run_scoped3A_100 : memref<!tpu.dma_semaphore, #tpu.memory_space<semaphore_mem>>) src(%dma_wait3A_123 : memref<80xi32, #tpu.memory_space<hbm>>) dst(%dma_wait3A_120 : memref<80xi32, #tpu.memory_space<vmem>>)
      tpu.yield
    }) : () -> ()
    %run_scoped3A_16 = arith.constant 0 : i32
    %run_scoped3A_17 = arith.constant 0 : i32
    "tpu.region"() ({
      %run_scoped3A_100 = tpu.sem_alloc : memref<!tpu.dma_semaphore, #tpu.memory_space<semaphore_mem>>
      %dma_start3A_101 = arith.constant 0 : i32
      %dma_start3A_102 = tpu.memref_slice %arg10[%run_scoped3A_17, %dma_start3A_101] : memref<2x80xi32, #tpu.memory_space<vmem>> -> memref<1x80xi32, #tpu.memory_space<vmem>>
      %dma_start3A_103 = tpu.memref_squeeze %dma_start3A_102 : memref<1x80xi32, #tpu.memory_space<vmem>> -> memref<80xi32, #tpu.memory_space<vmem>>
      %dma_start3A_104 = arith.constant 0 : i32
      %dma_start3A_105 = tpu.memref_slice %arg5[%arg1, %run_scoped3A_16, %dma_start3A_104] : memref<16x125x80xi32, #tpu.memory_space<hbm>> -> memref<1x1x80xi32, #tpu.memory_space<hbm>>
      %dma_start3A_106 = tpu.memref_squeeze %dma_start3A_105 : memref<1x1x80xi32, #tpu.memory_space<hbm>> -> memref<80xi32, #tpu.memory_space<hbm>>
      %dma_start3A_107 = arith.constant 0 : i32
      %dma_start3A_108 = tpu.memref_slice %arg10[%run_scoped3A_17, %dma_start3A_107] : memref<2x80xi32, #tpu.memory_space<vmem>> -> memref<1x80xi32, #tpu.memory_space<vmem>>
      %dma_start3A_109 = tpu.memref_squeeze %dma_start3A_108 : memref<1x80xi32, #tpu.memory_space<vmem>> -> memref<80xi32, #tpu.memory_space<vmem>>
      %dma_start3A_110 = arith.constant 0 : i32
      %dma_start3A_111 = tpu.memref_slice %arg5[%arg1, %run_scoped3A_16, %dma_start3A_110] : memref<16x125x80xi32, #tpu.memory_space<hbm>> -> memref<1x1x80xi32, #tpu.memory_space<hbm>>
      %dma_start3A_112 = tpu.memref_squeeze %dma_start3A_111 : memref<1x1x80xi32, #tpu.memory_space<hbm>> -> memref<80xi32, #tpu.memory_space<hbm>>
      tpu.enqueue_dma source(%dma_start3A_112 : memref<80xi32, #tpu.memory_space<hbm>>) target(%dma_start3A_109 : memref<80xi32, #tpu.memory_space<vmem>>) target_semaphore(%run_scoped3A_100 : memref<!tpu.dma_semaphore, #tpu.memory_space<semaphore_mem>>)
      %dma_wait3A = arith.constant 0 : i32
      %dma_wait3A_113 = tpu.memref_slice %arg10[%run_scoped3A_17, %dma_wait3A] : memref<2x80xi32, #tpu.memory_space<vmem>> -> memref<1x80xi32, #tpu.memory_space<vmem>>
      %dma_wait3A_114 = tpu.memref_squeeze %dma_wait3A_113 : memref<1x80xi32, #tpu.memory_space<vmem>> -> memref<80xi32, #tpu.memory_space<vmem>>
      %dma_wait3A_115 = arith.constant 0 : i32
      %dma_wait3A_116 = tpu.memref_slice %arg5[%arg1, %run_scoped3A_16, %dma_wait3A_115] : memref<16x125x80xi32, #tpu.memory_space<hbm>> -> memref<1x1x80xi32, #tpu.memory_space<hbm>>
      %dma_wait3A_117 = tpu.memref_squeeze %dma_wait3A_116 : memref<1x1x80xi32, #tpu.memory_space<hbm>> -> memref<80xi32, #tpu.memory_space<hbm>>
      %dma_wait3A_118 = arith.constant 0 : i32
      %dma_wait3A_119 = tpu.memref_slice %arg10[%run_scoped3A_17, %dma_wait3A_118] : memref<2x80xi32, #tpu.memory_space<vmem>> -> memref<1x80xi32, #tpu.memory_space<vmem>>
      %dma_wait3A_120 = tpu.memref_squeeze %dma_wait3A_119 : memref<1x80xi32, #tpu.memory_space<vmem>> -> memref<80xi32, #tpu.memory_space<vmem>>
      %dma_wait3A_121 = arith.constant 0 : i32
      %dma_wait3A_122 = tpu.memref_slice %arg5[%arg1, %run_scoped3A_16, %dma_wait3A_121] : memref<16x125x80xi32, #tpu.memory_space<hbm>> -> memref<1x1x80xi32, #tpu.memory_space<hbm>>
      %dma_wait3A_123 = tpu.memref_squeeze %dma_wait3A_122 : memref<1x1x80xi32, #tpu.memory_space<hbm>> -> memref<80xi32, #tpu.memory_space<hbm>>
      tpu.wait_dma2 semaphore(%run_scoped3A_100 : memref<!tpu.dma_semaphore, #tpu.memory_space<semaphore_mem>>) src(%dma_wait3A_123 : memref<80xi32, #tpu.memory_space<hbm>>) dst(%dma_wait3A_120 : memref<80xi32, #tpu.memory_space<vmem>>)
      tpu.yield
    }) : () -> ()
    %dma_start3A = arith.constant 1 : i32
    %dma_start3A_18 = arith.constant 1 : i32
    %dma_start3A_19 = arith.constant 0 : i32
    %dma_start3A_20 = tpu.memref_slice %arg9[%dma_start3A_18, %dma_start3A_19] : memref<2x80xi32, #tpu.memory_space<vmem>> -> memref<1x80xi32, #tpu.memory_space<vmem>>
    %dma_start3A_21 = tpu.memref_squeeze %dma_start3A_20 : memref<1x80xi32, #tpu.memory_space<vmem>> -> memref<80xi32, #tpu.memory_space<vmem>>
    %dma_start3A_22 = arith.constant 0 : i32
    %dma_start3A_23 = tpu.memref_slice %arg4[%add3A, %dma_start3A, %dma_start3A_22] : memref<32x125x80xi32, #tpu.memory_space<hbm>> -> memref<1x1x80xi32, #tpu.memory_space<hbm>>
    %dma_start3A_24 = tpu.memref_squeeze %dma_start3A_23 : memref<1x1x80xi32, #tpu.memory_space<hbm>> -> memref<80xi32, #tpu.memory_space<hbm>>
    %dma_start3A_25 = arith.constant 0 : i32
    %dma_start3A_26 = tpu.memref_slice %arg9[%dma_start3A_18, %dma_start3A_25] : memref<2x80xi32, #tpu.memory_space<vmem>> -> memref<1x80xi32, #tpu.memory_space<vmem>>
    %dma_start3A_27 = tpu.memref_squeeze %dma_start3A_26 : memref<1x80xi32, #tpu.memory_space<vmem>> -> memref<80xi32, #tpu.memory_space<vmem>>
    %dma_start3A_28 = arith.constant 0 : i32
    %dma_start3A_29 = tpu.memref_slice %arg4[%add3A, %dma_start3A, %dma_start3A_28] : memref<32x125x80xi32, #tpu.memory_space<hbm>> -> memref<1x1x80xi32, #tpu.memory_space<hbm>>
    %dma_start3A_30 = tpu.memref_squeeze %dma_start3A_29 : memref<1x1x80xi32, #tpu.memory_space<hbm>> -> memref<80xi32, #tpu.memory_space<hbm>>
    tpu.enqueue_dma source(%dma_start3A_30 : memref<80xi32, #tpu.memory_space<hbm>>) target(%dma_start3A_27 : memref<80xi32, #tpu.memory_space<vmem>>) target_semaphore(%arg19 : memref<!tpu.dma_semaphore, #tpu.memory_space<semaphore_mem>>)
    %dma_start3A_31 = arith.constant 1 : i32
    %dma_start3A_32 = arith.constant 1 : i32
    %dma_start3A_33 = arith.constant 0 : i32
    %dma_start3A_34 = tpu.memref_slice %arg10[%dma_start3A_32, %dma_start3A_33] : memref<2x80xi32, #tpu.memory_space<vmem>> -> memref<1x80xi32, #tpu.memory_space<vmem>>
    %dma_start3A_35 = tpu.memref_squeeze %dma_start3A_34 : memref<1x80xi32, #tpu.memory_space<vmem>> -> memref<80xi32, #tpu.memory_space<vmem>>
    %dma_start3A_36 = arith.constant 0 : i32
    %dma_start3A_37 = tpu.memref_slice %arg5[%arg1, %dma_start3A_31, %dma_start3A_36] : memref<16x125x80xi32, #tpu.memory_space<hbm>> -> memref<1x1x80xi32, #tpu.memory_space<hbm>>
    %dma_start3A_38 = tpu.memref_squeeze %dma_start3A_37 : memref<1x1x80xi32, #tpu.memory_space<hbm>> -> memref<80xi32, #tpu.memory_space<hbm>>
    %dma_start3A_39 = arith.constant 0 : i32
    %dma_start3A_40 = tpu.memref_slice %arg10[%dma_start3A_32, %dma_start3A_39] : memref<2x80xi32, #tpu.memory_space<vmem>> -> memref<1x80xi32, #tpu.memory_space<vmem>>
    %dma_start3A_41 = tpu.memref_squeeze %dma_start3A_40 : memref<1x80xi32, #tpu.memory_space<vmem>> -> memref<80xi32, #tpu.memory_space<vmem>>
    %dma_start3A_42 = arith.constant 0 : i32
    %dma_start3A_43 = tpu.memref_slice %arg5[%arg1, %dma_start3A_31, %dma_start3A_42] : memref<16x125x80xi32, #tpu.memory_space<hbm>> -> memref<1x1x80xi32, #tpu.memory_space<hbm>>
    %dma_start3A_44 = tpu.memref_squeeze %dma_start3A_43 : memref<1x1x80xi32, #tpu.memory_space<hbm>> -> memref<80xi32, #tpu.memory_space<hbm>>
    tpu.enqueue_dma source(%dma_start3A_44 : memref<80xi32, #tpu.memory_space<hbm>>) target(%dma_start3A_41 : memref<80xi32, #tpu.memory_space<vmem>>) target_semaphore(%arg21 : memref<!tpu.dma_semaphore, #tpu.memory_space<semaphore_mem>>)
    %dma_start3A_45 = arith.constant 0 : i32
    %dma_start3A_46 = arith.constant 0 : i32
    %dma_start3A_47 = arith.constant 0 : i32
    %dma_start3A_48 = arith.constant 0 : i32
    %dma_start3A_49 = tpu.memref_slice %arg12[%dma_start3A_46, %dma_start3A_47, %dma_start3A_48] : memref<2x80x128xf32, #tpu.memory_space<vmem>> -> memref<1x80x128xf32, #tpu.memory_space<vmem>>
    %dma_start3A_50 = tpu.memref_squeeze %dma_start3A_49 : memref<1x80x128xf32, #tpu.memory_space<vmem>> -> memref<80x128xf32, #tpu.memory_space<vmem>>
    %dma_start3A_51 = arith.constant 0 : i32
    %dma_start3A_52 = tpu.memref_slice %arg9[%dma_start3A_45, %dma_start3A_51] : memref<2x80xi32, #tpu.memory_space<vmem>> -> memref<1x80xi32, #tpu.memory_space<vmem>>
    %dma_start3A_53 = tpu.memref_squeeze %dma_start3A_52 : memref<1x80xi32, #tpu.memory_space<vmem>> -> memref<80xi32, #tpu.memory_space<vmem>>
    %dma_start3A_54 = arith.constant 0 : i32
    %dma_start3A_55 = arith.constant 0 : i32
    %dma_start3A_56 = tpu.memref_slice %arg2[%dma_start3A_54, %dma_start3A_55] : memref<20000x128xf32, #tpu.memory_space<hbm>> -> memref<20000x128xf32, #tpu.memory_space<hbm>>
    tpu.enqueue_indirect_dma source(%dma_start3A_56 : memref<20000x128xf32, #tpu.memory_space<hbm>>) target(%dma_start3A_50 : memref<80x128xf32, #tpu.memory_space<vmem>>) offsets(%dma_start3A_53 : memref<80xi32, #tpu.memory_space<vmem>>) semaphore(%arg16 : memref<!tpu.dma_semaphore, #tpu.memory_space<semaphore_mem>>)
    %add3A_57 = arith.constant 0 : i32
    %add3A_58 = arith.addi %mul3A_11, %add3A_57 : i32
    %dma_start3A_59 = arith.constant 0 : i32
    %dma_start3A_60 = arith.constant 0 : i32
    %dma_start3A_61 = arith.constant 0 : i32
    %dma_start3A_62 = tpu.memref_slice %arg11[%dma_start3A_59, %dma_start3A_60, %dma_start3A_61] : memref<2x80x128xi32, #tpu.memory_space<vmem>> -> memref<1x80x128xi32, #tpu.memory_space<vmem>>
    %dma_start3A_63 = tpu.memref_squeeze %dma_start3A_62 : memref<1x80x128xi32, #tpu.memory_space<vmem>> -> memref<80x128xi32, #tpu.memory_space<vmem>>
    %dma_start3A_64 = arith.constant 0 : i32
    %dma_start3A_65 = tpu.memref_slice %arg3[%add3A_58, %dma_start3A_64] : memref<160000x128xi32, #tpu.memory_space<hbm>> -> memref<80x128xi32, #tpu.memory_space<hbm>>
    %dma_start3A_66 = arith.constant 0 : i32
    %dma_start3A_67 = arith.constant 0 : i32
    %dma_start3A_68 = tpu.memref_slice %arg11[%dma_start3A_59, %dma_start3A_66, %dma_start3A_67] : memref<2x80x128xi32, #tpu.memory_space<vmem>> -> memref<1x80x128xi32, #tpu.memory_space<vmem>>
    %dma_start3A_69 = tpu.memref_squeeze %dma_start3A_68 : memref<1x80x128xi32, #tpu.memory_space<vmem>> -> memref<80x128xi32, #tpu.memory_space<vmem>>
    %dma_start3A_70 = arith.constant 0 : i32
    %dma_start3A_71 = tpu.memref_slice %arg3[%add3A_58, %dma_start3A_70] : memref<160000x128xi32, #tpu.memory_space<hbm>> -> memref<80x128xi32, #tpu.memory_space<hbm>>
    tpu.enqueue_dma source(%dma_start3A_71 : memref<80x128xi32, #tpu.memory_space<hbm>>) target(%dma_start3A_69 : memref<80x128xi32, #tpu.memory_space<vmem>>) target_semaphore(%arg14 : memref<!tpu.dma_semaphore, #tpu.memory_space<semaphore_mem>>)
    %add3A_72 = arith.constant 80 : i32
    %add3A_73 = arith.addi %mul3A_11, %add3A_72 : i32
    %dma_start3A_74 = arith.constant 1 : i32
    %dma_start3A_75 = arith.constant 0 : i32
    %dma_start3A_76 = arith.constant 0 : i32
    %dma_start3A_77 = tpu.memref_slice %arg11[%dma_start3A_74, %dma_start3A_75, %dma_start3A_76] : memref<2x80x128xi32, #tpu.memory_space<vmem>> -> memref<1x80x128xi32, #tpu.memory_space<vmem>>
    %dma_start3A_78 = tpu.memref_squeeze %dma_start3A_77 : memref<1x80x128xi32, #tpu.memory_space<vmem>> -> memref<80x128xi32, #tpu.memory_space<vmem>>
    %dma_start3A_79 = arith.constant 0 : i32
    %dma_start3A_80 = tpu.memref_slice %arg3[%add3A_73, %dma_start3A_79] : memref<160000x128xi32, #tpu.memory_space<hbm>> -> memref<80x128xi32, #tpu.memory_space<hbm>>
    %dma_start3A_81 = arith.constant 0 : i32
    %dma_start3A_82 = arith.constant 0 : i32
    %dma_start3A_83 = tpu.memref_slice %arg11[%dma_start3A_74, %dma_start3A_81, %dma_start3A_82] : memref<2x80x128xi32, #tpu.memory_space<vmem>> -> memref<1x80x128xi32, #tpu.memory_space<vmem>>
    %dma_start3A_84 = tpu.memref_squeeze %dma_start3A_83 : memref<1x80x128xi32, #tpu.memory_space<vmem>> -> memref<80x128xi32, #tpu.memory_space<vmem>>
    %dma_start3A_85 = arith.constant 0 : i32
    %dma_start3A_86 = tpu.memref_slice %arg3[%add3A_73, %dma_start3A_85] : memref<160000x128xi32, #tpu.memory_space<hbm>> -> memref<80x128xi32, #tpu.memory_space<hbm>>
    tpu.enqueue_dma source(%dma_start3A_86 : memref<80x128xi32, #tpu.memory_space<hbm>>) target(%dma_start3A_84 : memref<80x128xi32, #tpu.memory_space<vmem>>) target_semaphore(%arg15 : memref<!tpu.dma_semaphore, #tpu.memory_space<semaphore_mem>>)
    %scan3A = arith.constant 0 : i32
    %scan3A_87 = arith.constant 0 : i32
    %scan3A_88 = arith.constant 125 : i32
    %scan3A_89 = arith.addi %scan3A_87, %scan3A_88 : i32
    %scan3A_90 = arith.constant 1 : i32
    scf.for %scan3A_100 = %scan3A_87 to %scan3A_89 step %scan3A_90  : i32 {
      %jit3A = arith.constant 2 : i32
      %eq3A_101 = arith.constant 0 : i32
      %eq3A_102 = arith.cmpi eq, %jit3A, %eq3A_101 : i32
      %jit3A_103 = arith.constant 1 : i32
      %select_n3A = arith.select %eq3A_102, %jit3A_103, %jit3A : i32
      %rem3A = arith.remsi %scan3A_100, %select_n3A : i32
      %ne3A = arith.constant 0 : i32
      %ne3A_104 = arith.cmpi ne, %rem3A, %ne3A : i32
      %lt3A = arith.constant 0 : i32
      %lt3A_105 = arith.cmpi slt, %rem3A, %lt3A : i32
      %lt3A_106 = arith.constant 0 : i32
      %lt3A_107 = arith.cmpi slt, %select_n3A, %lt3A_106 : i32
      %ne3A_108 = arith.xori %lt3A_105, %lt3A_107 : i1
      %and3A = arith.andi %ne3A_108, %ne3A_104 : i1
      %add3A_109 = arith.addi %rem3A, %select_n3A : i32
      %select_n3A_110 = arith.select %and3A, %add3A_109, %rem3A : i32
      %eq3A_111 = arith.constant 0 : i32
      %eq3A_112 = arith.cmpi eq, %select_n3A_110, %eq3A_111 : i32
      %convert_element_type3A_113 = arith.extui %eq3A_112 : i1 to i32
      %cond3A_114 = arith.constant 0 : i32
      %cond3A_115 = arith.cmpi ne, %convert_element_type3A_113, %cond3A_114 : i32
      scf.if %cond3A_115 {
        %dma_wait3A = arith.constant 0 : i32
        %dma_wait3A_137 = arith.constant 0 : i32
        %dma_wait3A_138 = arith.constant 0 : i32
        %dma_wait3A_139 = arith.constant 0 : i32
        %dma_wait3A_140 = tpu.memref_slice %arg12[%dma_wait3A_137, %dma_wait3A_138, %dma_wait3A_139] : memref<2x80x128xf32, #tpu.memory_space<vmem>> -> memref<1x80x128xf32, #tpu.memory_space<vmem>>
        %dma_wait3A_141 = tpu.memref_squeeze %dma_wait3A_140 : memref<1x80x128xf32, #tpu.memory_space<vmem>> -> memref<80x128xf32, #tpu.memory_space<vmem>>
        %dma_wait3A_142 = arith.constant 0 : i32
        %dma_wait3A_143 = tpu.memref_slice %arg9[%dma_wait3A, %dma_wait3A_142] : memref<2x80xi32, #tpu.memory_space<vmem>> -> memref<1x80xi32, #tpu.memory_space<vmem>>
        %dma_wait3A_144 = tpu.memref_squeeze %dma_wait3A_143 : memref<1x80xi32, #tpu.memory_space<vmem>> -> memref<80xi32, #tpu.memory_space<vmem>>
        %dma_wait3A_145 = arith.constant 0 : i32
        %dma_wait3A_146 = arith.constant 0 : i32
        %dma_wait3A_147 = tpu.memref_slice %arg2[%dma_wait3A_145, %dma_wait3A_146] : memref<20000x128xf32, #tpu.memory_space<hbm>> -> memref<20000x128xf32, #tpu.memory_space<hbm>>
        tpu.wait_indirect_dma semaphore(%arg16 : memref<!tpu.dma_semaphore, #tpu.memory_space<semaphore_mem>>) src(%dma_wait3A_147 : memref<20000x128xf32, #tpu.memory_space<hbm>>) dst(%dma_wait3A_141 : memref<80x128xf32, #tpu.memory_space<vmem>>)
        %mul3A_148 = arith.constant 80 : i32
        %mul3A_149 = arith.muli %scan3A_100, %mul3A_148 : i32
        %add3A_150 = arith.addi %mul3A_11, %mul3A_149 : i32
        %dma_wait3A_151 = arith.constant 0 : i32
        %dma_wait3A_152 = arith.constant 0 : i32
        %dma_wait3A_153 = arith.constant 0 : i32
        %dma_wait3A_154 = tpu.memref_slice %arg11[%dma_wait3A_151, %dma_wait3A_152, %dma_wait3A_153] : memref<2x80x128xi32, #tpu.memory_space<vmem>> -> memref<1x80x128xi32, #tpu.memory_space<vmem>>
        %dma_wait3A_155 = tpu.memref_squeeze %dma_wait3A_154 : memref<1x80x128xi32, #tpu.memory_space<vmem>> -> memref<80x128xi32, #tpu.memory_space<vmem>>
        %dma_wait3A_156 = arith.constant 0 : i32
        %dma_wait3A_157 = tpu.memref_slice %arg3[%add3A_150, %dma_wait3A_156] : memref<160000x128xi32, #tpu.memory_space<hbm>> -> memref<80x128xi32, #tpu.memory_space<hbm>>
        %dma_wait3A_158 = arith.constant 0 : i32
        %dma_wait3A_159 = arith.constant 0 : i32
        %dma_wait3A_160 = tpu.memref_slice %arg11[%dma_wait3A_151, %dma_wait3A_158, %dma_wait3A_159] : memref<2x80x128xi32, #tpu.memory_space<vmem>> -> memref<1x80x128xi32, #tpu.memory_space<vmem>>
        %dma_wait3A_161 = tpu.memref_squeeze %dma_wait3A_160 : memref<1x80x128xi32, #tpu.memory_space<vmem>> -> memref<80x128xi32, #tpu.memory_space<vmem>>
        %dma_wait3A_162 = arith.constant 0 : i32
        %dma_wait3A_163 = tpu.memref_slice %arg3[%add3A_150, %dma_wait3A_162] : memref<160000x128xi32, #tpu.memory_space<hbm>> -> memref<80x128xi32, #tpu.memory_space<hbm>>
        tpu.wait_dma2 semaphore(%arg14 : memref<!tpu.dma_semaphore, #tpu.memory_space<semaphore_mem>>) src(%dma_wait3A_163 : memref<80x128xi32, #tpu.memory_space<hbm>>) dst(%dma_wait3A_161 : memref<80x128xi32, #tpu.memory_space<vmem>>)
        %scan3A_164 = arith.constant 0 : i32
        %scan3A_165 = arith.constant 0 : i32
        %scan3A_166 = arith.constant 80 : i32
        %scan3A_167 = arith.addi %scan3A_165, %scan3A_166 : i32
        %scan3A_168 = arith.constant 1 : i32
        scf.for %scan3A_190 = %scan3A_165 to %scan3A_167 step %scan3A_168  : i32 {
          %get3A = arith.constant 0 : i32
          %get3A_191 = arith.index_cast %get3A : i32 to index
          %get3A_192 = arith.index_cast %scan3A_190 : i32 to index
          %get3A_193 = arith.constant 0 : index
          %get3A_194 = tpu.vector_load %arg11[%get3A_191, %get3A_192, %get3A_193] {strides = array<i32>} : memref<2x80x128xi32, #tpu.memory_space<vmem>>, vector<1x1x16xi32>,
          %get3A_195 = vector.shape_cast %get3A_194 : vector<1x1x16xi32> to vector<16xi32>
          %shift_left3A = vector.broadcast %mul3A_14 : i32 to vector<16xi32>
          %shift_left3A_196 = arith.shli %get3A_195, %shift_left3A : vector<16xi32>
          %and3A_197 = arith.constant -65536 : i32
          %and3A_198 = vector.broadcast %and3A_197 : i32 to vector<16xi32>
          %and3A_199 = arith.andi %shift_left3A_196, %and3A_198 : vector<16xi32>
          %bitcast_convert_type3A = tpu.bitcast %and3A_199 : vector<16xi32> -> vector<16xf32>
          %get3A_200 = arith.constant 0 : i32
          %get3A_201 = arith.index_cast %get3A_200 : i32 to index
          %get3A_202 = arith.index_cast %scan3A_190 : i32 to index
          %get3A_203 = arith.constant 0 : index
          %get3A_204 = tpu.vector_load %arg12[%get3A_201, %get3A_202, %get3A_203] {strides = array<i32>} : memref<2x80x128xf32, #tpu.memory_space<vmem>>, vector<1x1x16xf32>,
          %get3A_205 = vector.shape_cast %get3A_204 : vector<1x1x16xf32> to vector<16xf32>
          %add3A_206 = arith.addf %get3A_205, %bitcast_convert_type3A : vector<16xf32>
          %max3A = arith.constant 0.000000e+00 : f32
          %max3A_207 = vector.broadcast %max3A : f32 to vector<16xf32>
          %max3A_208 = arith.maximumf %add3A_206, %max3A_207 : vector<16xf32>
          %swap3A = arith.constant 0 : i32
          %swap3A_209 = arith.index_cast %swap3A : i32 to index
          %swap3A_210 = arith.index_cast %scan3A_190 : i32 to index
          %swap3A_211 = arith.constant 0 : index
          %swap3A_212 = tpu.vector_load %arg12[%swap3A_209, %swap3A_210, %swap3A_211] {strides = array<i32>} : memref<2x80x128xf32, #tpu.memory_space<vmem>>, vector<1x1x16xf32>,
          %swap3A_213 = vector.shape_cast %swap3A_212 : vector<1x1x16xf32> to vector<16xf32>
          %swap3A_214 = vector.shape_cast %max3A_208 : vector<16xf32> to vector<1x1x16xf32>
          tpu.vector_store %arg12[%swap3A_209, %swap3A_210, %swap3A_211], %swap3A_214 {strides = array<i32>} : memref<2x80x128xf32, #tpu.memory_space<vmem>>, vector<1x1x16xf32>,
          %get3A_215 = arith.constant 0 : i32
          %get3A_216 = arith.index_cast %get3A_215 : i32 to index
          %get3A_217 = arith.index_cast %scan3A_190 : i32 to index
          %get3A_218 = arith.constant 16 : index
          %get3A_219 = tpu.vector_load %arg11[%get3A_216, %get3A_217, %get3A_218] {strides = array<i32>} : memref<2x80x128xi32, #tpu.memory_space<vmem>>, vector<1x1x16xi32>,
          %get3A_220 = vector.shape_cast %get3A_219 : vector<1x1x16xi32> to vector<16xi32>
          %shift_left3A_221 = vector.broadcast %mul3A_14 : i32 to vector<16xi32>
          %shift_left3A_222 = arith.shli %get3A_220, %shift_left3A_221 : vector<16xi32>
          %and3A_223 = arith.constant -65536 : i32
          %and3A_224 = vector.broadcast %and3A_223 : i32 to vector<16xi32>
          %and3A_225 = arith.andi %shift_left3A_222, %and3A_224 : vector<16xi32>
          %bitcast_convert_type3A_226 = tpu.bitcast %and3A_225 : vector<16xi32> -> vector<16xf32>
          %get3A_227 = arith.constant 0 : i32
          %get3A_228 = arith.index_cast %get3A_227 : i32 to index
          %get3A_229 = arith.index_cast %scan3A_190 : i32 to index
          %get3A_230 = arith.constant 16 : index
          %get3A_231 = tpu.vector_load %arg12[%get3A_228, %get3A_229, %get3A_230] {strides = array<i32>} : memref<2x80x128xf32, #tpu.memory_space<vmem>>, vector<1x1x16xf32>,
          %get3A_232 = vector.shape_cast %get3A_231 : vector<1x1x16xf32> to vector<16xf32>
          %add3A_233 = arith.addf %get3A_232, %bitcast_convert_type3A_226 : vector<16xf32>
          %max3A_234 = arith.constant 0.000000e+00 : f32
          %max3A_235 = vector.broadcast %max3A_234 : f32 to vector<16xf32>
          %max3A_236 = arith.maximumf %add3A_233, %max3A_235 : vector<16xf32>
          %swap3A_237 = arith.constant 0 : i32
          %swap3A_238 = arith.index_cast %swap3A_237 : i32 to index
          %swap3A_239 = arith.index_cast %scan3A_190 : i32 to index
          %swap3A_240 = arith.constant 16 : index
          %swap3A_241 = tpu.vector_load %arg12[%swap3A_238, %swap3A_239, %swap3A_240] {strides = array<i32>} : memref<2x80x128xf32, #tpu.memory_space<vmem>>, vector<1x1x16xf32>,
          %swap3A_242 = vector.shape_cast %swap3A_241 : vector<1x1x16xf32> to vector<16xf32>
          %swap3A_243 = vector.shape_cast %max3A_236 : vector<16xf32> to vector<1x1x16xf32>
          tpu.vector_store %arg12[%swap3A_238, %swap3A_239, %swap3A_240], %swap3A_243 {strides = array<i32>} : memref<2x80x128xf32, #tpu.memory_space<vmem>>, vector<1x1x16xf32>,
          %get3A_244 = arith.constant 0 : i32
          %get3A_245 = arith.index_cast %get3A_244 : i32 to index
          %get3A_246 = arith.index_cast %scan3A_190 : i32 to index
          %get3A_247 = arith.constant 32 : index
          %get3A_248 = tpu.vector_load %arg11[%get3A_245, %get3A_246, %get3A_247] {strides = array<i32>} : memref<2x80x128xi32, #tpu.memory_space<vmem>>, vector<1x1x16xi32>,
          %get3A_249 = vector.shape_cast %get3A_248 : vector<1x1x16xi32> to vector<16xi32>
          %shift_left3A_250 = vector.broadcast %mul3A_14 : i32 to vector<16xi32>
          %shift_left3A_251 = arith.shli %get3A_249, %shift_left3A_250 : vector<16xi32>
          %and3A_252 = arith.constant -65536 : i32
          %and3A_253 = vector.broadcast %and3A_252 : i32 to vector<16xi32>
          %and3A_254 = arith.andi %shift_left3A_251, %and3A_253 : vector<16xi32>
          %bitcast_convert_type3A_255 = tpu.bitcast %and3A_254 : vector<16xi32> -> vector<16xf32>
          %get3A_256 = arith.constant 0 : i32
          %get3A_257 = arith.index_cast %get3A_256 : i32 to index
          %get3A_258 = arith.index_cast %scan3A_190 : i32 to index
          %get3A_259 = arith.constant 32 : index
          %get3A_260 = tpu.vector_load %arg12[%get3A_257, %get3A_258, %get3A_259] {strides = array<i32>} : memref<2x80x128xf32, #tpu.memory_space<vmem>>, vector<1x1x16xf32>,
          %get3A_261 = vector.shape_cast %get3A_260 : vector<1x1x16xf32> to vector<16xf32>
          %add3A_262 = arith.addf %get3A_261, %bitcast_convert_type3A_255 : vector<16xf32>
          %max3A_263 = arith.constant 0.000000e+00 : f32
          %max3A_264 = vector.broadcast %max3A_263 : f32 to vector<16xf32>
          %max3A_265 = arith.maximumf %add3A_262, %max3A_264 : vector<16xf32>
          %swap3A_266 = arith.constant 0 : i32
          %swap3A_267 = arith.index_cast %swap3A_266 : i32 to index
          %swap3A_268 = arith.index_cast %scan3A_190 : i32 to index
          %swap3A_269 = arith.constant 32 : index
          %swap3A_270 = tpu.vector_load %arg12[%swap3A_267, %swap3A_268, %swap3A_269] {strides = array<i32>} : memref<2x80x128xf32, #tpu.memory_space<vmem>>, vector<1x1x16xf32>,
          %swap3A_271 = vector.shape_cast %swap3A_270 : vector<1x1x16xf32> to vector<16xf32>
          %swap3A_272 = vector.shape_cast %max3A_265 : vector<16xf32> to vector<1x1x16xf32>
          tpu.vector_store %arg12[%swap3A_267, %swap3A_268, %swap3A_269], %swap3A_272 {strides = array<i32>} : memref<2x80x128xf32, #tpu.memory_space<vmem>>, vector<1x1x16xf32>,
          %get3A_273 = arith.constant 0 : i32
          %get3A_274 = arith.index_cast %get3A_273 : i32 to index
          %get3A_275 = arith.index_cast %scan3A_190 : i32 to index
          %get3A_276 = arith.constant 48 : index
          %get3A_277 = tpu.vector_load %arg11[%get3A_274, %get3A_275, %get3A_276] {strides = array<i32>} : memref<2x80x128xi32, #tpu.memory_space<vmem>>, vector<1x1x16xi32>,
          %get3A_278 = vector.shape_cast %get3A_277 : vector<1x1x16xi32> to vector<16xi32>
          %shift_left3A_279 = vector.broadcast %mul3A_14 : i32 to vector<16xi32>
          %shift_left3A_280 = arith.shli %get3A_278, %shift_left3A_279 : vector<16xi32>
          %and3A_281 = arith.constant -65536 : i32
          %and3A_282 = vector.broadcast %and3A_281 : i32 to vector<16xi32>
          %and3A_283 = arith.andi %shift_left3A_280, %and3A_282 : vector<16xi32>
          %bitcast_convert_type3A_284 = tpu.bitcast %and3A_283 : vector<16xi32> -> vector<16xf32>
          %get3A_285 = arith.constant 0 : i32
          %get3A_286 = arith.index_cast %get3A_285 : i32 to index
          %get3A_287 = arith.index_cast %scan3A_190 : i32 to index
          %get3A_288 = arith.constant 48 : index
          %get3A_289 = tpu.vector_load %arg12[%get3A_286, %get3A_287, %get3A_288] {strides = array<i32>} : memref<2x80x128xf32, #tpu.memory_space<vmem>>, vector<1x1x16xf32>,
          %get3A_290 = vector.shape_cast %get3A_289 : vector<1x1x16xf32> to vector<16xf32>
          %add3A_291 = arith.addf %get3A_290, %bitcast_convert_type3A_284 : vector<16xf32>
          %max3A_292 = arith.constant 0.000000e+00 : f32
          %max3A_293 = vector.broadcast %max3A_292 : f32 to vector<16xf32>
          %max3A_294 = arith.maximumf %add3A_291, %max3A_293 : vector<16xf32>
          %swap3A_295 = arith.constant 0 : i32
          %swap3A_296 = arith.index_cast %swap3A_295 : i32 to index
          %swap3A_297 = arith.index_cast %scan3A_190 : i32 to index
          %swap3A_298 = arith.constant 48 : index
          %swap3A_299 = tpu.vector_load %arg12[%swap3A_296, %swap3A_297, %swap3A_298] {strides = array<i32>} : memref<2x80x128xf32, #tpu.memory_space<vmem>>, vector<1x1x16xf32>,
          %swap3A_300 = vector.shape_cast %swap3A_299 : vector<1x1x16xf32> to vector<16xf32>
          %swap3A_301 = vector.shape_cast %max3A_294 : vector<16xf32> to vector<1x1x16xf32>
          tpu.vector_store %arg12[%swap3A_296, %swap3A_297, %swap3A_298], %swap3A_301 {strides = array<i32>} : memref<2x80x128xf32, #tpu.memory_space<vmem>>, vector<1x1x16xf32>,
          %get3A_302 = arith.constant 0 : i32
          %get3A_303 = arith.index_cast %get3A_302 : i32 to index
          %get3A_304 = arith.index_cast %scan3A_190 : i32 to index
          %get3A_305 = arith.constant 64 : index
          %get3A_306 = tpu.vector_load %arg11[%get3A_303, %get3A_304, %get3A_305] {strides = array<i32>} : memref<2x80x128xi32, #tpu.memory_space<vmem>>, vector<1x1x16xi32>,
          %get3A_307 = vector.shape_cast %get3A_306 : vector<1x1x16xi32> to vector<16xi32>
          %shift_left3A_308 = vector.broadcast %mul3A_14 : i32 to vector<16xi32>
          %shift_left3A_309 = arith.shli %get3A_307, %shift_left3A_308 : vector<16xi32>
          %and3A_310 = arith.constant -65536 : i32
          %and3A_311 = vector.broadcast %and3A_310 : i32 to vector<16xi32>
          %and3A_312 = arith.andi %shift_left3A_309, %and3A_311 : vector<16xi32>
          %bitcast_convert_type3A_313 = tpu.bitcast %and3A_312 : vector<16xi32> -> vector<16xf32>
          %get3A_314 = arith.constant 0 : i32
          %get3A_315 = arith.index_cast %get3A_314 : i32 to index
          %get3A_316 = arith.index_cast %scan3A_190 : i32 to index
          %get3A_317 = arith.constant 64 : index
          %get3A_318 = tpu.vector_load %arg12[%get3A_315, %get3A_316, %get3A_317] {strides = array<i32>} : memref<2x80x128xf32, #tpu.memory_space<vmem>>, vector<1x1x16xf32>,
          %get3A_319 = vector.shape_cast %get3A_318 : vector<1x1x16xf32> to vector<16xf32>
          %add3A_320 = arith.addf %get3A_319, %bitcast_convert_type3A_313 : vector<16xf32>
          %max3A_321 = arith.constant 0.000000e+00 : f32
          %max3A_322 = vector.broadcast %max3A_321 : f32 to vector<16xf32>
          %max3A_323 = arith.maximumf %add3A_320, %max3A_322 : vector<16xf32>
          %swap3A_324 = arith.constant 0 : i32
          %swap3A_325 = arith.index_cast %swap3A_324 : i32 to index
          %swap3A_326 = arith.index_cast %scan3A_190 : i32 to index
          %swap3A_327 = arith.constant 64 : index
          %swap3A_328 = tpu.vector_load %arg12[%swap3A_325, %swap3A_326, %swap3A_327] {strides = array<i32>} : memref<2x80x128xf32, #tpu.memory_space<vmem>>, vector<1x1x16xf32>,
          %swap3A_329 = vector.shape_cast %swap3A_328 : vector<1x1x16xf32> to vector<16xf32>
          %swap3A_330 = vector.shape_cast %max3A_323 : vector<16xf32> to vector<1x1x16xf32>
          tpu.vector_store %arg12[%swap3A_325, %swap3A_326, %swap3A_327], %swap3A_330 {strides = array<i32>} : memref<2x80x128xf32, #tpu.memory_space<vmem>>, vector<1x1x16xf32>,
          %get3A_331 = arith.constant 0 : i32
          %get3A_332 = arith.index_cast %get3A_331 : i32 to index
          %get3A_333 = arith.index_cast %scan3A_190 : i32 to index
          %get3A_334 = arith.constant 80 : index
          %get3A_335 = tpu.vector_load %arg11[%get3A_332, %get3A_333, %get3A_334] {strides = array<i32>} : memref<2x80x128xi32, #tpu.memory_space<vmem>>, vector<1x1x16xi32>,
          %get3A_336 = vector.shape_cast %get3A_335 : vector<1x1x16xi32> to vector<16xi32>
          %shift_left3A_337 = vector.broadcast %mul3A_14 : i32 to vector<16xi32>
          %shift_left3A_338 = arith.shli %get3A_336, %shift_left3A_337 : vector<16xi32>
          %and3A_339 = arith.constant -65536 : i32
          %and3A_340 = vector.broadcast %and3A_339 : i32 to vector<16xi32>
          %and3A_341 = arith.andi %shift_left3A_338, %and3A_340 : vector<16xi32>
          %bitcast_convert_type3A_342 = tpu.bitcast %and3A_341 : vector<16xi32> -> vector<16xf32>
          %get3A_343 = arith.constant 0 : i32
          %get3A_344 = arith.index_cast %get3A_343 : i32 to index
          %get3A_345 = arith.index_cast %scan3A_190 : i32 to index
          %get3A_346 = arith.constant 80 : index
          %get3A_347 = tpu.vector_load %arg12[%get3A_344, %get3A_345, %get3A_346] {strides = array<i32>} : memref<2x80x128xf32, #tpu.memory_space<vmem>>, vector<1x1x16xf32>,
          %get3A_348 = vector.shape_cast %get3A_347 : vector<1x1x16xf32> to vector<16xf32>
          %add3A_349 = arith.addf %get3A_348, %bitcast_convert_type3A_342 : vector<16xf32>
          %max3A_350 = arith.constant 0.000000e+00 : f32
          %max3A_351 = vector.broadcast %max3A_350 : f32 to vector<16xf32>
          %max3A_352 = arith.maximumf %add3A_349, %max3A_351 : vector<16xf32>
          %swap3A_353 = arith.constant 0 : i32
          %swap3A_354 = arith.index_cast %swap3A_353 : i32 to index
          %swap3A_355 = arith.index_cast %scan3A_190 : i32 to index
          %swap3A_356 = arith.constant 80 : index
          %swap3A_357 = tpu.vector_load %arg12[%swap3A_354, %swap3A_355, %swap3A_356] {strides = array<i32>} : memref<2x80x128xf32, #tpu.memory_space<vmem>>, vector<1x1x16xf32>,
          %swap3A_358 = vector.shape_cast %swap3A_357 : vector<1x1x16xf32> to vector<16xf32>
          %swap3A_359 = vector.shape_cast %max3A_352 : vector<16xf32> to vector<1x1x16xf32>
          tpu.vector_store %arg12[%swap3A_354, %swap3A_355, %swap3A_356], %swap3A_359 {strides = array<i32>} : memref<2x80x128xf32, #tpu.memory_space<vmem>>, vector<1x1x16xf32>,
          %get3A_360 = arith.constant 0 : i32
          %get3A_361 = arith.index_cast %get3A_360 : i32 to index
          %get3A_362 = arith.index_cast %scan3A_190 : i32 to index
          %get3A_363 = arith.constant 96 : index
          %get3A_364 = tpu.vector_load %arg11[%get3A_361, %get3A_362, %get3A_363] {strides = array<i32>} : memref<2x80x128xi32, #tpu.memory_space<vmem>>, vector<1x1x16xi32>,
          %get3A_365 = vector.shape_cast %get3A_364 : vector<1x1x16xi32> to vector<16xi32>
          %shift_left3A_366 = vector.broadcast %mul3A_14 : i32 to vector<16xi32>
          %shift_left3A_367 = arith.shli %get3A_365, %shift_left3A_366 : vector<16xi32>
          %and3A_368 = arith.constant -65536 : i32
          %and3A_369 = vector.broadcast %and3A_368 : i32 to vector<16xi32>
          %and3A_370 = arith.andi %shift_left3A_367, %and3A_369 : vector<16xi32>
          %bitcast_convert_type3A_371 = tpu.bitcast %and3A_370 : vector<16xi32> -> vector<16xf32>
          %get3A_372 = arith.constant 0 : i32
          %get3A_373 = arith.index_cast %get3A_372 : i32 to index
          %get3A_374 = arith.index_cast %scan3A_190 : i32 to index
          %get3A_375 = arith.constant 96 : index
          %get3A_376 = tpu.vector_load %arg12[%get3A_373, %get3A_374, %get3A_375] {strides = array<i32>} : memref<2x80x128xf32, #tpu.memory_space<vmem>>, vector<1x1x16xf32>,
          %get3A_377 = vector.shape_cast %get3A_376 : vector<1x1x16xf32> to vector<16xf32>
          %add3A_378 = arith.addf %get3A_377, %bitcast_convert_type3A_371 : vector<16xf32>
          %max3A_379 = arith.constant 0.000000e+00 : f32
          %max3A_380 = vector.broadcast %max3A_379 : f32 to vector<16xf32>
          %max3A_381 = arith.maximumf %add3A_378, %max3A_380 : vector<16xf32>
          %swap3A_382 = arith.constant 0 : i32
          %swap3A_383 = arith.index_cast %swap3A_382 : i32 to index
          %swap3A_384 = arith.index_cast %scan3A_190 : i32 to index
          %swap3A_385 = arith.constant 96 : index
          %swap3A_386 = tpu.vector_load %arg12[%swap3A_383, %swap3A_384, %swap3A_385] {strides = array<i32>} : memref<2x80x128xf32, #tpu.memory_space<vmem>>, vector<1x1x16xf32>,
          %swap3A_387 = vector.shape_cast %swap3A_386 : vector<1x1x16xf32> to vector<16xf32>
          %swap3A_388 = vector.shape_cast %max3A_381 : vector<16xf32> to vector<1x1x16xf32>
          tpu.vector_store %arg12[%swap3A_383, %swap3A_384, %swap3A_385], %swap3A_388 {strides = array<i32>} : memref<2x80x128xf32, #tpu.memory_space<vmem>>, vector<1x1x16xf32>,
          %get3A_389 = arith.constant 0 : i32
          %get3A_390 = arith.index_cast %get3A_389 : i32 to index
          %get3A_391 = arith.index_cast %scan3A_190 : i32 to index
          %get3A_392 = arith.constant 112 : index
          %get3A_393 = tpu.vector_load %arg11[%get3A_390, %get3A_391, %get3A_392] {strides = array<i32>} : memref<2x80x128xi32, #tpu.memory_space<vmem>>, vector<1x1x16xi32>,
          %get3A_394 = vector.shape_cast %get3A_393 : vector<1x1x16xi32> to vector<16xi32>
          %shift_left3A_395 = vector.broadcast %mul3A_14 : i32 to vector<16xi32>
          %shift_left3A_396 = arith.shli %get3A_394, %shift_left3A_395 : vector<16xi32>
          %and3A_397 = arith.constant -65536 : i32
          %and3A_398 = vector.broadcast %and3A_397 : i32 to vector<16xi32>
          %and3A_399 = arith.andi %shift_left3A_396, %and3A_398 : vector<16xi32>
          %bitcast_convert_type3A_400 = tpu.bitcast %and3A_399 : vector<16xi32> -> vector<16xf32>
          %get3A_401 = arith.constant 0 : i32
          %get3A_402 = arith.index_cast %get3A_401 : i32 to index
          %get3A_403 = arith.index_cast %scan3A_190 : i32 to index
          %get3A_404 = arith.constant 112 : index
          %get3A_405 = tpu.vector_load %arg12[%get3A_402, %get3A_403, %get3A_404] {strides = array<i32>} : memref<2x80x128xf32, #tpu.memory_space<vmem>>, vector<1x1x16xf32>,
          %get3A_406 = vector.shape_cast %get3A_405 : vector<1x1x16xf32> to vector<16xf32>
          %add3A_407 = arith.addf %get3A_406, %bitcast_convert_type3A_400 : vector<16xf32>
          %max3A_408 = arith.constant 0.000000e+00 : f32
          %max3A_409 = vector.broadcast %max3A_408 : f32 to vector<16xf32>
          %max3A_410 = arith.maximumf %add3A_407, %max3A_409 : vector<16xf32>
          %swap3A_411 = arith.constant 0 : i32
          %swap3A_412 = arith.index_cast %swap3A_411 : i32 to index
          %swap3A_413 = arith.index_cast %scan3A_190 : i32 to index
          %swap3A_414 = arith.constant 112 : index
          %swap3A_415 = tpu.vector_load %arg12[%swap3A_412, %swap3A_413, %swap3A_414] {strides = array<i32>} : memref<2x80x128xf32, #tpu.memory_space<vmem>>, vector<1x1x16xf32>,
          %swap3A_416 = vector.shape_cast %swap3A_415 : vector<1x1x16xf32> to vector<16xf32>
          %swap3A_417 = vector.shape_cast %max3A_410 : vector<16xf32> to vector<1x1x16xf32>
          tpu.vector_store %arg12[%swap3A_412, %swap3A_413, %swap3A_414], %swap3A_417 {strides = array<i32>} : memref<2x80x128xf32, #tpu.memory_space<vmem>>, vector<1x1x16xf32>,
        }
        %scan3A_169 = arith.constant 80 : i32
        %add3A_170 = arith.constant 1 : i32
        %add3A_171 = arith.addi %scan3A_100, %add3A_170 : i32
        %lt3A_172 = arith.constant 125 : i32
        %lt3A_173 = arith.cmpi slt, %add3A_171, %lt3A_172 : i32
        %convert_element_type3A_174 = arith.extui %lt3A_173 : i1 to i32
        %cond3A_175 = arith.constant 0 : i32
        %cond3A_176 = arith.cmpi ne, %convert_element_type3A_174, %cond3A_175 : i32
        scf.if %cond3A_176 {
          %add3A_190 = arith.constant 1 : i32
          %add3A_191 = arith.addi %scan3A_100, %add3A_190 : i32
          %dma_wait3A_192 = arith.constant 1 : i32
          %dma_wait3A_193 = arith.constant 0 : i32
          %dma_wait3A_194 = tpu.memref_slice %arg9[%dma_wait3A_192, %dma_wait3A_193] : memref<2x80xi32, #tpu.memory_space<vmem>> -> memref<1x80xi32, #tpu.memory_space<vmem>>
          %dma_wait3A_195 = tpu.memref_squeeze %dma_wait3A_194 : memref<1x80xi32, #tpu.memory_space<vmem>> -> memref<80xi32, #tpu.memory_space<vmem>>
          %dma_wait3A_196 = arith.constant 0 : i32
          %dma_wait3A_197 = tpu.memref_slice %arg4[%add3A, %add3A_191, %dma_wait3A_196] : memref<32x125x80xi32, #tpu.memory_space<hbm>> -> memref<1x1x80xi32, #tpu.memory_space<hbm>>
          %dma_wait3A_198 = tpu.memref_squeeze %dma_wait3A_197 : memref<1x1x80xi32, #tpu.memory_space<hbm>> -> memref<80xi32, #tpu.memory_space<hbm>>
          %dma_wait3A_199 = arith.constant 0 : i32
          %dma_wait3A_200 = tpu.memref_slice %arg9[%dma_wait3A_192, %dma_wait3A_199] : memref<2x80xi32, #tpu.memory_space<vmem>> -> memref<1x80xi32, #tpu.memory_space<vmem>>
          %dma_wait3A_201 = tpu.memref_squeeze %dma_wait3A_200 : memref<1x80xi32, #tpu.memory_space<vmem>> -> memref<80xi32, #tpu.memory_space<vmem>>
          %dma_wait3A_202 = arith.constant 0 : i32
          %dma_wait3A_203 = tpu.memref_slice %arg4[%add3A, %add3A_191, %dma_wait3A_202] : memref<32x125x80xi32, #tpu.memory_space<hbm>> -> memref<1x1x80xi32, #tpu.memory_space<hbm>>
          %dma_wait3A_204 = tpu.memref_squeeze %dma_wait3A_203 : memref<1x1x80xi32, #tpu.memory_space<hbm>> -> memref<80xi32, #tpu.memory_space<hbm>>
          tpu.wait_dma2 semaphore(%arg19 : memref<!tpu.dma_semaphore, #tpu.memory_space<semaphore_mem>>) src(%dma_wait3A_204 : memref<80xi32, #tpu.memory_space<hbm>>) dst(%dma_wait3A_201 : memref<80xi32, #tpu.memory_space<vmem>>)
          %dma_start3A_205 = arith.constant 1 : i32
          %dma_start3A_206 = arith.constant 1 : i32
          %dma_start3A_207 = arith.constant 0 : i32
          %dma_start3A_208 = arith.constant 0 : i32
          %dma_start3A_209 = tpu.memref_slice %arg12[%dma_start3A_206, %dma_start3A_207, %dma_start3A_208] : memref<2x80x128xf32, #tpu.memory_space<vmem>> -> memref<1x80x128xf32, #tpu.memory_space<vmem>>
          %dma_start3A_210 = tpu.memref_squeeze %dma_start3A_209 : memref<1x80x128xf32, #tpu.memory_space<vmem>> -> memref<80x128xf32, #tpu.memory_space<vmem>>
          %dma_start3A_211 = arith.constant 0 : i32
          %dma_start3A_212 = tpu.memref_slice %arg9[%dma_start3A_205, %dma_start3A_211] : memref<2x80xi32, #tpu.memory_space<vmem>> -> memref<1x80xi32, #tpu.memory_space<vmem>>
          %dma_start3A_213 = tpu.memref_squeeze %dma_start3A_212 : memref<1x80xi32, #tpu.memory_space<vmem>> -> memref<80xi32, #tpu.memory_space<vmem>>
          %dma_start3A_214 = arith.constant 0 : i32
          %dma_start3A_215 = arith.constant 0 : i32
          %dma_start3A_216 = tpu.memref_slice %arg2[%dma_start3A_214, %dma_start3A_215] : memref<20000x128xf32, #tpu.memory_space<hbm>> -> memref<20000x128xf32, #tpu.memory_space<hbm>>
          tpu.enqueue_indirect_dma source(%dma_start3A_216 : memref<20000x128xf32, #tpu.memory_space<hbm>>) target(%dma_start3A_210 : memref<80x128xf32, #tpu.memory_space<vmem>>) offsets(%dma_start3A_213 : memref<80xi32, #tpu.memory_space<vmem>>) semaphore(%arg17 : memref<!tpu.dma_semaphore, #tpu.memory_space<semaphore_mem>>)
        } else {
        }
        %gt3A = arith.constant 0 : i32
        %gt3A_177 = arith.cmpi sgt, %scan3A_100, %gt3A : i32
        %convert_element_type3A_178 = arith.extui %gt3A_177 : i1 to i32
        %cond3A_179 = arith.constant 0 : i32
        %cond3A_180 = arith.cmpi ne, %convert_element_type3A_178, %cond3A_179 : i32
        scf.if %cond3A_180 {
          %dma_wait3A_190 = arith.constant 0 : i32
          %dma_wait3A_191 = arith.constant 0 : i32
          %dma_wait3A_192 = tpu.memref_slice %arg10[%dma_wait3A_190, %dma_wait3A_191] : memref<2x80xi32, #tpu.memory_space<vmem>> -> memref<1x80xi32, #tpu.memory_space<vmem>>
          %dma_wait3A_193 = tpu.memref_squeeze %dma_wait3A_192 : memref<1x80xi32, #tpu.memory_space<vmem>> -> memref<80xi32, #tpu.memory_space<vmem>>
          %dma_wait3A_194 = arith.constant 0 : i32
          %dma_wait3A_195 = tpu.memref_slice %arg5[%arg1, %scan3A_100, %dma_wait3A_194] : memref<16x125x80xi32, #tpu.memory_space<hbm>> -> memref<1x1x80xi32, #tpu.memory_space<hbm>>
          %dma_wait3A_196 = tpu.memref_squeeze %dma_wait3A_195 : memref<1x1x80xi32, #tpu.memory_space<hbm>> -> memref<80xi32, #tpu.memory_space<hbm>>
          %dma_wait3A_197 = arith.constant 0 : i32
          %dma_wait3A_198 = tpu.memref_slice %arg10[%dma_wait3A_190, %dma_wait3A_197] : memref<2x80xi32, #tpu.memory_space<vmem>> -> memref<1x80xi32, #tpu.memory_space<vmem>>
          %dma_wait3A_199 = tpu.memref_squeeze %dma_wait3A_198 : memref<1x80xi32, #tpu.memory_space<vmem>> -> memref<80xi32, #tpu.memory_space<vmem>>
          %dma_wait3A_200 = arith.constant 0 : i32
          %dma_wait3A_201 = tpu.memref_slice %arg5[%arg1, %scan3A_100, %dma_wait3A_200] : memref<16x125x80xi32, #tpu.memory_space<hbm>> -> memref<1x1x80xi32, #tpu.memory_space<hbm>>
          %dma_wait3A_202 = tpu.memref_squeeze %dma_wait3A_201 : memref<1x1x80xi32, #tpu.memory_space<hbm>> -> memref<80xi32, #tpu.memory_space<hbm>>
          tpu.wait_dma2 semaphore(%arg20 : memref<!tpu.dma_semaphore, #tpu.memory_space<semaphore_mem>>) src(%dma_wait3A_202 : memref<80xi32, #tpu.memory_space<hbm>>) dst(%dma_wait3A_199 : memref<80xi32, #tpu.memory_space<vmem>>)
        } else {
        }
        %run_scoped3A_181 = arith.constant 0 : i32
        %run_scoped3A_182 = arith.constant 0 : i32
        "tpu.region"() ({
          %run_scoped3A_190 = tpu.sem_alloc : memref<!tpu.dma_semaphore, #tpu.memory_space<semaphore_mem>>
          %dma_start3A_191 = arith.constant 0 : i32
          %dma_start3A_192 = arith.constant 0 : i32
          %dma_start3A_193 = tpu.memref_slice %arg12[%run_scoped3A_181, %dma_start3A_191, %dma_start3A_192] : memref<2x80x128xf32, #tpu.memory_space<vmem>> -> memref<1x80x128xf32, #tpu.memory_space<vmem>>
          %dma_start3A_194 = tpu.memref_squeeze %dma_start3A_193 : memref<1x80x128xf32, #tpu.memory_space<vmem>> -> memref<80x128xf32, #tpu.memory_space<vmem>>
          %dma_start3A_195 = arith.constant 0 : i32
          %dma_start3A_196 = tpu.memref_slice %arg10[%run_scoped3A_182, %dma_start3A_195] : memref<2x80xi32, #tpu.memory_space<vmem>> -> memref<1x80xi32, #tpu.memory_space<vmem>>
          %dma_start3A_197 = tpu.memref_squeeze %dma_start3A_196 : memref<1x80xi32, #tpu.memory_space<vmem>> -> memref<80xi32, #tpu.memory_space<vmem>>
          %dma_start3A_198 = arith.constant 0 : i32
          %dma_start3A_199 = arith.constant 0 : i32
          %dma_start3A_200 = tpu.memref_slice %arg13[%dma_start3A_198, %dma_start3A_199] : memref<10240x128xf32, #tpu.memory_space<vmem_shared>> -> memref<10240x128xf32, #tpu.memory_space<vmem_shared>>
          tpu.enqueue_indirect_dma source(%dma_start3A_194 : memref<80x128xf32, #tpu.memory_space<vmem>>) target(%dma_start3A_200 : memref<10240x128xf32, #tpu.memory_space<vmem_shared>>) offsets(%dma_start3A_197 : memref<80xi32, #tpu.memory_space<vmem>>) semaphore(%run_scoped3A_190 : memref<!tpu.dma_semaphore, #tpu.memory_space<semaphore_mem>>) {add = true}
          %dma_wait3A_201 = arith.constant 0 : i32
          %dma_wait3A_202 = arith.constant 0 : i32
          %dma_wait3A_203 = tpu.memref_slice %arg12[%run_scoped3A_181, %dma_wait3A_201, %dma_wait3A_202] : memref<2x80x128xf32, #tpu.memory_space<vmem>> -> memref<1x80x128xf32, #tpu.memory_space<vmem>>
          %dma_wait3A_204 = tpu.memref_squeeze %dma_wait3A_203 : memref<1x80x128xf32, #tpu.memory_space<vmem>> -> memref<80x128xf32, #tpu.memory_space<vmem>>
          %dma_wait3A_205 = arith.constant 0 : i32
          %dma_wait3A_206 = tpu.memref_slice %arg10[%run_scoped3A_182, %dma_wait3A_205] : memref<2x80xi32, #tpu.memory_space<vmem>> -> memref<1x80xi32, #tpu.memory_space<vmem>>
          %dma_wait3A_207 = tpu.memref_squeeze %dma_wait3A_206 : memref<1x80xi32, #tpu.memory_space<vmem>> -> memref<80xi32, #tpu.memory_space<vmem>>
          %dma_wait3A_208 = arith.constant 0 : i32
          %dma_wait3A_209 = arith.constant 0 : i32
          %dma_wait3A_210 = tpu.memref_slice %arg13[%dma_wait3A_208, %dma_wait3A_209] : memref<10240x128xf32, #tpu.memory_space<vmem_shared>> -> memref<10240x128xf32, #tpu.memory_space<vmem_shared>>
          tpu.wait_indirect_dma semaphore(%run_scoped3A_190 : memref<!tpu.dma_semaphore, #tpu.memory_space<semaphore_mem>>) src(%dma_wait3A_204 : memref<80x128xf32, #tpu.memory_space<vmem>>) dst(%dma_wait3A_210 : memref<10240x128xf32, #tpu.memory_space<vmem_shared>>)
          tpu.yield
        }) : () -> ()
        %add3A_183 = arith.constant 2 : i32
        %add3A_184 = arith.addi %scan3A_100, %add3A_183 : i32
        %lt3A_185 = arith.constant 125 : i32
        %lt3A_186 = arith.cmpi slt, %add3A_184, %lt3A_185 : i32
        %convert_element_type3A_187 = arith.extui %lt3A_186 : i1 to i32
        %cond3A_188 = arith.constant 0 : i32
        %cond3A_189 = arith.cmpi ne, %convert_element_type3A_187, %cond3A_188 : i32
        scf.if %cond3A_189 {
          %add3A_190 = arith.constant 2 : i32
          %add3A_191 = arith.addi %scan3A_100, %add3A_190 : i32
          %dma_start3A_192 = arith.constant 0 : i32
          %dma_start3A_193 = arith.constant 0 : i32
          %dma_start3A_194 = tpu.memref_slice %arg9[%dma_start3A_192, %dma_start3A_193] : memref<2x80xi32, #tpu.memory_space<vmem>> -> memref<1x80xi32, #tpu.memory_space<vmem>>
          %dma_start3A_195 = tpu.memref_squeeze %dma_start3A_194 : memref<1x80xi32, #tpu.memory_space<vmem>> -> memref<80xi32, #tpu.memory_space<vmem>>
          %dma_start3A_196 = arith.constant 0 : i32
          %dma_start3A_197 = tpu.memref_slice %arg4[%add3A, %add3A_191, %dma_start3A_196] : memref<32x125x80xi32, #tpu.memory_space<hbm>> -> memref<1x1x80xi32, #tpu.memory_space<hbm>>
          %dma_start3A_198 = tpu.memref_squeeze %dma_start3A_197 : memref<1x1x80xi32, #tpu.memory_space<hbm>> -> memref<80xi32, #tpu.memory_space<hbm>>
          %dma_start3A_199 = arith.constant 0 : i32
          %dma_start3A_200 = tpu.memref_slice %arg9[%dma_start3A_192, %dma_start3A_199] : memref<2x80xi32, #tpu.memory_space<vmem>> -> memref<1x80xi32, #tpu.memory_space<vmem>>
          %dma_start3A_201 = tpu.memref_squeeze %dma_start3A_200 : memref<1x80xi32, #tpu.memory_space<vmem>> -> memref<80xi32, #tpu.memory_space<vmem>>
          %dma_start3A_202 = arith.constant 0 : i32
          %dma_start3A_203 = tpu.memref_slice %arg4[%add3A, %add3A_191, %dma_start3A_202] : memref<32x125x80xi32, #tpu.memory_space<hbm>> -> memref<1x1x80xi32, #tpu.memory_space<hbm>>
          %dma_start3A_204 = tpu.memref_squeeze %dma_start3A_203 : memref<1x1x80xi32, #tpu.memory_space<hbm>> -> memref<80xi32, #tpu.memory_space<hbm>>
          tpu.enqueue_dma source(%dma_start3A_204 : memref<80xi32, #tpu.memory_space<hbm>>) target(%dma_start3A_201 : memref<80xi32, #tpu.memory_space<vmem>>) target_semaphore(%arg18 : memref<!tpu.dma_semaphore, #tpu.memory_space<semaphore_mem>>)
          %add3A_205 = arith.constant 2 : i32
          %add3A_206 = arith.addi %scan3A_100, %add3A_205 : i32
          %dma_start3A_207 = arith.constant 0 : i32
          %dma_start3A_208 = arith.constant 0 : i32
          %dma_start3A_209 = tpu.memref_slice %arg10[%dma_start3A_207, %dma_start3A_208] : memref<2x80xi32, #tpu.memory_space<vmem>> -> memref<1x80xi32, #tpu.memory_space<vmem>>
          %dma_start3A_210 = tpu.memref_squeeze %dma_start3A_209 : memref<1x80xi32, #tpu.memory_space<vmem>> -> memref<80xi32, #tpu.memory_space<vmem>>
          %dma_start3A_211 = arith.constant 0 : i32
          %dma_start3A_212 = tpu.memref_slice %arg5[%arg1, %add3A_206, %dma_start3A_211] : memref<16x125x80xi32, #tpu.memory_space<hbm>> -> memref<1x1x80xi32, #tpu.memory_space<hbm>>
          %dma_start3A_213 = tpu.memref_squeeze %dma_start3A_212 : memref<1x1x80xi32, #tpu.memory_space<hbm>> -> memref<80xi32, #tpu.memory_space<hbm>>
          %dma_start3A_214 = arith.constant 0 : i32
          %dma_start3A_215 = tpu.memref_slice %arg10[%dma_start3A_207, %dma_start3A_214] : memref<2x80xi32, #tpu.memory_space<vmem>> -> memref<1x80xi32, #tpu.memory_space<vmem>>
          %dma_start3A_216 = tpu.memref_squeeze %dma_start3A_215 : memref<1x80xi32, #tpu.memory_space<vmem>> -> memref<80xi32, #tpu.memory_space<vmem>>
          %dma_start3A_217 = arith.constant 0 : i32
          %dma_start3A_218 = tpu.memref_slice %arg5[%arg1, %add3A_206, %dma_start3A_217] : memref<16x125x80xi32, #tpu.memory_space<hbm>> -> memref<1x1x80xi32, #tpu.memory_space<hbm>>
          %dma_start3A_219 = tpu.memref_squeeze %dma_start3A_218 : memref<1x1x80xi32, #tpu.memory_space<hbm>> -> memref<80xi32, #tpu.memory_space<hbm>>
          tpu.enqueue_dma source(%dma_start3A_219 : memref<80xi32, #tpu.memory_space<hbm>>) target(%dma_start3A_216 : memref<80xi32, #tpu.memory_space<vmem>>) target_semaphore(%arg20 : memref<!tpu.dma_semaphore, #tpu.memory_space<semaphore_mem>>)
          %add3A_220 = arith.constant 2 : i32
          %add3A_221 = arith.addi %scan3A_100, %add3A_220 : i32
          %mul3A_222 = arith.constant 80 : i32
          %mul3A_223 = arith.muli %add3A_221, %mul3A_222 : i32
          %add3A_224 = arith.addi %mul3A_11, %mul3A_223 : i32
          %dma_start3A_225 = arith.constant 0 : i32
          %dma_start3A_226 = arith.constant 0 : i32
          %dma_start3A_227 = arith.constant 0 : i32
          %dma_start3A_228 = tpu.memref_slice %arg11[%dma_start3A_225, %dma_start3A_226, %dma_start3A_227] : memref<2x80x128xi32, #tpu.memory_space<vmem>> -> memref<1x80x128xi32, #tpu.memory_space<vmem>>
          %dma_start3A_229 = tpu.memref_squeeze %dma_start3A_228 : memref<1x80x128xi32, #tpu.memory_space<vmem>> -> memref<80x128xi32, #tpu.memory_space<vmem>>
          %dma_start3A_230 = arith.constant 0 : i32
          %dma_start3A_231 = tpu.memref_slice %arg3[%add3A_224, %dma_start3A_230] : memref<160000x128xi32, #tpu.memory_space<hbm>> -> memref<80x128xi32, #tpu.memory_space<hbm>>
          %dma_start3A_232 = arith.constant 0 : i32
          %dma_start3A_233 = arith.constant 0 : i32
          %dma_start3A_234 = tpu.memref_slice %arg11[%dma_start3A_225, %dma_start3A_232, %dma_start3A_233] : memref<2x80x128xi32, #tpu.memory_space<vmem>> -> memref<1x80x128xi32, #tpu.memory_space<vmem>>
          %dma_start3A_235 = tpu.memref_squeeze %dma_start3A_234 : memref<1x80x128xi32, #tpu.memory_space<vmem>> -> memref<80x128xi32, #tpu.memory_space<vmem>>
          %dma_start3A_236 = arith.constant 0 : i32
          %dma_start3A_237 = tpu.memref_slice %arg3[%add3A_224, %dma_start3A_236] : memref<160000x128xi32, #tpu.memory_space<hbm>> -> memref<80x128xi32, #tpu.memory_space<hbm>>
          tpu.enqueue_dma source(%dma_start3A_237 : memref<80x128xi32, #tpu.memory_space<hbm>>) target(%dma_start3A_235 : memref<80x128xi32, #tpu.memory_space<vmem>>) target_semaphore(%arg14 : memref<!tpu.dma_semaphore, #tpu.memory_space<semaphore_mem>>)
        } else {
        }
      } else {
      }
      %jit3A_116 = arith.constant 2 : i32
      %eq3A_117 = arith.constant 0 : i32
      %eq3A_118 = arith.cmpi eq, %jit3A_116, %eq3A_117 : i32
      %jit3A_119 = arith.constant 1 : i32
      %select_n3A_120 = arith.select %eq3A_118, %jit3A_119, %jit3A_116 : i32
      %rem3A_121 = arith.remsi %scan3A_100, %select_n3A_120 : i32
      %ne3A_122 = arith.constant 0 : i32
      %ne3A_123 = arith.cmpi ne, %rem3A_121, %ne3A_122 : i32
      %lt3A_124 = arith.constant 0 : i32
      %lt3A_125 = arith.cmpi slt, %rem3A_121, %lt3A_124 : i32
      %lt3A_126 = arith.constant 0 : i32
      %lt3A_127 = arith.cmpi slt, %select_n3A_120, %lt3A_126 : i32
      %ne3A_128 = arith.xori %lt3A_125, %lt3A_127 : i1
      %and3A_129 = arith.andi %ne3A_128, %ne3A_123 : i1
      %add3A_130 = arith.addi %rem3A_121, %select_n3A_120 : i32
      %select_n3A_131 = arith.select %and3A_129, %add3A_130, %rem3A_121 : i32
      %eq3A_132 = arith.constant 1 : i32
      %eq3A_133 = arith.cmpi eq, %select_n3A_131, %eq3A_132 : i32
      %convert_element_type3A_134 = arith.extui %eq3A_133 : i1 to i32
      %cond3A_135 = arith.constant 0 : i32
      %cond3A_136 = arith.cmpi ne, %convert_element_type3A_134, %cond3A_135 : i32
      scf.if %cond3A_136 {
        %dma_wait3A = arith.constant 1 : i32
        %dma_wait3A_137 = arith.constant 1 : i32
        %dma_wait3A_138 = arith.constant 0 : i32
        %dma_wait3A_139 = arith.constant 0 : i32
        %dma_wait3A_140 = tpu.memref_slice %arg12[%dma_wait3A_137, %dma_wait3A_138, %dma_wait3A_139] : memref<2x80x128xf32, #tpu.memory_space<vmem>> -> memref<1x80x128xf32, #tpu.memory_space<vmem>>
        %dma_wait3A_141 = tpu.memref_squeeze %dma_wait3A_140 : memref<1x80x128xf32, #tpu.memory_space<vmem>> -> memref<80x128xf32, #tpu.memory_space<vmem>>
        %dma_wait3A_142 = arith.constant 0 : i32
        %dma_wait3A_143 = tpu.memref_slice %arg9[%dma_wait3A, %dma_wait3A_142] : memref<2x80xi32, #tpu.memory_space<vmem>> -> memref<1x80xi32, #tpu.memory_space<vmem>>
        %dma_wait3A_144 = tpu.memref_squeeze %dma_wait3A_143 : memref<1x80xi32, #tpu.memory_space<vmem>> -> memref<80xi32, #tpu.memory_space<vmem>>
        %dma_wait3A_145 = arith.constant 0 : i32
        %dma_wait3A_146 = arith.constant 0 : i32
        %dma_wait3A_147 = tpu.memref_slice %arg2[%dma_wait3A_145, %dma_wait3A_146] : memref<20000x128xf32, #tpu.memory_space<hbm>> -> memref<20000x128xf32, #tpu.memory_space<hbm>>
        tpu.wait_indirect_dma semaphore(%arg17 : memref<!tpu.dma_semaphore, #tpu.memory_space<semaphore_mem>>) src(%dma_wait3A_147 : memref<20000x128xf32, #tpu.memory_space<hbm>>) dst(%dma_wait3A_141 : memref<80x128xf32, #tpu.memory_space<vmem>>)
        %mul3A_148 = arith.constant 80 : i32
        %mul3A_149 = arith.muli %scan3A_100, %mul3A_148 : i32
        %add3A_150 = arith.addi %mul3A_11, %mul3A_149 : i32
        %dma_wait3A_151 = arith.constant 1 : i32
        %dma_wait3A_152 = arith.constant 0 : i32
        %dma_wait3A_153 = arith.constant 0 : i32
        %dma_wait3A_154 = tpu.memref_slice %arg11[%dma_wait3A_151, %dma_wait3A_152, %dma_wait3A_153] : memref<2x80x128xi32, #tpu.memory_space<vmem>> -> memref<1x80x128xi32, #tpu.memory_space<vmem>>
        %dma_wait3A_155 = tpu.memref_squeeze %dma_wait3A_154 : memref<1x80x128xi32, #tpu.memory_space<vmem>> -> memref<80x128xi32, #tpu.memory_space<vmem>>
        %dma_wait3A_156 = arith.constant 0 : i32
        %dma_wait3A_157 = tpu.memref_slice %arg3[%add3A_150, %dma_wait3A_156] : memref<160000x128xi32, #tpu.memory_space<hbm>> -> memref<80x128xi32, #tpu.memory_space<hbm>>
        %dma_wait3A_158 = arith.constant 0 : i32
        %dma_wait3A_159 = arith.constant 0 : i32
        %dma_wait3A_160 = tpu.memref_slice %arg11[%dma_wait3A_151, %dma_wait3A_158, %dma_wait3A_159] : memref<2x80x128xi32, #tpu.memory_space<vmem>> -> memref<1x80x128xi32, #tpu.memory_space<vmem>>
        %dma_wait3A_161 = tpu.memref_squeeze %dma_wait3A_160 : memref<1x80x128xi32, #tpu.memory_space<vmem>> -> memref<80x128xi32, #tpu.memory_space<vmem>>
        %dma_wait3A_162 = arith.constant 0 : i32
        %dma_wait3A_163 = tpu.memref_slice %arg3[%add3A_150, %dma_wait3A_162] : memref<160000x128xi32, #tpu.memory_space<hbm>> -> memref<80x128xi32, #tpu.memory_space<hbm>>
        tpu.wait_dma2 semaphore(%arg15 : memref<!tpu.dma_semaphore, #tpu.memory_space<semaphore_mem>>) src(%dma_wait3A_163 : memref<80x128xi32, #tpu.memory_space<hbm>>) dst(%dma_wait3A_161 : memref<80x128xi32, #tpu.memory_space<vmem>>)
        %scan3A_164 = arith.constant 0 : i32
        %scan3A_165 = arith.constant 0 : i32
        %scan3A_166 = arith.constant 80 : i32
        %scan3A_167 = arith.addi %scan3A_165, %scan3A_166 : i32
        %scan3A_168 = arith.constant 1 : i32
        scf.for %scan3A_190 = %scan3A_165 to %scan3A_167 step %scan3A_168  : i32 {
          %get3A = arith.constant 1 : i32
          %get3A_191 = arith.index_cast %get3A : i32 to index
          %get3A_192 = arith.index_cast %scan3A_190 : i32 to index
          %get3A_193 = arith.constant 0 : index
          %get3A_194 = tpu.vector_load %arg11[%get3A_191, %get3A_192, %get3A_193] {strides = array<i32>} : memref<2x80x128xi32, #tpu.memory_space<vmem>>, vector<1x1x16xi32>,
          %get3A_195 = vector.shape_cast %get3A_194 : vector<1x1x16xi32> to vector<16xi32>
          %shift_left3A = vector.broadcast %mul3A_14 : i32 to vector<16xi32>
          %shift_left3A_196 = arith.shli %get3A_195, %shift_left3A : vector<16xi32>
          %and3A_197 = arith.constant -65536 : i32
          %and3A_198 = vector.broadcast %and3A_197 : i32 to vector<16xi32>
          %and3A_199 = arith.andi %shift_left3A_196, %and3A_198 : vector<16xi32>
          %bitcast_convert_type3A = tpu.bitcast %and3A_199 : vector<16xi32> -> vector<16xf32>
          %get3A_200 = arith.constant 1 : i32
          %get3A_201 = arith.index_cast %get3A_200 : i32 to index
          %get3A_202 = arith.index_cast %scan3A_190 : i32 to index
          %get3A_203 = arith.constant 0 : index
          %get3A_204 = tpu.vector_load %arg12[%get3A_201, %get3A_202, %get3A_203] {strides = array<i32>} : memref<2x80x128xf32, #tpu.memory_space<vmem>>, vector<1x1x16xf32>,
          %get3A_205 = vector.shape_cast %get3A_204 : vector<1x1x16xf32> to vector<16xf32>
          %add3A_206 = arith.addf %get3A_205, %bitcast_convert_type3A : vector<16xf32>
          %max3A = arith.constant 0.000000e+00 : f32
          %max3A_207 = vector.broadcast %max3A : f32 to vector<16xf32>
          %max3A_208 = arith.maximumf %add3A_206, %max3A_207 : vector<16xf32>
          %swap3A = arith.constant 1 : i32
          %swap3A_209 = arith.index_cast %swap3A : i32 to index
          %swap3A_210 = arith.index_cast %scan3A_190 : i32 to index
          %swap3A_211 = arith.constant 0 : index
          %swap3A_212 = tpu.vector_load %arg12[%swap3A_209, %swap3A_210, %swap3A_211] {strides = array<i32>} : memref<2x80x128xf32, #tpu.memory_space<vmem>>, vector<1x1x16xf32>,
          %swap3A_213 = vector.shape_cast %swap3A_212 : vector<1x1x16xf32> to vector<16xf32>
          %swap3A_214 = vector.shape_cast %max3A_208 : vector<16xf32> to vector<1x1x16xf32>
          tpu.vector_store %arg12[%swap3A_209, %swap3A_210, %swap3A_211], %swap3A_214 {strides = array<i32>} : memref<2x80x128xf32, #tpu.memory_space<vmem>>, vector<1x1x16xf32>,
          %get3A_215 = arith.constant 1 : i32
          %get3A_216 = arith.index_cast %get3A_215 : i32 to index
          %get3A_217 = arith.index_cast %scan3A_190 : i32 to index
          %get3A_218 = arith.constant 16 : index
          %get3A_219 = tpu.vector_load %arg11[%get3A_216, %get3A_217, %get3A_218] {strides = array<i32>} : memref<2x80x128xi32, #tpu.memory_space<vmem>>, vector<1x1x16xi32>,
          %get3A_220 = vector.shape_cast %get3A_219 : vector<1x1x16xi32> to vector<16xi32>
          %shift_left3A_221 = vector.broadcast %mul3A_14 : i32 to vector<16xi32>
          %shift_left3A_222 = arith.shli %get3A_220, %shift_left3A_221 : vector<16xi32>
          %and3A_223 = arith.constant -65536 : i32
          %and3A_224 = vector.broadcast %and3A_223 : i32 to vector<16xi32>
          %and3A_225 = arith.andi %shift_left3A_222, %and3A_224 : vector<16xi32>
          %bitcast_convert_type3A_226 = tpu.bitcast %and3A_225 : vector<16xi32> -> vector<16xf32>
          %get3A_227 = arith.constant 1 : i32
          %get3A_228 = arith.index_cast %get3A_227 : i32 to index
          %get3A_229 = arith.index_cast %scan3A_190 : i32 to index
          %get3A_230 = arith.constant 16 : index
          %get3A_231 = tpu.vector_load %arg12[%get3A_228, %get3A_229, %get3A_230] {strides = array<i32>} : memref<2x80x128xf32, #tpu.memory_space<vmem>>, vector<1x1x16xf32>,
          %get3A_232 = vector.shape_cast %get3A_231 : vector<1x1x16xf32> to vector<16xf32>
          %add3A_233 = arith.addf %get3A_232, %bitcast_convert_type3A_226 : vector<16xf32>
          %max3A_234 = arith.constant 0.000000e+00 : f32
          %max3A_235 = vector.broadcast %max3A_234 : f32 to vector<16xf32>
          %max3A_236 = arith.maximumf %add3A_233, %max3A_235 : vector<16xf32>
          %swap3A_237 = arith.constant 1 : i32
          %swap3A_238 = arith.index_cast %swap3A_237 : i32 to index
          %swap3A_239 = arith.index_cast %scan3A_190 : i32 to index
          %swap3A_240 = arith.constant 16 : index
          %swap3A_241 = tpu.vector_load %arg12[%swap3A_238, %swap3A_239, %swap3A_240] {strides = array<i32>} : memref<2x80x128xf32, #tpu.memory_space<vmem>>, vector<1x1x16xf32>,
          %swap3A_242 = vector.shape_cast %swap3A_241 : vector<1x1x16xf32> to vector<16xf32>
          %swap3A_243 = vector.shape_cast %max3A_236 : vector<16xf32> to vector<1x1x16xf32>
          tpu.vector_store %arg12[%swap3A_238, %swap3A_239, %swap3A_240], %swap3A_243 {strides = array<i32>} : memref<2x80x128xf32, #tpu.memory_space<vmem>>, vector<1x1x16xf32>,
          %get3A_244 = arith.constant 1 : i32
          %get3A_245 = arith.index_cast %get3A_244 : i32 to index
          %get3A_246 = arith.index_cast %scan3A_190 : i32 to index
          %get3A_247 = arith.constant 32 : index
          %get3A_248 = tpu.vector_load %arg11[%get3A_245, %get3A_246, %get3A_247] {strides = array<i32>} : memref<2x80x128xi32, #tpu.memory_space<vmem>>, vector<1x1x16xi32>,
          %get3A_249 = vector.shape_cast %get3A_248 : vector<1x1x16xi32> to vector<16xi32>
          %shift_left3A_250 = vector.broadcast %mul3A_14 : i32 to vector<16xi32>
          %shift_left3A_251 = arith.shli %get3A_249, %shift_left3A_250 : vector<16xi32>
          %and3A_252 = arith.constant -65536 : i32
          %and3A_253 = vector.broadcast %and3A_252 : i32 to vector<16xi32>
          %and3A_254 = arith.andi %shift_left3A_251, %and3A_253 : vector<16xi32>
          %bitcast_convert_type3A_255 = tpu.bitcast %and3A_254 : vector<16xi32> -> vector<16xf32>
          %get3A_256 = arith.constant 1 : i32
          %get3A_257 = arith.index_cast %get3A_256 : i32 to index
          %get3A_258 = arith.index_cast %scan3A_190 : i32 to index
          %get3A_259 = arith.constant 32 : index
          %get3A_260 = tpu.vector_load %arg12[%get3A_257, %get3A_258, %get3A_259] {strides = array<i32>} : memref<2x80x128xf32, #tpu.memory_space<vmem>>, vector<1x1x16xf32>,
          %get3A_261 = vector.shape_cast %get3A_260 : vector<1x1x16xf32> to vector<16xf32>
          %add3A_262 = arith.addf %get3A_261, %bitcast_convert_type3A_255 : vector<16xf32>
          %max3A_263 = arith.constant 0.000000e+00 : f32
          %max3A_264 = vector.broadcast %max3A_263 : f32 to vector<16xf32>
          %max3A_265 = arith.maximumf %add3A_262, %max3A_264 : vector<16xf32>
          %swap3A_266 = arith.constant 1 : i32
          %swap3A_267 = arith.index_cast %swap3A_266 : i32 to index
          %swap3A_268 = arith.index_cast %scan3A_190 : i32 to index
          %swap3A_269 = arith.constant 32 : index
          %swap3A_270 = tpu.vector_load %arg12[%swap3A_267, %swap3A_268, %swap3A_269] {strides = array<i32>} : memref<2x80x128xf32, #tpu.memory_space<vmem>>, vector<1x1x16xf32>,
          %swap3A_271 = vector.shape_cast %swap3A_270 : vector<1x1x16xf32> to vector<16xf32>
          %swap3A_272 = vector.shape_cast %max3A_265 : vector<16xf32> to vector<1x1x16xf32>
          tpu.vector_store %arg12[%swap3A_267, %swap3A_268, %swap3A_269], %swap3A_272 {strides = array<i32>} : memref<2x80x128xf32, #tpu.memory_space<vmem>>, vector<1x1x16xf32>,
          %get3A_273 = arith.constant 1 : i32
          %get3A_274 = arith.index_cast %get3A_273 : i32 to index
          %get3A_275 = arith.index_cast %scan3A_190 : i32 to index
          %get3A_276 = arith.constant 48 : index
          %get3A_277 = tpu.vector_load %arg11[%get3A_274, %get3A_275, %get3A_276] {strides = array<i32>} : memref<2x80x128xi32, #tpu.memory_space<vmem>>, vector<1x1x16xi32>,
          %get3A_278 = vector.shape_cast %get3A_277 : vector<1x1x16xi32> to vector<16xi32>
          %shift_left3A_279 = vector.broadcast %mul3A_14 : i32 to vector<16xi32>
          %shift_left3A_280 = arith.shli %get3A_278, %shift_left3A_279 : vector<16xi32>
          %and3A_281 = arith.constant -65536 : i32
          %and3A_282 = vector.broadcast %and3A_281 : i32 to vector<16xi32>
          %and3A_283 = arith.andi %shift_left3A_280, %and3A_282 : vector<16xi32>
          %bitcast_convert_type3A_284 = tpu.bitcast %and3A_283 : vector<16xi32> -> vector<16xf32>
          %get3A_285 = arith.constant 1 : i32
          %get3A_286 = arith.index_cast %get3A_285 : i32 to index
          %get3A_287 = arith.index_cast %scan3A_190 : i32 to index
          %get3A_288 = arith.constant 48 : index
          %get3A_289 = tpu.vector_load %arg12[%get3A_286, %get3A_287, %get3A_288] {strides = array<i32>} : memref<2x80x128xf32, #tpu.memory_space<vmem>>, vector<1x1x16xf32>,
          %get3A_290 = vector.shape_cast %get3A_289 : vector<1x1x16xf32> to vector<16xf32>
          %add3A_291 = arith.addf %get3A_290, %bitcast_convert_type3A_284 : vector<16xf32>
          %max3A_292 = arith.constant 0.000000e+00 : f32
          %max3A_293 = vector.broadcast %max3A_292 : f32 to vector<16xf32>
          %max3A_294 = arith.maximumf %add3A_291, %max3A_293 : vector<16xf32>
          %swap3A_295 = arith.constant 1 : i32
          %swap3A_296 = arith.index_cast %swap3A_295 : i32 to index
          %swap3A_297 = arith.index_cast %scan3A_190 : i32 to index
          %swap3A_298 = arith.constant 48 : index
          %swap3A_299 = tpu.vector_load %arg12[%swap3A_296, %swap3A_297, %swap3A_298] {strides = array<i32>} : memref<2x80x128xf32, #tpu.memory_space<vmem>>, vector<1x1x16xf32>,
          %swap3A_300 = vector.shape_cast %swap3A_299 : vector<1x1x16xf32> to vector<16xf32>
          %swap3A_301 = vector.shape_cast %max3A_294 : vector<16xf32> to vector<1x1x16xf32>
          tpu.vector_store %arg12[%swap3A_296, %swap3A_297, %swap3A_298], %swap3A_301 {strides = array<i32>} : memref<2x80x128xf32, #tpu.memory_space<vmem>>, vector<1x1x16xf32>,
          %get3A_302 = arith.constant 1 : i32
          %get3A_303 = arith.index_cast %get3A_302 : i32 to index
          %get3A_304 = arith.index_cast %scan3A_190 : i32 to index
          %get3A_305 = arith.constant 64 : index
          %get3A_306 = tpu.vector_load %arg11[%get3A_303, %get3A_304, %get3A_305] {strides = array<i32>} : memref<2x80x128xi32, #tpu.memory_space<vmem>>, vector<1x1x16xi32>,
          %get3A_307 = vector.shape_cast %get3A_306 : vector<1x1x16xi32> to vector<16xi32>
          %shift_left3A_308 = vector.broadcast %mul3A_14 : i32 to vector<16xi32>
          %shift_left3A_309 = arith.shli %get3A_307, %shift_left3A_308 : vector<16xi32>
          %and3A_310 = arith.constant -65536 : i32
          %and3A_311 = vector.broadcast %and3A_310 : i32 to vector<16xi32>
          %and3A_312 = arith.andi %shift_left3A_309, %and3A_311 : vector<16xi32>
          %bitcast_convert_type3A_313 = tpu.bitcast %and3A_312 : vector<16xi32> -> vector<16xf32>
          %get3A_314 = arith.constant 1 : i32
          %get3A_315 = arith.index_cast %get3A_314 : i32 to index
          %get3A_316 = arith.index_cast %scan3A_190 : i32 to index
          %get3A_317 = arith.constant 64 : index
          %get3A_318 = tpu.vector_load %arg12[%get3A_315, %get3A_316, %get3A_317] {strides = array<i32>} : memref<2x80x128xf32, #tpu.memory_space<vmem>>, vector<1x1x16xf32>,
          %get3A_319 = vector.shape_cast %get3A_318 : vector<1x1x16xf32> to vector<16xf32>
          %add3A_320 = arith.addf %get3A_319, %bitcast_convert_type3A_313 : vector<16xf32>
          %max3A_321 = arith.constant 0.000000e+00 : f32
          %max3A_322 = vector.broadcast %max3A_321 : f32 to vector<16xf32>
          %max3A_323 = arith.maximumf %add3A_320, %max3A_322 : vector<16xf32>
          %swap3A_324 = arith.constant 1 : i32
          %swap3A_325 = arith.index_cast %swap3A_324 : i32 to index
          %swap3A_326 = arith.index_cast %scan3A_190 : i32 to index
          %swap3A_327 = arith.constant 64 : index
          %swap3A_328 = tpu.vector_load %arg12[%swap3A_325, %swap3A_326, %swap3A_327] {strides = array<i32>} : memref<2x80x128xf32, #tpu.memory_space<vmem>>, vector<1x1x16xf32>,
          %swap3A_329 = vector.shape_cast %swap3A_328 : vector<1x1x16xf32> to vector<16xf32>
          %swap3A_330 = vector.shape_cast %max3A_323 : vector<16xf32> to vector<1x1x16xf32>
          tpu.vector_store %arg12[%swap3A_325, %swap3A_326, %swap3A_327], %swap3A_330 {strides = array<i32>} : memref<2x80x128xf32, #tpu.memory_space<vmem>>, vector<1x1x16xf32>,
          %get3A_331 = arith.constant 1 : i32
          %get3A_332 = arith.index_cast %get3A_331 : i32 to index
          %get3A_333 = arith.index_cast %scan3A_190 : i32 to index
          %get3A_334 = arith.constant 80 : index
          %get3A_335 = tpu.vector_load %arg11[%get3A_332, %get3A_333, %get3A_334] {strides = array<i32>} : memref<2x80x128xi32, #tpu.memory_space<vmem>>, vector<1x1x16xi32>,
          %get3A_336 = vector.shape_cast %get3A_335 : vector<1x1x16xi32> to vector<16xi32>
          %shift_left3A_337 = vector.broadcast %mul3A_14 : i32 to vector<16xi32>
          %shift_left3A_338 = arith.shli %get3A_336, %shift_left3A_337 : vector<16xi32>
          %and3A_339 = arith.constant -65536 : i32
          %and3A_340 = vector.broadcast %and3A_339 : i32 to vector<16xi32>
          %and3A_341 = arith.andi %shift_left3A_338, %and3A_340 : vector<16xi32>
          %bitcast_convert_type3A_342 = tpu.bitcast %and3A_341 : vector<16xi32> -> vector<16xf32>
          %get3A_343 = arith.constant 1 : i32
          %get3A_344 = arith.index_cast %get3A_343 : i32 to index
          %get3A_345 = arith.index_cast %scan3A_190 : i32 to index
          %get3A_346 = arith.constant 80 : index
          %get3A_347 = tpu.vector_load %arg12[%get3A_344, %get3A_345, %get3A_346] {strides = array<i32>} : memref<2x80x128xf32, #tpu.memory_space<vmem>>, vector<1x1x16xf32>,
          %get3A_348 = vector.shape_cast %get3A_347 : vector<1x1x16xf32> to vector<16xf32>
          %add3A_349 = arith.addf %get3A_348, %bitcast_convert_type3A_342 : vector<16xf32>
          %max3A_350 = arith.constant 0.000000e+00 : f32
          %max3A_351 = vector.broadcast %max3A_350 : f32 to vector<16xf32>
          %max3A_352 = arith.maximumf %add3A_349, %max3A_351 : vector<16xf32>
          %swap3A_353 = arith.constant 1 : i32
          %swap3A_354 = arith.index_cast %swap3A_353 : i32 to index
          %swap3A_355 = arith.index_cast %scan3A_190 : i32 to index
          %swap3A_356 = arith.constant 80 : index
          %swap3A_357 = tpu.vector_load %arg12[%swap3A_354, %swap3A_355, %swap3A_356] {strides = array<i32>} : memref<2x80x128xf32, #tpu.memory_space<vmem>>, vector<1x1x16xf32>,
          %swap3A_358 = vector.shape_cast %swap3A_357 : vector<1x1x16xf32> to vector<16xf32>
          %swap3A_359 = vector.shape_cast %max3A_352 : vector<16xf32> to vector<1x1x16xf32>
          tpu.vector_store %arg12[%swap3A_354, %swap3A_355, %swap3A_356], %swap3A_359 {strides = array<i32>} : memref<2x80x128xf32, #tpu.memory_space<vmem>>, vector<1x1x16xf32>,
          %get3A_360 = arith.constant 1 : i32
          %get3A_361 = arith.index_cast %get3A_360 : i32 to index
          %get3A_362 = arith.index_cast %scan3A_190 : i32 to index
          %get3A_363 = arith.constant 96 : index
          %get3A_364 = tpu.vector_load %arg11[%get3A_361, %get3A_362, %get3A_363] {strides = array<i32>} : memref<2x80x128xi32, #tpu.memory_space<vmem>>, vector<1x1x16xi32>,
          %get3A_365 = vector.shape_cast %get3A_364 : vector<1x1x16xi32> to vector<16xi32>
          %shift_left3A_366 = vector.broadcast %mul3A_14 : i32 to vector<16xi32>
          %shift_left3A_367 = arith.shli %get3A_365, %shift_left3A_366 : vector<16xi32>
          %and3A_368 = arith.constant -65536 : i32
          %and3A_369 = vector.broadcast %and3A_368 : i32 to vector<16xi32>
          %and3A_370 = arith.andi %shift_left3A_367, %and3A_369 : vector<16xi32>
          %bitcast_convert_type3A_371 = tpu.bitcast %and3A_370 : vector<16xi32> -> vector<16xf32>
          %get3A_372 = arith.constant 1 : i32
          %get3A_373 = arith.index_cast %get3A_372 : i32 to index
          %get3A_374 = arith.index_cast %scan3A_190 : i32 to index
          %get3A_375 = arith.constant 96 : index
          %get3A_376 = tpu.vector_load %arg12[%get3A_373, %get3A_374, %get3A_375] {strides = array<i32>} : memref<2x80x128xf32, #tpu.memory_space<vmem>>, vector<1x1x16xf32>,
          %get3A_377 = vector.shape_cast %get3A_376 : vector<1x1x16xf32> to vector<16xf32>
          %add3A_378 = arith.addf %get3A_377, %bitcast_convert_type3A_371 : vector<16xf32>
          %max3A_379 = arith.constant 0.000000e+00 : f32
          %max3A_380 = vector.broadcast %max3A_379 : f32 to vector<16xf32>
          %max3A_381 = arith.maximumf %add3A_378, %max3A_380 : vector<16xf32>
          %swap3A_382 = arith.constant 1 : i32
          %swap3A_383 = arith.index_cast %swap3A_382 : i32 to index
          %swap3A_384 = arith.index_cast %scan3A_190 : i32 to index
          %swap3A_385 = arith.constant 96 : index
          %swap3A_386 = tpu.vector_load %arg12[%swap3A_383, %swap3A_384, %swap3A_385] {strides = array<i32>} : memref<2x80x128xf32, #tpu.memory_space<vmem>>, vector<1x1x16xf32>,
          %swap3A_387 = vector.shape_cast %swap3A_386 : vector<1x1x16xf32> to vector<16xf32>
          %swap3A_388 = vector.shape_cast %max3A_381 : vector<16xf32> to vector<1x1x16xf32>
          tpu.vector_store %arg12[%swap3A_383, %swap3A_384, %swap3A_385], %swap3A_388 {strides = array<i32>} : memref<2x80x128xf32, #tpu.memory_space<vmem>>, vector<1x1x16xf32>,
          %get3A_389 = arith.constant 1 : i32
          %get3A_390 = arith.index_cast %get3A_389 : i32 to index
          %get3A_391 = arith.index_cast %scan3A_190 : i32 to index
          %get3A_392 = arith.constant 112 : index
          %get3A_393 = tpu.vector_load %arg11[%get3A_390, %get3A_391, %get3A_392] {strides = array<i32>} : memref<2x80x128xi32, #tpu.memory_space<vmem>>, vector<1x1x16xi32>,
          %get3A_394 = vector.shape_cast %get3A_393 : vector<1x1x16xi32> to vector<16xi32>
          %shift_left3A_395 = vector.broadcast %mul3A_14 : i32 to vector<16xi32>
          %shift_left3A_396 = arith.shli %get3A_394, %shift_left3A_395 : vector<16xi32>
          %and3A_397 = arith.constant -65536 : i32
          %and3A_398 = vector.broadcast %and3A_397 : i32 to vector<16xi32>
          %and3A_399 = arith.andi %shift_left3A_396, %and3A_398 : vector<16xi32>
          %bitcast_convert_type3A_400 = tpu.bitcast %and3A_399 : vector<16xi32> -> vector<16xf32>
          %get3A_401 = arith.constant 1 : i32
          %get3A_402 = arith.index_cast %get3A_401 : i32 to index
          %get3A_403 = arith.index_cast %scan3A_190 : i32 to index
          %get3A_404 = arith.constant 112 : index
          %get3A_405 = tpu.vector_load %arg12[%get3A_402, %get3A_403, %get3A_404] {strides = array<i32>} : memref<2x80x128xf32, #tpu.memory_space<vmem>>, vector<1x1x16xf32>,
          %get3A_406 = vector.shape_cast %get3A_405 : vector<1x1x16xf32> to vector<16xf32>
          %add3A_407 = arith.addf %get3A_406, %bitcast_convert_type3A_400 : vector<16xf32>
          %max3A_408 = arith.constant 0.000000e+00 : f32
          %max3A_409 = vector.broadcast %max3A_408 : f32 to vector<16xf32>
          %max3A_410 = arith.maximumf %add3A_407, %max3A_409 : vector<16xf32>
          %swap3A_411 = arith.constant 1 : i32
          %swap3A_412 = arith.index_cast %swap3A_411 : i32 to index
          %swap3A_413 = arith.index_cast %scan3A_190 : i32 to index
          %swap3A_414 = arith.constant 112 : index
          %swap3A_415 = tpu.vector_load %arg12[%swap3A_412, %swap3A_413, %swap3A_414] {strides = array<i32>} : memref<2x80x128xf32, #tpu.memory_space<vmem>>, vector<1x1x16xf32>,
          %swap3A_416 = vector.shape_cast %swap3A_415 : vector<1x1x16xf32> to vector<16xf32>
          %swap3A_417 = vector.shape_cast %max3A_410 : vector<16xf32> to vector<1x1x16xf32>
          tpu.vector_store %arg12[%swap3A_412, %swap3A_413, %swap3A_414], %swap3A_417 {strides = array<i32>} : memref<2x80x128xf32, #tpu.memory_space<vmem>>, vector<1x1x16xf32>,
        }
        %scan3A_169 = arith.constant 80 : i32
        %add3A_170 = arith.constant 1 : i32
        %add3A_171 = arith.addi %scan3A_100, %add3A_170 : i32
        %lt3A_172 = arith.constant 125 : i32
        %lt3A_173 = arith.cmpi slt, %add3A_171, %lt3A_172 : i32
        %convert_element_type3A_174 = arith.extui %lt3A_173 : i1 to i32
        %cond3A_175 = arith.constant 0 : i32
        %cond3A_176 = arith.cmpi ne, %convert_element_type3A_174, %cond3A_175 : i32
        scf.if %cond3A_176 {
          %add3A_190 = arith.constant 1 : i32
          %add3A_191 = arith.addi %scan3A_100, %add3A_190 : i32
          %dma_wait3A_192 = arith.constant 0 : i32
          %dma_wait3A_193 = arith.constant 0 : i32
          %dma_wait3A_194 = tpu.memref_slice %arg9[%dma_wait3A_192, %dma_wait3A_193] : memref<2x80xi32, #tpu.memory_space<vmem>> -> memref<1x80xi32, #tpu.memory_space<vmem>>
          %dma_wait3A_195 = tpu.memref_squeeze %dma_wait3A_194 : memref<1x80xi32, #tpu.memory_space<vmem>> -> memref<80xi32, #tpu.memory_space<vmem>>
          %dma_wait3A_196 = arith.constant 0 : i32
          %dma_wait3A_197 = tpu.memref_slice %arg4[%add3A, %add3A_191, %dma_wait3A_196] : memref<32x125x80xi32, #tpu.memory_space<hbm>> -> memref<1x1x80xi32, #tpu.memory_space<hbm>>
          %dma_wait3A_198 = tpu.memref_squeeze %dma_wait3A_197 : memref<1x1x80xi32, #tpu.memory_space<hbm>> -> memref<80xi32, #tpu.memory_space<hbm>>
          %dma_wait3A_199 = arith.constant 0 : i32
          %dma_wait3A_200 = tpu.memref_slice %arg9[%dma_wait3A_192, %dma_wait3A_199] : memref<2x80xi32, #tpu.memory_space<vmem>> -> memref<1x80xi32, #tpu.memory_space<vmem>>
          %dma_wait3A_201 = tpu.memref_squeeze %dma_wait3A_200 : memref<1x80xi32, #tpu.memory_space<vmem>> -> memref<80xi32, #tpu.memory_space<vmem>>
          %dma_wait3A_202 = arith.constant 0 : i32
          %dma_wait3A_203 = tpu.memref_slice %arg4[%add3A, %add3A_191, %dma_wait3A_202] : memref<32x125x80xi32, #tpu.memory_space<hbm>> -> memref<1x1x80xi32, #tpu.memory_space<hbm>>
          %dma_wait3A_204 = tpu.memref_squeeze %dma_wait3A_203 : memref<1x1x80xi32, #tpu.memory_space<hbm>> -> memref<80xi32, #tpu.memory_space<hbm>>
          tpu.wait_dma2 semaphore(%arg18 : memref<!tpu.dma_semaphore, #tpu.memory_space<semaphore_mem>>) src(%dma_wait3A_204 : memref<80xi32, #tpu.memory_space<hbm>>) dst(%dma_wait3A_201 : memref<80xi32, #tpu.memory_space<vmem>>)
          %dma_start3A_205 = arith.constant 0 : i32
          %dma_start3A_206 = arith.constant 0 : i32
          %dma_start3A_207 = arith.constant 0 : i32
          %dma_start3A_208 = arith.constant 0 : i32
          %dma_start3A_209 = tpu.memref_slice %arg12[%dma_start3A_206, %dma_start3A_207, %dma_start3A_208] : memref<2x80x128xf32, #tpu.memory_space<vmem>> -> memref<1x80x128xf32, #tpu.memory_space<vmem>>
          %dma_start3A_210 = tpu.memref_squeeze %dma_start3A_209 : memref<1x80x128xf32, #tpu.memory_space<vmem>> -> memref<80x128xf32, #tpu.memory_space<vmem>>
          %dma_start3A_211 = arith.constant 0 : i32
          %dma_start3A_212 = tpu.memref_slice %arg9[%dma_start3A_205, %dma_start3A_211] : memref<2x80xi32, #tpu.memory_space<vmem>> -> memref<1x80xi32, #tpu.memory_space<vmem>>
          %dma_start3A_213 = tpu.memref_squeeze %dma_start3A_212 : memref<1x80xi32, #tpu.memory_space<vmem>> -> memref<80xi32, #tpu.memory_space<vmem>>
          %dma_start3A_214 = arith.constant 0 : i32
          %dma_start3A_215 = arith.constant 0 : i32
          %dma_start3A_216 = tpu.memref_slice %arg2[%dma_start3A_214, %dma_start3A_215] : memref<20000x128xf32, #tpu.memory_space<hbm>> -> memref<20000x128xf32, #tpu.memory_space<hbm>>
          tpu.enqueue_indirect_dma source(%dma_start3A_216 : memref<20000x128xf32, #tpu.memory_space<hbm>>) target(%dma_start3A_210 : memref<80x128xf32, #tpu.memory_space<vmem>>) offsets(%dma_start3A_213 : memref<80xi32, #tpu.memory_space<vmem>>) semaphore(%arg16 : memref<!tpu.dma_semaphore, #tpu.memory_space<semaphore_mem>>)
        } else {
        }
        %gt3A = arith.constant 0 : i32
        %gt3A_177 = arith.cmpi sgt, %scan3A_100, %gt3A : i32
        %convert_element_type3A_178 = arith.extui %gt3A_177 : i1 to i32
        %cond3A_179 = arith.constant 0 : i32
        %cond3A_180 = arith.cmpi ne, %convert_element_type3A_178, %cond3A_179 : i32
        scf.if %cond3A_180 {
          %dma_wait3A_190 = arith.constant 1 : i32
          %dma_wait3A_191 = arith.constant 0 : i32
          %dma_wait3A_192 = tpu.memref_slice %arg10[%dma_wait3A_190, %dma_wait3A_191] : memref<2x80xi32, #tpu.memory_space<vmem>> -> memref<1x80xi32, #tpu.memory_space<vmem>>
          %dma_wait3A_193 = tpu.memref_squeeze %dma_wait3A_192 : memref<1x80xi32, #tpu.memory_space<vmem>> -> memref<80xi32, #tpu.memory_space<vmem>>
          %dma_wait3A_194 = arith.constant 0 : i32
          %dma_wait3A_195 = tpu.memref_slice %arg5[%arg1, %scan3A_100, %dma_wait3A_194] : memref<16x125x80xi32, #tpu.memory_space<hbm>> -> memref<1x1x80xi32, #tpu.memory_space<hbm>>
          %dma_wait3A_196 = tpu.memref_squeeze %dma_wait3A_195 : memref<1x1x80xi32, #tpu.memory_space<hbm>> -> memref<80xi32, #tpu.memory_space<hbm>>
          %dma_wait3A_197 = arith.constant 0 : i32
          %dma_wait3A_198 = tpu.memref_slice %arg10[%dma_wait3A_190, %dma_wait3A_197] : memref<2x80xi32, #tpu.memory_space<vmem>> -> memref<1x80xi32, #tpu.memory_space<vmem>>
          %dma_wait3A_199 = tpu.memref_squeeze %dma_wait3A_198 : memref<1x80xi32, #tpu.memory_space<vmem>> -> memref<80xi32, #tpu.memory_space<vmem>>
          %dma_wait3A_200 = arith.constant 0 : i32
          %dma_wait3A_201 = tpu.memref_slice %arg5[%arg1, %scan3A_100, %dma_wait3A_200] : memref<16x125x80xi32, #tpu.memory_space<hbm>> -> memref<1x1x80xi32, #tpu.memory_space<hbm>>
          %dma_wait3A_202 = tpu.memref_squeeze %dma_wait3A_201 : memref<1x1x80xi32, #tpu.memory_space<hbm>> -> memref<80xi32, #tpu.memory_space<hbm>>
          tpu.wait_dma2 semaphore(%arg21 : memref<!tpu.dma_semaphore, #tpu.memory_space<semaphore_mem>>) src(%dma_wait3A_202 : memref<80xi32, #tpu.memory_space<hbm>>) dst(%dma_wait3A_199 : memref<80xi32, #tpu.memory_space<vmem>>)
        } else {
        }
        %run_scoped3A_181 = arith.constant 1 : i32
        %run_scoped3A_182 = arith.constant 1 : i32
        "tpu.region"() ({
          %run_scoped3A_190 = tpu.sem_alloc : memref<!tpu.dma_semaphore, #tpu.memory_space<semaphore_mem>>
          %dma_start3A_191 = arith.constant 0 : i32
          %dma_start3A_192 = arith.constant 0 : i32
          %dma_start3A_193 = tpu.memref_slice %arg12[%run_scoped3A_181, %dma_start3A_191, %dma_start3A_192] : memref<2x80x128xf32, #tpu.memory_space<vmem>> -> memref<1x80x128xf32, #tpu.memory_space<vmem>>
          %dma_start3A_194 = tpu.memref_squeeze %dma_start3A_193 : memref<1x80x128xf32, #tpu.memory_space<vmem>> -> memref<80x128xf32, #tpu.memory_space<vmem>>
          %dma_start3A_195 = arith.constant 0 : i32
          %dma_start3A_196 = tpu.memref_slice %arg10[%run_scoped3A_182, %dma_start3A_195] : memref<2x80xi32, #tpu.memory_space<vmem>> -> memref<1x80xi32, #tpu.memory_space<vmem>>
          %dma_start3A_197 = tpu.memref_squeeze %dma_start3A_196 : memref<1x80xi32, #tpu.memory_space<vmem>> -> memref<80xi32, #tpu.memory_space<vmem>>
          %dma_start3A_198 = arith.constant 0 : i32
          %dma_start3A_199 = arith.constant 0 : i32
          %dma_start3A_200 = tpu.memref_slice %arg13[%dma_start3A_198, %dma_start3A_199] : memref<10240x128xf32, #tpu.memory_space<vmem_shared>> -> memref<10240x128xf32, #tpu.memory_space<vmem_shared>>
          tpu.enqueue_indirect_dma source(%dma_start3A_194 : memref<80x128xf32, #tpu.memory_space<vmem>>) target(%dma_start3A_200 : memref<10240x128xf32, #tpu.memory_space<vmem_shared>>) offsets(%dma_start3A_197 : memref<80xi32, #tpu.memory_space<vmem>>) semaphore(%run_scoped3A_190 : memref<!tpu.dma_semaphore, #tpu.memory_space<semaphore_mem>>) {add = true}
          %dma_wait3A_201 = arith.constant 0 : i32
          %dma_wait3A_202 = arith.constant 0 : i32
          %dma_wait3A_203 = tpu.memref_slice %arg12[%run_scoped3A_181, %dma_wait3A_201, %dma_wait3A_202] : memref<2x80x128xf32, #tpu.memory_space<vmem>> -> memref<1x80x128xf32, #tpu.memory_space<vmem>>
          %dma_wait3A_204 = tpu.memref_squeeze %dma_wait3A_203 : memref<1x80x128xf32, #tpu.memory_space<vmem>> -> memref<80x128xf32, #tpu.memory_space<vmem>>
          %dma_wait3A_205 = arith.constant 0 : i32
          %dma_wait3A_206 = tpu.memref_slice %arg10[%run_scoped3A_182, %dma_wait3A_205] : memref<2x80xi32, #tpu.memory_space<vmem>> -> memref<1x80xi32, #tpu.memory_space<vmem>>
          %dma_wait3A_207 = tpu.memref_squeeze %dma_wait3A_206 : memref<1x80xi32, #tpu.memory_space<vmem>> -> memref<80xi32, #tpu.memory_space<vmem>>
          %dma_wait3A_208 = arith.constant 0 : i32
          %dma_wait3A_209 = arith.constant 0 : i32
          %dma_wait3A_210 = tpu.memref_slice %arg13[%dma_wait3A_208, %dma_wait3A_209] : memref<10240x128xf32, #tpu.memory_space<vmem_shared>> -> memref<10240x128xf32, #tpu.memory_space<vmem_shared>>
          tpu.wait_indirect_dma semaphore(%run_scoped3A_190 : memref<!tpu.dma_semaphore, #tpu.memory_space<semaphore_mem>>) src(%dma_wait3A_204 : memref<80x128xf32, #tpu.memory_space<vmem>>) dst(%dma_wait3A_210 : memref<10240x128xf32, #tpu.memory_space<vmem_shared>>)
          tpu.yield
        }) : () -> ()
        %add3A_183 = arith.constant 2 : i32
        %add3A_184 = arith.addi %scan3A_100, %add3A_183 : i32
        %lt3A_185 = arith.constant 125 : i32
        %lt3A_186 = arith.cmpi slt, %add3A_184, %lt3A_185 : i32
        %convert_element_type3A_187 = arith.extui %lt3A_186 : i1 to i32
        %cond3A_188 = arith.constant 0 : i32
        %cond3A_189 = arith.cmpi ne, %convert_element_type3A_187, %cond3A_188 : i32
        scf.if %cond3A_189 {
          %add3A_190 = arith.constant 2 : i32
          %add3A_191 = arith.addi %scan3A_100, %add3A_190 : i32
          %dma_start3A_192 = arith.constant 1 : i32
          %dma_start3A_193 = arith.constant 0 : i32
          %dma_start3A_194 = tpu.memref_slice %arg9[%dma_start3A_192, %dma_start3A_193] : memref<2x80xi32, #tpu.memory_space<vmem>> -> memref<1x80xi32, #tpu.memory_space<vmem>>
          %dma_start3A_195 = tpu.memref_squeeze %dma_start3A_194 : memref<1x80xi32, #tpu.memory_space<vmem>> -> memref<80xi32, #tpu.memory_space<vmem>>
          %dma_start3A_196 = arith.constant 0 : i32
          %dma_start3A_197 = tpu.memref_slice %arg4[%add3A, %add3A_191, %dma_start3A_196] : memref<32x125x80xi32, #tpu.memory_space<hbm>> -> memref<1x1x80xi32, #tpu.memory_space<hbm>>
          %dma_start3A_198 = tpu.memref_squeeze %dma_start3A_197 : memref<1x1x80xi32, #tpu.memory_space<hbm>> -> memref<80xi32, #tpu.memory_space<hbm>>
          %dma_start3A_199 = arith.constant 0 : i32
          %dma_start3A_200 = tpu.memref_slice %arg9[%dma_start3A_192, %dma_start3A_199] : memref<2x80xi32, #tpu.memory_space<vmem>> -> memref<1x80xi32, #tpu.memory_space<vmem>>
          %dma_start3A_201 = tpu.memref_squeeze %dma_start3A_200 : memref<1x80xi32, #tpu.memory_space<vmem>> -> memref<80xi32, #tpu.memory_space<vmem>>
          %dma_start3A_202 = arith.constant 0 : i32
          %dma_start3A_203 = tpu.memref_slice %arg4[%add3A, %add3A_191, %dma_start3A_202] : memref<32x125x80xi32, #tpu.memory_space<hbm>> -> memref<1x1x80xi32, #tpu.memory_space<hbm>>
          %dma_start3A_204 = tpu.memref_squeeze %dma_start3A_203 : memref<1x1x80xi32, #tpu.memory_space<hbm>> -> memref<80xi32, #tpu.memory_space<hbm>>
          tpu.enqueue_dma source(%dma_start3A_204 : memref<80xi32, #tpu.memory_space<hbm>>) target(%dma_start3A_201 : memref<80xi32, #tpu.memory_space<vmem>>) target_semaphore(%arg19 : memref<!tpu.dma_semaphore, #tpu.memory_space<semaphore_mem>>)
          %add3A_205 = arith.constant 2 : i32
          %add3A_206 = arith.addi %scan3A_100, %add3A_205 : i32
          %dma_start3A_207 = arith.constant 1 : i32
          %dma_start3A_208 = arith.constant 0 : i32
          %dma_start3A_209 = tpu.memref_slice %arg10[%dma_start3A_207, %dma_start3A_208] : memref<2x80xi32, #tpu.memory_space<vmem>> -> memref<1x80xi32, #tpu.memory_space<vmem>>
          %dma_start3A_210 = tpu.memref_squeeze %dma_start3A_209 : memref<1x80xi32, #tpu.memory_space<vmem>> -> memref<80xi32, #tpu.memory_space<vmem>>
          %dma_start3A_211 = arith.constant 0 : i32
          %dma_start3A_212 = tpu.memref_slice %arg5[%arg1, %add3A_206, %dma_start3A_211] : memref<16x125x80xi32, #tpu.memory_space<hbm>> -> memref<1x1x80xi32, #tpu.memory_space<hbm>>
          %dma_start3A_213 = tpu.memref_squeeze %dma_start3A_212 : memref<1x1x80xi32, #tpu.memory_space<hbm>> -> memref<80xi32, #tpu.memory_space<hbm>>
          %dma_start3A_214 = arith.constant 0 : i32
          %dma_start3A_215 = tpu.memref_slice %arg10[%dma_start3A_207, %dma_start3A_214] : memref<2x80xi32, #tpu.memory_space<vmem>> -> memref<1x80xi32, #tpu.memory_space<vmem>>
          %dma_start3A_216 = tpu.memref_squeeze %dma_start3A_215 : memref<1x80xi32, #tpu.memory_space<vmem>> -> memref<80xi32, #tpu.memory_space<vmem>>
          %dma_start3A_217 = arith.constant 0 : i32
          %dma_start3A_218 = tpu.memref_slice %arg5[%arg1, %add3A_206, %dma_start3A_217] : memref<16x125x80xi32, #tpu.memory_space<hbm>> -> memref<1x1x80xi32, #tpu.memory_space<hbm>>
          %dma_start3A_219 = tpu.memref_squeeze %dma_start3A_218 : memref<1x1x80xi32, #tpu.memory_space<hbm>> -> memref<80xi32, #tpu.memory_space<hbm>>
          tpu.enqueue_dma source(%dma_start3A_219 : memref<80xi32, #tpu.memory_space<hbm>>) target(%dma_start3A_216 : memref<80xi32, #tpu.memory_space<vmem>>) target_semaphore(%arg21 : memref<!tpu.dma_semaphore, #tpu.memory_space<semaphore_mem>>)
          %add3A_220 = arith.constant 2 : i32
          %add3A_221 = arith.addi %scan3A_100, %add3A_220 : i32
          %mul3A_222 = arith.constant 80 : i32
          %mul3A_223 = arith.muli %add3A_221, %mul3A_222 : i32
          %add3A_224 = arith.addi %mul3A_11, %mul3A_223 : i32
          %dma_start3A_225 = arith.constant 1 : i32
          %dma_start3A_226 = arith.constant 0 : i32
          %dma_start3A_227 = arith.constant 0 : i32
          %dma_start3A_228 = tpu.memref_slice %arg11[%dma_start3A_225, %dma_start3A_226, %dma_start3A_227] : memref<2x80x128xi32, #tpu.memory_space<vmem>> -> memref<1x80x128xi32, #tpu.memory_space<vmem>>
          %dma_start3A_229 = tpu.memref_squeeze %dma_start3A_228 : memref<1x80x128xi32, #tpu.memory_space<vmem>> -> memref<80x128xi32, #tpu.memory_space<vmem>>
          %dma_start3A_230 = arith.constant 0 : i32
          %dma_start3A_231 = tpu.memref_slice %arg3[%add3A_224, %dma_start3A_230] : memref<160000x128xi32, #tpu.memory_space<hbm>> -> memref<80x128xi32, #tpu.memory_space<hbm>>
          %dma_start3A_232 = arith.constant 0 : i32
          %dma_start3A_233 = arith.constant 0 : i32
          %dma_start3A_234 = tpu.memref_slice %arg11[%dma_start3A_225, %dma_start3A_232, %dma_start3A_233] : memref<2x80x128xi32, #tpu.memory_space<vmem>> -> memref<1x80x128xi32, #tpu.memory_space<vmem>>
          %dma_start3A_235 = tpu.memref_squeeze %dma_start3A_234 : memref<1x80x128xi32, #tpu.memory_space<vmem>> -> memref<80x128xi32, #tpu.memory_space<vmem>>
          %dma_start3A_236 = arith.constant 0 : i32
          %dma_start3A_237 = tpu.memref_slice %arg3[%add3A_224, %dma_start3A_236] : memref<160000x128xi32, #tpu.memory_space<hbm>> -> memref<80x128xi32, #tpu.memory_space<hbm>>
          tpu.enqueue_dma source(%dma_start3A_237 : memref<80x128xi32, #tpu.memory_space<hbm>>) target(%dma_start3A_235 : memref<80x128xi32, #tpu.memory_space<vmem>>) target_semaphore(%arg15 : memref<!tpu.dma_semaphore, #tpu.memory_space<semaphore_mem>>)
        } else {
        }
      } else {
      }
    }
    %scan3A_91 = arith.constant 125 : i32
    %barrier3A_92 = arith.constant 0 : index
    tpu.barrier barrier_id(%barrier3A_92)
    %eq3A = arith.constant 0 : i32
    %eq3A_93 = arith.cmpi eq, %arg0, %eq3A : i32
    %convert_element_type3A = arith.extui %eq3A_93 : i1 to i32
    %cond3A = arith.constant 0 : i32
    %cond3A_94 = arith.cmpi ne, %convert_element_type3A, %cond3A : i32
    scf.if %cond3A_94 {
      %mul3A_100 = arith.constant 640 : i32
      %mul3A_101 = arith.muli %arg1, %mul3A_100 : i32
      %mul3A_102 = arith.constant 640 : i32
      %mul3A_103 = arith.muli %arg1, %mul3A_102 : i32
      "tpu.region"() ({
        %run_scoped3A_104 = tpu.sem_alloc : memref<!tpu.dma_semaphore, #tpu.memory_space<semaphore_mem>>
        %dma_start3A_105 = arith.constant 0 : i32
        %dma_start3A_106 = tpu.memref_slice %arg7[%mul3A_103, %dma_start3A_105] : memref<10240x128xf32, #tpu.memory_space<hbm>> -> memref<640x128xf32, #tpu.memory_space<hbm>>
        %dma_start3A_107 = arith.constant 0 : i32
        %dma_start3A_108 = tpu.memref_slice %arg13[%mul3A_101, %dma_start3A_107] : memref<10240x128xf32, #tpu.memory_space<vmem_shared>> -> memref<640x128xf32, #tpu.memory_space<vmem_shared>>
        tpu.enqueue_dma source(%dma_start3A_108 : memref<640x128xf32, #tpu.memory_space<vmem_shared>>) target(%dma_start3A_106 : memref<640x128xf32, #tpu.memory_space<hbm>>) target_semaphore(%run_scoped3A_104 : memref<!tpu.dma_semaphore, #tpu.memory_space<semaphore_mem>>)
        %dma_wait3A = arith.constant 0 : i32
        %dma_wait3A_109 = tpu.memref_slice %arg7[%mul3A_103, %dma_wait3A] : memref<10240x128xf32, #tpu.memory_space<hbm>> -> memref<640x128xf32, #tpu.memory_space<hbm>>
        %dma_wait3A_110 = arith.constant 0 : i32
        %dma_wait3A_111 = tpu.memref_slice %arg13[%mul3A_101, %dma_wait3A_110] : memref<10240x128xf32, #tpu.memory_space<vmem_shared>> -> memref<640x128xf32, #tpu.memory_space<vmem_shared>>
        tpu.wait_dma2 semaphore(%run_scoped3A_104 : memref<!tpu.dma_semaphore, #tpu.memory_space<semaphore_mem>>) src(%dma_wait3A_111 : memref<640x128xf32, #tpu.memory_space<vmem_shared>>) dst(%dma_wait3A_109 : memref<640x128xf32, #tpu.memory_space<hbm>>)
        tpu.yield
      }) : () -> ()
    } else {
    }
    %eq3A_95 = arith.constant 1 : i32
    %eq3A_96 = arith.cmpi eq, %arg0, %eq3A_95 : i32
    %convert_element_type3A_97 = arith.extui %eq3A_96 : i1 to i32
    %cond3A_98 = arith.constant 0 : i32
    %cond3A_99 = arith.cmpi ne, %convert_element_type3A_97, %cond3A_98 : i32
    scf.if %cond3A_99 {
      %mul3A_100 = arith.constant 640 : i32
      %mul3A_101 = arith.muli %arg1, %mul3A_100 : i32
      %mul3A_102 = arith.constant 640 : i32
      %mul3A_103 = arith.muli %arg1, %mul3A_102 : i32
      "tpu.region"() ({
        %run_scoped3A_104 = tpu.sem_alloc : memref<!tpu.dma_semaphore, #tpu.memory_space<semaphore_mem>>
        %dma_start3A_105 = arith.constant 0 : i32
        %dma_start3A_106 = tpu.memref_slice %arg8[%mul3A_103, %dma_start3A_105] : memref<10240x128xf32, #tpu.memory_space<hbm>> -> memref<640x128xf32, #tpu.memory_space<hbm>>
        %dma_start3A_107 = arith.constant 0 : i32
        %dma_start3A_108 = tpu.memref_slice %arg13[%mul3A_101, %dma_start3A_107] : memref<10240x128xf32, #tpu.memory_space<vmem_shared>> -> memref<640x128xf32, #tpu.memory_space<vmem_shared>>
        tpu.enqueue_dma source(%dma_start3A_108 : memref<640x128xf32, #tpu.memory_space<vmem_shared>>) target(%dma_start3A_106 : memref<640x128xf32, #tpu.memory_space<hbm>>) target_semaphore(%run_scoped3A_104 : memref<!tpu.dma_semaphore, #tpu.memory_space<semaphore_mem>>)
        %dma_wait3A = arith.constant 0 : i32
        %dma_wait3A_109 = tpu.memref_slice %arg8[%mul3A_103, %dma_wait3A] : memref<10240x128xf32, #tpu.memory_space<hbm>> -> memref<640x128xf32, #tpu.memory_space<hbm>>
        %dma_wait3A_110 = arith.constant 0 : i32
        %dma_wait3A_111 = tpu.memref_slice %arg13[%mul3A_101, %dma_wait3A_110] : memref<10240x128xf32, #tpu.memory_space<vmem_shared>> -> memref<640x128xf32, #tpu.memory_space<vmem_shared>>
        tpu.wait_dma2 semaphore(%run_scoped3A_104 : memref<!tpu.dma_semaphore, #tpu.memory_space<semaphore_mem>>) src(%dma_wait3A_111 : memref<640x128xf32, #tpu.memory_space<vmem_shared>>) dst(%dma_wait3A_109 : memref<640x128xf32, #tpu.memory_space<hbm>>)
        tpu.yield
      }) : () -> ()
    } else {
    }
    return
  }
}

module attributes {stable_mosaic.version = 14 : i64} {
  func.func @_node_enc_body(%arg0: i32, %arg1: memref<1000x128xf32, #tpu.memory_space<vmem>>, %arg2: memref<128x256xf32, #tpu.memory_space<vmem>>, %arg3: memref<1x256xf32, #tpu.memory_space<vmem>>, %arg4: memref<1x256xf32, #tpu.memory_space<vmem>>, %arg5: memref<1x256xf32, #tpu.memory_space<vmem>>, %arg6: memref<1000x256xf32, #tpu.memory_space<vmem>>) attributes {dimension_semantics = [#tpu.dimension_semantics<arbitrary>], iteration_bounds = array<i64: 10>, scalar_prefetch = 0 : i64, scratch_operands = 0 : i64, tpu.core_type = #tpu.core_type<tc>, window_params = [{transform_indices = @transform_0, window_bounds = array<i64: 1000, 128>}, {pipeline_mode = #tpu.pipeline_mode<synchronous>, transform_indices = @transform_1, window_bounds = array<i64: 128, 256>}, {pipeline_mode = #tpu.pipeline_mode<synchronous>, transform_indices = @transform_2, window_bounds = array<i64: 1, 256>}, {pipeline_mode = #tpu.pipeline_mode<synchronous>, transform_indices = @transform_3, window_bounds = array<i64: 1, 256>}, {pipeline_mode = #tpu.pipeline_mode<synchronous>, transform_indices = @transform_4, window_bounds = array<i64: 1, 256>}, {transform_indices = @transform_5, window_bounds = array<i64: 1000, 256>}]} {
    %get3A = arith.constant 0 : index
    %get3A_0 = arith.constant 0 : index
    %get3A_1 = vector.load %arg1[%get3A, %get3A_0] : memref<1000x128xf32, #tpu.memory_space<vmem>>, vector<1000x128xf32>
    %get3A_2 = arith.constant 0 : index
    %get3A_3 = arith.constant 0 : index
    %get3A_4 = vector.load %arg2[%get3A_2, %get3A_3] : memref<128x256xf32, #tpu.memory_space<vmem>>, vector<128x256xf32>
    %dot_general3A = arith.constant dense<0.000000e+00> : vector<1000x256xf32>
    %dot_general3A_5 = tpu.matmul %get3A_1, %get3A_4, %dot_general3A {dimension_numbers = #tpu.dot_dimension_numbers<[1], [0], [0], [1], [0, 0, 1, 1], [], []>, transpose_lhs_hint = false} : vector<1000x128xf32>, vector<128x256xf32>, vector<1000x256xf32> -> vector<1000x256xf32>
    %get3A_6 = arith.constant 0 : index
    %get3A_7 = arith.constant 0 : index
    %get3A_8 = vector.load %arg3[%get3A_6, %get3A_7] : memref<1x256xf32, #tpu.memory_space<vmem>>, vector<1x256xf32>
    %add3A = vector.broadcast %get3A_8 : vector<1x256xf32> to vector<1000x256xf32>
    %add3A_9 = arith.addf %dot_general3A_5, %add3A : vector<1000x256xf32>
    %max3A = arith.constant 0.000000e+00 : f32
    %max3A_10 = vector.broadcast %max3A : f32 to vector<1000x256xf32>
    %max3A_11 = arith.maximumf %add3A_9, %max3A_10 : vector<1000x256xf32>
    %get3A_12 = arith.constant 0 : index
    %get3A_13 = arith.constant 0 : index
    %get3A_14 = vector.load %arg4[%get3A_12, %get3A_13] : memref<1x256xf32, #tpu.memory_space<vmem>>, vector<1x256xf32>
    %get3A_15 = arith.constant 0 : index
    %get3A_16 = arith.constant 0 : index
    %get3A_17 = vector.load %arg5[%get3A_15, %get3A_16] : memref<1x256xf32, #tpu.memory_space<vmem>>, vector<1x256xf32>
    %reduce_sum3A = arith.constant dense<0.000000e+00> : vector<1000xf32>
    %reduce_sum3A_18 = vector.multi_reduction <add>, %max3A_11, %reduce_sum3A [1] : vector<1000x256xf32> to vector<1000xf32>
    %broadcast_in_dim3A = vector.shape_cast %reduce_sum3A_18 : vector<1000xf32> to vector<1000x1xf32>
    %div3A = arith.constant 2.560000e+02 : f32
    %div3A_19 = vector.broadcast %div3A : f32 to vector<1000x1xf32>
    %div3A_20 = arith.divf %broadcast_in_dim3A, %div3A_19 : vector<1000x1xf32>
    %sub3A = vector.broadcast %div3A_20 : vector<1000x1xf32> to vector<1000x256xf32>
    %sub3A_21 = arith.subf %max3A_11, %sub3A : vector<1000x256xf32>
    %integer_pow3A = arith.mulf %sub3A_21, %sub3A_21 : vector<1000x256xf32>
    %reduce_sum3A_22 = arith.constant dense<0.000000e+00> : vector<1000xf32>
    %reduce_sum3A_23 = vector.multi_reduction <add>, %integer_pow3A, %reduce_sum3A_22 [1] : vector<1000x256xf32> to vector<1000xf32>
    %broadcast_in_dim3A_24 = vector.shape_cast %reduce_sum3A_23 : vector<1000xf32> to vector<1000x1xf32>
    %div3A_25 = arith.constant 2.560000e+02 : f32
    %div3A_26 = vector.broadcast %div3A_25 : f32 to vector<1000x1xf32>
    %div3A_27 = arith.divf %broadcast_in_dim3A_24, %div3A_26 : vector<1000x1xf32>
    %sub3A_28 = vector.broadcast %div3A_20 : vector<1000x1xf32> to vector<1000x256xf32>
    %sub3A_29 = arith.subf %max3A_11, %sub3A_28 : vector<1000x256xf32>
    %add3A_30 = arith.constant 9.99999974E-6 : f32
    %add3A_31 = vector.broadcast %add3A_30 : f32 to vector<1000x1xf32>
    %add3A_32 = arith.addf %div3A_27, %add3A_31 : vector<1000x1xf32>
    %sqrt3A = math.sqrt %add3A_32 : vector<1000x1xf32>
    %div3A_33 = vector.broadcast %sqrt3A : vector<1000x1xf32> to vector<1000x256xf32>
    %div3A_34 = arith.divf %sub3A_29, %div3A_33 : vector<1000x256xf32>
    %mul3A = vector.broadcast %get3A_14 : vector<1x256xf32> to vector<1000x256xf32>
    %mul3A_35 = arith.mulf %div3A_34, %mul3A : vector<1000x256xf32>
    %add3A_36 = vector.broadcast %get3A_17 : vector<1x256xf32> to vector<1000x256xf32>
    %add3A_37 = arith.addf %mul3A_35, %add3A_36 : vector<1000x256xf32>
    %swap3A = arith.constant 0 : index
    %swap3A_38 = arith.constant 0 : index
    %swap3A_39 = vector.load %arg6[%swap3A, %swap3A_38] : memref<1000x256xf32, #tpu.memory_space<vmem>>, vector<1000x256xf32>
    tpu.vector_store %arg6[%swap3A, %swap3A_38], %add3A_37 {strides = array<i32>} : memref<1000x256xf32, #tpu.memory_space<vmem>>, vector<1000x256xf32>,
    return
  }
  func.func @transform_0(%arg0: i32) -> (i32, i32) {
    %c0_i32 = arith.constant 0 : i32
    %c0_i32_0 = arith.constant 0 : i32
    return %arg0, %c0_i32 : i32, i32
  }
  func.func @transform_1(%arg0: i32) -> (i32, i32) {
    %c0_i32 = arith.constant 0 : i32
    %c0_i32_0 = arith.constant 0 : i32
    %c0_i32_1 = arith.constant 0 : i32
    return %c0_i32, %c0_i32_0 : i32, i32
  }
  func.func @transform_2(%arg0: i32) -> (i32, i32) {
    %c0_i32 = arith.constant 0 : i32
    %c0_i32_0 = arith.constant 0 : i32
    %c0_i32_1 = arith.constant 0 : i32
    return %c0_i32, %c0_i32_0 : i32, i32
  }
  func.func @transform_3(%arg0: i32) -> (i32, i32) {
    %c0_i32 = arith.constant 0 : i32
    %c0_i32_0 = arith.constant 0 : i32
    %c0_i32_1 = arith.constant 0 : i32
    return %c0_i32, %c0_i32_0 : i32, i32
  }
  func.func @transform_4(%arg0: i32) -> (i32, i32) {
    %c0_i32 = arith.constant 0 : i32
    %c0_i32_0 = arith.constant 0 : i32
    %c0_i32_1 = arith.constant 0 : i32
    return %c0_i32, %c0_i32_0 : i32, i32
  }
  func.func @transform_5(%arg0: i32) -> (i32, i32) {
    %c0_i32 = arith.constant 0 : i32
    %c0_i32_0 = arith.constant 0 : i32
    return %arg0, %c0_i32 : i32, i32
  }
}

module attributes {stable_mosaic.version = 14 : i64} {
  func.func @_ha_body(%arg0: i32, %arg1: i32, %arg2: memref<1000x256xf32, #tpu.memory_space<vmem>>, %arg3: memref<1x256x128xf32, #tpu.memory_space<vmem>>, %arg4: memref<1000x128xf32, #tpu.memory_space<vmem>>) attributes {dimension_semantics = [#tpu.dimension_semantics<arbitrary>, #tpu.dimension_semantics<arbitrary>], iteration_bounds = array<i64: 2, 10>, scalar_prefetch = 0 : i64, scratch_operands = 0 : i64, tpu.core_type = #tpu.core_type<tc>, window_params = [{transform_indices = @transform_0, window_bounds = array<i64: 1000, 256>}, {transform_indices = @transform_1, window_bounds = array<i64: 1, 256, 128>}, {transform_indices = @transform_2, window_bounds = array<i64: 1000, 128>}]} {
    %get3A = arith.constant 0 : index
    %get3A_0 = arith.constant 0 : index
    %get3A_1 = vector.load %arg2[%get3A, %get3A_0] : memref<1000x256xf32, #tpu.memory_space<vmem>>, vector<1000x256xf32>
    %get3A_2 = arith.constant 0 : index
    %get3A_3 = arith.constant 0 : index
    %get3A_4 = arith.constant 0 : index
    %get3A_5 = vector.load %arg3[%get3A_2, %get3A_3, %get3A_4] : memref<1x256x128xf32, #tpu.memory_space<vmem>>, vector<1x256x128xf32>
    %get3A_6 = vector.shape_cast %get3A_5 : vector<1x256x128xf32> to vector<256x128xf32>
    %dot_general3A = arith.constant dense<0.000000e+00> : vector<1000x128xf32>
    %dot_general3A_7 = tpu.matmul %get3A_1, %get3A_6, %dot_general3A {dimension_numbers = #tpu.dot_dimension_numbers<[1], [0], [0], [1], [0, 0, 1, 1], [], []>, transpose_lhs_hint = false} : vector<1000x256xf32>, vector<256x128xf32>, vector<1000x128xf32> -> vector<1000x128xf32>
    %swap3A = arith.constant 0 : index
    %swap3A_8 = arith.constant 0 : index
    %swap3A_9 = vector.load %arg4[%swap3A, %swap3A_8] : memref<1000x128xf32, #tpu.memory_space<vmem>>, vector<1000x128xf32>
    tpu.vector_store %arg4[%swap3A, %swap3A_8], %dot_general3A_7 {strides = array<i32>} : memref<1000x128xf32, #tpu.memory_space<vmem>>, vector<1000x128xf32>,
    return
  }
  func.func @transform_0(%arg0: i32, %arg1: i32) -> (i32, i32) {
    %c0_i32 = arith.constant 0 : i32
    %c0_i32_0 = arith.constant 0 : i32
    return %arg1, %c0_i32 : i32, i32
  }
  func.func @transform_1(%arg0: i32, %arg1: i32) -> (i32, i32, i32) {
    %c0_i32 = arith.constant 0 : i32
    %c0_i32_0 = arith.constant 0 : i32
    %c0_i32_1 = arith.constant 0 : i32
    return %arg0, %c0_i32, %c0_i32_0 : i32, i32, i32
  }
  func.func @transform_2(%arg0: i32, %arg1: i32) -> (i32, i32) {
    %mul3A = arith.constant 10 : i32
    %mul3A_0 = arith.muli %arg0, %mul3A : i32
    %add3A = arith.addi %mul3A_0, %arg1 : i32
    %c0_i32 = arith.constant 0 : i32
    %c0_i32_1 = arith.constant 0 : i32
    return %add3A, %c0_i32 : i32, i32
  }
}

module attributes {stable_mosaic.version = 14 : i64} {
  func.func @_edge_proj_a_body(%arg0: i32, %arg1: memref<2000x16xf32, #tpu.memory_space<vmem>>, %arg2: memref<16x256xf32, #tpu.memory_space<vmem>>, %arg3: memref<1x256xf32, #tpu.memory_space<vmem>>, %arg4: memref<1x256xf32, #tpu.memory_space<vmem>>, %arg5: memref<1x256xf32, #tpu.memory_space<vmem>>, %arg6: memref<256x256xf32, #tpu.memory_space<vmem>>, %arg7: memref<1x256xf32, #tpu.memory_space<vmem>>, %arg8: memref<2000x128xi32, #tpu.memory_space<vmem>>) attributes {dimension_semantics = [#tpu.dimension_semantics<arbitrary>], iteration_bounds = array<i64: 80>, scalar_prefetch = 0 : i64, scratch_operands = 0 : i64, tpu.core_type = #tpu.core_type<tc>, window_params = [{transform_indices = @transform_0, window_bounds = array<i64: 2000, 16>}, {pipeline_mode = #tpu.pipeline_mode<synchronous>, transform_indices = @transform_1, window_bounds = array<i64: 16, 256>}, {pipeline_mode = #tpu.pipeline_mode<synchronous>, transform_indices = @transform_2, window_bounds = array<i64: 1, 256>}, {pipeline_mode = #tpu.pipeline_mode<synchronous>, transform_indices = @transform_3, window_bounds = array<i64: 1, 256>}, {pipeline_mode = #tpu.pipeline_mode<synchronous>, transform_indices = @transform_4, window_bounds = array<i64: 1, 256>}, {pipeline_mode = #tpu.pipeline_mode<synchronous>, transform_indices = @transform_5, window_bounds = array<i64: 256, 256>}, {pipeline_mode = #tpu.pipeline_mode<synchronous>, transform_indices = @transform_6, window_bounds = array<i64: 1, 256>}, {transform_indices = @transform_7, window_bounds = array<i64: 2000, 128>}]} {
    %get3A = arith.constant 0 : index
    %get3A_0 = arith.constant 0 : index
    %get3A_1 = vector.load %arg1[%get3A, %get3A_0] : memref<2000x16xf32, #tpu.memory_space<vmem>>, vector<2000x16xf32>
    %get3A_2 = arith.constant 0 : index
    %get3A_3 = arith.constant 0 : index
    %get3A_4 = vector.load %arg2[%get3A_2, %get3A_3] : memref<16x256xf32, #tpu.memory_space<vmem>>, vector<16x256xf32>
    %dot_general3A = arith.constant dense<0.000000e+00> : vector<2000x256xf32>
    %dot_general3A_5 = tpu.matmul %get3A_1, %get3A_4, %dot_general3A {dimension_numbers = #tpu.dot_dimension_numbers<[1], [0], [0], [1], [0, 0, 1, 1], [], []>, transpose_lhs_hint = false} : vector<2000x16xf32>, vector<16x256xf32>, vector<2000x256xf32> -> vector<2000x256xf32>
    %get3A_6 = arith.constant 0 : index
    %get3A_7 = arith.constant 0 : index
    %get3A_8 = vector.load %arg3[%get3A_6, %get3A_7] : memref<1x256xf32, #tpu.memory_space<vmem>>, vector<1x256xf32>
    %add3A = vector.broadcast %get3A_8 : vector<1x256xf32> to vector<2000x256xf32>
    %add3A_9 = arith.addf %dot_general3A_5, %add3A : vector<2000x256xf32>
    %max3A = arith.constant 0.000000e+00 : f32
    %max3A_10 = vector.broadcast %max3A : f32 to vector<2000x256xf32>
    %max3A_11 = arith.maximumf %add3A_9, %max3A_10 : vector<2000x256xf32>
    %get3A_12 = arith.constant 0 : index
    %get3A_13 = arith.constant 0 : index
    %get3A_14 = vector.load %arg4[%get3A_12, %get3A_13] : memref<1x256xf32, #tpu.memory_space<vmem>>, vector<1x256xf32>
    %get3A_15 = arith.constant 0 : index
    %get3A_16 = arith.constant 0 : index
    %get3A_17 = vector.load %arg5[%get3A_15, %get3A_16] : memref<1x256xf32, #tpu.memory_space<vmem>>, vector<1x256xf32>
    %reduce_sum3A = arith.constant dense<0.000000e+00> : vector<2000xf32>
    %reduce_sum3A_18 = vector.multi_reduction <add>, %max3A_11, %reduce_sum3A [1] : vector<2000x256xf32> to vector<2000xf32>
    %broadcast_in_dim3A = vector.shape_cast %reduce_sum3A_18 : vector<2000xf32> to vector<2000x1xf32>
    %div3A = arith.constant 2.560000e+02 : f32
    %div3A_19 = vector.broadcast %div3A : f32 to vector<2000x1xf32>
    %div3A_20 = arith.divf %broadcast_in_dim3A, %div3A_19 : vector<2000x1xf32>
    %sub3A = vector.broadcast %div3A_20 : vector<2000x1xf32> to vector<2000x256xf32>
    %sub3A_21 = arith.subf %max3A_11, %sub3A : vector<2000x256xf32>
    %integer_pow3A = arith.mulf %sub3A_21, %sub3A_21 : vector<2000x256xf32>
    %reduce_sum3A_22 = arith.constant dense<0.000000e+00> : vector<2000xf32>
    %reduce_sum3A_23 = vector.multi_reduction <add>, %integer_pow3A, %reduce_sum3A_22 [1] : vector<2000x256xf32> to vector<2000xf32>
    %broadcast_in_dim3A_24 = vector.shape_cast %reduce_sum3A_23 : vector<2000xf32> to vector<2000x1xf32>
    %div3A_25 = arith.constant 2.560000e+02 : f32
    %div3A_26 = vector.broadcast %div3A_25 : f32 to vector<2000x1xf32>
    %div3A_27 = arith.divf %broadcast_in_dim3A_24, %div3A_26 : vector<2000x1xf32>
    %sub3A_28 = vector.broadcast %div3A_20 : vector<2000x1xf32> to vector<2000x256xf32>
    %sub3A_29 = arith.subf %max3A_11, %sub3A_28 : vector<2000x256xf32>
    %add3A_30 = arith.constant 9.99999974E-6 : f32
    %add3A_31 = vector.broadcast %add3A_30 : f32 to vector<2000x1xf32>
    %add3A_32 = arith.addf %div3A_27, %add3A_31 : vector<2000x1xf32>
    %sqrt3A = math.sqrt %add3A_32 : vector<2000x1xf32>
    %div3A_33 = vector.broadcast %sqrt3A : vector<2000x1xf32> to vector<2000x256xf32>
    %div3A_34 = arith.divf %sub3A_29, %div3A_33 : vector<2000x256xf32>
    %mul3A = vector.broadcast %get3A_14 : vector<1x256xf32> to vector<2000x256xf32>
    %mul3A_35 = arith.mulf %div3A_34, %mul3A : vector<2000x256xf32>
    %add3A_36 = vector.broadcast %get3A_17 : vector<1x256xf32> to vector<2000x256xf32>
    %add3A_37 = arith.addf %mul3A_35, %add3A_36 : vector<2000x256xf32>
    %get3A_38 = arith.constant 0 : index
    %get3A_39 = arith.constant 0 : index
    %get3A_40 = vector.load %arg6[%get3A_38, %get3A_39] : memref<256x256xf32, #tpu.memory_space<vmem>>, vector<256x256xf32>
    %dot_general3A_41 = arith.constant dense<0.000000e+00> : vector<2000x256xf32>
    %dot_general3A_42 = tpu.matmul %add3A_37, %get3A_40, %dot_general3A_41 {dimension_numbers = #tpu.dot_dimension_numbers<[1], [0], [0], [1], [0, 0, 1, 1], [], []>, transpose_lhs_hint = false} : vector<2000x256xf32>, vector<256x256xf32>, vector<2000x256xf32> -> vector<2000x256xf32>
    %get3A_43 = arith.constant 0 : index
    %get3A_44 = arith.constant 0 : index
    %get3A_45 = vector.load %arg7[%get3A_43, %get3A_44] : memref<1x256xf32, #tpu.memory_space<vmem>>, vector<1x256xf32>
    %add3A_46 = vector.broadcast %get3A_45 : vector<1x256xf32> to vector<2000x256xf32>
    %add3A_47 = arith.addf %dot_general3A_42, %add3A_46 : vector<2000x256xf32>
    %slice3A = vector.extract_strided_slice %add3A_47 {offsets = [0, 0], sizes = [2000, 128], strides = [1, 1]} : vector<2000x256xf32> to vector<2000x128xf32>
    %convert_element_type3A = arith.truncf %slice3A : vector<2000x128xf32> to vector<2000x128xbf16>
    %convert_element_type3A_48 = arith.extf %convert_element_type3A : vector<2000x128xbf16> to vector<2000x128xf32>
    %bitcast_convert_type3A = tpu.bitcast %convert_element_type3A_48 : vector<2000x128xf32> -> vector<2000x128xi32>
    %slice3A_49 = vector.extract_strided_slice %add3A_47 {offsets = [0, 128], sizes = [2000, 128], strides = [1, 1]} : vector<2000x256xf32> to vector<2000x128xf32>
    %convert_element_type3A_50 = arith.truncf %slice3A_49 : vector<2000x128xf32> to vector<2000x128xbf16>
    %convert_element_type3A_51 = arith.extf %convert_element_type3A_50 : vector<2000x128xbf16> to vector<2000x128xf32>
    %bitcast_convert_type3A_52 = tpu.bitcast %convert_element_type3A_51 : vector<2000x128xf32> -> vector<2000x128xi32>
    %shift_right_logical3A = arith.constant 16 : i32
    %shift_right_logical3A_53 = vector.broadcast %shift_right_logical3A : i32 to vector<2000x128xi32>
    %shift_right_logical3A_54 = arith.shrui %bitcast_convert_type3A, %shift_right_logical3A_53 : vector<2000x128xi32>
    %and3A = arith.constant -65536 : i32
    %and3A_55 = vector.broadcast %and3A : i32 to vector<2000x128xi32>
    %and3A_56 = arith.andi %bitcast_convert_type3A_52, %and3A_55 : vector<2000x128xi32>
    %or3A = arith.ori %shift_right_logical3A_54, %and3A_56 : vector<2000x128xi32>
    %bitcast_convert_type3A_57 = tpu.bitcast %or3A : vector<2000x128xi32> -> vector<2000x128xi32>
    %swap3A = arith.constant 0 : index
    %swap3A_58 = arith.constant 0 : index
    %swap3A_59 = vector.load %arg8[%swap3A, %swap3A_58] : memref<2000x128xi32, #tpu.memory_space<vmem>>, vector<2000x128xi32>
    tpu.vector_store %arg8[%swap3A, %swap3A_58], %bitcast_convert_type3A_57 {strides = array<i32>} : memref<2000x128xi32, #tpu.memory_space<vmem>>, vector<2000x128xi32>,
    return
  }
  func.func @transform_0(%arg0: i32) -> (i32, i32) {
    %c0_i32 = arith.constant 0 : i32
    %c0_i32_0 = arith.constant 0 : i32
    return %arg0, %c0_i32 : i32, i32
  }
  func.func @transform_1(%arg0: i32) -> (i32, i32) {
    %c0_i32 = arith.constant 0 : i32
    %c0_i32_0 = arith.constant 0 : i32
    %c0_i32_1 = arith.constant 0 : i32
    return %c0_i32, %c0_i32_0 : i32, i32
  }
  func.func @transform_2(%arg0: i32) -> (i32, i32) {
    %c0_i32 = arith.constant 0 : i32
    %c0_i32_0 = arith.constant 0 : i32
    %c0_i32_1 = arith.constant 0 : i32
    return %c0_i32, %c0_i32_0 : i32, i32
  }
  func.func @transform_3(%arg0: i32) -> (i32, i32) {
    %c0_i32 = arith.constant 0 : i32
    %c0_i32_0 = arith.constant 0 : i32
    %c0_i32_1 = arith.constant 0 : i32
    return %c0_i32, %c0_i32_0 : i32, i32
  }
  func.func @transform_4(%arg0: i32) -> (i32, i32) {
    %c0_i32 = arith.constant 0 : i32
    %c0_i32_0 = arith.constant 0 : i32
    %c0_i32_1 = arith.constant 0 : i32
    return %c0_i32, %c0_i32_0 : i32, i32
  }
  func.func @transform_5(%arg0: i32) -> (i32, i32) {
    %c0_i32 = arith.constant 0 : i32
    %c0_i32_0 = arith.constant 0 : i32
    %c0_i32_1 = arith.constant 0 : i32
    return %c0_i32, %c0_i32_0 : i32, i32
  }
  func.func @transform_6(%arg0: i32) -> (i32, i32) {
    %c0_i32 = arith.constant 0 : i32
    %c0_i32_0 = arith.constant 0 : i32
    %c0_i32_1 = arith.constant 0 : i32
    return %c0_i32, %c0_i32_0 : i32, i32
  }
  func.func @transform_7(%arg0: i32) -> (i32, i32) {
    %c0_i32 = arith.constant 0 : i32
    %c0_i32_0 = arith.constant 0 : i32
    return %arg0, %c0_i32 : i32, i32
  }
}

module attributes {stable_mosaic.version = 14 : i64} {
  func.func @_edge_proj_b_body(%arg0: i32, %arg1: memref<2000x16xf32, #tpu.memory_space<vmem>>, %arg2: memref<16x256xf32, #tpu.memory_space<vmem>>, %arg3: memref<1x256xf32, #tpu.memory_space<vmem>>, %arg4: memref<1x256xf32, #tpu.memory_space<vmem>>, %arg5: memref<1x256xf32, #tpu.memory_space<vmem>>, %arg6: memref<256x256xf32, #tpu.memory_space<vmem>>, %arg7: memref<1x256xf32, #tpu.memory_space<vmem>>, %arg8: memref<16x256xf32, #tpu.memory_space<vmem>>, %arg9: memref<1x256xf32, #tpu.memory_space<vmem>>, %arg10: memref<2000x128xi32, #tpu.memory_space<vmem>>, %arg11: memref<2000x128xi32, #tpu.memory_space<vmem>>) attributes {dimension_semantics = [#tpu.dimension_semantics<arbitrary>], iteration_bounds = array<i64: 80>, scalar_prefetch = 0 : i64, scratch_operands = 0 : i64, tpu.core_type = #tpu.core_type<tc>, window_params = [{transform_indices = @transform_0, window_bounds = array<i64: 2000, 16>}, {pipeline_mode = #tpu.pipeline_mode<synchronous>, transform_indices = @transform_1, window_bounds = array<i64: 16, 256>}, {pipeline_mode = #tpu.pipeline_mode<synchronous>, transform_indices = @transform_2, window_bounds = array<i64: 1, 256>}, {pipeline_mode = #tpu.pipeline_mode<synchronous>, transform_indices = @transform_3, window_bounds = array<i64: 1, 256>}, {pipeline_mode = #tpu.pipeline_mode<synchronous>, transform_indices = @transform_4, window_bounds = array<i64: 1, 256>}, {pipeline_mode = #tpu.pipeline_mode<synchronous>, transform_indices = @transform_5, window_bounds = array<i64: 256, 256>}, {pipeline_mode = #tpu.pipeline_mode<synchronous>, transform_indices = @transform_6, window_bounds = array<i64: 1, 256>}, {pipeline_mode = #tpu.pipeline_mode<synchronous>, transform_indices = @transform_7, window_bounds = array<i64: 16, 256>}, {pipeline_mode = #tpu.pipeline_mode<synchronous>, transform_indices = @transform_8, window_bounds = array<i64: 1, 256>}, {transform_indices = @transform_9, window_bounds = array<i64: 2000, 128>}, {transform_indices = @transform_10, window_bounds = array<i64: 2000, 128>}]} {
    %get3A = arith.constant 0 : index
    %get3A_0 = arith.constant 0 : index
    %get3A_1 = vector.load %arg1[%get3A, %get3A_0] : memref<2000x16xf32, #tpu.memory_space<vmem>>, vector<2000x16xf32>
    %get3A_2 = arith.constant 0 : index
    %get3A_3 = arith.constant 0 : index
    %get3A_4 = vector.load %arg2[%get3A_2, %get3A_3] : memref<16x256xf32, #tpu.memory_space<vmem>>, vector<16x256xf32>
    %dot_general3A = arith.constant dense<0.000000e+00> : vector<2000x256xf32>
    %dot_general3A_5 = tpu.matmul %get3A_1, %get3A_4, %dot_general3A {dimension_numbers = #tpu.dot_dimension_numbers<[1], [0], [0], [1], [0, 0, 1, 1], [], []>, transpose_lhs_hint = false} : vector<2000x16xf32>, vector<16x256xf32>, vector<2000x256xf32> -> vector<2000x256xf32>
    %get3A_6 = arith.constant 0 : index
    %get3A_7 = arith.constant 0 : index
    %get3A_8 = vector.load %arg3[%get3A_6, %get3A_7] : memref<1x256xf32, #tpu.memory_space<vmem>>, vector<1x256xf32>
    %add3A = vector.broadcast %get3A_8 : vector<1x256xf32> to vector<2000x256xf32>
    %add3A_9 = arith.addf %dot_general3A_5, %add3A : vector<2000x256xf32>
    %max3A = arith.constant 0.000000e+00 : f32
    %max3A_10 = vector.broadcast %max3A : f32 to vector<2000x256xf32>
    %max3A_11 = arith.maximumf %add3A_9, %max3A_10 : vector<2000x256xf32>
    %get3A_12 = arith.constant 0 : index
    %get3A_13 = arith.constant 0 : index
    %get3A_14 = vector.load %arg4[%get3A_12, %get3A_13] : memref<1x256xf32, #tpu.memory_space<vmem>>, vector<1x256xf32>
    %get3A_15 = arith.constant 0 : index
    %get3A_16 = arith.constant 0 : index
    %get3A_17 = vector.load %arg5[%get3A_15, %get3A_16] : memref<1x256xf32, #tpu.memory_space<vmem>>, vector<1x256xf32>
    %reduce_sum3A = arith.constant dense<0.000000e+00> : vector<2000xf32>
    %reduce_sum3A_18 = vector.multi_reduction <add>, %max3A_11, %reduce_sum3A [1] : vector<2000x256xf32> to vector<2000xf32>
    %broadcast_in_dim3A = vector.shape_cast %reduce_sum3A_18 : vector<2000xf32> to vector<2000x1xf32>
    %div3A = arith.constant 2.560000e+02 : f32
    %div3A_19 = vector.broadcast %div3A : f32 to vector<2000x1xf32>
    %div3A_20 = arith.divf %broadcast_in_dim3A, %div3A_19 : vector<2000x1xf32>
    %sub3A = vector.broadcast %div3A_20 : vector<2000x1xf32> to vector<2000x256xf32>
    %sub3A_21 = arith.subf %max3A_11, %sub3A : vector<2000x256xf32>
    %integer_pow3A = arith.mulf %sub3A_21, %sub3A_21 : vector<2000x256xf32>
    %reduce_sum3A_22 = arith.constant dense<0.000000e+00> : vector<2000xf32>
    %reduce_sum3A_23 = vector.multi_reduction <add>, %integer_pow3A, %reduce_sum3A_22 [1] : vector<2000x256xf32> to vector<2000xf32>
    %broadcast_in_dim3A_24 = vector.shape_cast %reduce_sum3A_23 : vector<2000xf32> to vector<2000x1xf32>
    %div3A_25 = arith.constant 2.560000e+02 : f32
    %div3A_26 = vector.broadcast %div3A_25 : f32 to vector<2000x1xf32>
    %div3A_27 = arith.divf %broadcast_in_dim3A_24, %div3A_26 : vector<2000x1xf32>
    %sub3A_28 = vector.broadcast %div3A_20 : vector<2000x1xf32> to vector<2000x256xf32>
    %sub3A_29 = arith.subf %max3A_11, %sub3A_28 : vector<2000x256xf32>
    %add3A_30 = arith.constant 9.99999974E-6 : f32
    %add3A_31 = vector.broadcast %add3A_30 : f32 to vector<2000x1xf32>
    %add3A_32 = arith.addf %div3A_27, %add3A_31 : vector<2000x1xf32>
    %sqrt3A = math.sqrt %add3A_32 : vector<2000x1xf32>
    %div3A_33 = vector.broadcast %sqrt3A : vector<2000x1xf32> to vector<2000x256xf32>
    %div3A_34 = arith.divf %sub3A_29, %div3A_33 : vector<2000x256xf32>
    %mul3A = vector.broadcast %get3A_14 : vector<1x256xf32> to vector<2000x256xf32>
    %mul3A_35 = arith.mulf %div3A_34, %mul3A : vector<2000x256xf32>
    %add3A_36 = vector.broadcast %get3A_17 : vector<1x256xf32> to vector<2000x256xf32>
    %add3A_37 = arith.addf %mul3A_35, %add3A_36 : vector<2000x256xf32>
    %get3A_38 = arith.constant 0 : index
    %get3A_39 = arith.constant 0 : index
    %get3A_40 = vector.load %arg6[%get3A_38, %get3A_39] : memref<256x256xf32, #tpu.memory_space<vmem>>, vector<256x256xf32>
    %dot_general3A_41 = arith.constant dense<0.000000e+00> : vector<2000x256xf32>
    %dot_general3A_42 = tpu.matmul %add3A_37, %get3A_40, %dot_general3A_41 {dimension_numbers = #tpu.dot_dimension_numbers<[1], [0], [0], [1], [0, 0, 1, 1], [], []>, transpose_lhs_hint = false} : vector<2000x256xf32>, vector<256x256xf32>, vector<2000x256xf32> -> vector<2000x256xf32>
    %get3A_43 = arith.constant 0 : index
    %get3A_44 = arith.constant 0 : index
    %get3A_45 = vector.load %arg7[%get3A_43, %get3A_44] : memref<1x256xf32, #tpu.memory_space<vmem>>, vector<1x256xf32>
    %add3A_46 = vector.broadcast %get3A_45 : vector<1x256xf32> to vector<2000x256xf32>
    %add3A_47 = arith.addf %dot_general3A_42, %add3A_46 : vector<2000x256xf32>
    %slice3A = vector.extract_strided_slice %add3A_47 {offsets = [0, 0], sizes = [2000, 128], strides = [1, 1]} : vector<2000x256xf32> to vector<2000x128xf32>
    %convert_element_type3A = arith.truncf %slice3A : vector<2000x128xf32> to vector<2000x128xbf16>
    %convert_element_type3A_48 = arith.extf %convert_element_type3A : vector<2000x128xbf16> to vector<2000x128xf32>
    %bitcast_convert_type3A = tpu.bitcast %convert_element_type3A_48 : vector<2000x128xf32> -> vector<2000x128xi32>
    %slice3A_49 = vector.extract_strided_slice %add3A_47 {offsets = [0, 128], sizes = [2000, 128], strides = [1, 1]} : vector<2000x256xf32> to vector<2000x128xf32>
    %convert_element_type3A_50 = arith.truncf %slice3A_49 : vector<2000x128xf32> to vector<2000x128xbf16>
    %convert_element_type3A_51 = arith.extf %convert_element_type3A_50 : vector<2000x128xbf16> to vector<2000x128xf32>
    %bitcast_convert_type3A_52 = tpu.bitcast %convert_element_type3A_51 : vector<2000x128xf32> -> vector<2000x128xi32>
    %shift_right_logical3A = arith.constant 16 : i32
    %shift_right_logical3A_53 = vector.broadcast %shift_right_logical3A : i32 to vector<2000x128xi32>
    %shift_right_logical3A_54 = arith.shrui %bitcast_convert_type3A, %shift_right_logical3A_53 : vector<2000x128xi32>
    %and3A = arith.constant -65536 : i32
    %and3A_55 = vector.broadcast %and3A : i32 to vector<2000x128xi32>
    %and3A_56 = arith.andi %bitcast_convert_type3A_52, %and3A_55 : vector<2000x128xi32>
    %or3A = arith.ori %shift_right_logical3A_54, %and3A_56 : vector<2000x128xi32>
    %bitcast_convert_type3A_57 = tpu.bitcast %or3A : vector<2000x128xi32> -> vector<2000x128xi32>
    %swap3A = arith.constant 0 : index
    %swap3A_58 = arith.constant 0 : index
    %swap3A_59 = vector.load %arg10[%swap3A, %swap3A_58] : memref<2000x128xi32, #tpu.memory_space<vmem>>, vector<2000x128xi32>
    tpu.vector_store %arg10[%swap3A, %swap3A_58], %bitcast_convert_type3A_57 {strides = array<i32>} : memref<2000x128xi32, #tpu.memory_space<vmem>>, vector<2000x128xi32>,
    %get3A_60 = arith.constant 0 : index
    %get3A_61 = arith.constant 0 : index
    %get3A_62 = vector.load %arg8[%get3A_60, %get3A_61] : memref<16x256xf32, #tpu.memory_space<vmem>>, vector<16x256xf32>
    %dot_general3A_63 = arith.constant dense<0.000000e+00> : vector<2000x256xf32>
    %dot_general3A_64 = tpu.matmul %get3A_1, %get3A_62, %dot_general3A_63 {dimension_numbers = #tpu.dot_dimension_numbers<[1], [0], [0], [1], [0, 0, 1, 1], [], []>, transpose_lhs_hint = false} : vector<2000x16xf32>, vector<16x256xf32>, vector<2000x256xf32> -> vector<2000x256xf32>
    %get3A_65 = arith.constant 0 : index
    %get3A_66 = arith.constant 0 : index
    %get3A_67 = vector.load %arg9[%get3A_65, %get3A_66] : memref<1x256xf32, #tpu.memory_space<vmem>>, vector<1x256xf32>
    %add3A_68 = vector.broadcast %get3A_67 : vector<1x256xf32> to vector<2000x256xf32>
    %add3A_69 = arith.addf %dot_general3A_64, %add3A_68 : vector<2000x256xf32>
    %slice3A_70 = vector.extract_strided_slice %add3A_69 {offsets = [0, 0], sizes = [2000, 128], strides = [1, 1]} : vector<2000x256xf32> to vector<2000x128xf32>
    %convert_element_type3A_71 = arith.truncf %slice3A_70 : vector<2000x128xf32> to vector<2000x128xbf16>
    %convert_element_type3A_72 = arith.extf %convert_element_type3A_71 : vector<2000x128xbf16> to vector<2000x128xf32>
    %bitcast_convert_type3A_73 = tpu.bitcast %convert_element_type3A_72 : vector<2000x128xf32> -> vector<2000x128xi32>
    %slice3A_74 = vector.extract_strided_slice %add3A_69 {offsets = [0, 128], sizes = [2000, 128], strides = [1, 1]} : vector<2000x256xf32> to vector<2000x128xf32>
    %convert_element_type3A_75 = arith.truncf %slice3A_74 : vector<2000x128xf32> to vector<2000x128xbf16>
    %convert_element_type3A_76 = arith.extf %convert_element_type3A_75 : vector<2000x128xbf16> to vector<2000x128xf32>
    %bitcast_convert_type3A_77 = tpu.bitcast %convert_element_type3A_76 : vector<2000x128xf32> -> vector<2000x128xi32>
    %shift_right_logical3A_78 = arith.constant 16 : i32
    %shift_right_logical3A_79 = vector.broadcast %shift_right_logical3A_78 : i32 to vector<2000x128xi32>
    %shift_right_logical3A_80 = arith.shrui %bitcast_convert_type3A_73, %shift_right_logical3A_79 : vector<2000x128xi32>
    %and3A_81 = arith.constant -65536 : i32
    %and3A_82 = vector.broadcast %and3A_81 : i32 to vector<2000x128xi32>
    %and3A_83 = arith.andi %bitcast_convert_type3A_77, %and3A_82 : vector<2000x128xi32>
    %or3A_84 = arith.ori %shift_right_logical3A_80, %and3A_83 : vector<2000x128xi32>
    %bitcast_convert_type3A_85 = tpu.bitcast %or3A_84 : vector<2000x128xi32> -> vector<2000x128xi32>
    %swap3A_86 = arith.constant 0 : index
    %swap3A_87 = arith.constant 0 : index
    %swap3A_88 = vector.load %arg11[%swap3A_86, %swap3A_87] : memref<2000x128xi32, #tpu.memory_space<vmem>>, vector<2000x128xi32>
    tpu.vector_store %arg11[%swap3A_86, %swap3A_87], %bitcast_convert_type3A_85 {strides = array<i32>} : memref<2000x128xi32, #tpu.memory_space<vmem>>, vector<2000x128xi32>,
    return
  }
  func.func @transform_0(%arg0: i32) -> (i32, i32) {
    %c0_i32 = arith.constant 0 : i32
    %c0_i32_0 = arith.constant 0 : i32
    return %arg0, %c0_i32 : i32, i32
  }
  func.func @transform_1(%arg0: i32) -> (i32, i32) {
    %c0_i32 = arith.constant 0 : i32
    %c0_i32_0 = arith.constant 0 : i32
    %c0_i32_1 = arith.constant 0 : i32
    return %c0_i32, %c0_i32_0 : i32, i32
  }
  func.func @transform_2(%arg0: i32) -> (i32, i32) {
    %c0_i32 = arith.constant 0 : i32
    %c0_i32_0 = arith.constant 0 : i32
    %c0_i32_1 = arith.constant 0 : i32
    return %c0_i32, %c0_i32_0 : i32, i32
  }
  func.func @transform_3(%arg0: i32) -> (i32, i32) {
    %c0_i32 = arith.constant 0 : i32
    %c0_i32_0 = arith.constant 0 : i32
    %c0_i32_1 = arith.constant 0 : i32
    return %c0_i32, %c0_i32_0 : i32, i32
  }
  func.func @transform_4(%arg0: i32) -> (i32, i32) {
    %c0_i32 = arith.constant 0 : i32
    %c0_i32_0 = arith.constant 0 : i32
    %c0_i32_1 = arith.constant 0 : i32
    return %c0_i32, %c0_i32_0 : i32, i32
  }
  func.func @transform_5(%arg0: i32) -> (i32, i32) {
    %c0_i32 = arith.constant 0 : i32
    %c0_i32_0 = arith.constant 0 : i32
    %c0_i32_1 = arith.constant 0 : i32
    return %c0_i32, %c0_i32_0 : i32, i32
  }
  func.func @transform_6(%arg0: i32) -> (i32, i32) {
    %c0_i32 = arith.constant 0 : i32
    %c0_i32_0 = arith.constant 0 : i32
    %c0_i32_1 = arith.constant 0 : i32
    return %c0_i32, %c0_i32_0 : i32, i32
  }
  func.func @transform_7(%arg0: i32) -> (i32, i32) {
    %c0_i32 = arith.constant 0 : i32
    %c0_i32_0 = arith.constant 0 : i32
    %c0_i32_1 = arith.constant 0 : i32
    return %c0_i32, %c0_i32_0 : i32, i32
  }
  func.func @transform_8(%arg0: i32) -> (i32, i32) {
    %c0_i32 = arith.constant 0 : i32
    %c0_i32_0 = arith.constant 0 : i32
    %c0_i32_1 = arith.constant 0 : i32
    return %c0_i32, %c0_i32_0 : i32, i32
  }
  func.func @transform_9(%arg0: i32) -> (i32, i32) {
    %c0_i32 = arith.constant 0 : i32
    %c0_i32_0 = arith.constant 0 : i32
    return %arg0, %c0_i32 : i32, i32
  }
  func.func @transform_10(%arg0: i32) -> (i32, i32) {
    %c0_i32 = arith.constant 0 : i32
    %c0_i32_0 = arith.constant 0 : i32
    return %arg0, %c0_i32 : i32, i32
  }
}

module attributes {stable_mosaic.version = 14 : i64} {
  func.func @_upd_body(%arg0: i32, %arg1: memref<1000x256xf32, #tpu.memory_space<vmem>>, %arg2: memref<1000x128xf32, #tpu.memory_space<vmem>>, %arg3: memref<1000x128xf32, #tpu.memory_space<vmem>>, %arg4: memref<1000x128xf32, #tpu.memory_space<vmem>>, %arg5: memref<1000x128xf32, #tpu.memory_space<vmem>>, %arg6: memref<256x256xf32, #tpu.memory_space<vmem>>, %arg7: memref<128x256xf32, #tpu.memory_space<vmem>>, %arg8: memref<128x256xf32, #tpu.memory_space<vmem>>, %arg9: memref<1x256xf32, #tpu.memory_space<vmem>>, %arg10: memref<1x256xf32, #tpu.memory_space<vmem>>, %arg11: memref<1x256xf32, #tpu.memory_space<vmem>>, %arg12: memref<1000x256xf32, #tpu.memory_space<vmem>>) attributes {dimension_semantics = [#tpu.dimension_semantics<arbitrary>], iteration_bounds = array<i64: 10>, scalar_prefetch = 0 : i64, scratch_operands = 0 : i64, tpu.core_type = #tpu.core_type<tc>, window_params = [{transform_indices = @transform_0, window_bounds = array<i64: 1000, 256>}, {transform_indices = @transform_1, window_bounds = array<i64: 1000, 128>}, {transform_indices = @transform_2, window_bounds = array<i64: 1000, 128>}, {transform_indices = @transform_3, window_bounds = array<i64: 1000, 128>}, {transform_indices = @transform_4, window_bounds = array<i64: 1000, 128>}, {pipeline_mode = #tpu.pipeline_mode<synchronous>, transform_indices = @transform_5, window_bounds = array<i64: 256, 256>}, {pipeline_mode = #tpu.pipeline_mode<synchronous>, transform_indices = @transform_6, window_bounds = array<i64: 128, 256>}, {pipeline_mode = #tpu.pipeline_mode<synchronous>, transform_indices = @transform_7, window_bounds = array<i64: 128, 256>}, {pipeline_mode = #tpu.pipeline_mode<synchronous>, transform_indices = @transform_8, window_bounds = array<i64: 1, 256>}, {pipeline_mode = #tpu.pipeline_mode<synchronous>, transform_indices = @transform_9, window_bounds = array<i64: 1, 256>}, {pipeline_mode = #tpu.pipeline_mode<synchronous>, transform_indices = @transform_10, window_bounds = array<i64: 1, 256>}, {transform_indices = @transform_11, window_bounds = array<i64: 1000, 256>}]} {
    %get3A = arith.constant 0 : index
    %get3A_0 = arith.constant 0 : index
    %get3A_1 = vector.load %arg1[%get3A, %get3A_0] : memref<1000x256xf32, #tpu.memory_space<vmem>>, vector<1000x256xf32>
    %get3A_2 = arith.constant 0 : index
    %get3A_3 = arith.constant 0 : index
    %get3A_4 = vector.load %arg4[%get3A_2, %get3A_3] : memref<1000x128xf32, #tpu.memory_space<vmem>>, vector<1000x1xf32>
    %get3A_5 = arith.constant 0 : index
    %get3A_6 = arith.constant 0 : index
    %get3A_7 = vector.load %arg5[%get3A_5, %get3A_6] : memref<1000x128xf32, #tpu.memory_space<vmem>>, vector<1000x1xf32>
    %add3A = arith.addf %get3A_4, %get3A_7 : vector<1000x1xf32>
    %max3A = arith.constant 1.000000e+00 : f32
    %max3A_8 = vector.broadcast %max3A : f32 to vector<1000x1xf32>
    %max3A_9 = arith.maximumf %add3A, %max3A_8 : vector<1000x1xf32>
    %div3A = arith.constant 1.000000e+00 : f32
    %div3A_10 = vector.broadcast %div3A : f32 to vector<1000x1xf32>
    %div3A_11 = arith.divf %div3A_10, %max3A_9 : vector<1000x1xf32>
    %get3A_12 = arith.constant 0 : index
    %get3A_13 = arith.constant 0 : index
    %get3A_14 = vector.load %arg6[%get3A_12, %get3A_13] : memref<256x256xf32, #tpu.memory_space<vmem>>, vector<256x256xf32>
    %dot_general3A = arith.constant dense<0.000000e+00> : vector<1000x256xf32>
    %dot_general3A_15 = tpu.matmul %get3A_1, %get3A_14, %dot_general3A {dimension_numbers = #tpu.dot_dimension_numbers<[1], [0], [0], [1], [0, 0, 1, 1], [], []>, transpose_lhs_hint = false} : vector<1000x256xf32>, vector<256x256xf32>, vector<1000x256xf32> -> vector<1000x256xf32>
    %get3A_16 = arith.constant 0 : index
    %get3A_17 = arith.constant 0 : index
    %get3A_18 = vector.load %arg2[%get3A_16, %get3A_17] : memref<1000x128xf32, #tpu.memory_space<vmem>>, vector<1000x128xf32>
    %mul3A = vector.broadcast %div3A_11 : vector<1000x1xf32> to vector<1000x128xf32>
    %mul3A_19 = arith.mulf %get3A_18, %mul3A : vector<1000x128xf32>
    %get3A_20 = arith.constant 0 : index
    %get3A_21 = arith.constant 0 : index
    %get3A_22 = vector.load %arg7[%get3A_20, %get3A_21] : memref<128x256xf32, #tpu.memory_space<vmem>>, vector<128x256xf32>
    %dot_general3A_23 = arith.constant dense<0.000000e+00> : vector<1000x256xf32>
    %dot_general3A_24 = tpu.matmul %mul3A_19, %get3A_22, %dot_general3A_23 {dimension_numbers = #tpu.dot_dimension_numbers<[1], [0], [0], [1], [0, 0, 1, 1], [], []>, transpose_lhs_hint = false} : vector<1000x128xf32>, vector<128x256xf32>, vector<1000x256xf32> -> vector<1000x256xf32>
    %add3A_25 = arith.addf %dot_general3A_15, %dot_general3A_24 : vector<1000x256xf32>
    %get3A_26 = arith.constant 0 : index
    %get3A_27 = arith.constant 0 : index
    %get3A_28 = vector.load %arg3[%get3A_26, %get3A_27] : memref<1000x128xf32, #tpu.memory_space<vmem>>, vector<1000x128xf32>
    %mul3A_29 = vector.broadcast %div3A_11 : vector<1000x1xf32> to vector<1000x128xf32>
    %mul3A_30 = arith.mulf %get3A_28, %mul3A_29 : vector<1000x128xf32>
    %get3A_31 = arith.constant 0 : index
    %get3A_32 = arith.constant 0 : index
    %get3A_33 = vector.load %arg8[%get3A_31, %get3A_32] : memref<128x256xf32, #tpu.memory_space<vmem>>, vector<128x256xf32>
    %dot_general3A_34 = arith.constant dense<0.000000e+00> : vector<1000x256xf32>
    %dot_general3A_35 = tpu.matmul %mul3A_30, %get3A_33, %dot_general3A_34 {dimension_numbers = #tpu.dot_dimension_numbers<[1], [0], [0], [1], [0, 0, 1, 1], [], []>, transpose_lhs_hint = false} : vector<1000x128xf32>, vector<128x256xf32>, vector<1000x256xf32> -> vector<1000x256xf32>
    %add3A_36 = arith.addf %add3A_25, %dot_general3A_35 : vector<1000x256xf32>
    %get3A_37 = arith.constant 0 : index
    %get3A_38 = arith.constant 0 : index
    %get3A_39 = vector.load %arg9[%get3A_37, %get3A_38] : memref<1x256xf32, #tpu.memory_space<vmem>>, vector<1x256xf32>
    %add3A_40 = vector.broadcast %get3A_39 : vector<1x256xf32> to vector<1000x256xf32>
    %add3A_41 = arith.addf %add3A_36, %add3A_40 : vector<1000x256xf32>
    %get3A_42 = arith.constant 0 : index
    %get3A_43 = arith.constant 0 : index
    %get3A_44 = vector.load %arg10[%get3A_42, %get3A_43] : memref<1x256xf32, #tpu.memory_space<vmem>>, vector<1x256xf32>
    %get3A_45 = arith.constant 0 : index
    %get3A_46 = arith.constant 0 : index
    %get3A_47 = vector.load %arg11[%get3A_45, %get3A_46] : memref<1x256xf32, #tpu.memory_space<vmem>>, vector<1x256xf32>
    %reduce_sum3A = arith.constant dense<0.000000e+00> : vector<1000xf32>
    %reduce_sum3A_48 = vector.multi_reduction <add>, %add3A_41, %reduce_sum3A [1] : vector<1000x256xf32> to vector<1000xf32>
    %broadcast_in_dim3A = vector.shape_cast %reduce_sum3A_48 : vector<1000xf32> to vector<1000x1xf32>
    %div3A_49 = arith.constant 2.560000e+02 : f32
    %div3A_50 = vector.broadcast %div3A_49 : f32 to vector<1000x1xf32>
    %div3A_51 = arith.divf %broadcast_in_dim3A, %div3A_50 : vector<1000x1xf32>
    %sub3A = vector.broadcast %div3A_51 : vector<1000x1xf32> to vector<1000x256xf32>
    %sub3A_52 = arith.subf %add3A_41, %sub3A : vector<1000x256xf32>
    %integer_pow3A = arith.mulf %sub3A_52, %sub3A_52 : vector<1000x256xf32>
    %reduce_sum3A_53 = arith.constant dense<0.000000e+00> : vector<1000xf32>
    %reduce_sum3A_54 = vector.multi_reduction <add>, %integer_pow3A, %reduce_sum3A_53 [1] : vector<1000x256xf32> to vector<1000xf32>
    %broadcast_in_dim3A_55 = vector.shape_cast %reduce_sum3A_54 : vector<1000xf32> to vector<1000x1xf32>
    %div3A_56 = arith.constant 2.560000e+02 : f32
    %div3A_57 = vector.broadcast %div3A_56 : f32 to vector<1000x1xf32>
    %div3A_58 = arith.divf %broadcast_in_dim3A_55, %div3A_57 : vector<1000x1xf32>
    %sub3A_59 = vector.broadcast %div3A_51 : vector<1000x1xf32> to vector<1000x256xf32>
    %sub3A_60 = arith.subf %add3A_41, %sub3A_59 : vector<1000x256xf32>
    %add3A_61 = arith.constant 9.99999974E-6 : f32
    %add3A_62 = vector.broadcast %add3A_61 : f32 to vector<1000x1xf32>
    %add3A_63 = arith.addf %div3A_58, %add3A_62 : vector<1000x1xf32>
    %sqrt3A = math.sqrt %add3A_63 : vector<1000x1xf32>
    %div3A_64 = vector.broadcast %sqrt3A : vector<1000x1xf32> to vector<1000x256xf32>
    %div3A_65 = arith.divf %sub3A_60, %div3A_64 : vector<1000x256xf32>
    %mul3A_66 = vector.broadcast %get3A_44 : vector<1x256xf32> to vector<1000x256xf32>
    %mul3A_67 = arith.mulf %div3A_65, %mul3A_66 : vector<1000x256xf32>
    %add3A_68 = vector.broadcast %get3A_47 : vector<1x256xf32> to vector<1000x256xf32>
    %add3A_69 = arith.addf %mul3A_67, %add3A_68 : vector<1000x256xf32>
    %add3A_70 = arith.addf %add3A_69, %get3A_1 : vector<1000x256xf32>
    %max3A_71 = arith.constant 0.000000e+00 : f32
    %max3A_72 = vector.broadcast %max3A_71 : f32 to vector<1000x256xf32>
    %max3A_73 = arith.maximumf %add3A_70, %max3A_72 : vector<1000x256xf32>
    %swap3A = arith.constant 0 : index
    %swap3A_74 = arith.constant 0 : index
    %swap3A_75 = vector.load %arg12[%swap3A, %swap3A_74] : memref<1000x256xf32, #tpu.memory_space<vmem>>, vector<1000x256xf32>
    tpu.vector_store %arg12[%swap3A, %swap3A_74], %max3A_73 {strides = array<i32>} : memref<1000x256xf32, #tpu.memory_space<vmem>>, vector<1000x256xf32>,
    return
  }
  func.func @transform_0(%arg0: i32) -> (i32, i32) {
    %c0_i32 = arith.constant 0 : i32
    %c0_i32_0 = arith.constant 0 : i32
    return %arg0, %c0_i32 : i32, i32
  }
  func.func @transform_1(%arg0: i32) -> (i32, i32) {
    %c0_i32 = arith.constant 0 : i32
    %c0_i32_0 = arith.constant 0 : i32
    return %arg0, %c0_i32 : i32, i32
  }
  func.func @transform_2(%arg0: i32) -> (i32, i32) {
    %c0_i32 = arith.constant 0 : i32
    %c0_i32_0 = arith.constant 0 : i32
    return %arg0, %c0_i32 : i32, i32
  }
  func.func @transform_3(%arg0: i32) -> (i32, i32) {
    %c0_i32 = arith.constant 0 : i32
    %c0_i32_0 = arith.constant 0 : i32
    return %arg0, %c0_i32 : i32, i32
  }
  func.func @transform_4(%arg0: i32) -> (i32, i32) {
    %c0_i32 = arith.constant 0 : i32
    %c0_i32_0 = arith.constant 0 : i32
    return %arg0, %c0_i32 : i32, i32
  }
  func.func @transform_5(%arg0: i32) -> (i32, i32) {
    %c0_i32 = arith.constant 0 : i32
    %c0_i32_0 = arith.constant 0 : i32
    %c0_i32_1 = arith.constant 0 : i32
    return %c0_i32, %c0_i32_0 : i32, i32
  }
  func.func @transform_6(%arg0: i32) -> (i32, i32) {
    %c0_i32 = arith.constant 0 : i32
    %c0_i32_0 = arith.constant 0 : i32
    %c0_i32_1 = arith.constant 0 : i32
    return %c0_i32, %c0_i32_0 : i32, i32
  }
  func.func @transform_7(%arg0: i32) -> (i32, i32) {
    %c0_i32 = arith.constant 0 : i32
    %c0_i32_0 = arith.constant 0 : i32
    %c0_i32_1 = arith.constant 0 : i32
    return %c0_i32, %c0_i32_0 : i32, i32
  }
  func.func @transform_8(%arg0: i32) -> (i32, i32) {
    %c0_i32 = arith.constant 0 : i32
    %c0_i32_0 = arith.constant 0 : i32
    %c0_i32_1 = arith.constant 0 : i32
    return %c0_i32, %c0_i32_0 : i32, i32
  }
  func.func @transform_9(%arg0: i32) -> (i32, i32) {
    %c0_i32 = arith.constant 0 : i32
    %c0_i32_0 = arith.constant 0 : i32
    %c0_i32_1 = arith.constant 0 : i32
    return %c0_i32, %c0_i32_0 : i32, i32
  }
  func.func @transform_10(%arg0: i32) -> (i32, i32) {
    %c0_i32 = arith.constant 0 : i32
    %c0_i32_0 = arith.constant 0 : i32
    %c0_i32_1 = arith.constant 0 : i32
    return %c0_i32, %c0_i32_0 : i32, i32
  }
  func.func @transform_11(%arg0: i32) -> (i32, i32) {
    %c0_i32 = arith.constant 0 : i32
    %c0_i32_0 = arith.constant 0 : i32
    return %arg0, %c0_i32 : i32, i32
  }
}

module attributes {stable_mosaic.version = 14 : i64} {
  func.func @_ha_body(%arg0: i32, %arg1: i32, %arg2: memref<1000x256xf32, #tpu.memory_space<vmem>>, %arg3: memref<1x256x128xf32, #tpu.memory_space<vmem>>, %arg4: memref<1000x128xf32, #tpu.memory_space<vmem>>) attributes {dimension_semantics = [#tpu.dimension_semantics<arbitrary>, #tpu.dimension_semantics<arbitrary>], iteration_bounds = array<i64: 4, 10>, scalar_prefetch = 0 : i64, scratch_operands = 0 : i64, tpu.core_type = #tpu.core_type<tc>, window_params = [{transform_indices = @transform_0, window_bounds = array<i64: 1000, 256>}, {transform_indices = @transform_1, window_bounds = array<i64: 1, 256, 128>}, {transform_indices = @transform_2, window_bounds = array<i64: 1000, 128>}]} {
    %get3A = arith.constant 0 : index
    %get3A_0 = arith.constant 0 : index
    %get3A_1 = vector.load %arg2[%get3A, %get3A_0] : memref<1000x256xf32, #tpu.memory_space<vmem>>, vector<1000x256xf32>
    %get3A_2 = arith.constant 0 : index
    %get3A_3 = arith.constant 0 : index
    %get3A_4 = arith.constant 0 : index
    %get3A_5 = vector.load %arg3[%get3A_2, %get3A_3, %get3A_4] : memref<1x256x128xf32, #tpu.memory_space<vmem>>, vector<1x256x128xf32>
    %get3A_6 = vector.shape_cast %get3A_5 : vector<1x256x128xf32> to vector<256x128xf32>
    %dot_general3A = arith.constant dense<0.000000e+00> : vector<1000x128xf32>
    %dot_general3A_7 = tpu.matmul %get3A_1, %get3A_6, %dot_general3A {dimension_numbers = #tpu.dot_dimension_numbers<[1], [0], [0], [1], [0, 0, 1, 1], [], []>, transpose_lhs_hint = false} : vector<1000x256xf32>, vector<256x128xf32>, vector<1000x128xf32> -> vector<1000x128xf32>
    %swap3A = arith.constant 0 : index
    %swap3A_8 = arith.constant 0 : index
    %swap3A_9 = vector.load %arg4[%swap3A, %swap3A_8] : memref<1000x128xf32, #tpu.memory_space<vmem>>, vector<1000x128xf32>
    tpu.vector_store %arg4[%swap3A, %swap3A_8], %dot_general3A_7 {strides = array<i32>} : memref<1000x128xf32, #tpu.memory_space<vmem>>, vector<1000x128xf32>,
    return
  }
  func.func @transform_0(%arg0: i32, %arg1: i32) -> (i32, i32) {
    %c0_i32 = arith.constant 0 : i32
    %c0_i32_0 = arith.constant 0 : i32
    return %arg1, %c0_i32 : i32, i32
  }
  func.func @transform_1(%arg0: i32, %arg1: i32) -> (i32, i32, i32) {
    %c0_i32 = arith.constant 0 : i32
    %c0_i32_0 = arith.constant 0 : i32
    %c0_i32_1 = arith.constant 0 : i32
    return %arg0, %c0_i32, %c0_i32_0 : i32, i32, i32
  }
  func.func @transform_2(%arg0: i32, %arg1: i32) -> (i32, i32) {
    %mul3A = arith.constant 10 : i32
    %mul3A_0 = arith.muli %arg0, %mul3A : i32
    %add3A = arith.addi %mul3A_0, %arg1 : i32
    %c0_i32 = arith.constant 0 : i32
    %c0_i32_1 = arith.constant 0 : i32
    return %add3A, %c0_i32 : i32, i32
  }
}

module attributes {stable_mosaic.version = 14 : i64} {
  func.func @_pred_body(%arg0: i32, %arg1: memref<2000x128xf32, #tpu.memory_space<vmem>>, %arg2: memref<2000x128xf32, #tpu.memory_space<vmem>>, %arg3: memref<256x128xf32, #tpu.memory_space<vmem>>, %arg4: memref<1x128xf32, #tpu.memory_space<vmem>>, %arg5: memref<128x1xf32, #tpu.memory_space<vmem>>, %arg6: memref<1x1xf32, #tpu.memory_space<vmem>>, %arg7: memref<2000x1xf32, #tpu.memory_space<vmem>>) attributes {dimension_semantics = [#tpu.dimension_semantics<arbitrary>], iteration_bounds = array<i64: 80>, scalar_prefetch = 0 : i64, scratch_operands = 0 : i64, tpu.core_type = #tpu.core_type<tc>, window_params = [{transform_indices = @transform_0, window_bounds = array<i64: 2000, 128>}, {transform_indices = @transform_1, window_bounds = array<i64: 2000, 128>}, {pipeline_mode = #tpu.pipeline_mode<synchronous>, transform_indices = @transform_2, window_bounds = array<i64: 256, 128>}, {pipeline_mode = #tpu.pipeline_mode<synchronous>, transform_indices = @transform_3, window_bounds = array<i64: 1, 128>}, {pipeline_mode = #tpu.pipeline_mode<synchronous>, transform_indices = @transform_4, window_bounds = array<i64: 128, 1>}, {pipeline_mode = #tpu.pipeline_mode<synchronous>, transform_indices = @transform_5, window_bounds = array<i64: 1, 1>}, {transform_indices = @transform_6, window_bounds = array<i64: 2000, 1>}]} {
    %get3A = arith.constant 0 : index
    %get3A_0 = arith.constant 0 : index
    %get3A_1 = vector.load %arg1[%get3A, %get3A_0] : memref<2000x128xf32, #tpu.memory_space<vmem>>, vector<2000x128xf32>
    %get3A_2 = arith.constant 0 : index
    %get3A_3 = arith.constant 0 : index
    %get3A_4 = vector.load %arg2[%get3A_2, %get3A_3] : memref<2000x128xf32, #tpu.memory_space<vmem>>, vector<2000x128xf32>
    %concatenate3A = tpu.concatenate %get3A_1, %get3A_4 in 1 : vector<2000x128xf32>, vector<2000x128xf32> -> vector<2000x256xf32>
    %max3A = arith.constant 0.000000e+00 : f32
    %max3A_5 = vector.broadcast %max3A : f32 to vector<2000x256xf32>
    %max3A_6 = arith.maximumf %concatenate3A, %max3A_5 : vector<2000x256xf32>
    %get3A_7 = arith.constant 0 : index
    %get3A_8 = arith.constant 0 : index
    %get3A_9 = vector.load %arg3[%get3A_7, %get3A_8] : memref<256x128xf32, #tpu.memory_space<vmem>>, vector<256x128xf32>
    %dot_general3A = arith.constant dense<0.000000e+00> : vector<2000x128xf32>
    %dot_general3A_10 = tpu.matmul %max3A_6, %get3A_9, %dot_general3A {dimension_numbers = #tpu.dot_dimension_numbers<[1], [0], [0], [1], [0, 0, 1, 1], [], []>, transpose_lhs_hint = false} : vector<2000x256xf32>, vector<256x128xf32>, vector<2000x128xf32> -> vector<2000x128xf32>
    %get3A_11 = arith.constant 0 : index
    %get3A_12 = arith.constant 0 : index
    %get3A_13 = vector.load %arg4[%get3A_11, %get3A_12] : memref<1x128xf32, #tpu.memory_space<vmem>>, vector<1x128xf32>
    %add3A = vector.broadcast %get3A_13 : vector<1x128xf32> to vector<2000x128xf32>
    %add3A_14 = arith.addf %dot_general3A_10, %add3A : vector<2000x128xf32>
    %max3A_15 = arith.constant 0.000000e+00 : f32
    %max3A_16 = vector.broadcast %max3A_15 : f32 to vector<2000x128xf32>
    %max3A_17 = arith.maximumf %add3A_14, %max3A_16 : vector<2000x128xf32>
    %get3A_18 = arith.constant 0 : index
    %get3A_19 = arith.constant 0 : index
    %get3A_20 = vector.load %arg5[%get3A_18, %get3A_19] : memref<128x1xf32, #tpu.memory_space<vmem>>, vector<128x1xf32>
    %dot_general3A_21 = arith.constant dense<0.000000e+00> : vector<2000x1xf32>
    %dot_general3A_22 = tpu.matmul %max3A_17, %get3A_20, %dot_general3A_21 {dimension_numbers = #tpu.dot_dimension_numbers<[1], [0], [0], [1], [0, 0, 1, 1], [], []>, transpose_lhs_hint = false} : vector<2000x128xf32>, vector<128x1xf32>, vector<2000x1xf32> -> vector<2000x1xf32>
    %get3A_23 = arith.constant 0 : index
    %get3A_24 = arith.constant 0 : index
    %get3A_25 = vector.load %arg6[%get3A_23, %get3A_24] : memref<1x1xf32, #tpu.memory_space<vmem>>, vector<1x1xf32>
    %add3A_26 = vector.broadcast %get3A_25 : vector<1x1xf32> to vector<2000x1xf32>
    %add3A_27 = arith.addf %dot_general3A_22, %add3A_26 : vector<2000x1xf32>
    %logistic3A = arith.negf %add3A_27 : vector<2000x1xf32>
    %logistic3A_28 = math.exp %logistic3A : vector<2000x1xf32>
    %logistic3A_29 = arith.constant 1.000000e+00 : f32
    %logistic3A_30 = vector.broadcast %logistic3A_29 : f32 to vector<2000x1xf32>
    %logistic3A_31 = arith.addf %logistic3A_30, %logistic3A_28 : vector<2000x1xf32>
    %logistic3A_32 = arith.divf %logistic3A_30, %logistic3A_31 : vector<2000x1xf32>
    %swap3A = arith.constant 0 : index
    %swap3A_33 = arith.constant 0 : index
    %swap3A_34 = vector.load %arg7[%swap3A, %swap3A_33] : memref<2000x1xf32, #tpu.memory_space<vmem>>, vector<2000x1xf32>
    tpu.vector_store %arg7[%swap3A, %swap3A_33], %logistic3A_32 {strides = array<i32>} : memref<2000x1xf32, #tpu.memory_space<vmem>>, vector<2000x1xf32>,
    return
  }
  func.func @transform_0(%arg0: i32) -> (i32, i32) {
    %c0_i32 = arith.constant 0 : i32
    %c0_i32_0 = arith.constant 0 : i32
    return %arg0, %c0_i32 : i32, i32
  }
  func.func @transform_1(%arg0: i32) -> (i32, i32) {
    %add3A = arith.constant 80 : i32
    %add3A_0 = arith.addi %add3A, %arg0 : i32
    %c0_i32 = arith.constant 0 : i32
    %c0_i32_1 = arith.constant 0 : i32
    return %add3A_0, %c0_i32 : i32, i32
  }
  func.func @transform_2(%arg0: i32) -> (i32, i32) {
    %c0_i32 = arith.constant 0 : i32
    %c0_i32_0 = arith.constant 0 : i32
    %c0_i32_1 = arith.constant 0 : i32
    return %c0_i32, %c0_i32_0 : i32, i32
  }
  func.func @transform_3(%arg0: i32) -> (i32, i32) {
    %c0_i32 = arith.constant 0 : i32
    %c0_i32_0 = arith.constant 0 : i32
    %c0_i32_1 = arith.constant 0 : i32
    return %c0_i32, %c0_i32_0 : i32, i32
  }
  func.func @transform_4(%arg0: i32) -> (i32, i32) {
    %c0_i32 = arith.constant 0 : i32
    %c0_i32_0 = arith.constant 0 : i32
    %c0_i32_1 = arith.constant 0 : i32
    return %c0_i32, %c0_i32_0 : i32, i32
  }
  func.func @transform_5(%arg0: i32) -> (i32, i32) {
    %c0_i32 = arith.constant 0 : i32
    %c0_i32_0 = arith.constant 0 : i32
    %c0_i32_1 = arith.constant 0 : i32
    return %c0_i32, %c0_i32_0 : i32, i32
  }
  func.func @transform_6(%arg0: i32) -> (i32, i32) {
    %c0_i32 = arith.constant 0 : i32
    %c0_i32_0 = arith.constant 0 : i32
    return %arg0, %c0_i32 : i32, i32
  }
}

</mosaic_0001>

<sc_bundles>
// kernel: kernel.15.cloned.1.call-start
scs
__scs_entry_jumppad:
0x0: {  	(pc) =	sbr.rel $0x88, $3  }
0x1: {  	(tag) =	ssettag $0x0;
	lr =	simm.s32 $0x1  }
0x2: {  	[smem:$0x3F84] =	sst lr;
	_ =	strace $0xD0000000  }
0x3: {  	_ = 	snop  }
0x4: {  	_ = 	snop  }
0x5: {  	_ = 	snop  }
0x6: {  	_ = 	snop  }
0x7: {  	_ = 	snop  }
__scs_overlays_trampoline_lowered:
0x8: {  	[smem:$0x3F93] =	sst s0  }
0x9: {  	[smem:$0x3F94] =	sst s1  }
0xa: {  	[smem:$0x3F95] =	sst s2  }
0xb: {  	[smem:$0x3F96] =	sst s3  }
0xc: {  	[smem:$0x3F97] =	sst s4  }
0xd: {  	[smem:$0x3F98] =	sst s5  }
0xe: {  	[smem:$0x3F99] =	sst s6  }
0xf: {  	[smem:$0x3F9A] =	sst s7  }
0x10: {  	[smem:$0x3F9B] =	sst s8  }
0x11: {  	[smem:$0x3F9C] =	sst s9;
	s0 =	simm.s32 @!p0 $0x0  }
0x12: {  	s1 =	sld [smem:$0x3F82];
	s0 =	simm.s32 @p0 $0x1  }
0x13: {  	[smem:$0x3F9D] =	sst s0;
	s0 =	simm.s32 @!p1 $0x0  }
0x14: {  	s2 =	sld [smem:$0x3F81];
	s0 =	simm.s32 @p1 $0x1  }
0x15: {  	[smem:$0x3F9E] =	sst s0;
	s0 =	simm.s32 @!p2 $0x0  }
0x16: {  	s3 =	sld [smem:$0x3FDB];
	s0 =	simm.s32 @p2 $0x1  }
0x17: {  	s4 =	simm.s32 $0x1BF5;
	[smem:$0x3FA0] =	sst s0  }
0x18: {  	s0 =	sld [smem:$0x3F83];
	_ =	swait.ge [sflag:s4], $0x0  }
0x19: {  	s7 =	sld [smem:$0x3F84]  }
0x1a: {  	s8 =	sadd.s32 $0xFFFFE003, lr  }
0x1b: {  	s9 =	sadd.s32 $0xFFFFFEF7, lr;
	s5 =	simm.s32 $0xFFFFFFFF;
	p2 =	slt.u32 s8, $0xFFFFF086  }
0x1c: {  	p1 =	slt.u32 s9, $0xF7A;
	s5 =	simm.s32 @!p2 $0x0  }
0x1d: {  	s5 =	simm.s32 @p1 $0x1;
	p0 =	seq.s32 s7, s2  }
0x1e: {  	s7 =	smul.u32 @!p0 $0xF7A, s2;
	p2 =	seq.s32 @!p0 s5, $0x0  }
0x1f: {  	s9 =	smul.u32 $0xF7A, s1;
	s8 =	simm.s32 @!p0 $0x1BF5;
	p2 =	por !p2, p0  }
0x20: {  	[sflag:s8] =	ssyncset.s32 @!p0 $0xFFFFF086;
	s6 =	sadd.s32 @!p0 s3, s7;
	s7 =	simm.s32 @!p0 $0x108  }
0x21: {  	s3 =	sadd.s32 s3, s9;
	s6 =	sadd.s32 @!p0 $0x88, s6;
	s7 =	simm.s32 @p2 $0x1082  }
0x22: {  	[simem:s7], [sflag:s8] =	dma.local @!p0 [hbm:s6], $0xF7A  }
0x23: {  	s9 =	sor.u32 $0xD0000000, s2;
	s6 =	simm.s32 $0x108;
	_ =	swait.ge @!p0 [sflag:s8], $0x0  }
0x24: {  	s3 =	sadd.s32 $0x88, s3;
	s6 =	simm.s32 @!p1 $0x1082;
	[sflag:s4] =	ssyncset.s32 $0xFFFFF086  }
0x25: {  	[simem:s6], [sflag:s4] =	dma.local [hbm:s3], $0xF7A  }
0x26: {  	[smem:$0x3F84] =	sst s1;
	(tag) =	ssettag s2;
	_ =	strace s9  }
0x27: {  	s1 =	sld [smem:$0x3F94]  }
0x28: {  	s2 =	sld [smem:$0x3F95]  }
0x29: {  	s4 =	sld [smem:$0x3F97]  }
0x2a: {  	p0 =	seq.s32 s5, $0x0;
	s5 =	sld [smem:$0x3F98]  }
0x2b: {  	s6 =	sld [smem:$0x3F99]  }
0x2c: {  	s7 =	sld [smem:$0x3F9A]  }
0x2d: {  	s3 =	simm.s32 $0x108;
	s8 =	sld [smem:$0x3F9B]  }
0x2e: {  	s3 =	simm.s32 @!p0 $0x1082;
	s9 =	sld [smem:$0x3F9C]  }
0x2f: {  	lr =	sadd.s32 s0, s3;
	s0 =	sld [smem:$0x3F93]  }
0x30: {  	s3 =	sld [smem:$0x3F96]  }
0x31: {  	[smem:$0x3F9F] =	sst s10  }
0x32: {  	s10 =	sld [smem:$0x3F9D];
	_ =	sdelay $0x3  }
0x33: {  	p0 =	seq.s32 s10, $0x1;
	s10 =	sld [smem:$0x3F9F];
	_ =	sdelay $0x3  }
0x34: {  	[smem:$0x3F9F] =	sst s10  }
0x35: {  	s10 =	sld [smem:$0x3F9E];
	_ =	sdelay $0x3  }
0x36: {  	p1 =	seq.s32 s10, $0x1;
	s10 =	sld [smem:$0x3F9F];
	_ =	sdelay $0x3  }
0x37: {  	[smem:$0x3F9F] =	sst s10  }
0x38: {  	s10 =	sld [smem:$0x3FA0]  }
0x39: {  	_ = 	snop;
	(pc) =	sbr.ind lr, $3  }
0x3a: {  	_ = 	snop  }
0x3b: {  	_ = 	snop  }
0x3c: {  	p2 =	seq.s32 s10, $0x1;
	s10 =	sld [smem:$0x3F9F]  }
0x3d: {  	_ =	shalt  }
0x3e: {  	_ =	shalt  }
0x3f: {  	_ =	shalt  }
0x40: {  	_ =	shalt  }
0x41: {  	_ =	shalt  }
0x42: {  	_ =	shalt  }
0x43: {  	_ =	shalt  }
0x44: {  	_ =	shalt  }
0x45: {  	_ =	shalt  }
0x46: {  	_ =	shalt  }
0x47: {  	_ =	shalt  }
0x48: {  	_ =	shalt  }
0x49: {  	_ =	shalt  }
0x4a: {  	_ =	shalt  }
0x4b: {  	_ =	shalt  }
0x4c: {  	_ =	shalt  }
0x4d: {  	_ =	shalt  }
0x4e: {  	_ =	shalt  }
0x4f: {  	_ =	shalt  }
0x50: {  	_ =	shalt  }
0x51: {  	_ =	shalt  }
0x52: {  	_ =	shalt  }
0x53: {  	_ =	shalt  }
0x54: {  	_ =	shalt  }
0x55: {  	_ =	shalt  }
0x56: {  	_ =	shalt  }
0x57: {  	_ =	shalt  }
0x58: {  	_ =	shalt  }
0x59: {  	_ =	shalt  }
0x5a: {  	_ =	shalt  }
0x5b: {  	_ =	shalt  }
0x5c: {  	_ =	shalt  }
0x5d: {  	_ =	shalt  }
0x5e: {  	_ =	shalt  }
0x5f: {  	_ =	shalt  }
0x60: {  	_ =	shalt  }
0x61: {  	_ =	shalt  }
0x62: {  	_ =	shalt  }
0x63: {  	_ =	shalt  }
0x64: {  	_ =	shalt  }
0x65: {  	_ =	shalt  }
0x66: {  	_ =	shalt  }
0x67: {  	_ =	shalt  }
0x68: {  	_ =	shalt  }
0x69: {  	_ =	shalt  }
0x6a: {  	_ =	shalt  }
0x6b: {  	_ =	shalt  }
0x6c: {  	_ =	shalt  }
0x6d: {  	_ =	shalt  }
0x6e: {  	_ =	shalt  }
0x6f: {  	_ =	shalt  }
0x70: {  	_ =	shalt  }
0x71: {  	_ =	shalt  }
0x72: {  	_ =	shalt  }
0x73: {  	_ =	shalt  }
0x74: {  	_ =	shalt  }
0x75: {  	_ =	shalt  }
0x76: {  	_ =	shalt  }
0x77: {  	_ =	shalt  }
0x78: {  	_ =	shalt  }
0x79: {  	_ =	shalt  }
0x7a: {  	_ =	shalt  }
0x7b: {  	_ =	shalt  }
0x7c: {  	_ =	shalt  }
0x7d: {  	_ =	shalt  }
0x7e: {  	_ =	shalt  }
0x7f: {  	_ =	shalt  }
0x80: {  	_ =	shalt  }
0x81: {  	_ =	shalt  }
0x82: {  	_ =	shalt  }
0x83: {  	_ =	shalt  }
0x84: {  	_ =	shalt  }
0x85: {  	_ =	shalt  }
0x86: {  	_ =	shalt  }
0x87: {  	_ =	shalt  }
.Lfunc_end0:
.L_simem_size_0:
called_computation_lowered:
.L_overlay_start_0:
0x88: {  	s2 =	sld [smem:$0x3FD9]  }
0x89: {  	s3 =	sld [smem:$0x3FFE];
	_ =	sdelay $0x1  }
0x8a: {  	s1 =	srdreg.scid  }
0x8b: {  	s0 =	sand.u32 $0x1, s1  }
0x8c: {  	s17 =	sshll.u32 s0, $0xA;
	s2 =	sadd.s32 s3, s2  }
0x8d: {  	s2 =	sadd.s32 s2, s17  }
0x8e: {  	[smem:$0x3FAB] =	sst s2  }
0x8f: {  	_ = 	snop  }
0x90: {  	s18 =	sld [smem:$0x3FD0];
	(tm) =	ssettm $0x1  }
0x91: {  	s19 =	sld [smem:$0x3FFB];
	_ =	sdelay $0x3  }
0x92: {  	_ =	strace s19  }
0x93: {  	s2 =	sld [smem:$0x3FFC];
	_ =	sdelay $0x3  }
0x94: {  	_ =	strace s2  }
0x95: {  	s2 =	sld [smem:$0x3FFD];
	_ =	sdelay $0x3  }
0x96: {  	_ =	strace s2  }
0x97: {  	_ =	strace $0x8FFFFFFF  }
0x98: {  	s20 =	sld [smem:$0x3FDB];
	_ =	sdelay $0x1  }
0x99: {  	s4 =	simm.s32 $_scs_section_size  }
0x9a: {  	s5 =	simm.s32 $_size__tile_overlayer_lowered;
	s6 =	simm.s32 $_tile_overlayer_lowered  }
0x9b: {  	s7 =	simm.s32 $0x1BFF;
	s21 =	sshll.u32 s6, $0x1;
	s4 =	sadd.s32 s4, s20  }
0x9c: {  	s22 =	simm.s32 $0x0;
	s5 =	sshll.u32 s5, $0x1;
	s6 =	sadd.s32 s21, s4  }
0x9d: {  	[timem:s22], [sflag:s7] =	dma.local [hbm:s6], s5  }
0x9e: {  	_ =	swait.ge [sflag:s7], s5  }
0x9f: {  	s5 =	ssub.s32 $0x0, s5;
	[sflag:s7] =	ssyncset.done $0x0  }
0xa0: {  	[sflag:s7] =	ssyncadd.s32 s5;
	_ =	sdelay $0x1  }
0xa1: {  	s23 =	simm.s32 $0x1B8B  }
0xa2: {  	_ =	swait.ge [sflag:s23], $0x1  }
0xa3: {  	[sflag:s23] =	ssyncset.done $0x0  }
0xa4: {  	[sflag:s23] =	ssyncadd.s32 $0xFFFFFFFF  }
0xa5: {  	s5 =	sld [smem:$0x0]  }
0xa6: {  	s6 =	sand.u32 $0xFFFFFFFE, s1  }
0xa7: {  	p0 =	sne.s32 s1, s6  }
0xa8: {  	s6 =	sshll.u32 @p0 s6, $0xE  }
0xa9: {  	s6 =	sadd.s32 @p0 $0x11B8D, s6;
	s7 =	sshll.u32 @p0 s5, $0x11  }
0xaa: {  	s6 =	sor.u32 @p0 s7, s6  }
0xab: {  	[sflag:s6] =	ssyncadd.remote.s32 @p0 $0x1;
	_ =	sdelay $0x1  }
0xac: {  	s6 =	simm.s32 @p0 $0x1B8D  }
0xad: {  	_ =	swait.eq @p0 [sflag:s6], $0x1  }
0xae: {  	[sflag:s6] =	ssyncadd.s32 @p0 $0xFFFFFFFF  }
0xaf: {  	s7 =	sshll.u32 @!p0 s1, $0xE  }
0xb0: {  	s7 =	sor.u32 @!p0 $0x4000, s7;
	s6 =	simm.s32 @!p0 $0x1B8D  }
0xb1: {  	s5 =	sshll.u32 @!p0 s5, $0x11;
	s7 =	sadd.s32 @!p0 $0x11B8D, s7;
	_ =	swait.eq @!p0 [sflag:s6], $0x1  }
0xb2: {  	s5 =	sor.u32 @!p0 s5, s7;
	[sflag:s6] =	ssyncadd.s32 @!p0 $0xFFFFFFFF  }
0xb3: {  	s25 =	simm.s32 $0x1B8E;
	s24 =	sld [smem:$0x3FFE];
	[sflag:s5] =	ssyncadd.remote.s32 @!p0 $0x1  }
0xb4: {  	s26 =	simm.s32 $execute0_lowered;
	[smem:$0x3FD2] =	sst s25  }
0xb5: {  	s6 =	sshll.u32 s26, $0x1;
	_ =	strace $0x80000049;
	[dreg:$0x1] =	wrdreg $0xFFFFFFFF  }
0xb6: {  	s28 =	simm.s32 $_size_execute0_lowered;
	s4 =	sadd.s32 s4, s6;
	[dreg:$0x0] =	wrdreg $0x0  }
0xb7: {  	s6 =	sshll.u32 s28, $0x1;
	[dreg:$0x2] =	wrdreg s4  }
0xb8: {  	[dreg:$0x3] =	wrdreg s6  }
0xb9: {  	[dreg:$0x4] =	wrdreg $0xC0  }
0xba: {  	_ =	task [dreg:s22], $0x5FFFF  }
0xbb: {  	[dreg:$0x1] =	wrdreg $0xFFFFFFFF  }
0xbc: {  	[dreg:$0x0] =	wrdreg $0x60  }
0xbd: {  	[dreg:$0x2] =	wrdreg s24  }
0xbe: {  	[dreg:$0x3] =	wrdreg s18  }
0xbf: {  	[dreg:$0x4] =	wrdreg $0x14800  }
0xc0: {  	[dreg:$0x5] =	wrdreg $0x9  }
0xc1: {  	_ =	task.clear_ibuf [dreg:s22], $0x6FFFF;
	_ =	strace $0x90000049  }
0xc2: {  	s29 =	simm.s32 $0x9;
	_ =	strace $0x8000004B  }
0xc3: {  	_ =	swait.ge [sflag:s29], $0x1  }
0xc4: {  	[sflag:s29] =	ssyncadd.s32 $0xFFFFFFFF  }
0xc5: {  	_ =	strace $0x9000004B  }
0xc6: {  	_ =	sfence  }
0xc7: {  	s30 =	sld [smem:$0x0];
	_ =	sdelay $0x2  }
0xc8: {  	s31 =	sshll.u32 s1, $0xD;
	s1 =	sshrl.u32 s1, $0x2  }
0xc9: {  	s4 =	sand.u32 $0x4000, s31;
	s1 =	sadd.s32 s1, s30  }
0xca: {  	s0 =	sor.u32 s4, s0;
	s1 =	sshll.u32 s1, $0x11  }
0xcb: {  	s0 =	sor.u32 s1, s0  }
0xcc: {  	s0 =	sadd.s32 $0x8F2B, s0  }
0xcd: {  	[sflag:s0] =	ssyncadd.remote.s32 $0x1  }
0xce: {  	_ =	sfence.sel $0xFFFF  }
0xcf: {  	[dreg:$0x0] =	wrdreg $0xFFFFFFFF;
	(pc) =	sbr.abs _section_cstart, $3  }
0xd0: {  	[dreg:$0x1] =	wrdreg $0xFFFFFFFF  }
0xd1: {  	_ =	task.clear_ibuf [dreg:s22], $0x2FFFF;
	_ =	strace $0x9FFFFFFF  }
0xd2: {  	(tm) =	ssettm $0x7FFFFFFF  }
0xd3: {  	_ =	shalt  }
tec
execute0_lowered:
.L_overlay_start_1:
0x0: {  	(tag) =	ssettag $0x1  }
0x1: {  	s5 =	rddreg [dreg:$0x0]  }
0x2: {  	s2 =	rddreg [dreg:$0x1]  }
0x3: {  	s0 =	srdreg.scid;
	s3 =	rddreg [dreg:$0x2]  }
0x4: {  	s1 =	rddreg [dreg:$0x3];
	s4 =	simm.s32 $0x0;
	s6 =	sand.u32 $0x1, s0  }
0x5: {  	s12 =	simm.s32 $0x80;
	s0 =	stileid.u32;
	s7 =	smul.u32 $0x13880, s6  }
0x6: {  	s13 =	simm.s32 $0x28;
	s14 =	simm.s32 $0x0;
	s8 =	smul.u32 $0x1388, s0  }
0x7: {  	[smem:$0x7FF] =	sst s4;
	s28 =	smul.u32 $0x2800, s0;
	s9 =	ssub.s32 $0x2, s6  }
0x8: {  	s10 =	smul.u32 $0x50000, s0;
	_ =	strace $0x8000004A;
	p0 =	seq.s32 s6, $0x1  }
0x9: {  	s31 =	sshll.u32 s0, $0x6;
	s29 =	sshrl.u32 s9, $0x1;
	s7 =	sadd.s32 s8, s7  }
0xa: {  	s6 =	sor.u32 $0x1C01, s31;
	s30 =	sshrl.u32 s10, $0x2;
	s7 =	sshrl.u32 s7, $0x3  }
0xb: {  	s8 =	sadd.s32 s28, s5;
	s10 =	sadd.s32 s30, s3;
	s11 =	sadd.s32 s7, s5  }
0xc: {  	s7 =	ssub.s32 s9, s29;
	s9 =	simm.s32 $0x653E00;
	s5 =	sadd.s32 $0x5B3E00, s8  }
0xd: {  	s10 =	sshrl.u32 s10, $0x3;
	s9 =	simm.s32 @!p0 $0x62BE00;
	s7 =	smax.u32 s7, $0x1  }
0xe: {  	s8 =	sadd.s32 s9, s8;
	s9 =	sadd.s32 $0x8A00, s11;
	s11 =	simm.s32 $0x1  }
.LBB2_1:
0xf: {  	[spmem:s10], [sflag:s6] =	dma.local [hbm:s5], $0x2800  }
0x10: {  	_ =	swait.ge [sflag:s11], $0x2800  }
0x11: {  	[sflag:s11] =	ssyncset.done $0x0  }
0x12: {  	[sflag:s11] =	ssyncadd.s32 $0xFFFFD800  }
0x13: {  	[tilespmem:s12], [sflag:$0x1] =	stream.linear.gather [hbm4b:s2+s4], $0x1400, $0x38;
	[tilespmem:$0x15480] =	vst v63  }
0x14: {  	_ =	swait.ge [sflag:s11], $0x1400  }
0x15: {  	[sflag:s11] =	ssyncset.done $0x0  }
0x16: {  	[sflag:s11] =	ssyncadd.s32 $0xFFFFEC00  }
0x17: {  	s15 =	sadd.s32 $0x0, s9;
	[bflag:$0x0] =	sbarrier.arrive $0xFFFF  }
0x18: {  	[tilespmem:s4], [sflag:$0x1] =	stream.linear.gather [hbm4b:s15+s4], $0x28, $0x38;
	[tilespmem:$0x15480] =	vst v63  }
0x19: {  	_ =	swait.ge [sflag:s11], $0x28  }
0x1a: {  	[sflag:s11] =	ssyncset.done $0x0  }
0x1b: {  	[sflag:s11] =	ssyncadd.s32 $0xFFFFFFD8  }
0x1c: {  	[spmem:s3] =	stream.indirect.scatter.add.f32 [tilespmem:s12], [sflag:$0x1], $0x80, s4, s13, $0xb8;
	[tilespmem:$0x15480] =	vst v63  }
0x1d: {  	_ =	swait.ge [sflag:s11], $0x1400  }
0x1e: {  	s16 =	simm.s32 $0xA;
	s15 =	simm.s32 $0x5;
	[sflag:s11] =	ssyncset.done $0x0  }
.LBB2_2:
0x1f: {  	s17 =	sadd.s32 s15, s9  }
0x20: {  	[sflag:s11] =	ssyncadd.s32 $0xFFFFEC00;
	s15 =	smov.u32 s16;
	s18 =	sadd.s32 $0x5, s16  }
0x21: {  	[tilespmem:s4], [sflag:$0x1] =	stream.linear.gather [hbm4b:s17+s4], $0x28, $0x38;
	[tilespmem:$0x15480] =	vst v63  }
0x22: {  	p0 =	sne.s32 s16, $0x26C;
	_ =	swait.ge [sflag:s11], $0x28  }
.Ltmp0:
0x23: {  	[sflag:s11] =	ssyncset.done $0x0;
	(pc) =	sbr.rel @p0 .LBB2_2-.Ltmp0, $4  }
0x24: {  	[sflag:s11] =	ssyncadd.s32 $0xFFFFFFD8  }
0x25: {  	[spmem:s3] =	stream.indirect.scatter.add.f32 [tilespmem:s12], [sflag:$0x1], $0x80, s4, s13, $0xb8;
	[tilespmem:$0x15480] =	vst v63  }
0x26: {  	_ =	swait.ge [sflag:s11], $0x1400  }
0x27: {  	s16 =	smov.u32 s18;
	[sflag:s11] =	ssyncset.done $0x0  }
0x28: {  	s15 =	sadd.s32 s15, s9;
	[sflag:s11] =	ssyncadd.s32 $0xFFFFEC00  }
0x29: {  	[tilespmem:s4], [sflag:$0x1] =	stream.linear.gather [hbm4b:s15+s4], $0x28, $0x38;
	[tilespmem:$0x15480] =	vst v63  }
0x2a: {  	_ =	swait.ge [sflag:s11], $0x28  }
0x2b: {  	[sflag:s11] =	ssyncset.done $0x0  }
0x2c: {  	[sflag:s11] =	ssyncadd.s32 $0xFFFFFFD8  }
0x2d: {  	[spmem:s3] =	stream.indirect.scatter.add.f32 [tilespmem:s12], [sflag:$0x1], $0x80, s4, s13, $0xb8;
	[tilespmem:$0x15480] =	vst v63  }
0x2e: {  	_ =	swait.ge [sflag:s11], $0x1400  }
0x2f: {  	s14 =	sadd.s32 $0x1, s14;
	[sflag:s11] =	ssyncset.done $0x0  }
0x30: {  	p0 =	sne.s32 s14, s7;
	[sflag:s11] =	ssyncadd.s32 $0xFFFFEC00  }
.Ltmp1:
0x31: {  	[bflag:$0x0] =	sbarrier.arrive $0xFFFF;
	(pc) =	sbr.rel @p0 .LBB2_1-.Ltmp1, $4  }
0x32: {  	[hbm:s8], [sflag:s6] =	dma.local [spmem:s10], $0x2800  }
0x33: {  	_ =	swait.ge [sflag:s11], $0x2800  }
0x34: {  	[sflag:s11] =	ssyncset.done $0x0  }
0x35: {  	[sflag:s11] =	ssyncadd.s32 $0xFFFFD800  }
0x36: {  	_ =	sfence.sel $0x180000  }
0x37: {  	[bflag:$0x0] =	sbarrier.arrive $0xFFFF  }
0x38: {  	p0 =	sne.s32 s0, $0x0;
	_ =	strace $0x9000004A  }
0x39: {  	s0 =	sadd.s32 @!p0 $0x100000, s1;
	[bflag:$0x2] =	sbarrier.arrive $0xFFFF  }
0x3a: {  	[sflag:s0] =	ssyncadd.tile.s32 @!p0 $0x1;
	_ =	shalt  }
.Lfunc_end2:
_tile_overlayer_lowered:
.L_overlay_start_2:
0x3b: {  	(tag) =	ssettag $0x2  }
0x3c: {  	s0 =	rddreg [dreg:$0x0];
	s2 =	stileid.u32  }
0x3d: {  	s1 =	rddreg [dreg:$0x1];
	p0 =	sne.s32 s2, $0x0  }
0x3e: {  	s3 =	rddreg [dreg:$0x2];
	[bflag:$0x3] =	sbarrier.arrive $0xFFFF;
	s2 =	simm.s32 @!p0 $0x1C01  }
0x3f: {  	[timem:s3], [sflag:s2] =	dma.local @!p0 [hbm:s0], s1  }
0x40: {  	s0 =	simm.s32 @!p0 $0x1  }
0x41: {  	_ =	swait.ge @!p0 [sflag:s0], s1  }
0x42: {  	s1 =	ssub.s32 @!p0 $0x0, s1;
	[sflag:s0] =	ssyncset.done @!p0 $0x0  }
0x43: {  	[sflag:s0] =	ssyncadd.s32 @!p0 s1  }
0x44: {  	[bflag:$0x3] =	sbarrier.arrive $0xFFFF  }
0x45: {  	_ =	shalt  }

// kernel: kernel.18.cloned.1.call-start
scs
__scs_entry_jumppad:
0x0: {  	(pc) =	sbr.rel $0x88, $3  }
0x1: {  	(tag) =	ssettag $0x0;
	lr =	simm.s32 $0x1  }
0x2: {  	[smem:$0x3F84] =	sst lr;
	_ =	strace $0xD0000000  }
0x3: {  	_ = 	snop  }
0x4: {  	_ = 	snop  }
0x5: {  	_ = 	snop  }
0x6: {  	_ = 	snop  }
0x7: {  	_ = 	snop  }
__scs_overlays_trampoline_lowered:
0x8: {  	[smem:$0x3F93] =	sst s0  }
0x9: {  	[smem:$0x3F94] =	sst s1  }
0xa: {  	[smem:$0x3F95] =	sst s2  }
0xb: {  	[smem:$0x3F96] =	sst s3  }
0xc: {  	[smem:$0x3F97] =	sst s4  }
0xd: {  	[smem:$0x3F98] =	sst s5  }
0xe: {  	[smem:$0x3F99] =	sst s6  }
0xf: {  	[smem:$0x3F9A] =	sst s7  }
0x10: {  	[smem:$0x3F9B] =	sst s8  }
0x11: {  	[smem:$0x3F9C] =	sst s9;
	s0 =	simm.s32 @!p0 $0x0  }
0x12: {  	s1 =	sld [smem:$0x3F82];
	s0 =	simm.s32 @p0 $0x1  }
0x13: {  	[smem:$0x3F9D] =	sst s0;
	s0 =	simm.s32 @!p1 $0x0  }
0x14: {  	s2 =	sld [smem:$0x3F81];
	s0 =	simm.s32 @p1 $0x1  }
0x15: {  	[smem:$0x3F9E] =	sst s0;
	s0 =	simm.s32 @!p2 $0x0  }
0x16: {  	s3 =	sld [smem:$0x3FDB];
	s0 =	simm.s32 @p2 $0x1  }
0x17: {  	s4 =	simm.s32 $0x1BF5;
	[smem:$0x3FA0] =	sst s0  }
0x18: {  	s0 =	sld [smem:$0x3F83];
	_ =	swait.ge [sflag:s4], $0x0  }
0x19: {  	s7 =	sld [smem:$0x3F84]  }
0x1a: {  	s8 =	sadd.s32 $0xFFFFE003, lr  }
0x1b: {  	s9 =	sadd.s32 $0xFFFFFEF7, lr;
	s5 =	simm.s32 $0xFFFFFFFF;
	p2 =	slt.u32 s8, $0xFFFFF086  }
0x1c: {  	p1 =	slt.u32 s9, $0xF7A;
	s5 =	simm.s32 @!p2 $0x0  }
0x1d: {  	s5 =	simm.s32 @p1 $0x1;
	p0 =	seq.s32 s7, s2  }
0x1e: {  	s7 =	smul.u32 @!p0 $0xF7A, s2;
	p2 =	seq.s32 @!p0 s5, $0x0  }
0x1f: {  	s9 =	smul.u32 $0xF7A, s1;
	s8 =	simm.s32 @!p0 $0x1BF5;
	p2 =	por !p2, p0  }
0x20: {  	[sflag:s8] =	ssyncset.s32 @!p0 $0xFFFFF086;
	s6 =	sadd.s32 @!p0 s3, s7;
	s7 =	simm.s32 @!p0 $0x108  }
0x21: {  	s3 =	sadd.s32 s3, s9;
	s6 =	sadd.s32 @!p0 $0x88, s6;
	s7 =	simm.s32 @p2 $0x1082  }
0x22: {  	[simem:s7], [sflag:s8] =	dma.local @!p0 [hbm:s6], $0xF7A  }
0x23: {  	s9 =	sor.u32 $0xD0000000, s2;
	s6 =	simm.s32 $0x108;
	_ =	swait.ge @!p0 [sflag:s8], $0x0  }
0x24: {  	s3 =	sadd.s32 $0x88, s3;
	s6 =	simm.s32 @!p1 $0x1082;
	[sflag:s4] =	ssyncset.s32 $0xFFFFF086  }
0x25: {  	[simem:s6], [sflag:s4] =	dma.local [hbm:s3], $0xF7A  }
0x26: {  	[smem:$0x3F84] =	sst s1;
	(tag) =	ssettag s2;
	_ =	strace s9  }
0x27: {  	s1 =	sld [smem:$0x3F94]  }
0x28: {  	s2 =	sld [smem:$0x3F95]  }
0x29: {  	s4 =	sld [smem:$0x3F97]  }
0x2a: {  	p0 =	seq.s32 s5, $0x0;
	s5 =	sld [smem:$0x3F98]  }
0x2b: {  	s6 =	sld [smem:$0x3F99]  }
0x2c: {  	s7 =	sld [smem:$0x3F9A]  }
0x2d: {  	s3 =	simm.s32 $0x108;
	s8 =	sld [smem:$0x3F9B]  }
0x2e: {  	s3 =	simm.s32 @!p0 $0x1082;
	s9 =	sld [smem:$0x3F9C]  }
0x2f: {  	lr =	sadd.s32 s0, s3;
	s0 =	sld [smem:$0x3F93]  }
0x30: {  	s3 =	sld [smem:$0x3F96]  }
0x31: {  	[smem:$0x3F9F] =	sst s10  }
0x32: {  	s10 =	sld [smem:$0x3F9D];
	_ =	sdelay $0x3  }
0x33: {  	p0 =	seq.s32 s10, $0x1;
	s10 =	sld [smem:$0x3F9F];
	_ =	sdelay $0x3  }
0x34: {  	[smem:$0x3F9F] =	sst s10  }
0x35: {  	s10 =	sld [smem:$0x3F9E];
	_ =	sdelay $0x3  }
0x36: {  	p1 =	seq.s32 s10, $0x1;
	s10 =	sld [smem:$0x3F9F];
	_ =	sdelay $0x3  }
0x37: {  	[smem:$0x3F9F] =	sst s10  }
0x38: {  	s10 =	sld [smem:$0x3FA0]  }
0x39: {  	_ = 	snop;
	(pc) =	sbr.ind lr, $3  }
0x3a: {  	_ = 	snop  }
0x3b: {  	_ = 	snop  }
0x3c: {  	p2 =	seq.s32 s10, $0x1;
	s10 =	sld [smem:$0x3F9F]  }
0x3d: {  	_ =	shalt  }
0x3e: {  	_ =	shalt  }
0x3f: {  	_ =	shalt  }
0x40: {  	_ =	shalt  }
0x41: {  	_ =	shalt  }
0x42: {  	_ =	shalt  }
0x43: {  	_ =	shalt  }
0x44: {  	_ =	shalt  }
0x45: {  	_ =	shalt  }
0x46: {  	_ =	shalt  }
0x47: {  	_ =	shalt  }
0x48: {  	_ =	shalt  }
0x49: {  	_ =	shalt  }
0x4a: {  	_ =	shalt  }
0x4b: {  	_ =	shalt  }
0x4c: {  	_ =	shalt  }
0x4d: {  	_ =	shalt  }
0x4e: {  	_ =	shalt  }
0x4f: {  	_ =	shalt  }
0x50: {  	_ =	shalt  }
0x51: {  	_ =	shalt  }
0x52: {  	_ =	shalt  }
0x53: {  	_ =	shalt  }
0x54: {  	_ =	shalt  }
0x55: {  	_ =	shalt  }
0x56: {  	_ =	shalt  }
0x57: {  	_ =	shalt  }
0x58: {  	_ =	shalt  }
0x59: {  	_ =	shalt  }
0x5a: {  	_ =	shalt  }
0x5b: {  	_ =	shalt  }
0x5c: {  	_ =	shalt  }
0x5d: {  	_ =	shalt  }
0x5e: {  	_ =	shalt  }
0x5f: {  	_ =	shalt  }
0x60: {  	_ =	shalt  }
0x61: {  	_ =	shalt  }
0x62: {  	_ =	shalt  }
0x63: {  	_ =	shalt  }
0x64: {  	_ =	shalt  }
0x65: {  	_ =	shalt  }
0x66: {  	_ =	shalt  }
0x67: {  	_ =	shalt  }
0x68: {  	_ =	shalt  }
0x69: {  	_ =	shalt  }
0x6a: {  	_ =	shalt  }
0x6b: {  	_ =	shalt  }
0x6c: {  	_ =	shalt  }
0x6d: {  	_ =	shalt  }
0x6e: {  	_ =	shalt  }
0x6f: {  	_ =	shalt  }
0x70: {  	_ =	shalt  }
0x71: {  	_ =	shalt  }
0x72: {  	_ =	shalt  }
0x73: {  	_ =	shalt  }
0x74: {  	_ =	shalt  }
0x75: {  	_ =	shalt  }
0x76: {  	_ =	shalt  }
0x77: {  	_ =	shalt  }
0x78: {  	_ =	shalt  }
0x79: {  	_ =	shalt  }
0x7a: {  	_ =	shalt  }
0x7b: {  	_ =	shalt  }
0x7c: {  	_ =	shalt  }
0x7d: {  	_ =	shalt  }
0x7e: {  	_ =	shalt  }
0x7f: {  	_ =	shalt  }
0x80: {  	_ =	shalt  }
0x81: {  	_ =	shalt  }
0x82: {  	_ =	shalt  }
0x83: {  	_ =	shalt  }
0x84: {  	_ =	shalt  }
0x85: {  	_ =	shalt  }
0x86: {  	_ =	shalt  }
0x87: {  	_ =	shalt  }
.Lfunc_end0:
.L_simem_size_0:
called_computation.1_lowered:
.L_overlay_start_0:
0x88: {  	s2 =	sld [smem:$0x3FD9]  }
0x89: {  	s3 =	sld [smem:$0x3FFE];
	_ =	sdelay $0x1  }
0x8a: {  	s1 =	srdreg.scid  }
0x8b: {  	s0 =	sand.u32 $0x1, s1  }
0x8c: {  	s16 =	sshll.u32 s0, $0xA;
	s2 =	sadd.s32 s3, s2  }
0x8d: {  	s2 =	sadd.s32 s2, s16  }
0x8e: {  	[smem:$0x3FAB] =	sst s2  }
0x8f: {  	_ = 	snop  }
0x90: {  	(tm) =	ssettm $0x1  }
0x91: {  	s17 =	sld [smem:$0x3FFB];
	_ =	sdelay $0x3  }
0x92: {  	_ =	strace s17  }
0x93: {  	s2 =	sld [smem:$0x3FFC];
	_ =	sdelay $0x3  }
0x94: {  	_ =	strace s2  }
0x95: {  	s2 =	sld [smem:$0x3FFD];
	_ =	sdelay $0x3  }
0x96: {  	_ =	strace s2  }
0x97: {  	_ =	strace $0x8FFFFFFF  }
0x98: {  	s18 =	sld [smem:$0x3FDB];
	_ =	sdelay $0x1  }
0x99: {  	s19 =	simm.s32 $_scs_section_size  }
0x9a: {  	s4 =	simm.s32 $_size__tile_overlayer_lowered;
	s5 =	simm.s32 $_tile_overlayer_lowered  }
0x9b: {  	s22 =	simm.s32 $0x1BFF;
	s21 =	sshll.u32 s5, $0x1;
	s2 =	sadd.s32 s19, s18  }
0x9c: {  	s6 =	simm.s32 $0x0;
	s20 =	sshll.u32 s4, $0x1;
	s4 =	sadd.s32 s21, s2  }
0x9d: {  	[timem:s6], [sflag:s22] =	dma.local [hbm:s4], s20  }
0x9e: {  	_ =	swait.ge [sflag:s22], s20  }
0x9f: {  	s3 =	ssub.s32 $0x0, s20;
	[sflag:s22] =	ssyncset.done $0x0  }
0xa0: {  	[sflag:s22] =	ssyncadd.s32 s3;
	_ =	sdelay $0x1  }
0xa1: {  	s23 =	simm.s32 $0x1B8B  }
0xa2: {  	_ =	swait.ge [sflag:s23], $0x1  }
0xa3: {  	[sflag:s23] =	ssyncset.done $0x0  }
0xa4: {  	s25 =	simm.s32 $0x1B8E;
	s24 =	sld [smem:$0x3FFE];
	[sflag:s23] =	ssyncadd.s32 $0xFFFFFFFF  }
0xa5: {  	s26 =	simm.s32 $execute0_lowered;
	[smem:$0x3FD2] =	sst s25  }
0xa6: {  	s4 =	sshll.u32 s26, $0x1;
	_ =	strace $0x80000046;
	[dreg:$0x1] =	wrdreg $0xFFFFFFFF  }
0xa7: {  	s28 =	simm.s32 $_size_execute0_lowered;
	s2 =	sadd.s32 s2, s4;
	[dreg:$0x0] =	wrdreg $0x0  }
0xa8: {  	s4 =	sshll.u32 s28, $0x1;
	[dreg:$0x2] =	wrdreg s2  }
0xa9: {  	[dreg:$0x3] =	wrdreg s4  }
0xaa: {  	[dreg:$0x4] =	wrdreg $0xC0  }
0xab: {  	_ =	task [dreg:s6], $0x5FFFF  }
0xac: {  	[dreg:$0x1] =	wrdreg $0xFFFFFFFF  }
0xad: {  	[dreg:$0x0] =	wrdreg $0x60  }
0xae: {  	[dreg:$0x2] =	wrdreg s24  }
0xaf: {  	[dreg:$0x3] =	wrdreg $0xA2000  }
0xb0: {  	[dreg:$0x4] =	wrdreg $0xA  }
0xb1: {  	_ =	task.clear_ibuf [dreg:s6], $0x5FFFF;
	_ =	strace $0x90000046  }
0xb2: {  	s29 =	simm.s32 $0xA;
	_ =	strace $0x80000048  }
0xb3: {  	_ =	swait.ge [sflag:s29], $0x1  }
0xb4: {  	[sflag:s29] =	ssyncadd.s32 $0xFFFFFFFF  }
0xb5: {  	_ =	strace $0x90000048  }
0xb6: {  	_ =	sfence  }
0xb7: {  	s30 =	sld [smem:$0x0];
	_ =	sdelay $0x2  }
0xb8: {  	s31 =	sshll.u32 s1, $0xD;
	s1 =	sshrl.u32 s1, $0x2  }
0xb9: {  	s3 =	sand.u32 $0x4000, s31;
	s1 =	sadd.s32 s1, s30  }
0xba: {  	s0 =	sor.u32 s3, s0;
	s1 =	sshll.u32 s1, $0x11  }
0xbb: {  	s0 =	sor.u32 s1, s0  }
0xbc: {  	s0 =	sadd.s32 $0x8F2B, s0  }
0xbd: {  	[sflag:s0] =	ssyncadd.remote.s32 $0x1  }
0xbe: {  	_ =	sfence.sel $0xFFFF  }
0xbf: {  	[dreg:$0x0] =	wrdreg $0xFFFFFFFF;
	(pc) =	sbr.abs _section_cstart, $3  }
0xc0: {  	[dreg:$0x1] =	wrdreg $0xFFFFFFFF  }
0xc1: {  	_ =	task.clear_ibuf [dreg:s6], $0x2FFFF;
	_ =	strace $0x9FFFFFFF  }
0xc2: {  	(tm) =	ssettm $0x7FFFFFFF  }
0xc3: {  	_ =	shalt  }
tec
execute0_lowered:
.L_overlay_start_1:
0x0: {  	(tag) =	ssettag $0x1  }
0x1: {  	s0 =	rddreg [dreg:$0x0]  }
0x2: {  	s1 =	rddreg [dreg:$0x1];
	s3 =	simm.s32 $0x0;
	s18 =	stileid.u32  }
0x3: {  	s6 =	srdreg.scid;
	s28 =	simm.s32 $0x5200;
	s31 =	simm.s32 $0x4  }
0x4: {  	s29 =	simm.s32 $0x3;
	s30 =	simm.s32 $0x1;
	s4 =	sadd.s32 $0x2D4C00, s0  }
0x5: {  	[smem:$0x7FF] =	sst s3;
	s2 =	smul.u32 $0x2800, s18;
	s5 =	sadd.s32 $0x342E00, s0  }
0x6: {  	s8 =	sand.u32 $0x1, s6;
	s9 =	smul.u32 $0x50000, s18;
	s6 =	sadd.s32 $0x322E00, s0  }
0x7: {  	s7 =	sadd.s32 $0xDA00, s0;
	s21 =	sshll.u32 s18, $0x6;
	s11 =	smul.u32 $0x2710, s18  }
0x8: {  	s16 =	smul.u32 $0x27100, s18;
	s17 =	sshll.u32 s18, $0xB;
	_ =	strace $0x80000047  }
0x9: {  	s10 =	ssub.s32 $0x2, s8;
	s12 =	sshll.u32 s8, $0x12;
	s14 =	sshll.u32 s8, $0x4  }
0xa: {  	s22 =	sadd.s32 s7, s17;
	p0 =	seq.s32 s8, $0x1;
	s8 =	simm.s32 $0x603E00  }
0xb: {  	s0 =	sadd.s32 s2, s0;
	s19 =	sshrl.u32 s10, $0x1;
	s9 =	sshrl.u32 s9, $0x2  }
0xc: {  	[dreg:$0x5] =	wrdreg s22;
	s23 =	sadd.s32 $0x10, s22;
	s24 =	sadd.s32 s5, s16  }
0xd: {  	s8 =	simm.s32 @!p0 $0x5DBE00;
	s22 =	simm.s32 $0x9;
	s2 =	ssub.s32 s10, s19  }
0xe: {  	s15 =	sadd.s32 s9, s1;
	s20 =	sadd.s32 $0x5B3E00, s0;
	s9 =	sshll.u32 s18, $0xE  }
0xf: {  	s10 =	sor.u32 $0x1C09, s21;
	s18 =	smul.u32 $0x138800, s18;
	[dreg:$0x7] =	wrdreg s23  }
0x10: {  	s19 =	sxor.u32 $0x10, s14;
	[dreg:$0x8] =	wrdreg s24;
	s0 =	sadd.s32 s8, s0  }
0x11: {  	s23 =	simm.s32 $0x100;
	s24 =	simm.s32 $0x7A00;
	s8 =	simm.s32 $0x7  }
0x12: {  	[dreg:$0x3] =	wrdreg s20;
	s12 =	sor.u32 s9, s12;
	s2 =	smax.u32 s2, $0x1  }
0x13: {  	[dreg:$0xb] =	wrdreg s0;
	s21 =	sshrl.u32 s15, $0x3;
	s0 =	simm.s32 $0x2  }
.Ltmp0:
0x14: {  	s15 =	simm.s32 $0x0;
	s13 =	sshrl.u32 s12, $0x3;
	(pc) =	sbr.rel .LBB2_1-.Ltmp0, $4  }
0x15: {  	s25 =	sshrl.u32 s18, $0x3;
	[dreg:$0xa] =	wrdreg s2;
	s13 =	sadd.s32 s6, s13  }
0x16: {  	s16 =	sadd.s32 s5, s25;
	[dreg:$0x4] =	wrdreg s13;
	s13 =	sadd.s32 $0x10, s13  }
0x17: {  	s2 =	simm.s32 $0x8;
	s26 =	sadd.s32 $0x500, s16;
	[dreg:$0x6] =	wrdreg s13  }
0x18: {  	v0 =	vmov s19;
	s25 =	simm.s32 $0x180;
	[dreg:$0x9] =	wrdreg s26;
	s26 =	simm.s32 $0x50  }
.LBB2_10:
0x19: {  	[bflag:$0x0] =	sbarrier.arrive $0xFFFF  }
0x1a: {  	s13 =	rddreg [dreg:$0xb]  }
0x1b: {  	[hbm:s13], [sflag:s10] =	dma.local [spmem:s21], $0x2800  }
0x1c: {  	_ =	swait.ge [sflag:s22], $0x2800  }
0x1d: {  	s15 =	sadd.s32 $0x1, s15;
	s20 =	rddreg [dreg:$0xa]  }
0x1e: {  	p0 =	sne.s32 s15, s20  }
.Ltmp1:
0x1f: {  	_ = 	snop;
	(pc) =	sbr.rel @!p0 .LBB2_11-.Ltmp1, $3  }
0x20: {  	_ =	sdelay $0x1  }
0x21: {  	[sflag:s22] =	ssyncset.done $0x0  }
0x22: {  	[sflag:s22] =	ssyncadd.s32 $0xFFFFD800  }
.LBB2_1:
0x23: {  	s13 =	rddreg [dreg:$0x3]  }
0x24: {  	[spmem:s21], [sflag:s10] =	dma.local [hbm:s13], $0x2800  }
0x25: {  	_ =	swait.ge [sflag:s22], $0x2800  }
0x26: {  	[sflag:s22] =	ssyncset.done $0x0  }
0x27: {  	[sflag:s22] =	ssyncadd.s32 $0xFFFFD800  }
0x28: {  	[bflag:$0x0] =	sbarrier.arrive $0xFFFF  }
0x29: {  	s18 =	rddreg [dreg:$0x4]  }
0x2a: {  	[tilespmem:s3], [sflag:$0x9] =	stream.linear.gather [hbm4b:s18+s3], $0x80, $0x38;
	[tilespmem:$0x1E200] =	vst v63  }
0x2b: {  	_ =	swait.ge [sflag:s22], $0x80  }
0x2c: {  	[sflag:s22] =	ssyncset.done $0x0  }
0x2d: {  	s19 =	rddreg [dreg:$0x5];
	[sflag:s22] =	ssyncadd.s32 $0xFFFFFF80  }
0x2e: {  	[tilespmem:s23], [sflag:$0x9] =	stream.linear.gather [hbm4b:s19+s3], $0x80, $0x38;
	[tilespmem:$0x1E200] =	vst v63  }
0x2f: {  	_ =	swait.ge [sflag:s22], $0x80  }
0x30: {  	[sflag:s22] =	ssyncset.done $0x0  }
0x31: {  	s14 =	simm.s32 $0x80;
	s20 =	rddreg [dreg:$0x6];
	[sflag:s22] =	ssyncadd.s32 $0xFFFFFF80  }
0x32: {  	[tilespmem:s14], [sflag:$0x6] =	stream.linear.gather [hbm4b:s20+s3], $0x80, $0x38;
	[tilespmem:$0x1E200] =	vst v63  }
0x33: {  	s16 =	rddreg [dreg:$0x7]  }
0x34: {  	[tilespmem:s25], [sflag:$0x8] =	stream.linear.gather [hbm4b:s16+s3], $0x80, $0x38;
	[tilespmem:$0x1E200] =	vst v63  }
0x35: {  	_ = 	snop  }
0x36: {  	[tilespmem:s28], [sflag:$0x3] =	stream.indirect.gather [hbm4b:s4+s26], $0x80, s3, s26, $0xb8;
	[tilespmem:$0x1E200] =	vst v63  }
.Ltmp2:
0x37: {  	_ = 	snop;
	(pc) =	sbr.rel .LBB2_2-.Ltmp2, $4  }
0x38: {  	s18 =	simm.s32 $0x200;
	s17 =	rddreg [dreg:$0x8]  }
0x39: {  	[tilespmem:s18], [sflag:$0x1] =	stream.linear.gather [hbm4b:s17+s3], $0x2800, $0x38;
	[tilespmem:$0x1E200] =	vst v63  }
0x3a: {  	s19 =	rddreg [dreg:$0x9];
	s20 =	simm.s32 $0x2A00;
	s16 =	simm.s32 $0x0  }
0x3b: {  	[tilespmem:s20], [sflag:$0x2] =	stream.linear.gather [hbm4b:s19+s3], $0x2800, $0x38;
	[tilespmem:$0x1E200] =	vst v63  }
.LBB2_9:
0x3c: {  	s16 =	sadd.s32 $0x1, s16  }
0x3d: {  	p0 =	sne.s32 s16, $0x7D  }
.Ltmp3:
0x3e: {  	_ = 	snop;
	(pc) =	sbr.rel @!p0 .LBB2_10-.Ltmp3, $1  }
0x3f: {  	_ =	sdelay $0x3  }
.LBB2_2:
0x40: {  	s17 =	sand.u32 $0x1, s16  }
0x41: {  	p0 =	seq.s32 s17, $0x1  }
.Ltmp4:
0x42: {  	_ = 	snop;
	(pc) =	sbr.rel @p0 .LBB2_6-.Ltmp4, $1  }
0x43: {  	_ =	sdelay $0x3  }
0x44: {  	_ =	swait.ge [sflag:s29], $0x2800  }
0x45: {  	[sflag:s29] =	ssyncset.done $0x0  }
0x46: {  	[sflag:s29] =	ssyncadd.s32 $0xFFFFD800  }
0x47: {  	_ =	swait.ge [sflag:s30], $0x2800  }
0x48: {  	[sflag:s30] =	ssyncset.done $0x0  }
0x49: {  	s18 =	simm.s32 $0x0;
	[sflag:s30] =	ssyncadd.s32 $0xFFFFD800  }
0x4a: {  	v2 =	vld [tilespmem:s18+$0x200]  }
0x4b: {  	v3 =	vld [tilespmem:s18+$0x210]  }
0x4c: {  	v5 =	vld [tilespmem:s18+$0x220]  }
0x4d: {  	v7 =	vld [tilespmem:s18+$0x230]  }
0x4e: {  	v14 =	vld [tilespmem:s18+$0x240]  }
0x4f: {  	v15 =	vld [tilespmem:s18+$0x250]  }
0x50: {  	v4 =	vld [tilespmem:s18+$0x260]  }
0x51: {  	v1 =	vld [tilespmem:s18+$0x270]  }
0x52: {  	v10 =	vld [tilespmem:s18+$0x5200]  }
0x53: {  	v9 =	vld [tilespmem:s18+$0x5210]  }
0x54: {  	v6 =	vld [tilespmem:s18+$0x5220];
	v2 =	vshll.u32 v2, v0  }
0x55: {  	v12 =	vshll.u32 v3, v0;
	v11 =	vshll.u32 v5, v0;
	v8 =	vshll.u32 v7, v0;
	v5 =	vld [tilespmem:s18+$0x5230]  }
0x56: {  	s19 =	simm.s32 $0x200;
	v7 =	vshll.u32 v14, v0;
	v3 =	vshll.u32 v15, v0;
	v13 =	vand.u32 $0xFFFF0000, v2;
	v2 =	vld [tilespmem:s18+$0x5240]  }
.LBB2_4:
0x57: {  	p0 =	sne.s32 s19, $0x9E00;
	v10 =	vadd.f32 v13, v10;
	v12 =	vand.u32 $0xFFFF0000, v12;
	v13 =	vld [tilespmem:s18+$0x5250];
	v4 =	vshll.u32 v4, v0  }
0x58: {  	v11 =	vand.u32 $0xFFFF0000, v11;
	v1 =	vshll.u32 v1, v0;
	v9 =	vadd.f32 v12, v9;
	v12 =	vld [tilespmem:s18+$0x5260]  }
0x59: {  	s13 =	sshra.s32 s19, $0x2;
	v8 =	vand.u32 $0xFFFF0000, v8;
	v10 =	vmax.f32 v10, $0.0e+00;
	v6 =	vadd.f32 v11, v6;
	v11 =	vld [tilespmem:s18+$0x5270]  }
0x5a: {  	v7 =	vand.u32 $0xFFFF0000, v7;
	v14 =	vld [tilespmem:s13+$0x200];
	[tilespmem:s18+$0x5200] =	vst v10;
	v9 =	vmax.f32 v9, $0.0e+00;
	v5 =	vadd.f32 v8, v5  }
0x5b: {  	v3 =	vand.u32 $0xFFFF0000, v3;
	v8 =	vld [tilespmem:s13+$0x210];
	[tilespmem:s18+$0x5210] =	vst v9;
	v6 =	vmax.f32 v6, $0.0e+00;
	v2 =	vadd.f32 v7, v2  }
0x5c: {  	v4 =	vand.u32 $0xFFFF0000, v4;
	v7 =	vld [tilespmem:s13+$0x220];
	[tilespmem:s18+$0x5220] =	vst v6;
	v5 =	vmax.f32 v5, $0.0e+00;
	v3 =	vadd.f32 v3, v13  }
0x5d: {  	v1 =	vand.u32 $0xFFFF0000, v1;
	v13 =	vld [tilespmem:s13+$0x230];
	[tilespmem:s18+$0x5230] =	vst v5;
	v2 =	vmax.f32 v2, $0.0e+00;
	v4 =	vadd.f32 v4, v12  }
0x5e: {  	v15 =	vld [tilespmem:s13+$0x240];
	[tilespmem:s18+$0x5240] =	vst v2;
	v2 =	vmax.f32 v3, $0.0e+00;
	v1 =	vadd.f32 v1, v11  }
0x5f: {  	v3 =	vld [tilespmem:s13+$0x250];
	[tilespmem:s18+$0x5250] =	vst v2;
	v2 =	vmax.f32 v4, $0.0e+00  }
0x60: {  	v4 =	vld [tilespmem:s13+$0x260];
	[tilespmem:s18+$0x5260] =	vst v2;
	v2 =	vmax.f32 v1, $0.0e+00  }
0x61: {  	v1 =	vld [tilespmem:s13+$0x270];
	[tilespmem:s18+$0x5270] =	vst v2;
	s18 =	smov.u32 s13  }
.Ltmp5:
0x62: {  	v10 =	vld [tilespmem:s18+$0x5200];
	(pc) =	sbr.rel @p0 .LBB2_4-.Ltmp5, $4  }
0x63: {  	v9 =	vld [tilespmem:s18+$0x5210]  }
0x64: {  	v2 =	vshll.u32 v14, v0;
	v6 =	vld [tilespmem:s18+$0x5220]  }
0x65: {  	v12 =	vshll.u32 v8, v0;
	v11 =	vshll.u32 v7, v0;
	v8 =	vshll.u32 v13, v0;
	v5 =	vld [tilespmem:s18+$0x5230]  }
0x66: {  	s19 =	sadd.s32 $0x200, s19;
	v13 =	vand.u32 $0xFFFF0000, v2;
	v7 =	vshll.u32 v15, v0;
	v3 =	vshll.u32 v3, v0;
	v2 =	vld [tilespmem:s18+$0x5240]  }
0x67: {  	v10 =	vadd.f32 v13, v10;
	v12 =	vand.u32 $0xFFFF0000, v12;
	v61 =	vld [tilespmem:s18+$0x5250];
	v4 =	vshll.u32 v4, v0  }
0x68: {  	v11 =	vand.u32 $0xFFFF0000, v11;
	v1 =	vshll.u32 v1, v0;
	v63 =	vld [tilespmem:s18+$0x5270];
	v9 =	vadd.f32 v12, v9  }
0x69: {  	v62 =	vld [tilespmem:s18+$0x5260];
	v8 =	vand.u32 $0xFFFF0000, v8;
	v10 =	vmax.f32 v10, $0.0e+00;
	v6 =	vadd.f32 v11, v6  }
0x6a: {  	v7 =	vand.u32 $0xFFFF0000, v7;
	[tilespmem:s18+$0x5200] =	vst v10;
	v9 =	vmax.f32 v9, $0.0e+00;
	v5 =	vadd.f32 v8, v5  }
0x6b: {  	v3 =	vand.u32 $0xFFFF0000, v3;
	[tilespmem:s18+$0x5210] =	vst v9;
	v6 =	vmax.f32 v6, $0.0e+00;
	v2 =	vadd.f32 v7, v2  }
0x6c: {  	v1 =	vand.u32 $0xFFFF0000, v1;
	[tilespmem:s18+$0x5220] =	vst v6;
	v5 =	vmax.f32 v5, $0.0e+00;
	v3 =	vadd.f32 v3, v61  }
0x6d: {  	v4 =	vand.u32 $0xFFFF0000, v4;
	v1 =	vadd.f32 v1, v63;
	[tilespmem:s18+$0x5230] =	vst v5;
	v2 =	vmax.f32 v2, $0.0e+00  }
0x6e: {  	v4 =	vadd.f32 v4, v62;
	[tilespmem:s18+$0x5240] =	vst v2;
	v2 =	vmax.f32 v3, $0.0e+00  }
0x6f: {  	v1 =	vmax.f32 v1, $0.0e+00;
	[tilespmem:s18+$0x5250] =	vst v2  }
0x70: {  	p0 =	seq.s32 s16, $0x7C;
	v2 =	vmax.f32 v4, $0.0e+00;
	[tilespmem:s18+$0x5270] =	vst v1  }
0x71: {  	s13 =	simm.s32 @!p0 $0x6;
	[tilespmem:s18+$0x5260] =	vst v2  }
0x72: {  	_ =	swait.ge @!p0 [sflag:s13], $0x80  }
0x73: {  	s19 =	simm.s32 @!p0 $0x7A00;
	p1 =	seq.s32 @!p0 s16, $0x0;
	[sflag:s13] =	ssyncset.done @!p0 $0x0  }
0x74: {  	s18 =	simm.s32 @!p0 $0x80;
	[sflag:s13] =	ssyncadd.s32 @!p0 $0xFFFFFF80;
	s13 =	simm.s32 @!p0 $0x50  }
0x75: {  	[tilespmem:s19], [sflag:$0x4] =	stream.indirect.gather @!p0 [hbm4b:s4+s13], $0x80, s18, s13, $0xb8;
	[tilespmem:$0x1E200] =	vst v63  }
0x76: {  	p0 =	por p0, !p1  }
0x77: {  	_ =	swait.ge @p0 [sflag:s8], $0x80  }
0x78: {  	[sflag:s8] =	ssyncset.done @p0 $0x0  }
0x79: {  	[sflag:s8] =	ssyncadd.s32 @p0 $0xFFFFFF80;
	p0 =	sgt.u32 s16, $0x7A  }
0x7a: {  	[spmem:s1] =	stream.indirect.scatter.add.f32 [tilespmem:s28], [sflag:$0x9], $0x80, s23, s26, $0xb8;
	[tilespmem:$0x1E200] =	vst v63  }
0x7b: {  	s13 =	sadd.s32 @!p0 $0x2, s16  }
0x7c: {  	s18 =	sshll.u32 @!p0 s13, $0x7  }
0x7d: {  	s14 =	simm.s32 @!p0 $0x0;
	_ =	swait.ge [sflag:s22], $0x2800;
	s19 =	sand.u32 @!p0 $0x7C00, s18  }
0x7e: {  	s13 =	smul.u32 @!p0 $0x50, s13;
	s18 =	sand.u32 @!p0 $0x300, s18;
	s20 =	sadd.s32 @!p0 s12, s19  }
0x7f: {  	[sflag:s22] =	ssyncset.done $0x0;
	s19 =	sadd.s32 @!p0 s9, s19;
	s20 =	sor.u32 @!p0 s18, s20  }
0x80: {  	[sflag:s22] =	ssyncadd.s32 $0xFFFFD800;
	s18 =	sor.u32 @!p0 s18, s19;
	s20 =	sshrl.u32 @!p0 s20, $0x3  }
0x81: {  	s13 =	sadd.s32 @!p0 s11, s13;
	s18 =	sshrl.u32 @!p0 s18, $0x3;
	s20 =	sadd.s32 @!p0 s6, s20  }
0x82: {  	[tilespmem:s14], [sflag:$0x5] =	stream.linear.gather @!p0 [hbm4b:s20+s14], $0x80, $0x38;
	[tilespmem:$0x1E200] =	vst v63  }
0x83: {  	s19 =	simm.s32 @!p0 $0x100;
	s13 =	sshll.u32 @!p0 s13, $0x4;
	s18 =	sadd.s32 @!p0 s7, s18  }
0x84: {  	[tilespmem:s19], [sflag:$0x7] =	stream.linear.gather @!p0 [hbm4b:s18+s14], $0x80, $0x38;
	[tilespmem:$0x1E200] =	vst v63  }
0x85: {  	s13 =	sadd.s32 @!p0 s5, s13;
	s18 =	simm.s32 @!p0 $0x200  }
0x86: {  	[tilespmem:s18], [sflag:$0x1] =	stream.linear.gather @!p0 [hbm4b:s13+s14], $0x2800, $0x38;
	[tilespmem:$0x1E200] =	vst v63  }
0x87: {  	p0 =	seq.s32 s17, $0x0  }
.Ltmp6:
0x88: {  	_ = 	snop;
	(pc) =	sbr.rel @p0 .LBB2_9-.Ltmp6, $1  }
0x89: {  	_ =	sdelay $0x3  }
.LBB2_6:
0x8a: {  	_ =	swait.ge [sflag:s31], $0x2800  }
0x8b: {  	[sflag:s31] =	ssyncset.done $0x0  }
0x8c: {  	[sflag:s31] =	ssyncadd.s32 $0xFFFFD800  }
0x8d: {  	_ =	swait.ge [sflag:s0], $0x2800  }
0x8e: {  	[sflag:s0] =	ssyncset.done $0x0  }
0x8f: {  	s17 =	simm.s32 $0x0;
	[sflag:s0] =	ssyncadd.s32 $0xFFFFD800  }
0x90: {  	v2 =	vld [tilespmem:s17+$0x2A00]  }
0x91: {  	v3 =	vld [tilespmem:s17+$0x2A10]  }
0x92: {  	v5 =	vld [tilespmem:s17+$0x2A20]  }
0x93: {  	v7 =	vld [tilespmem:s17+$0x2A30]  }
0x94: {  	v14 =	vld [tilespmem:s17+$0x2A40]  }
0x95: {  	v15 =	vld [tilespmem:s17+$0x2A50]  }
0x96: {  	v4 =	vld [tilespmem:s17+$0x2A60]  }
0x97: {  	v1 =	vld [tilespmem:s17+$0x2A70]  }
0x98: {  	v10 =	vld [tilespmem:s17+$0x7A00]  }
0x99: {  	v9 =	vld [tilespmem:s17+$0x7A10]  }
0x9a: {  	v6 =	vld [tilespmem:s17+$0x7A20];
	v2 =	vshll.u32 v2, v0  }
0x9b: {  	v12 =	vshll.u32 v3, v0;
	v11 =	vshll.u32 v5, v0;
	v8 =	vshll.u32 v7, v0;
	v5 =	vld [tilespmem:s17+$0x7A30]  }
0x9c: {  	s18 =	simm.s32 $0x200;
	v7 =	vshll.u32 v14, v0;
	v3 =	vshll.u32 v15, v0;
	v13 =	vand.u32 $0xFFFF0000, v2;
	v2 =	vld [tilespmem:s17+$0x7A40]  }
.LBB2_7:
0x9d: {  	p0 =	sne.s32 s18, $0x9E00;
	v10 =	vadd.f32 v13, v10;
	v12 =	vand.u32 $0xFFFF0000, v12;
	v13 =	vld [tilespmem:s17+$0x7A50];
	v4 =	vshll.u32 v4, v0  }
0x9e: {  	v11 =	vand.u32 $0xFFFF0000, v11;
	v1 =	vshll.u32 v1, v0;
	v9 =	vadd.f32 v12, v9;
	v12 =	vld [tilespmem:s17+$0x7A60]  }
0x9f: {  	s13 =	sshra.s32 s18, $0x2;
	v8 =	vand.u32 $0xFFFF0000, v8;
	v10 =	vmax.f32 v10, $0.0e+00;
	v6 =	vadd.f32 v11, v6;
	v11 =	vld [tilespmem:s17+$0x7A70]  }
0xa0: {  	v7 =	vand.u32 $0xFFFF0000, v7;
	v14 =	vld [tilespmem:s13+$0x2A00];
	[tilespmem:s17+$0x7A00] =	vst v10;
	v9 =	vmax.f32 v9, $0.0e+00;
	v5 =	vadd.f32 v8, v5  }
0xa1: {  	v3 =	vand.u32 $0xFFFF0000, v3;
	v8 =	vld [tilespmem:s13+$0x2A10];
	[tilespmem:s17+$0x7A10] =	vst v9;
	v6 =	vmax.f32 v6, $0.0e+00;
	v2 =	vadd.f32 v7, v2  }
0xa2: {  	v4 =	vand.u32 $0xFFFF0000, v4;
	v7 =	vld [tilespmem:s13+$0x2A20];
	[tilespmem:s17+$0x7A20] =	vst v6;
	v5 =	vmax.f32 v5, $0.0e+00;
	v3 =	vadd.f32 v3, v13  }
0xa3: {  	v1 =	vand.u32 $0xFFFF0000, v1;
	v13 =	vld [tilespmem:s13+$0x2A30];
	[tilespmem:s17+$0x7A30] =	vst v5;
	v2 =	vmax.f32 v2, $0.0e+00;
	v4 =	vadd.f32 v4, v12  }
0xa4: {  	v15 =	vld [tilespmem:s13+$0x2A40];
	[tilespmem:s17+$0x7A40] =	vst v2;
	v2 =	vmax.f32 v3, $0.0e+00;
	v1 =	vadd.f32 v1, v11  }
0xa5: {  	v3 =	vld [tilespmem:s13+$0x2A50];
	[tilespmem:s17+$0x7A50] =	vst v2;
	v2 =	vmax.f32 v4, $0.0e+00  }
0xa6: {  	v4 =	vld [tilespmem:s13+$0x2A60];
	[tilespmem:s17+$0x7A60] =	vst v2;
	v2 =	vmax.f32 v1, $0.0e+00  }
0xa7: {  	v1 =	vld [tilespmem:s13+$0x2A70];
	[tilespmem:s17+$0x7A70] =	vst v2;
	s17 =	smov.u32 s13  }
.Ltmp7:
0xa8: {  	v10 =	vld [tilespmem:s17+$0x7A00];
	(pc) =	sbr.rel @p0 .LBB2_7-.Ltmp7, $4  }
0xa9: {  	v9 =	vld [tilespmem:s17+$0x7A10]  }
0xaa: {  	v2 =	vshll.u32 v14, v0;
	v6 =	vld [tilespmem:s17+$0x7A20]  }
0xab: {  	v12 =	vshll.u32 v8, v0;
	v11 =	vshll.u32 v7, v0;
	v8 =	vshll.u32 v13, v0;
	v5 =	vld [tilespmem:s17+$0x7A30]  }
0xac: {  	s18 =	sadd.s32 $0x200, s18;
	v13 =	vand.u32 $0xFFFF0000, v2;
	v7 =	vshll.u32 v15, v0;
	v3 =	vshll.u32 v3, v0;
	v2 =	vld [tilespmem:s17+$0x7A40]  }
0xad: {  	v10 =	vadd.f32 v13, v10;
	v12 =	vand.u32 $0xFFFF0000, v12;
	v61 =	vld [tilespmem:s17+$0x7A50];
	v4 =	vshll.u32 v4, v0  }
0xae: {  	v11 =	vand.u32 $0xFFFF0000, v11;
	v1 =	vshll.u32 v1, v0;
	v63 =	vld [tilespmem:s17+$0x7A70];
	v9 =	vadd.f32 v12, v9  }
0xaf: {  	v62 =	vld [tilespmem:s17+$0x7A60];
	v8 =	vand.u32 $0xFFFF0000, v8;
	v10 =	vmax.f32 v10, $0.0e+00;
	v6 =	vadd.f32 v11, v6  }
0xb0: {  	v7 =	vand.u32 $0xFFFF0000, v7;
	[tilespmem:s17+$0x7A00] =	vst v10;
	v9 =	vmax.f32 v9, $0.0e+00;
	v5 =	vadd.f32 v8, v5  }
0xb1: {  	v3 =	vand.u32 $0xFFFF0000, v3;
	[tilespmem:s17+$0x7A10] =	vst v9;
	v6 =	vmax.f32 v6, $0.0e+00;
	v2 =	vadd.f32 v7, v2  }
0xb2: {  	v1 =	vand.u32 $0xFFFF0000, v1;
	[tilespmem:s17+$0x7A20] =	vst v6;
	v5 =	vmax.f32 v5, $0.0e+00;
	v3 =	vadd.f32 v3, v61  }
0xb3: {  	v4 =	vand.u32 $0xFFFF0000, v4;
	v1 =	vadd.f32 v1, v63;
	[tilespmem:s17+$0x7A30] =	vst v5;
	v2 =	vmax.f32 v2, $0.0e+00  }
0xb4: {  	v4 =	vadd.f32 v4, v62;
	[tilespmem:s17+$0x7A40] =	vst v2;
	v2 =	vmax.f32 v3, $0.0e+00  }
0xb5: {  	v1 =	vmax.f32 v1, $0.0e+00;
	[tilespmem:s17+$0x7A50] =	vst v2  }
0xb6: {  	p0 =	seq.s32 s16, $0x7C;
	v2 =	vmax.f32 v4, $0.0e+00;
	[tilespmem:s17+$0x7A70] =	vst v1  }
0xb7: {  	s13 =	simm.s32 @!p0 $0x5;
	[tilespmem:s17+$0x7A60] =	vst v2  }
0xb8: {  	_ =	swait.ge @!p0 [sflag:s13], $0x80  }
0xb9: {  	s14 =	simm.s32 @!p0 $0x0;
	[sflag:s13] =	ssyncset.done @!p0 $0x0  }
0xba: {  	s17 =	simm.s32 @!p0 $0x5200;
	[sflag:s13] =	ssyncadd.s32 @!p0 $0xFFFFFF80;
	s13 =	simm.s32 @!p0 $0x50  }
0xbb: {  	[tilespmem:s17], [sflag:$0x3] =	stream.indirect.gather @!p0 [hbm4b:s4+s13], $0x80, s14, s13, $0xb8;
	[tilespmem:$0x1E200] =	vst v63  }
0xbc: {  	p0 =	sgt.u32 s16, $0x7A  }
0xbd: {  	_ =	swait.ge [sflag:s2], $0x80;
	s13 =	sadd.s32 @!p0 $0x2, s16  }
0xbe: {  	[sflag:s2] =	ssyncset.done $0x0;
	s14 =	sshll.u32 @!p0 s13, $0x7  }
0xbf: {  	s19 =	simm.s32 @!p0 $0x0;
	[sflag:s2] =	ssyncadd.s32 $0xFFFFFF80;
	s17 =	sand.u32 @!p0 $0x7C00, s14  }
0xc0: {  	[spmem:s1] =	stream.indirect.scatter.add.f32 [tilespmem:s24], [sflag:$0x9], $0x80, s25, s26, $0xb8;
	[tilespmem:$0x1E200] =	vst v63  }
0xc1: {  	s20 =	simm.s32 @!p0 $0x80;
	s14 =	sand.u32 @!p0 $0x380, s14;
	s18 =	sadd.s32 @!p0 s12, s17  }
0xc2: {  	s13 =	smul.u32 @!p0 $0x50, s13;
	_ =	swait.ge [sflag:s22], $0x2800;
	s18 =	sor.u32 @!p0 s14, s18  }
0xc3: {  	s17 =	sadd.s32 @!p0 s9, s17;
	[sflag:s22] =	ssyncset.done $0x0;
	s18 =	sshrl.u32 @!p0 s18, $0x3  }
0xc4: {  	s14 =	sor.u32 @!p0 s14, s17;
	[sflag:s22] =	ssyncadd.s32 $0xFFFFD800;
	s18 =	sadd.s32 @!p0 s6, s18  }
0xc5: {  	[tilespmem:s20], [sflag:$0x6] =	stream.linear.gather @!p0 [hbm4b:s18+s19], $0x80, $0x38;
	[tilespmem:$0x1E200] =	vst v63  }
.Ltmp8:
0xc6: {  	s13 =	sadd.s32 @!p0 s11, s13;
	s14 =	sshrl.u32 @!p0 s14, $0x3;
	(pc) =	sbr.rel .LBB2_9-.Ltmp8, $4  }
0xc7: {  	s17 =	simm.s32 @!p0 $0x180;
	s13 =	sshll.u32 @!p0 s13, $0x4;
	s14 =	sadd.s32 @!p0 s7, s14  }
0xc8: {  	[tilespmem:s17], [sflag:$0x8] =	stream.linear.gather @!p0 [hbm4b:s14+s19], $0x80, $0x38;
	[tilespmem:$0x1E200] =	vst v63  }
0xc9: {  	s13 =	sadd.s32 @!p0 s5, s13;
	s14 =	simm.s32 @!p0 $0x2A00  }
0xca: {  	[tilespmem:s14], [sflag:$0x2] =	stream.linear.gather @!p0 [hbm4b:s13+s19], $0x2800, $0x38;
	[tilespmem:$0x1E200] =	vst v63  }
.LBB2_11:
0xcb: {  	_ =	sfence.sel $0x180000  }
0xcc: {  	[bflag:$0x0] =	sbarrier.arrive $0xFFFF  }
0xcd: {  	_ =	strace $0x90000047  }
0xce: {  	s0 =	stileid.u32;
	[bflag:$0x2] =	sbarrier.arrive $0xFFFF  }
0xcf: {  	p0 =	sne.s32 s0, $0x0;
	s0 =	rddreg [dreg:$0x2]  }
0xd0: {  	s0 =	sadd.s32 @!p0 $0x100000, s0  }
0xd1: {  	[sflag:s0] =	ssyncadd.tile.s32 @!p0 $0x1;
	_ =	shalt  }
.Lfunc_end2:
_tile_overlayer_lowered:
.L_overlay_start_2:
0xd2: {  	(tag) =	ssettag $0x2  }
0xd3: {  	s0 =	rddreg [dreg:$0x0];
	s2 =	stileid.u32  }
0xd4: {  	s1 =	rddreg [dreg:$0x1];
	p0 =	sne.s32 s2, $0x0  }
0xd5: {  	s3 =	rddreg [dreg:$0x2];
	[bflag:$0x3] =	sbarrier.arrive $0xFFFF;
	s2 =	simm.s32 @!p0 $0x1C09  }
0xd6: {  	[timem:s3], [sflag:s2] =	dma.local @!p0 [hbm:s0], s1  }
0xd7: {  	s0 =	simm.s32 @!p0 $0x9  }
0xd8: {  	_ =	swait.ge @!p0 [sflag:s0], s1  }
0xd9: {  	s1 =	ssub.s32 @!p0 $0x0, s1;
	[sflag:s0] =	ssyncset.done @!p0 $0x0  }
0xda: {  	[sflag:s0] =	ssyncadd.s32 @!p0 s1  }
0xdb: {  	[bflag:$0x3] =	sbarrier.arrive $0xFFFF  }
0xdc: {  	_ =	shalt  }

// kernel: kernel.21.cloned.1.call-start
scs
__scs_entry_jumppad:
0x0: {  	(pc) =	sbr.rel $0x88, $3  }
0x1: {  	(tag) =	ssettag $0x0;
	lr =	simm.s32 $0x1  }
0x2: {  	[smem:$0x3F84] =	sst lr;
	_ =	strace $0xD0000000  }
0x3: {  	_ = 	snop  }
0x4: {  	_ = 	snop  }
0x5: {  	_ = 	snop  }
0x6: {  	_ = 	snop  }
0x7: {  	_ = 	snop  }
__scs_overlays_trampoline_lowered:
0x8: {  	[smem:$0x3F93] =	sst s0  }
0x9: {  	[smem:$0x3F94] =	sst s1  }
0xa: {  	[smem:$0x3F95] =	sst s2  }
0xb: {  	[smem:$0x3F96] =	sst s3  }
0xc: {  	[smem:$0x3F97] =	sst s4  }
0xd: {  	[smem:$0x3F98] =	sst s5  }
0xe: {  	[smem:$0x3F99] =	sst s6  }
0xf: {  	[smem:$0x3F9A] =	sst s7  }
0x10: {  	[smem:$0x3F9B] =	sst s8  }
0x11: {  	[smem:$0x3F9C] =	sst s9;
	s0 =	simm.s32 @!p0 $0x0  }
0x12: {  	s1 =	sld [smem:$0x3F82];
	s0 =	simm.s32 @p0 $0x1  }
0x13: {  	[smem:$0x3F9D] =	sst s0;
	s0 =	simm.s32 @!p1 $0x0  }
0x14: {  	s2 =	sld [smem:$0x3F81];
	s0 =	simm.s32 @p1 $0x1  }
0x15: {  	[smem:$0x3F9E] =	sst s0;
	s0 =	simm.s32 @!p2 $0x0  }
0x16: {  	s3 =	sld [smem:$0x3FDB];
	s0 =	simm.s32 @p2 $0x1  }
0x17: {  	s4 =	simm.s32 $0x1BF5;
	[smem:$0x3FA0] =	sst s0  }
0x18: {  	s0 =	sld [smem:$0x3F83];
	_ =	swait.ge [sflag:s4], $0x0  }
0x19: {  	s7 =	sld [smem:$0x3F84]  }
0x1a: {  	s8 =	sadd.s32 $0xFFFFE003, lr  }
0x1b: {  	s9 =	sadd.s32 $0xFFFFFEF7, lr;
	s5 =	simm.s32 $0xFFFFFFFF;
	p2 =	slt.u32 s8, $0xFFFFF086  }
0x1c: {  	p1 =	slt.u32 s9, $0xF7A;
	s5 =	simm.s32 @!p2 $0x0  }
0x1d: {  	s5 =	simm.s32 @p1 $0x1;
	p0 =	seq.s32 s7, s2  }
0x1e: {  	s7 =	smul.u32 @!p0 $0xF7A, s2;
	p2 =	seq.s32 @!p0 s5, $0x0  }
0x1f: {  	s9 =	smul.u32 $0xF7A, s1;
	s8 =	simm.s32 @!p0 $0x1BF5;
	p2 =	por !p2, p0  }
0x20: {  	[sflag:s8] =	ssyncset.s32 @!p0 $0xFFFFF086;
	s6 =	sadd.s32 @!p0 s3, s7;
	s7 =	simm.s32 @!p0 $0x108  }
0x21: {  	s3 =	sadd.s32 s3, s9;
	s6 =	sadd.s32 @!p0 $0x88, s6;
	s7 =	simm.s32 @p2 $0x1082  }
0x22: {  	[simem:s7], [sflag:s8] =	dma.local @!p0 [hbm:s6], $0xF7A  }
0x23: {  	s9 =	sor.u32 $0xD0000000, s2;
	s6 =	simm.s32 $0x108;
	_ =	swait.ge @!p0 [sflag:s8], $0x0  }
0x24: {  	s3 =	sadd.s32 $0x88, s3;
	s6 =	simm.s32 @!p1 $0x1082;
	[sflag:s4] =	ssyncset.s32 $0xFFFFF086  }
0x25: {  	[simem:s6], [sflag:s4] =	dma.local [hbm:s3], $0xF7A  }
0x26: {  	[smem:$0x3F84] =	sst s1;
	(tag) =	ssettag s2;
	_ =	strace s9  }
0x27: {  	s1 =	sld [smem:$0x3F94]  }
0x28: {  	s2 =	sld [smem:$0x3F95]  }
0x29: {  	s4 =	sld [smem:$0x3F97]  }
0x2a: {  	p0 =	seq.s32 s5, $0x0;
	s5 =	sld [smem:$0x3F98]  }
0x2b: {  	s6 =	sld [smem:$0x3F99]  }
0x2c: {  	s7 =	sld [smem:$0x3F9A]  }
0x2d: {  	s3 =	simm.s32 $0x108;
	s8 =	sld [smem:$0x3F9B]  }
0x2e: {  	s3 =	simm.s32 @!p0 $0x1082;
	s9 =	sld [smem:$0x3F9C]  }
0x2f: {  	lr =	sadd.s32 s0, s3;
	s0 =	sld [smem:$0x3F93]  }
0x30: {  	s3 =	sld [smem:$0x3F96]  }
0x31: {  	[smem:$0x3F9F] =	sst s10  }
0x32: {  	s10 =	sld [smem:$0x3F9D];
	_ =	sdelay $0x3  }
0x33: {  	p0 =	seq.s32 s10, $0x1;
	s10 =	sld [smem:$0x3F9F];
	_ =	sdelay $0x3  }
0x34: {  	[smem:$0x3F9F] =	sst s10  }
0x35: {  	s10 =	sld [smem:$0x3F9E];
	_ =	sdelay $0x3  }
0x36: {  	p1 =	seq.s32 s10, $0x1;
	s10 =	sld [smem:$0x3F9F];
	_ =	sdelay $0x3  }
0x37: {  	[smem:$0x3F9F] =	sst s10  }
0x38: {  	s10 =	sld [smem:$0x3FA0]  }
0x39: {  	_ = 	snop;
	(pc) =	sbr.ind lr, $3  }
0x3a: {  	_ = 	snop  }
0x3b: {  	_ = 	snop  }
0x3c: {  	p2 =	seq.s32 s10, $0x1;
	s10 =	sld [smem:$0x3F9F]  }
0x3d: {  	_ =	shalt  }
0x3e: {  	_ =	shalt  }
0x3f: {  	_ =	shalt  }
0x40: {  	_ =	shalt  }
0x41: {  	_ =	shalt  }
0x42: {  	_ =	shalt  }
0x43: {  	_ =	shalt  }
0x44: {  	_ =	shalt  }
0x45: {  	_ =	shalt  }
0x46: {  	_ =	shalt  }
0x47: {  	_ =	shalt  }
0x48: {  	_ =	shalt  }
0x49: {  	_ =	shalt  }
0x4a: {  	_ =	shalt  }
0x4b: {  	_ =	shalt  }
0x4c: {  	_ =	shalt  }
0x4d: {  	_ =	shalt  }
0x4e: {  	_ =	shalt  }
0x4f: {  	_ =	shalt  }
0x50: {  	_ =	shalt  }
0x51: {  	_ =	shalt  }
0x52: {  	_ =	shalt  }
0x53: {  	_ =	shalt  }
0x54: {  	_ =	shalt  }
0x55: {  	_ =	shalt  }
0x56: {  	_ =	shalt  }
0x57: {  	_ =	shalt  }
0x58: {  	_ =	shalt  }
0x59: {  	_ =	shalt  }
0x5a: {  	_ =	shalt  }
0x5b: {  	_ =	shalt  }
0x5c: {  	_ =	shalt  }
0x5d: {  	_ =	shalt  }
0x5e: {  	_ =	shalt  }
0x5f: {  	_ =	shalt  }
0x60: {  	_ =	shalt  }
0x61: {  	_ =	shalt  }
0x62: {  	_ =	shalt  }
0x63: {  	_ =	shalt  }
0x64: {  	_ =	shalt  }
0x65: {  	_ =	shalt  }
0x66: {  	_ =	shalt  }
0x67: {  	_ =	shalt  }
0x68: {  	_ =	shalt  }
0x69: {  	_ =	shalt  }
0x6a: {  	_ =	shalt  }
0x6b: {  	_ =	shalt  }
0x6c: {  	_ =	shalt  }
0x6d: {  	_ =	shalt  }
0x6e: {  	_ =	shalt  }
0x6f: {  	_ =	shalt  }
0x70: {  	_ =	shalt  }
0x71: {  	_ =	shalt  }
0x72: {  	_ =	shalt  }
0x73: {  	_ =	shalt  }
0x74: {  	_ =	shalt  }
0x75: {  	_ =	shalt  }
0x76: {  	_ =	shalt  }
0x77: {  	_ =	shalt  }
0x78: {  	_ =	shalt  }
0x79: {  	_ =	shalt  }
0x7a: {  	_ =	shalt  }
0x7b: {  	_ =	shalt  }
0x7c: {  	_ =	shalt  }
0x7d: {  	_ =	shalt  }
0x7e: {  	_ =	shalt  }
0x7f: {  	_ =	shalt  }
0x80: {  	_ =	shalt  }
0x81: {  	_ =	shalt  }
0x82: {  	_ =	shalt  }
0x83: {  	_ =	shalt  }
0x84: {  	_ =	shalt  }
0x85: {  	_ =	shalt  }
0x86: {  	_ =	shalt  }
0x87: {  	_ =	shalt  }
.Lfunc_end0:
.L_simem_size_0:
called_computation.2_lowered:
.L_overlay_start_0:
0x88: {  	s2 =	sld [smem:$0x3FD9]  }
0x89: {  	s3 =	sld [smem:$0x3FFE];
	_ =	sdelay $0x1  }
0x8a: {  	s1 =	srdreg.scid  }
0x8b: {  	s0 =	sand.u32 $0x1, s1  }
0x8c: {  	s16 =	sshll.u32 s0, $0xA;
	s2 =	sadd.s32 s3, s2  }
0x8d: {  	s2 =	sadd.s32 s2, s16  }
0x8e: {  	[smem:$0x3FAB] =	sst s2  }
0x8f: {  	_ = 	snop  }
0x90: {  	(tm) =	ssettm $0x1  }
0x91: {  	s17 =	sld [smem:$0x3FFB];
	_ =	sdelay $0x3  }
0x92: {  	_ =	strace s17  }
0x93: {  	s2 =	sld [smem:$0x3FFC];
	_ =	sdelay $0x3  }
0x94: {  	_ =	strace s2  }
0x95: {  	s2 =	sld [smem:$0x3FFD];
	_ =	sdelay $0x3  }
0x96: {  	_ =	strace s2  }
0x97: {  	_ =	strace $0x8FFFFFFF  }
0x98: {  	s18 =	sld [smem:$0x3FDB];
	_ =	sdelay $0x1  }
0x99: {  	s19 =	simm.s32 $_scs_section_size  }
0x9a: {  	s4 =	simm.s32 $_size__tile_overlayer_lowered;
	s5 =	simm.s32 $_tile_overlayer_lowered  }
0x9b: {  	s22 =	simm.s32 $0x1BFF;
	s21 =	sshll.u32 s5, $0x1;
	s2 =	sadd.s32 s19, s18  }
0x9c: {  	s6 =	simm.s32 $0x0;
	s20 =	sshll.u32 s4, $0x1;
	s4 =	sadd.s32 s21, s2  }
0x9d: {  	[timem:s6], [sflag:s22] =	dma.local [hbm:s4], s20  }
0x9e: {  	_ =	swait.ge [sflag:s22], s20  }
0x9f: {  	s3 =	ssub.s32 $0x0, s20;
	[sflag:s22] =	ssyncset.done $0x0  }
0xa0: {  	[sflag:s22] =	ssyncadd.s32 s3;
	_ =	sdelay $0x1  }
0xa1: {  	s23 =	simm.s32 $0x1B8B  }
0xa2: {  	_ =	swait.ge [sflag:s23], $0x1  }
0xa3: {  	[sflag:s23] =	ssyncset.done $0x0  }
0xa4: {  	s25 =	simm.s32 $0x1B8E;
	s24 =	sld [smem:$0x3FFE];
	[sflag:s23] =	ssyncadd.s32 $0xFFFFFFFF  }
0xa5: {  	s26 =	simm.s32 $execute0_lowered;
	[smem:$0x3FD2] =	sst s25  }
0xa6: {  	s4 =	sshll.u32 s26, $0x1;
	_ =	strace $0x8000004C;
	[dreg:$0x1] =	wrdreg $0xFFFFFFFF  }
0xa7: {  	s28 =	simm.s32 $_size_execute0_lowered;
	s2 =	sadd.s32 s2, s4;
	[dreg:$0x0] =	wrdreg $0x0  }
0xa8: {  	s4 =	sshll.u32 s28, $0x1;
	[dreg:$0x2] =	wrdreg s2  }
0xa9: {  	[dreg:$0x3] =	wrdreg s4  }
0xaa: {  	[dreg:$0x4] =	wrdreg $0xC0  }
0xab: {  	_ =	task [dreg:s6], $0x5FFFF  }
0xac: {  	[dreg:$0x1] =	wrdreg $0xFFFFFFFF  }
0xad: {  	[dreg:$0x0] =	wrdreg $0x60  }
0xae: {  	[dreg:$0x2] =	wrdreg s24  }
0xaf: {  	[dreg:$0x3] =	wrdreg $0xA2000  }
0xb0: {  	[dreg:$0x4] =	wrdreg $0x9  }
0xb1: {  	_ =	task.clear_ibuf [dreg:s6], $0x5FFFF;
	_ =	strace $0x9000004C  }
0xb2: {  	s29 =	simm.s32 $0x9;
	_ =	strace $0x8000004E  }
0xb3: {  	_ =	swait.ge [sflag:s29], $0x1  }
0xb4: {  	[sflag:s29] =	ssyncadd.s32 $0xFFFFFFFF  }
0xb5: {  	_ =	strace $0x9000004E  }
0xb6: {  	_ =	sfence  }
0xb7: {  	s30 =	sld [smem:$0x0];
	_ =	sdelay $0x2  }
0xb8: {  	s31 =	sshll.u32 s1, $0xD;
	s1 =	sshrl.u32 s1, $0x2  }
0xb9: {  	s3 =	sand.u32 $0x4000, s31;
	s1 =	sadd.s32 s1, s30  }
0xba: {  	s0 =	sor.u32 s3, s0;
	s1 =	sshll.u32 s1, $0x11  }
0xbb: {  	s0 =	sor.u32 s1, s0  }
0xbc: {  	s0 =	sadd.s32 $0x8F2B, s0  }
0xbd: {  	[sflag:s0] =	ssyncadd.remote.s32 $0x1  }
0xbe: {  	_ =	sfence.sel $0xFFFF  }
0xbf: {  	[dreg:$0x0] =	wrdreg $0xFFFFFFFF;
	(pc) =	sbr.abs _section_cstart, $3  }
0xc0: {  	[dreg:$0x1] =	wrdreg $0xFFFFFFFF  }
0xc1: {  	_ =	task.clear_ibuf [dreg:s6], $0x2FFFF;
	_ =	strace $0x9FFFFFFF  }
0xc2: {  	(tm) =	ssettm $0x7FFFFFFF  }
0xc3: {  	_ =	shalt  }
tec
execute0_lowered:
.L_overlay_start_1:
0x0: {  	(tag) =	ssettag $0x1  }
0x1: {  	s0 =	rddreg [dreg:$0x0]  }
0x2: {  	s1 =	rddreg [dreg:$0x1];
	s3 =	simm.s32 $0x0;
	s18 =	stileid.u32  }
0x3: {  	s6 =	srdreg.scid;
	s28 =	simm.s32 $0x5200;
	s31 =	simm.s32 $0x4  }
0x4: {  	s29 =	simm.s32 $0x3;
	s30 =	simm.s32 $0x1;
	s4 =	sadd.s32 $0x5DBE00, s0  }
0x5: {  	[smem:$0x7FF] =	sst s3;
	s2 =	smul.u32 $0x2800, s18;
	s5 =	sadd.s32 $0x67BE00, s0  }
0x6: {  	s8 =	sand.u32 $0x1, s6;
	s9 =	smul.u32 $0x50000, s18;
	s6 =	sadd.s32 $0x322E00, s0  }
0x7: {  	s7 =	sadd.s32 $0xDA00, s0;
	s21 =	sshll.u32 s18, $0x6;
	s11 =	smul.u32 $0x2710, s18  }
0x8: {  	s16 =	smul.u32 $0x27100, s18;
	s17 =	sshll.u32 s18, $0xB;
	_ =	strace $0x8000004D  }
0x9: {  	s10 =	ssub.s32 $0x2, s8;
	s12 =	sshll.u32 s8, $0x12;
	s14 =	sshll.u32 s8, $0x4  }
0xa: {  	s22 =	sadd.s32 s7, s17;
	p0 =	seq.s32 s8, $0x1;
	s8 =	simm.s32 $0x36AE00  }
0xb: {  	s0 =	sadd.s32 s2, s0;
	s19 =	sshrl.u32 s10, $0x1;
	s9 =	sshrl.u32 s9, $0x2  }
0xc: {  	[dreg:$0x5] =	wrdreg s22;
	s23 =	sadd.s32 $0x10, s22;
	s24 =	sadd.s32 s5, s16  }
0xd: {  	s8 =	simm.s32 @!p0 $0x342E00;
	s22 =	simm.s32 $0x9;
	s2 =	ssub.s32 s10, s19  }
0xe: {  	s15 =	sadd.s32 s9, s1;
	s20 =	sadd.s32 $0x5B3E00, s0;
	s9 =	sshll.u32 s18, $0xE  }
0xf: {  	s10 =	sor.u32 $0x1C09, s21;
	s18 =	smul.u32 $0x138800, s18;
	[dreg:$0x7] =	wrdreg s23  }
0x10: {  	s19 =	sxor.u32 $0x10, s14;
	[dreg:$0x8] =	wrdreg s24;
	s0 =	sadd.s32 s8, s0  }
0x11: {  	s23 =	simm.s32 $0x100;
	s24 =	simm.s32 $0x7A00;
	s8 =	simm.s32 $0x7  }
0x12: {  	[dreg:$0x3] =	wrdreg s20;
	s12 =	sor.u32 s9, s12;
	s2 =	smax.u32 s2, $0x1  }
0x13: {  	[dreg:$0xb] =	wrdreg s0;
	s21 =	sshrl.u32 s15, $0x3;
	s0 =	simm.s32 $0x2  }
.Ltmp0:
0x14: {  	s15 =	simm.s32 $0x0;
	s13 =	sshrl.u32 s12, $0x3;
	(pc) =	sbr.rel .LBB2_1-.Ltmp0, $4  }
0x15: {  	s25 =	sshrl.u32 s18, $0x3;
	[dreg:$0xa] =	wrdreg s2;
	s13 =	sadd.s32 s6, s13  }
0x16: {  	s16 =	sadd.s32 s5, s25;
	[dreg:$0x4] =	wrdreg s13;
	s13 =	sadd.s32 $0x10, s13  }
0x17: {  	s2 =	simm.s32 $0x8;
	s26 =	sadd.s32 $0x500, s16;
	[dreg:$0x6] =	wrdreg s13  }
0x18: {  	v0 =	vmov s19;
	s25 =	simm.s32 $0x180;
	[dreg:$0x9] =	wrdreg s26;
	s26 =	simm.s32 $0x50  }
.LBB2_10:
0x19: {  	[bflag:$0x0] =	sbarrier.arrive $0xFFFF  }
0x1a: {  	s13 =	rddreg [dreg:$0xb]  }
0x1b: {  	[hbm:s13], [sflag:s10] =	dma.local [spmem:s21], $0x2800  }
0x1c: {  	_ =	swait.ge [sflag:s22], $0x2800  }
0x1d: {  	s15 =	sadd.s32 $0x1, s15;
	s20 =	rddreg [dreg:$0xa]  }
0x1e: {  	p0 =	sne.s32 s15, s20  }
.Ltmp1:
0x1f: {  	_ = 	snop;
	(pc) =	sbr.rel @!p0 .LBB2_11-.Ltmp1, $3  }
0x20: {  	_ =	sdelay $0x1  }
0x21: {  	[sflag:s22] =	ssyncset.done $0x0  }
0x22: {  	[sflag:s22] =	ssyncadd.s32 $0xFFFFD800  }
.LBB2_1:
0x23: {  	s13 =	rddreg [dreg:$0x3]  }
0x24: {  	[spmem:s21], [sflag:s10] =	dma.local [hbm:s13], $0x2800  }
0x25: {  	_ =	swait.ge [sflag:s22], $0x2800  }
0x26: {  	[sflag:s22] =	ssyncset.done $0x0  }
0x27: {  	[sflag:s22] =	ssyncadd.s32 $0xFFFFD800  }
0x28: {  	[bflag:$0x0] =	sbarrier.arrive $0xFFFF  }
0x29: {  	s18 =	rddreg [dreg:$0x4]  }
0x2a: {  	[tilespmem:s3], [sflag:$0x9] =	stream.linear.gather [hbm4b:s18+s3], $0x80, $0x38;
	[tilespmem:$0x1E200] =	vst v63  }
0x2b: {  	_ =	swait.ge [sflag:s22], $0x80  }
0x2c: {  	[sflag:s22] =	ssyncset.done $0x0  }
0x2d: {  	s19 =	rddreg [dreg:$0x5];
	[sflag:s22] =	ssyncadd.s32 $0xFFFFFF80  }
0x2e: {  	[tilespmem:s23], [sflag:$0x9] =	stream.linear.gather [hbm4b:s19+s3], $0x80, $0x38;
	[tilespmem:$0x1E200] =	vst v63  }
0x2f: {  	_ =	swait.ge [sflag:s22], $0x80  }
0x30: {  	[sflag:s22] =	ssyncset.done $0x0  }
0x31: {  	s14 =	simm.s32 $0x80;
	s20 =	rddreg [dreg:$0x6];
	[sflag:s22] =	ssyncadd.s32 $0xFFFFFF80  }
0x32: {  	[tilespmem:s14], [sflag:$0x6] =	stream.linear.gather [hbm4b:s20+s3], $0x80, $0x38;
	[tilespmem:$0x1E200] =	vst v63  }
0x33: {  	s16 =	rddreg [dreg:$0x7]  }
0x34: {  	[tilespmem:s25], [sflag:$0x8] =	stream.linear.gather [hbm4b:s16+s3], $0x80, $0x38;
	[tilespmem:$0x1E200] =	vst v63  }
0x35: {  	_ = 	snop  }
0x36: {  	[tilespmem:s28], [sflag:$0x3] =	stream.indirect.gather [hbm4b:s4+s26], $0x80, s3, s26, $0xb8;
	[tilespmem:$0x1E200] =	vst v63  }
.Ltmp2:
0x37: {  	_ = 	snop;
	(pc) =	sbr.rel .LBB2_2-.Ltmp2, $4  }
0x38: {  	s18 =	simm.s32 $0x200;
	s17 =	rddreg [dreg:$0x8]  }
0x39: {  	[tilespmem:s18], [sflag:$0x1] =	stream.linear.gather [hbm4b:s17+s3], $0x2800, $0x38;
	[tilespmem:$0x1E200] =	vst v63  }
0x3a: {  	s19 =	rddreg [dreg:$0x9];
	s20 =	simm.s32 $0x2A00;
	s16 =	simm.s32 $0x0  }
0x3b: {  	[tilespmem:s20], [sflag:$0x2] =	stream.linear.gather [hbm4b:s19+s3], $0x2800, $0x38;
	[tilespmem:$0x1E200] =	vst v63  }
.LBB2_9:
0x3c: {  	s16 =	sadd.s32 $0x1, s16  }
0x3d: {  	p0 =	sne.s32 s16, $0x7D  }
.Ltmp3:
0x3e: {  	_ = 	snop;
	(pc) =	sbr.rel @!p0 .LBB2_10-.Ltmp3, $1  }
0x3f: {  	_ =	sdelay $0x3  }
.LBB2_2:
0x40: {  	s17 =	sand.u32 $0x1, s16  }
0x41: {  	p0 =	seq.s32 s17, $0x1  }
.Ltmp4:
0x42: {  	_ = 	snop;
	(pc) =	sbr.rel @p0 .LBB2_6-.Ltmp4, $1  }
0x43: {  	_ =	sdelay $0x3  }
0x44: {  	_ =	swait.ge [sflag:s29], $0x2800  }
0x45: {  	[sflag:s29] =	ssyncset.done $0x0  }
0x46: {  	[sflag:s29] =	ssyncadd.s32 $0xFFFFD800  }
0x47: {  	_ =	swait.ge [sflag:s30], $0x2800  }
0x48: {  	[sflag:s30] =	ssyncset.done $0x0  }
0x49: {  	s18 =	simm.s32 $0x0;
	[sflag:s30] =	ssyncadd.s32 $0xFFFFD800  }
0x4a: {  	v2 =	vld [tilespmem:s18+$0x200]  }
0x4b: {  	v3 =	vld [tilespmem:s18+$0x210]  }
0x4c: {  	v5 =	vld [tilespmem:s18+$0x220]  }
0x4d: {  	v7 =	vld [tilespmem:s18+$0x230]  }
0x4e: {  	v14 =	vld [tilespmem:s18+$0x240]  }
0x4f: {  	v15 =	vld [tilespmem:s18+$0x250]  }
0x50: {  	v4 =	vld [tilespmem:s18+$0x260]  }
0x51: {  	v1 =	vld [tilespmem:s18+$0x270]  }
0x52: {  	v10 =	vld [tilespmem:s18+$0x5200]  }
0x53: {  	v9 =	vld [tilespmem:s18+$0x5210]  }
0x54: {  	v6 =	vld [tilespmem:s18+$0x5220];
	v2 =	vshll.u32 v2, v0  }
0x55: {  	v12 =	vshll.u32 v3, v0;
	v11 =	vshll.u32 v5, v0;
	v8 =	vshll.u32 v7, v0;
	v5 =	vld [tilespmem:s18+$0x5230]  }
0x56: {  	s19 =	simm.s32 $0x200;
	v7 =	vshll.u32 v14, v0;
	v3 =	vshll.u32 v15, v0;
	v13 =	vand.u32 $0xFFFF0000, v2;
	v2 =	vld [tilespmem:s18+$0x5240]  }
.LBB2_4:
0x57: {  	p0 =	sne.s32 s19, $0x9E00;
	v10 =	vadd.f32 v13, v10;
	v12 =	vand.u32 $0xFFFF0000, v12;
	v13 =	vld [tilespmem:s18+$0x5250];
	v4 =	vshll.u32 v4, v0  }
0x58: {  	v11 =	vand.u32 $0xFFFF0000, v11;
	v1 =	vshll.u32 v1, v0;
	v9 =	vadd.f32 v12, v9;
	v12 =	vld [tilespmem:s18+$0x5260]  }
0x59: {  	s13 =	sshra.s32 s19, $0x2;
	v8 =	vand.u32 $0xFFFF0000, v8;
	v10 =	vmax.f32 v10, $0.0e+00;
	v6 =	vadd.f32 v11, v6;
	v11 =	vld [tilespmem:s18+$0x5270]  }
0x5a: {  	v7 =	vand.u32 $0xFFFF0000, v7;
	v14 =	vld [tilespmem:s13+$0x200];
	[tilespmem:s18+$0x5200] =	vst v10;
	v9 =	vmax.f32 v9, $0.0e+00;
	v5 =	vadd.f32 v8, v5  }
0x5b: {  	v3 =	vand.u32 $0xFFFF0000, v3;
	v8 =	vld [tilespmem:s13+$0x210];
	[tilespmem:s18+$0x5210] =	vst v9;
	v6 =	vmax.f32 v6, $0.0e+00;
	v2 =	vadd.f32 v7, v2  }
0x5c: {  	v4 =	vand.u32 $0xFFFF0000, v4;
	v7 =	vld [tilespmem:s13+$0x220];
	[tilespmem:s18+$0x5220] =	vst v6;
	v5 =	vmax.f32 v5, $0.0e+00;
	v3 =	vadd.f32 v3, v13  }
0x5d: {  	v1 =	vand.u32 $0xFFFF0000, v1;
	v13 =	vld [tilespmem:s13+$0x230];
	[tilespmem:s18+$0x5230] =	vst v5;
	v2 =	vmax.f32 v2, $0.0e+00;
	v4 =	vadd.f32 v4, v12  }
0x5e: {  	v15 =	vld [tilespmem:s13+$0x240];
	[tilespmem:s18+$0x5240] =	vst v2;
	v2 =	vmax.f32 v3, $0.0e+00;
	v1 =	vadd.f32 v1, v11  }
0x5f: {  	v3 =	vld [tilespmem:s13+$0x250];
	[tilespmem:s18+$0x5250] =	vst v2;
	v2 =	vmax.f32 v4, $0.0e+00  }
0x60: {  	v4 =	vld [tilespmem:s13+$0x260];
	[tilespmem:s18+$0x5260] =	vst v2;
	v2 =	vmax.f32 v1, $0.0e+00  }
0x61: {  	v1 =	vld [tilespmem:s13+$0x270];
	[tilespmem:s18+$0x5270] =	vst v2;
	s18 =	smov.u32 s13  }
.Ltmp5:
0x62: {  	v10 =	vld [tilespmem:s18+$0x5200];
	(pc) =	sbr.rel @p0 .LBB2_4-.Ltmp5, $4  }
0x63: {  	v9 =	vld [tilespmem:s18+$0x5210]  }
0x64: {  	v2 =	vshll.u32 v14, v0;
	v6 =	vld [tilespmem:s18+$0x5220]  }
0x65: {  	v12 =	vshll.u32 v8, v0;
	v11 =	vshll.u32 v7, v0;
	v8 =	vshll.u32 v13, v0;
	v5 =	vld [tilespmem:s18+$0x5230]  }
0x66: {  	s19 =	sadd.s32 $0x200, s19;
	v13 =	vand.u32 $0xFFFF0000, v2;
	v7 =	vshll.u32 v15, v0;
	v3 =	vshll.u32 v3, v0;
	v2 =	vld [tilespmem:s18+$0x5240]  }
0x67: {  	v10 =	vadd.f32 v13, v10;
	v12 =	vand.u32 $0xFFFF0000, v12;
	v61 =	vld [tilespmem:s18+$0x5250];
	v4 =	vshll.u32 v4, v0  }
0x68: {  	v11 =	vand.u32 $0xFFFF0000, v11;
	v1 =	vshll.u32 v1, v0;
	v63 =	vld [tilespmem:s18+$0x5270];
	v9 =	vadd.f32 v12, v9  }
0x69: {  	v62 =	vld [tilespmem:s18+$0x5260];
	v8 =	vand.u32 $0xFFFF0000, v8;
	v10 =	vmax.f32 v10, $0.0e+00;
	v6 =	vadd.f32 v11, v6  }
0x6a: {  	v7 =	vand.u32 $0xFFFF0000, v7;
	[tilespmem:s18+$0x5200] =	vst v10;
	v9 =	vmax.f32 v9, $0.0e+00;
	v5 =	vadd.f32 v8, v5  }
0x6b: {  	v3 =	vand.u32 $0xFFFF0000, v3;
	[tilespmem:s18+$0x5210] =	vst v9;
	v6 =	vmax.f32 v6, $0.0e+00;
	v2 =	vadd.f32 v7, v2  }
0x6c: {  	v1 =	vand.u32 $0xFFFF0000, v1;
	[tilespmem:s18+$0x5220] =	vst v6;
	v5 =	vmax.f32 v5, $0.0e+00;
	v3 =	vadd.f32 v3, v61  }
0x6d: {  	v4 =	vand.u32 $0xFFFF0000, v4;
	v1 =	vadd.f32 v1, v63;
	[tilespmem:s18+$0x5230] =	vst v5;
	v2 =	vmax.f32 v2, $0.0e+00  }
0x6e: {  	v4 =	vadd.f32 v4, v62;
	[tilespmem:s18+$0x5240] =	vst v2;
	v2 =	vmax.f32 v3, $0.0e+00  }
0x6f: {  	v1 =	vmax.f32 v1, $0.0e+00;
	[tilespmem:s18+$0x5250] =	vst v2  }
0x70: {  	p0 =	seq.s32 s16, $0x7C;
	v2 =	vmax.f32 v4, $0.0e+00;
	[tilespmem:s18+$0x5270] =	vst v1  }
0x71: {  	s13 =	simm.s32 @!p0 $0x6;
	[tilespmem:s18+$0x5260] =	vst v2  }
0x72: {  	_ =	swait.ge @!p0 [sflag:s13], $0x80  }
0x73: {  	s19 =	simm.s32 @!p0 $0x7A00;
	p1 =	seq.s32 @!p0 s16, $0x0;
	[sflag:s13] =	ssyncset.done @!p0 $0x0  }
0x74: {  	s18 =	simm.s32 @!p0 $0x80;
	[sflag:s13] =	ssyncadd.s32 @!p0 $0xFFFFFF80;
	s13 =	simm.s32 @!p0 $0x50  }
0x75: {  	[tilespmem:s19], [sflag:$0x4] =	stream.indirect.gather @!p0 [hbm4b:s4+s13], $0x80, s18, s13, $0xb8;
	[tilespmem:$0x1E200] =	vst v63  }
0x76: {  	p0 =	por p0, !p1  }
0x77: {  	_ =	swait.ge @p0 [sflag:s8], $0x80  }
0x78: {  	[sflag:s8] =	ssyncset.done @p0 $0x0  }
0x79: {  	[sflag:s8] =	ssyncadd.s32 @p0 $0xFFFFFF80;
	p0 =	sgt.u32 s16, $0x7A  }
0x7a: {  	[spmem:s1] =	stream.indirect.scatter.add.f32 [tilespmem:s28], [sflag:$0x9], $0x80, s23, s26, $0xb8;
	[tilespmem:$0x1E200] =	vst v63  }
0x7b: {  	s13 =	sadd.s32 @!p0 $0x2, s16  }
0x7c: {  	s18 =	sshll.u32 @!p0 s13, $0x7  }
0x7d: {  	s14 =	simm.s32 @!p0 $0x0;
	_ =	swait.ge [sflag:s22], $0x2800;
	s19 =	sand.u32 @!p0 $0x7C00, s18  }
0x7e: {  	s13 =	smul.u32 @!p0 $0x50, s13;
	s18 =	sand.u32 @!p0 $0x300, s18;
	s20 =	sadd.s32 @!p0 s12, s19  }
0x7f: {  	[sflag:s22] =	ssyncset.done $0x0;
	s19 =	sadd.s32 @!p0 s9, s19;
	s20 =	sor.u32 @!p0 s18, s20  }
0x80: {  	[sflag:s22] =	ssyncadd.s32 $0xFFFFD800;
	s18 =	sor.u32 @!p0 s18, s19;
	s20 =	sshrl.u32 @!p0 s20, $0x3  }
0x81: {  	s13 =	sadd.s32 @!p0 s11, s13;
	s18 =	sshrl.u32 @!p0 s18, $0x3;
	s20 =	sadd.s32 @!p0 s6, s20  }
0x82: {  	[tilespmem:s14], [sflag:$0x5] =	stream.linear.gather @!p0 [hbm4b:s20+s14], $0x80, $0x38;
	[tilespmem:$0x1E200] =	vst v63  }
0x83: {  	s19 =	simm.s32 @!p0 $0x100;
	s13 =	sshll.u32 @!p0 s13, $0x4;
	s18 =	sadd.s32 @!p0 s7, s18  }
0x84: {  	[tilespmem:s19], [sflag:$0x7] =	stream.linear.gather @!p0 [hbm4b:s18+s14], $0x80, $0x38;
	[tilespmem:$0x1E200] =	vst v63  }
0x85: {  	s13 =	sadd.s32 @!p0 s5, s13;
	s18 =	simm.s32 @!p0 $0x200  }
0x86: {  	[tilespmem:s18], [sflag:$0x1] =	stream.linear.gather @!p0 [hbm4b:s13+s14], $0x2800, $0x38;
	[tilespmem:$0x1E200] =	vst v63  }
0x87: {  	p0 =	seq.s32 s17, $0x0  }
.Ltmp6:
0x88: {  	_ = 	snop;
	(pc) =	sbr.rel @p0 .LBB2_9-.Ltmp6, $1  }
0x89: {  	_ =	sdelay $0x3  }
.LBB2_6:
0x8a: {  	_ =	swait.ge [sflag:s31], $0x2800  }
0x8b: {  	[sflag:s31] =	ssyncset.done $0x0  }
0x8c: {  	[sflag:s31] =	ssyncadd.s32 $0xFFFFD800  }
0x8d: {  	_ =	swait.ge [sflag:s0], $0x2800  }
0x8e: {  	[sflag:s0] =	ssyncset.done $0x0  }
0x8f: {  	s17 =	simm.s32 $0x0;
	[sflag:s0] =	ssyncadd.s32 $0xFFFFD800  }
0x90: {  	v2 =	vld [tilespmem:s17+$0x2A00]  }
0x91: {  	v3 =	vld [tilespmem:s17+$0x2A10]  }
0x92: {  	v5 =	vld [tilespmem:s17+$0x2A20]  }
0x93: {  	v7 =	vld [tilespmem:s17+$0x2A30]  }
0x94: {  	v14 =	vld [tilespmem:s17+$0x2A40]  }
0x95: {  	v15 =	vld [tilespmem:s17+$0x2A50]  }
0x96: {  	v4 =	vld [tilespmem:s17+$0x2A60]  }
0x97: {  	v1 =	vld [tilespmem:s17+$0x2A70]  }
0x98: {  	v10 =	vld [tilespmem:s17+$0x7A00]  }
0x99: {  	v9 =	vld [tilespmem:s17+$0x7A10]  }
0x9a: {  	v6 =	vld [tilespmem:s17+$0x7A20];
	v2 =	vshll.u32 v2, v0  }
0x9b: {  	v12 =	vshll.u32 v3, v0;
	v11 =	vshll.u32 v5, v0;
	v8 =	vshll.u32 v7, v0;
	v5 =	vld [tilespmem:s17+$0x7A30]  }
0x9c: {  	s18 =	simm.s32 $0x200;
	v7 =	vshll.u32 v14, v0;
	v3 =	vshll.u32 v15, v0;
	v13 =	vand.u32 $0xFFFF0000, v2;
	v2 =	vld [tilespmem:s17+$0x7A40]  }
.LBB2_7:
0x9d: {  	p0 =	sne.s32 s18, $0x9E00;
	v10 =	vadd.f32 v13, v10;
	v12 =	vand.u32 $0xFFFF0000, v12;
	v13 =	vld [tilespmem:s17+$0x7A50];
	v4 =	vshll.u32 v4, v0  }
0x9e: {  	v11 =	vand.u32 $0xFFFF0000, v11;
	v1 =	vshll.u32 v1, v0;
	v9 =	vadd.f32 v12, v9;
	v12 =	vld [tilespmem:s17+$0x7A60]  }
0x9f: {  	s13 =	sshra.s32 s18, $0x2;
	v8 =	vand.u32 $0xFFFF0000, v8;
	v10 =	vmax.f32 v10, $0.0e+00;
	v6 =	vadd.f32 v11, v6;
	v11 =	vld [tilespmem:s17+$0x7A70]  }
0xa0: {  	v7 =	vand.u32 $0xFFFF0000, v7;
	v14 =	vld [tilespmem:s13+$0x2A00];
	[tilespmem:s17+$0x7A00] =	vst v10;
	v9 =	vmax.f32 v9, $0.0e+00;
	v5 =	vadd.f32 v8, v5  }
0xa1: {  	v3 =	vand.u32 $0xFFFF0000, v3;
	v8 =	vld [tilespmem:s13+$0x2A10];
	[tilespmem:s17+$0x7A10] =	vst v9;
	v6 =	vmax.f32 v6, $0.0e+00;
	v2 =	vadd.f32 v7, v2  }
0xa2: {  	v4 =	vand.u32 $0xFFFF0000, v4;
	v7 =	vld [tilespmem:s13+$0x2A20];
	[tilespmem:s17+$0x7A20] =	vst v6;
	v5 =	vmax.f32 v5, $0.0e+00;
	v3 =	vadd.f32 v3, v13  }
0xa3: {  	v1 =	vand.u32 $0xFFFF0000, v1;
	v13 =	vld [tilespmem:s13+$0x2A30];
	[tilespmem:s17+$0x7A30] =	vst v5;
	v2 =	vmax.f32 v2, $0.0e+00;
	v4 =	vadd.f32 v4, v12  }
0xa4: {  	v15 =	vld [tilespmem:s13+$0x2A40];
	[tilespmem:s17+$0x7A40] =	vst v2;
	v2 =	vmax.f32 v3, $0.0e+00;
	v1 =	vadd.f32 v1, v11  }
0xa5: {  	v3 =	vld [tilespmem:s13+$0x2A50];
	[tilespmem:s17+$0x7A50] =	vst v2;
	v2 =	vmax.f32 v4, $0.0e+00  }
0xa6: {  	v4 =	vld [tilespmem:s13+$0x2A60];
	[tilespmem:s17+$0x7A60] =	vst v2;
	v2 =	vmax.f32 v1, $0.0e+00  }
0xa7: {  	v1 =	vld [tilespmem:s13+$0x2A70];
	[tilespmem:s17+$0x7A70] =	vst v2;
	s17 =	smov.u32 s13  }
.Ltmp7:
0xa8: {  	v10 =	vld [tilespmem:s17+$0x7A00];
	(pc) =	sbr.rel @p0 .LBB2_7-.Ltmp7, $4  }
0xa9: {  	v9 =	vld [tilespmem:s17+$0x7A10]  }
0xaa: {  	v2 =	vshll.u32 v14, v0;
	v6 =	vld [tilespmem:s17+$0x7A20]  }
0xab: {  	v12 =	vshll.u32 v8, v0;
	v11 =	vshll.u32 v7, v0;
	v8 =	vshll.u32 v13, v0;
	v5 =	vld [tilespmem:s17+$0x7A30]  }
0xac: {  	s18 =	sadd.s32 $0x200, s18;
	v13 =	vand.u32 $0xFFFF0000, v2;
	v7 =	vshll.u32 v15, v0;
	v3 =	vshll.u32 v3, v0;
	v2 =	vld [tilespmem:s17+$0x7A40]  }
0xad: {  	v10 =	vadd.f32 v13, v10;
	v12 =	vand.u32 $0xFFFF0000, v12;
	v61 =	vld [tilespmem:s17+$0x7A50];
	v4 =	vshll.u32 v4, v0  }
0xae: {  	v11 =	vand.u32 $0xFFFF0000, v11;
	v1 =	vshll.u32 v1, v0;
	v63 =	vld [tilespmem:s17+$0x7A70];
	v9 =	vadd.f32 v12, v9  }
0xaf: {  	v62 =	vld [tilespmem:s17+$0x7A60];
	v8 =	vand.u32 $0xFFFF0000, v8;
	v10 =	vmax.f32 v10, $0.0e+00;
	v6 =	vadd.f32 v11, v6  }
0xb0: {  	v7 =	vand.u32 $0xFFFF0000, v7;
	[tilespmem:s17+$0x7A00] =	vst v10;
	v9 =	vmax.f32 v9, $0.0e+00;
	v5 =	vadd.f32 v8, v5  }
0xb1: {  	v3 =	vand.u32 $0xFFFF0000, v3;
	[tilespmem:s17+$0x7A10] =	vst v9;
	v6 =	vmax.f32 v6, $0.0e+00;
	v2 =	vadd.f32 v7, v2  }
0xb2: {  	v1 =	vand.u32 $0xFFFF0000, v1;
	[tilespmem:s17+$0x7A20] =	vst v6;
	v5 =	vmax.f32 v5, $0.0e+00;
	v3 =	vadd.f32 v3, v61  }
0xb3: {  	v4 =	vand.u32 $0xFFFF0000, v4;
	v1 =	vadd.f32 v1, v63;
	[tilespmem:s17+$0x7A30] =	vst v5;
	v2 =	vmax.f32 v2, $0.0e+00  }
0xb4: {  	v4 =	vadd.f32 v4, v62;
	[tilespmem:s17+$0x7A40] =	vst v2;
	v2 =	vmax.f32 v3, $0.0e+00  }
0xb5: {  	v1 =	vmax.f32 v1, $0.0e+00;
	[tilespmem:s17+$0x7A50] =	vst v2  }
0xb6: {  	p0 =	seq.s32 s16, $0x7C;
	v2 =	vmax.f32 v4, $0.0e+00;
	[tilespmem:s17+$0x7A70] =	vst v1  }
0xb7: {  	s13 =	simm.s32 @!p0 $0x5;
	[tilespmem:s17+$0x7A60] =	vst v2  }
0xb8: {  	_ =	swait.ge @!p0 [sflag:s13], $0x80  }
0xb9: {  	s14 =	simm.s32 @!p0 $0x0;
	[sflag:s13] =	ssyncset.done @!p0 $0x0  }
0xba: {  	s17 =	simm.s32 @!p0 $0x5200;
	[sflag:s13] =	ssyncadd.s32 @!p0 $0xFFFFFF80;
	s13 =	simm.s32 @!p0 $0x50  }
0xbb: {  	[tilespmem:s17], [sflag:$0x3] =	stream.indirect.gather @!p0 [hbm4b:s4+s13], $0x80, s14, s13, $0xb8;
	[tilespmem:$0x1E200] =	vst v63  }
0xbc: {  	p0 =	sgt.u32 s16, $0x7A  }
0xbd: {  	_ =	swait.ge [sflag:s2], $0x80;
	s13 =	sadd.s32 @!p0 $0x2, s16  }
0xbe: {  	[sflag:s2] =	ssyncset.done $0x0;
	s14 =	sshll.u32 @!p0 s13, $0x7  }
0xbf: {  	s19 =	simm.s32 @!p0 $0x0;
	[sflag:s2] =	ssyncadd.s32 $0xFFFFFF80;
	s17 =	sand.u32 @!p0 $0x7C00, s14  }
0xc0: {  	[spmem:s1] =	stream.indirect.scatter.add.f32 [tilespmem:s24], [sflag:$0x9], $0x80, s25, s26, $0xb8;
	[tilespmem:$0x1E200] =	vst v63  }
0xc1: {  	s20 =	simm.s32 @!p0 $0x80;
	s14 =	sand.u32 @!p0 $0x380, s14;
	s18 =	sadd.s32 @!p0 s12, s17  }
0xc2: {  	s13 =	smul.u32 @!p0 $0x50, s13;
	_ =	swait.ge [sflag:s22], $0x2800;
	s18 =	sor.u32 @!p0 s14, s18  }
0xc3: {  	s17 =	sadd.s32 @!p0 s9, s17;
	[sflag:s22] =	ssyncset.done $0x0;
	s18 =	sshrl.u32 @!p0 s18, $0x3  }
0xc4: {  	s14 =	sor.u32 @!p0 s14, s17;
	[sflag:s22] =	ssyncadd.s32 $0xFFFFD800;
	s18 =	sadd.s32 @!p0 s6, s18  }
0xc5: {  	[tilespmem:s20], [sflag:$0x6] =	stream.linear.gather @!p0 [hbm4b:s18+s19], $0x80, $0x38;
	[tilespmem:$0x1E200] =	vst v63  }
.Ltmp8:
0xc6: {  	s13 =	sadd.s32 @!p0 s11, s13;
	s14 =	sshrl.u32 @!p0 s14, $0x3;
	(pc) =	sbr.rel .LBB2_9-.Ltmp8, $4  }
0xc7: {  	s17 =	simm.s32 @!p0 $0x180;
	s13 =	sshll.u32 @!p0 s13, $0x4;
	s14 =	sadd.s32 @!p0 s7, s14  }
0xc8: {  	[tilespmem:s17], [sflag:$0x8] =	stream.linear.gather @!p0 [hbm4b:s14+s19], $0x80, $0x38;
	[tilespmem:$0x1E200] =	vst v63  }
0xc9: {  	s13 =	sadd.s32 @!p0 s5, s13;
	s14 =	simm.s32 @!p0 $0x2A00  }
0xca: {  	[tilespmem:s14], [sflag:$0x2] =	stream.linear.gather @!p0 [hbm4b:s13+s19], $0x2800, $0x38;
	[tilespmem:$0x1E200] =	vst v63  }
.LBB2_11:
0xcb: {  	_ =	sfence.sel $0x180000  }
0xcc: {  	[bflag:$0x0] =	sbarrier.arrive $0xFFFF  }
0xcd: {  	_ =	strace $0x9000004D  }
0xce: {  	s0 =	stileid.u32;
	[bflag:$0x2] =	sbarrier.arrive $0xFFFF  }
0xcf: {  	p0 =	sne.s32 s0, $0x0;
	s0 =	rddreg [dreg:$0x2]  }
0xd0: {  	s0 =	sadd.s32 @!p0 $0x100000, s0  }
0xd1: {  	[sflag:s0] =	ssyncadd.tile.s32 @!p0 $0x1;
	_ =	shalt  }
.Lfunc_end2:
_tile_overlayer_lowered:
.L_overlay_start_2:
0xd2: {  	(tag) =	ssettag $0x2  }
0xd3: {  	s0 =	rddreg [dreg:$0x0];
	s2 =	stileid.u32  }
0xd4: {  	s1 =	rddreg [dreg:$0x1];
	p0 =	sne.s32 s2, $0x0  }
0xd5: {  	s3 =	rddreg [dreg:$0x2];
	[bflag:$0x3] =	sbarrier.arrive $0xFFFF;
	s2 =	simm.s32 @!p0 $0x1C09  }
0xd6: {  	[timem:s3], [sflag:s2] =	dma.local @!p0 [hbm:s0], s1  }
0xd7: {  	s0 =	simm.s32 @!p0 $0x9  }
0xd8: {  	_ =	swait.ge @!p0 [sflag:s0], s1  }
0xd9: {  	s1 =	ssub.s32 @!p0 $0x0, s1;
	[sflag:s0] =	ssyncset.done @!p0 $0x0  }
0xda: {  	[sflag:s0] =	ssyncadd.s32 @!p0 s1  }
0xdb: {  	[bflag:$0x3] =	sbarrier.arrive $0xFFFF  }
0xdc: {  	_ =	shalt  }

// kernel: kernel.24.cloned.1.call-start
scs
__scs_entry_jumppad:
0x0: {  	(pc) =	sbr.rel $0x88, $3  }
0x1: {  	(tag) =	ssettag $0x0;
	lr =	simm.s32 $0x1  }
0x2: {  	[smem:$0x3F84] =	sst lr;
	_ =	strace $0xD0000000  }
0x3: {  	_ = 	snop  }
0x4: {  	_ = 	snop  }
0x5: {  	_ = 	snop  }
0x6: {  	_ = 	snop  }
0x7: {  	_ = 	snop  }
__scs_overlays_trampoline_lowered:
0x8: {  	[smem:$0x3F93] =	sst s0  }
0x9: {  	[smem:$0x3F94] =	sst s1  }
0xa: {  	[smem:$0x3F95] =	sst s2  }
0xb: {  	[smem:$0x3F96] =	sst s3  }
0xc: {  	[smem:$0x3F97] =	sst s4  }
0xd: {  	[smem:$0x3F98] =	sst s5  }
0xe: {  	[smem:$0x3F99] =	sst s6  }
0xf: {  	[smem:$0x3F9A] =	sst s7  }
0x10: {  	[smem:$0x3F9B] =	sst s8  }
0x11: {  	[smem:$0x3F9C] =	sst s9;
	s0 =	simm.s32 @!p0 $0x0  }
0x12: {  	s1 =	sld [smem:$0x3F82];
	s0 =	simm.s32 @p0 $0x1  }
0x13: {  	[smem:$0x3F9D] =	sst s0;
	s0 =	simm.s32 @!p1 $0x0  }
0x14: {  	s2 =	sld [smem:$0x3F81];
	s0 =	simm.s32 @p1 $0x1  }
0x15: {  	[smem:$0x3F9E] =	sst s0;
	s0 =	simm.s32 @!p2 $0x0  }
0x16: {  	s3 =	sld [smem:$0x3FDB];
	s0 =	simm.s32 @p2 $0x1  }
0x17: {  	s4 =	simm.s32 $0x1BF5;
	[smem:$0x3FA0] =	sst s0  }
0x18: {  	s0 =	sld [smem:$0x3F83];
	_ =	swait.ge [sflag:s4], $0x0  }
0x19: {  	s7 =	sld [smem:$0x3F84]  }
0x1a: {  	s8 =	sadd.s32 $0xFFFFE003, lr  }
0x1b: {  	s9 =	sadd.s32 $0xFFFFFEF7, lr;
	s5 =	simm.s32 $0xFFFFFFFF;
	p2 =	slt.u32 s8, $0xFFFFF086  }
0x1c: {  	p1 =	slt.u32 s9, $0xF7A;
	s5 =	simm.s32 @!p2 $0x0  }
0x1d: {  	s5 =	simm.s32 @p1 $0x1;
	p0 =	seq.s32 s7, s2  }
0x1e: {  	s7 =	smul.u32 @!p0 $0xF7A, s2;
	p2 =	seq.s32 @!p0 s5, $0x0  }
0x1f: {  	s9 =	smul.u32 $0xF7A, s1;
	s8 =	simm.s32 @!p0 $0x1BF5;
	p2 =	por !p2, p0  }
0x20: {  	[sflag:s8] =	ssyncset.s32 @!p0 $0xFFFFF086;
	s6 =	sadd.s32 @!p0 s3, s7;
	s7 =	simm.s32 @!p0 $0x108  }
0x21: {  	s3 =	sadd.s32 s3, s9;
	s6 =	sadd.s32 @!p0 $0x88, s6;
	s7 =	simm.s32 @p2 $0x1082  }
0x22: {  	[simem:s7], [sflag:s8] =	dma.local @!p0 [hbm:s6], $0xF7A  }
0x23: {  	s9 =	sor.u32 $0xD0000000, s2;
	s6 =	simm.s32 $0x108;
	_ =	swait.ge @!p0 [sflag:s8], $0x0  }
0x24: {  	s3 =	sadd.s32 $0x88, s3;
	s6 =	simm.s32 @!p1 $0x1082;
	[sflag:s4] =	ssyncset.s32 $0xFFFFF086  }
0x25: {  	[simem:s6], [sflag:s4] =	dma.local [hbm:s3], $0xF7A  }
0x26: {  	[smem:$0x3F84] =	sst s1;
	(tag) =	ssettag s2;
	_ =	strace s9  }
0x27: {  	s1 =	sld [smem:$0x3F94]  }
0x28: {  	s2 =	sld [smem:$0x3F95]  }
0x29: {  	s4 =	sld [smem:$0x3F97]  }
0x2a: {  	p0 =	seq.s32 s5, $0x0;
	s5 =	sld [smem:$0x3F98]  }
0x2b: {  	s6 =	sld [smem:$0x3F99]  }
0x2c: {  	s7 =	sld [smem:$0x3F9A]  }
0x2d: {  	s3 =	simm.s32 $0x108;
	s8 =	sld [smem:$0x3F9B]  }
0x2e: {  	s3 =	simm.s32 @!p0 $0x1082;
	s9 =	sld [smem:$0x3F9C]  }
0x2f: {  	lr =	sadd.s32 s0, s3;
	s0 =	sld [smem:$0x3F93]  }
0x30: {  	s3 =	sld [smem:$0x3F96]  }
0x31: {  	[smem:$0x3F9F] =	sst s10  }
0x32: {  	s10 =	sld [smem:$0x3F9D];
	_ =	sdelay $0x3  }
0x33: {  	p0 =	seq.s32 s10, $0x1;
	s10 =	sld [smem:$0x3F9F];
	_ =	sdelay $0x3  }
0x34: {  	[smem:$0x3F9F] =	sst s10  }
0x35: {  	s10 =	sld [smem:$0x3F9E];
	_ =	sdelay $0x3  }
0x36: {  	p1 =	seq.s32 s10, $0x1;
	s10 =	sld [smem:$0x3F9F];
	_ =	sdelay $0x3  }
0x37: {  	[smem:$0x3F9F] =	sst s10  }
0x38: {  	s10 =	sld [smem:$0x3FA0]  }
0x39: {  	_ = 	snop;
	(pc) =	sbr.ind lr, $3  }
0x3a: {  	_ = 	snop  }
0x3b: {  	_ = 	snop  }
0x3c: {  	p2 =	seq.s32 s10, $0x1;
	s10 =	sld [smem:$0x3F9F]  }
0x3d: {  	_ =	shalt  }
0x3e: {  	_ =	shalt  }
0x3f: {  	_ =	shalt  }
0x40: {  	_ =	shalt  }
0x41: {  	_ =	shalt  }
0x42: {  	_ =	shalt  }
0x43: {  	_ =	shalt  }
0x44: {  	_ =	shalt  }
0x45: {  	_ =	shalt  }
0x46: {  	_ =	shalt  }
0x47: {  	_ =	shalt  }
0x48: {  	_ =	shalt  }
0x49: {  	_ =	shalt  }
0x4a: {  	_ =	shalt  }
0x4b: {  	_ =	shalt  }
0x4c: {  	_ =	shalt  }
0x4d: {  	_ =	shalt  }
0x4e: {  	_ =	shalt  }
0x4f: {  	_ =	shalt  }
0x50: {  	_ =	shalt  }
0x51: {  	_ =	shalt  }
0x52: {  	_ =	shalt  }
0x53: {  	_ =	shalt  }
0x54: {  	_ =	shalt  }
0x55: {  	_ =	shalt  }
0x56: {  	_ =	shalt  }
0x57: {  	_ =	shalt  }
0x58: {  	_ =	shalt  }
0x59: {  	_ =	shalt  }
0x5a: {  	_ =	shalt  }
0x5b: {  	_ =	shalt  }
0x5c: {  	_ =	shalt  }
0x5d: {  	_ =	shalt  }
0x5e: {  	_ =	shalt  }
0x5f: {  	_ =	shalt  }
0x60: {  	_ =	shalt  }
0x61: {  	_ =	shalt  }
0x62: {  	_ =	shalt  }
0x63: {  	_ =	shalt  }
0x64: {  	_ =	shalt  }
0x65: {  	_ =	shalt  }
0x66: {  	_ =	shalt  }
0x67: {  	_ =	shalt  }
0x68: {  	_ =	shalt  }
0x69: {  	_ =	shalt  }
0x6a: {  	_ =	shalt  }
0x6b: {  	_ =	shalt  }
0x6c: {  	_ =	shalt  }
0x6d: {  	_ =	shalt  }
0x6e: {  	_ =	shalt  }
0x6f: {  	_ =	shalt  }
0x70: {  	_ =	shalt  }
0x71: {  	_ =	shalt  }
0x72: {  	_ =	shalt  }
0x73: {  	_ =	shalt  }
0x74: {  	_ =	shalt  }
0x75: {  	_ =	shalt  }
0x76: {  	_ =	shalt  }
0x77: {  	_ =	shalt  }
0x78: {  	_ =	shalt  }
0x79: {  	_ =	shalt  }
0x7a: {  	_ =	shalt  }
0x7b: {  	_ =	shalt  }
0x7c: {  	_ =	shalt  }
0x7d: {  	_ =	shalt  }
0x7e: {  	_ =	shalt  }
0x7f: {  	_ =	shalt  }
0x80: {  	_ =	shalt  }
0x81: {  	_ =	shalt  }
0x82: {  	_ =	shalt  }
0x83: {  	_ =	shalt  }
0x84: {  	_ =	shalt  }
0x85: {  	_ =	shalt  }
0x86: {  	_ =	shalt  }
0x87: {  	_ =	shalt  }
.Lfunc_end0:
.L_simem_size_0:
called_computation.3_lowered:
.L_overlay_start_0:
0x88: {  	s2 =	sld [smem:$0x3FD9]  }
0x89: {  	s3 =	sld [smem:$0x3FFE];
	_ =	sdelay $0x1  }
0x8a: {  	s1 =	srdreg.scid  }
0x8b: {  	s0 =	sand.u32 $0x1, s1  }
0x8c: {  	s16 =	sshll.u32 s0, $0xA;
	s2 =	sadd.s32 s3, s2  }
0x8d: {  	s2 =	sadd.s32 s2, s16  }
0x8e: {  	[smem:$0x3FAB] =	sst s2  }
0x8f: {  	_ = 	snop  }
0x90: {  	(tm) =	ssettm $0x1  }
0x91: {  	s17 =	sld [smem:$0x3FFB];
	_ =	sdelay $0x3  }
0x92: {  	_ =	strace s17  }
0x93: {  	s2 =	sld [smem:$0x3FFC];
	_ =	sdelay $0x3  }
0x94: {  	_ =	strace s2  }
0x95: {  	s2 =	sld [smem:$0x3FFD];
	_ =	sdelay $0x3  }
0x96: {  	_ =	strace s2  }
0x97: {  	_ =	strace $0x8FFFFFFF  }
0x98: {  	s18 =	sld [smem:$0x3FDB];
	_ =	sdelay $0x1  }
0x99: {  	s19 =	simm.s32 $_scs_section_size  }
0x9a: {  	s4 =	simm.s32 $_size__tile_overlayer_lowered;
	s5 =	simm.s32 $_tile_overlayer_lowered  }
0x9b: {  	s22 =	simm.s32 $0x1BFF;
	s21 =	sshll.u32 s5, $0x1;
	s2 =	sadd.s32 s19, s18  }
0x9c: {  	s6 =	simm.s32 $0x0;
	s20 =	sshll.u32 s4, $0x1;
	s4 =	sadd.s32 s21, s2  }
0x9d: {  	[timem:s6], [sflag:s22] =	dma.local [hbm:s4], s20  }
0x9e: {  	_ =	swait.ge [sflag:s22], s20  }
0x9f: {  	s3 =	ssub.s32 $0x0, s20;
	[sflag:s22] =	ssyncset.done $0x0  }
0xa0: {  	[sflag:s22] =	ssyncadd.s32 s3;
	_ =	sdelay $0x1  }
0xa1: {  	s23 =	simm.s32 $0x1B8B  }
0xa2: {  	_ =	swait.ge [sflag:s23], $0x1  }
0xa3: {  	[sflag:s23] =	ssyncset.done $0x0  }
0xa4: {  	s25 =	simm.s32 $0x1B8E;
	s24 =	sld [smem:$0x3FFE];
	[sflag:s23] =	ssyncadd.s32 $0xFFFFFFFF  }
0xa5: {  	s26 =	simm.s32 $execute0_lowered;
	[smem:$0x3FD2] =	sst s25  }
0xa6: {  	s4 =	sshll.u32 s26, $0x1;
	_ =	strace $0x8000004F;
	[dreg:$0x1] =	wrdreg $0xFFFFFFFF  }
0xa7: {  	s28 =	simm.s32 $_size_execute0_lowered;
	s2 =	sadd.s32 s2, s4;
	[dreg:$0x0] =	wrdreg $0x0  }
0xa8: {  	s4 =	sshll.u32 s28, $0x1;
	[dreg:$0x2] =	wrdreg s2  }
0xa9: {  	[dreg:$0x3] =	wrdreg s4  }
0xaa: {  	[dreg:$0x4] =	wrdreg $0xC0  }
0xab: {  	_ =	task [dreg:s6], $0x5FFFF  }
0xac: {  	[dreg:$0x1] =	wrdreg $0xFFFFFFFF  }
0xad: {  	[dreg:$0x0] =	wrdreg $0x60  }
0xae: {  	[dreg:$0x2] =	wrdreg s24  }
0xaf: {  	[dreg:$0x3] =	wrdreg $0x9  }
0xb0: {  	_ =	task.clear_ibuf [dreg:s6], $0x4FFFF;
	_ =	strace $0x9000004F  }
0xb1: {  	s29 =	simm.s32 $0x9;
	_ =	strace $0x80000051  }
0xb2: {  	_ =	swait.ge [sflag:s29], $0x1  }
0xb3: {  	[sflag:s29] =	ssyncadd.s32 $0xFFFFFFFF  }
0xb4: {  	_ =	strace $0x90000051  }
0xb5: {  	_ =	sfence  }
0xb6: {  	s30 =	sld [smem:$0x0];
	_ =	sdelay $0x2  }
0xb7: {  	s31 =	sshll.u32 s1, $0xD;
	s1 =	sshrl.u32 s1, $0x2  }
0xb8: {  	s3 =	sand.u32 $0x4000, s31;
	s1 =	sadd.s32 s1, s30  }
0xb9: {  	s0 =	sor.u32 s3, s0;
	s1 =	sshll.u32 s1, $0x11  }
0xba: {  	s0 =	sor.u32 s1, s0  }
0xbb: {  	s0 =	sadd.s32 $0x8F2B, s0  }
0xbc: {  	[sflag:s0] =	ssyncadd.remote.s32 $0x1  }
0xbd: {  	_ =	sfence.sel $0xFFFF  }
0xbe: {  	[dreg:$0x0] =	wrdreg $0xFFFFFFFF;
	(pc) =	sbr.abs _section_cstart, $3  }
0xbf: {  	[dreg:$0x1] =	wrdreg $0xFFFFFFFF  }
0xc0: {  	_ =	task.clear_ibuf [dreg:s6], $0x2FFFF;
	_ =	strace $0x9FFFFFFF  }
0xc1: {  	(tm) =	ssettm $0x7FFFFFFF  }
tec
execute0_lowered:
.L_overlay_start_1:
0x0: {  	(tag) =	ssettag $0x1  }
0x1: {  	s0 =	rddreg [dreg:$0x0];
	s1 =	srdreg.scid  }
0x2: {  	s2 =	simm.s32 $0x0;
	s7 =	stileid.u32;
	s13 =	simm.s32 $0x9  }
0x3: {  	s14 =	simm.s32 $0x4000;
	s16 =	simm.s32 $0x50;
	s28 =	simm.s32 $0x19800  }
0x4: {  	s29 =	simm.s32 $0x8;
	s30 =	simm.s32 $0x7;
	s31 =	simm.s32 $0x1  }
0x5: {  	s15 =	simm.s32 $0x17000;
	s17 =	simm.s32 $0x0;
	s6 =	smul.u32 $0x2710, s7  }
0x6: {  	s1 =	sand.u32 $0x1, s1;
	[smem:$0x7FF] =	sst s2;
	s25 =	smul.u32 $0x138800, s7  }
0x7: {  	s5 =	sshll.u32 s7, $0xB;
	s3 =	sadd.s32 $0x8A00, s0;
	s26 =	smul.u32 $0x27100, s7  }
0x8: {  	s4 =	sshll.u32 s1, $0xF;
	_ =	strace $0x80000050;
	s9 =	smul.u32 $0x27100, s1  }
0x9: {  	s24 =	ssub.s32 $0x2, s1;
	s1 =	sshll.u32 s1, $0x4;
	s5 =	sor.u32 s5, s4  }
0xa: {  	s4 =	sadd.s32 $0x8ECE00, s0;
	s10 =	sshrl.u32 s24, $0x1;
	s1 =	sxor.u32 $0x10, s1  }
0xb: {  	s8 =	sadd.s32 s5, s0;
	s5 =	sadd.s32 $0x342E00, s0;
	s0 =	ssub.s32 s24, s10  }
.Ltmp0:
0xc: {  	s9 =	sadd.s32 s6, s9;
	s10 =	sadd.s32 s4, s26;
	(pc) =	sbr.rel .LBB2_1-.Ltmp0, $4  }
0xd: {  	s24 =	simm.s32 $0x2;
	s26 =	simm.s32 $0x6;
	s11 =	sadd.s32 $0x322E00, s8  }
0xe: {  	v0 =	vmov s1;
	s1 =	simm.s32 $0x5;
	[dreg:$0x2] =	wrdreg s11;
	s11 =	sshrl.u32 s25, $0x3  }
0xf: {  	s8 =	sadd.s32 $0x332E00, s8;
	s12 =	smax.u32 s0, $0x1;
	s11 =	sadd.s32 s4, s11  }
0x10: {  	s0 =	simm.s32 $0x3;
	s25 =	simm.s32 $0x4;
	s11 =	sadd.s32 $0x500, s11  }
.LBB2_10:
0x11: {  	s17 =	sadd.s32 $0x1, s17  }
0x12: {  	_ =	swait.ge [sflag:s29], $0x2800;
	p0 =	sne.s32 s17, s12  }
.Ltmp1:
0x13: {  	[sflag:s29] =	ssyncset.done $0x0;
	(pc) =	sbr.rel @!p0 .LBB2_11-.Ltmp1, $4  }
0x14: {  	[sflag:s29] =	ssyncadd.s32 $0xFFFFD800  }
0x15: {  	_ =	swait.ge [sflag:s30], $0x2800  }
0x16: {  	[sflag:s30] =	ssyncset.done $0x0  }
0x17: {  	[sflag:s30] =	ssyncadd.s32 $0xFFFFD800  }
.LBB2_1:
0x18: {  	s7 =	rddreg [dreg:$0x2]  }
0x19: {  	[tilespmem:s2], [sflag:$0x9] =	stream.linear.gather [hbm4b:s7+s2], $0x3E80, $0x38;
	[tilespmem:$0x1C000] =	vst v63  }
0x1a: {  	_ =	swait.ge [sflag:s13], $0x3E80  }
0x1b: {  	[sflag:s13] =	ssyncset.done $0x0  }
0x1c: {  	[sflag:s13] =	ssyncadd.s32 $0xFFFFC180  }
0x1d: {  	[tilespmem:s14], [sflag:$0x9] =	stream.linear.gather [hbm4b:s8+s2], $0x3E80, $0x38;
	[tilespmem:$0x1C000] =	vst v63  }
0x1e: {  	_ =	swait.ge [sflag:s13], $0x3E80  }
0x1f: {  	[sflag:s13] =	ssyncset.done $0x0  }
0x20: {  	s23 =	simm.s32 $0x8000;
	[sflag:s13] =	ssyncadd.s32 $0xFFFFC180  }
0x21: {  	[tilespmem:s23], [sflag:$0x1] =	stream.linear.gather [hbm4b:s10+s2], $0x2800, $0x38;
	[tilespmem:$0x1C000] =	vst v63  }
0x22: {  	s18 =	simm.s32 $0xD000  }
0x23: {  	[tilespmem:s18], [sflag:$0x3] =	stream.indirect.gather [hbm4b:s3+s16], $0x80, s2, s16, $0xb8;
	[tilespmem:$0x1C000] =	vst v63  }
0x24: {  	s19 =	simm.s32 $0x12000  }
0x25: {  	[tilespmem:s19], [sflag:$0x5] =	stream.indirect.gather [hbm4b:s3+s16], $0x80, s14, s16, $0xb8;
	[tilespmem:$0x1C000] =	vst v63  }
0x26: {  	s20 =	simm.s32 $0xA800  }
0x27: {  	[tilespmem:s20], [sflag:$0x2] =	stream.linear.gather [hbm4b:s11+s2], $0x2800, $0x38;
	[tilespmem:$0x1C000] =	vst v63  }
.Ltmp2:
0x28: {  	_ = 	snop;
	(pc) =	sbr.rel .LBB2_2-.Ltmp2, $4  }
0x29: {  	s21 =	simm.s32 $0x80;
	s18 =	simm.s32 $0xF800  }
0x2a: {  	[tilespmem:s18], [sflag:$0x4] =	stream.indirect.gather [hbm4b:s3+s16], $0x80, s21, s16, $0xb8;
	[tilespmem:$0x1C000] =	vst v63  }
0x2b: {  	s22 =	simm.s32 $0x4080;
	s23 =	simm.s32 $0x14800;
	s18 =	simm.s32 $0x0  }
0x2c: {  	[tilespmem:s23], [sflag:$0x6] =	stream.indirect.gather [hbm4b:s3+s16], $0x80, s22, s16, $0xb8;
	[tilespmem:$0x1C000] =	vst v63  }
.LBB2_9:
0x2d: {  	s18 =	sadd.s32 $0x1, s18  }
0x2e: {  	p0 =	sne.s32 s18, $0x7D  }
.Ltmp3:
0x2f: {  	_ = 	snop;
	(pc) =	sbr.rel @!p0 .LBB2_10-.Ltmp3, $1  }
0x30: {  	_ =	sdelay $0x3  }
.LBB2_2:
0x31: {  	s20 =	sand.u32 $0x1, s18  }
0x32: {  	p0 =	seq.s32 s20, $0x1  }
.Ltmp4:
0x33: {  	_ = 	snop;
	(pc) =	sbr.rel @p0 .LBB2_6-.Ltmp4, $2  }
0x34: {  	_ =	sdelay $0x2  }
0x35: {  	s19 =	smul.u32 $0x50, s18  }
0x36: {  	_ =	swait.ge [sflag:s31], $0x2800  }
0x37: {  	[sflag:s31] =	ssyncset.done $0x0  }
0x38: {  	[sflag:s31] =	ssyncadd.s32 $0xFFFFD800  }
0x39: {  	_ =	swait.ge [sflag:s0], $0x2800  }
0x3a: {  	[sflag:s0] =	ssyncset.done $0x0  }
0x3b: {  	[sflag:s0] =	ssyncadd.s32 $0xFFFFD800  }
0x3c: {  	_ =	swait.ge [sflag:s1], $0x2800  }
0x3d: {  	p0 =	slt.u32 s18, $0x2;
	[sflag:s1] =	ssyncset.done $0x0  }
0x3e: {  	s21 =	simm.s32 @!p0 $0x7;
	[sflag:s1] =	ssyncadd.s32 $0xFFFFD800  }
0x3f: {  	_ =	swait.ge @!p0 [sflag:s21], $0x2800  }
0x40: {  	[sflag:s21] =	ssyncset.done @!p0 $0x0  }
0x41: {  	[sflag:s21] =	ssyncadd.s32 @!p0 $0xFFFFD800;
	s21 =	simm.s32 $0x0  }
0x42: {  	v1 =	vld [tilespmem:s21+$0x8070]  }
0x43: {  	v2 =	vld [tilespmem:s21+$0xD070]  }
0x44: {  	v3 =	vld [tilespmem:s21+$0x12070]  }
0x45: {  	v4 =	vld [tilespmem:s21+$0x8000]  }
0x46: {  	v5 =	vld [tilespmem:s21+$0xD000]  }
0x47: {  	v6 =	vld [tilespmem:s21+$0x12000]  }
0x48: {  	v7 =	vld [tilespmem:s21+$0x8010]  }
0x49: {  	v8 =	vld [tilespmem:s21+$0xD010]  }
0x4a: {  	v1 =	vshll.u32 v1, v0;
	v2 =	vadd.f32 v3, v2;
	v3 =	vld [tilespmem:s21+$0x12010]  }
0x4b: {  	v9 =	vld [tilespmem:s21+$0x8020];
	v1 =	vand.u32 $0xFFFF0000, v1  }
0x4c: {  	v4 =	vshll.u32 v4, v0;
	v5 =	vadd.f32 v6, v5;
	v6 =	vld [tilespmem:s21+$0x12020];
	v1 =	vadd.f32 v1, v2  }
0x4d: {  	v4 =	vand.u32 $0xFFFF0000, v4;
	v2 =	vld [tilespmem:s21+$0xD020]  }
0x4e: {  	[tilespmem:s21+$0x17070] =	vst v1;
	v1 =	vadd.f32 v4, v5;
	v4 =	vld [tilespmem:s21+$0x8030]  }
0x4f: {  	v7 =	vshll.u32 v7, v0;
	v5 =	vld [tilespmem:s21+$0xD030];
	v3 =	vadd.f32 v3, v8  }
0x50: {  	[tilespmem:s21+$0x17000] =	vst v1;
	v1 =	vand.u32 $0xFFFF0000, v7;
	v7 =	vld [tilespmem:s21+$0x12030]  }
0x51: {  	v1 =	vadd.f32 v1, v3  }
0x52: {  	v10 =	vld [tilespmem:s21+$0xD040];
	v3 =	vshll.u32 v9, v0;
	v2 =	vadd.f32 v6, v2  }
0x53: {  	v8 =	vld [tilespmem:s21+$0x8040];
	[tilespmem:s21+$0x17010] =	vst v1;
	v1 =	vand.u32 $0xFFFF0000, v3  }
0x54: {  	v6 =	vld [tilespmem:s21+$0x12040];
	v1 =	vadd.f32 v1, v2  }
0x55: {  	v11 =	vld [tilespmem:s21+$0xD050];
	v2 =	vshll.u32 v4, v0;
	v3 =	vadd.f32 v7, v5  }
0x56: {  	v9 =	vld [tilespmem:s21+$0x8050];
	[tilespmem:s21+$0x17020] =	vst v1;
	v1 =	vand.u32 $0xFFFF0000, v2  }
0x57: {  	v12 =	vld [tilespmem:s21+$0x12050];
	v1 =	vadd.f32 v1, v3  }
0x58: {  	v3 =	vld [tilespmem:s21+$0x8060]  }
0x59: {  	v5 =	vld [tilespmem:s21+$0x12060];
	v4 =	vadd.f32 v6, v10;
	[tilespmem:s21+$0x17030] =	vst v1;
	v1 =	vshll.u32 v8, v0  }
0x5a: {  	s22 =	simm.s32 $0x80;
	v2 =	vld [tilespmem:s21+$0xD060];
	v6 =	vand.u32 $0xFFFF0000, v1  }
0x5b: {  	v8 =	vshll.u32 v9, v0;
	v1 =	vld [tilespmem:s22+$0x8070];
	v7 =	vadd.f32 v6, v4  }
0x5c: {  	s23 =	simm.s32 $0x400;
	v6 =	vand.u32 $0xFFFF0000, v8;
	v4 =	vld [tilespmem:s22+$0xD070];
	v8 =	vadd.f32 v12, v11  }
.LBB2_4:
0x5d: {  	p0 =	sne.s32 s23, $0x9E00;
	v9 =	vld [tilespmem:s22+$0x12070];
	[tilespmem:s21+$0x17040] =	vst v7;
	v3 =	vshll.u32 v3, v0  }
0x5e: {  	v7 =	vld [tilespmem:s22+$0x8000];
	v6 =	vadd.f32 v6, v8;
	v3 =	vand.u32 $0xFFFF0000, v3  }
0x5f: {  	v8 =	vld [tilespmem:s22+$0xD000];
	v2 =	vadd.f32 v5, v2  }
0x60: {  	v5 =	vld [tilespmem:s22+$0x12000];
	[tilespmem:s21+$0x17050] =	vst v6  }
0x61: {  	v6 =	vld [tilespmem:s22+$0x8010];
	v2 =	vadd.f32 v3, v2  }
0x62: {  	v1 =	vshll.u32 v1, v0;
	v3 =	vld [tilespmem:s22+$0xD010];
	v4 =	vadd.f32 v9, v4  }
0x63: {  	v1 =	vand.u32 $0xFFFF0000, v1;
	v7 =	vshll.u32 v7, v0;
	v9 =	vld [tilespmem:s22+$0x12010];
	[tilespmem:s21+$0x17060] =	vst v2;
	s21 =	smov.u32 s22  }
0x64: {  	v2 =	vand.u32 $0xFFFF0000, v7;
	v7 =	vld [tilespmem:s21+$0x8020];
	v1 =	vadd.f32 v1, v4  }
0x65: {  	v4 =	vadd.f32 v5, v8;
	v5 =	vld [tilespmem:s21+$0xD020]  }
0x66: {  	v6 =	vshll.u32 v6, v0;
	v8 =	vld [tilespmem:s21+$0x12020];
	[tilespmem:s21+$0x17070] =	vst v1  }
0x67: {  	v1 =	vadd.f32 v2, v4;
	v2 =	vand.u32 $0xFFFF0000, v6;
	v4 =	vld [tilespmem:s21+$0x8030]  }
0x68: {  	v3 =	vadd.f32 v9, v3;
	v6 =	vld [tilespmem:s21+$0xD030]  }
0x69: {  	[tilespmem:s21+$0x17000] =	vst v1;
	v1 =	vshll.u32 v7, v0;
	v7 =	vld [tilespmem:s21+$0x12030]  }
0x6a: {  	v2 =	vadd.f32 v2, v3;
	v1 =	vand.u32 $0xFFFF0000, v1;
	v3 =	vld [tilespmem:s21+$0x8040]  }
0x6b: {  	v5 =	vadd.f32 v8, v5;
	v8 =	vld [tilespmem:s21+$0xD040]  }
0x6c: {  	[tilespmem:s21+$0x17010] =	vst v2;
	v2 =	vshll.u32 v4, v0;
	v4 =	vld [tilespmem:s21+$0x12040]  }
0x6d: {  	v1 =	vadd.f32 v1, v5;
	v2 =	vand.u32 $0xFFFF0000, v2;
	v5 =	vld [tilespmem:s21+$0x8050]  }
0x6e: {  	v6 =	vadd.f32 v7, v6;
	v9 =	vld [tilespmem:s21+$0xD050]  }
0x6f: {  	[tilespmem:s21+$0x17020] =	vst v1;
	v1 =	vshll.u32 v3, v0;
	v10 =	vld [tilespmem:s21+$0x12050]  }
.Ltmp5:
0x70: {  	v6 =	vadd.f32 v2, v6;
	v7 =	vand.u32 $0xFFFF0000, v1;
	v3 =	vld [tilespmem:s21+$0x8060];
	(pc) =	sbr.rel @p0 .LBB2_4-.Ltmp5, $4  }
0x71: {  	v4 =	vadd.f32 v4, v8;
	v2 =	vld [tilespmem:s21+$0xD060]  }
0x72: {  	s22 =	sshra.s32 s23, $0x2;
	[tilespmem:s21+$0x17030] =	vst v6;
	v6 =	vshll.u32 v5, v0;
	v5 =	vld [tilespmem:s21+$0x12060]  }
0x73: {  	v1 =	vld [tilespmem:s22+$0x8070];
	v7 =	vadd.f32 v7, v4;
	v6 =	vand.u32 $0xFFFF0000, v6  }
0x74: {  	s23 =	sadd.s32 $0x200, s23;
	v4 =	vld [tilespmem:s22+$0xD070];
	v8 =	vadd.f32 v10, v9  }
0x75: {  	v9 =	vld [tilespmem:s22+$0x12070];
	[tilespmem:s21+$0x17040] =	vst v7  }
0x76: {  	v7 =	vld [tilespmem:s22+$0x8000];
	v6 =	vadd.f32 v6, v8  }
0x77: {  	v3 =	vshll.u32 v3, v0;
	v50 =	vld [tilespmem:s22+$0xD000];
	v2 =	vadd.f32 v5, v2  }
0x78: {  	v10 =	vld [tilespmem:s22+$0x12000];
	v3 =	vand.u32 $0xFFFF0000, v3;
	[tilespmem:s21+$0x17050] =	vst v6  }
0x79: {  	v51 =	vld [tilespmem:s22+$0x8010];
	v2 =	vadd.f32 v3, v2  }
0x7a: {  	v3 =	vld [tilespmem:s22+$0xD010]  }
0x7b: {  	v1 =	vshll.u32 v1, v0;
	v6 =	vld [tilespmem:s22+$0x12010];
	v4 =	vadd.f32 v9, v4;
	[tilespmem:s21+$0x17060] =	vst v2  }
0x7c: {  	v1 =	vand.u32 $0xFFFF0000, v1;
	v2 =	vld [tilespmem:s22+$0x8020]  }
0x7d: {  	v7 =	vshll.u32 v7, v0;
	v8 =	vadd.f32 v10, v50;
	v1 =	vadd.f32 v1, v4;
	v52 =	vld [tilespmem:s22+$0xD020]  }
0x7e: {  	v53 =	vld [tilespmem:s22+$0x12020];
	v7 =	vand.u32 $0xFFFF0000, v7  }
0x7f: {  	v54 =	vld [tilespmem:s22+$0x8030];
	[tilespmem:s22+$0x17070] =	vst v1;
	v1 =	vadd.f32 v7, v8  }
0x80: {  	v55 =	vld [tilespmem:s22+$0xD030];
	v5 =	vshll.u32 v51, v0;
	v3 =	vadd.f32 v6, v3  }
0x81: {  	v56 =	vld [tilespmem:s22+$0x12030];
	[tilespmem:s22+$0x17000] =	vst v1;
	v1 =	vand.u32 $0xFFFF0000, v5  }
0x82: {  	v57 =	vld [tilespmem:s22+$0xD040];
	v1 =	vadd.f32 v1, v3  }
0x83: {  	v58 =	vld [tilespmem:s22+$0x8050];
	v2 =	vshll.u32 v2, v0;
	v4 =	vadd.f32 v53, v52  }
0x84: {  	v59 =	vld [tilespmem:s22+$0xD050];
	[tilespmem:s22+$0x17010] =	vst v1;
	v1 =	vand.u32 $0xFFFF0000, v2  }
0x85: {  	v60 =	vld [tilespmem:s22+$0x12050];
	v1 =	vadd.f32 v1, v4  }
0x86: {  	v3 =	vld [tilespmem:s22+$0x8040];
	v7 =	vshll.u32 v54, v0;
	v5 =	vadd.f32 v56, v55  }
0x87: {  	v2 =	vld [tilespmem:s22+$0x12040];
	[tilespmem:s22+$0x17020] =	vst v1;
	v1 =	vand.u32 $0xFFFF0000, v7  }
0x88: {  	v61 =	vld [tilespmem:s22+$0x8060];
	v1 =	vadd.f32 v1, v5  }
0x89: {  	v62 =	vld [tilespmem:s22+$0xD060]  }
0x8a: {  	[tilespmem:s22+$0x17030] =	vst v1;
	v1 =	vld [tilespmem:s22+$0x12060];
	_ =	sdelay $0x1  }
0x8b: {  	v3 =	vshll.u32 v3, v0;
	v2 =	vadd.f32 v2, v57  }
0x8c: {  	v3 =	vand.u32 $0xFFFF0000, v3  }
0x8d: {  	v4 =	vshll.u32 v58, v0;
	v2 =	vadd.f32 v3, v2;
	v3 =	vadd.f32 v60, v59  }
0x8e: {  	v4 =	vand.u32 $0xFFFF0000, v4;
	v5 =	vshll.u32 v61, v0;
	v1 =	vadd.f32 v1, v62  }
0x8f: {  	v63 =	vand.u32 $0xFFFF0000, v5;
	v3 =	vadd.f32 v4, v3  }
0x90: {  	s23 =	sadd.s32 s9, s19;
	p0 =	sgt.u32 s18, $0x7A;
	[tilespmem:s22+$0x17040] =	vst v2;
	v1 =	vadd.f32 v63, v1  }
0x91: {  	s21 =	sshll.u32 s23, $0x4;
	s23 =	sadd.s32 @!p0 $0x2, s18;
	[tilespmem:s22+$0x17050] =	vst v3  }
0x92: {  	s21 =	sadd.s32 s5, s21;
	[tilespmem:s22+$0x17060] =	vst v1;
	s22 =	smul.u32 @!p0 $0x50, s23  }
0x93: {  	[hbm4b:s21+s2] =	stream.linear.scatter [tilespmem:s15], [sflag:$0x7], $0x2800, $0x38;
	[tilespmem:$0x1C000] =	vst v63  }
0x94: {  	s21 =	sadd.s32 @!p0 s6, s22  }
0x95: {  	s21 =	sshll.u32 @!p0 s21, $0x4  }
0x96: {  	s7 =	simm.s32 @!p0 $0x8000;
	s22 =	simm.s32 @!p0 $0x0;
	s21 =	sadd.s32 @!p0 s4, s21  }
0x97: {  	[tilespmem:s7], [sflag:$0x1] =	stream.linear.gather @!p0 [hbm4b:s21+s22], $0x2800, $0x38;
	[tilespmem:$0x1C000] =	vst v63  }
0x98: {  	s7 =	sshll.u32 @!p0 s23, $0x7;
	s21 =	simm.s32 @!p0 $0x50;
	s22 =	simm.s32 @!p0 $0xD000  }
0x99: {  	[tilespmem:s22], [sflag:$0x3] =	stream.indirect.gather @!p0 [hbm4b:s3+s21], $0x80, s7, s21, $0xb8;
	[tilespmem:$0x1C000] =	vst v63  }
0x9a: {  	s7 =	sadd.s32 @!p0 $0x4000, s7;
	s22 =	simm.s32 @!p0 $0x12000  }
0x9b: {  	[tilespmem:s22], [sflag:$0x5] =	stream.indirect.gather @!p0 [hbm4b:s3+s21], $0x80, s7, s21, $0xb8;
	[tilespmem:$0x1C000] =	vst v63  }
0x9c: {  	p0 =	seq.s32 s20, $0x0  }
.Ltmp6:
0x9d: {  	_ = 	snop;
	(pc) =	sbr.rel @p0 .LBB2_9-.Ltmp6, $1  }
0x9e: {  	_ =	sdelay $0x3  }
.LBB2_6:
0x9f: {  	_ =	swait.ge [sflag:s24], $0x2800  }
0xa0: {  	[sflag:s24] =	ssyncset.done $0x0  }
0xa1: {  	[sflag:s24] =	ssyncadd.s32 $0xFFFFD800  }
0xa2: {  	_ =	swait.ge [sflag:s25], $0x2800  }
0xa3: {  	[sflag:s25] =	ssyncset.done $0x0  }
0xa4: {  	[sflag:s25] =	ssyncadd.s32 $0xFFFFD800  }
0xa5: {  	_ =	swait.ge [sflag:s26], $0x2800  }
0xa6: {  	p0 =	slt.u32 s18, $0x2;
	[sflag:s26] =	ssyncset.done $0x0  }
0xa7: {  	s7 =	simm.s32 @!p0 $0x8;
	[sflag:s26] =	ssyncadd.s32 $0xFFFFD800  }
0xa8: {  	_ =	swait.ge @!p0 [sflag:s7], $0x2800  }
0xa9: {  	[sflag:s7] =	ssyncset.done @!p0 $0x0  }
0xaa: {  	s20 =	simm.s32 $0x0;
	[sflag:s7] =	ssyncadd.s32 @!p0 $0xFFFFD800  }
0xab: {  	v1 =	vld [tilespmem:s20+$0xA870]  }
0xac: {  	v2 =	vld [tilespmem:s20+$0xF870]  }
0xad: {  	v3 =	vld [tilespmem:s20+$0x14870]  }
0xae: {  	v4 =	vld [tilespmem:s20+$0xA800]  }
0xaf: {  	v5 =	vld [tilespmem:s20+$0xF800]  }
0xb0: {  	v6 =	vld [tilespmem:s20+$0x14800]  }
0xb1: {  	v7 =	vld [tilespmem:s20+$0xA810]  }
0xb2: {  	v8 =	vld [tilespmem:s20+$0xF810]  }
0xb3: {  	v1 =	vshll.u32 v1, v0;
	v2 =	vadd.f32 v3, v2;
	v3 =	vld [tilespmem:s20+$0x14810]  }
0xb4: {  	v9 =	vld [tilespmem:s20+$0xA820];
	v1 =	vand.u32 $0xFFFF0000, v1  }
0xb5: {  	v4 =	vshll.u32 v4, v0;
	v5 =	vadd.f32 v6, v5;
	v6 =	vld [tilespmem:s20+$0x14820];
	v1 =	vadd.f32 v1, v2  }
0xb6: {  	v4 =	vand.u32 $0xFFFF0000, v4;
	v2 =	vld [tilespmem:s20+$0xF820]  }
0xb7: {  	[tilespmem:s20+$0x19870] =	vst v1;
	v1 =	vadd.f32 v4, v5;
	v4 =	vld [tilespmem:s20+$0xA830]  }
0xb8: {  	v7 =	vshll.u32 v7, v0;
	v5 =	vld [tilespmem:s20+$0xF830];
	v3 =	vadd.f32 v3, v8  }
0xb9: {  	[tilespmem:s20+$0x19800] =	vst v1;
	v1 =	vand.u32 $0xFFFF0000, v7;
	v7 =	vld [tilespmem:s20+$0x14830]  }
0xba: {  	v1 =	vadd.f32 v1, v3  }
0xbb: {  	v10 =	vld [tilespmem:s20+$0xF840];
	v3 =	vshll.u32 v9, v0;
	v2 =	vadd.f32 v6, v2  }
0xbc: {  	v8 =	vld [tilespmem:s20+$0xA840];
	[tilespmem:s20+$0x19810] =	vst v1;
	v1 =	vand.u32 $0xFFFF0000, v3  }
0xbd: {  	v6 =	vld [tilespmem:s20+$0x14840];
	v1 =	vadd.f32 v1, v2  }
0xbe: {  	v11 =	vld [tilespmem:s20+$0xF850];
	v2 =	vshll.u32 v4, v0;
	v3 =	vadd.f32 v7, v5  }
0xbf: {  	v9 =	vld [tilespmem:s20+$0xA850];
	[tilespmem:s20+$0x19820] =	vst v1;
	v1 =	vand.u32 $0xFFFF0000, v2  }
0xc0: {  	v12 =	vld [tilespmem:s20+$0x14850];
	v1 =	vadd.f32 v1, v3  }
0xc1: {  	v3 =	vld [tilespmem:s20+$0xA860]  }
0xc2: {  	v5 =	vld [tilespmem:s20+$0x14860];
	v4 =	vadd.f32 v6, v10;
	[tilespmem:s20+$0x19830] =	vst v1;
	v1 =	vshll.u32 v8, v0  }
0xc3: {  	s21 =	simm.s32 $0x80;
	v2 =	vld [tilespmem:s20+$0xF860];
	v6 =	vand.u32 $0xFFFF0000, v1  }
0xc4: {  	v8 =	vshll.u32 v9, v0;
	v1 =	vld [tilespmem:s21+$0xA870];
	v7 =	vadd.f32 v6, v4  }
0xc5: {  	s22 =	simm.s32 $0x400;
	v6 =	vand.u32 $0xFFFF0000, v8;
	v4 =	vld [tilespmem:s21+$0xF870];
	v8 =	vadd.f32 v12, v11  }
.LBB2_7:
0xc6: {  	p0 =	sne.s32 s22, $0x9E00;
	v9 =	vld [tilespmem:s21+$0x14870];
	[tilespmem:s20+$0x19840] =	vst v7;
	v3 =	vshll.u32 v3, v0  }
0xc7: {  	v7 =	vld [tilespmem:s21+$0xA800];
	v6 =	vadd.f32 v6, v8;
	v3 =	vand.u32 $0xFFFF0000, v3  }
0xc8: {  	v8 =	vld [tilespmem:s21+$0xF800];
	v2 =	vadd.f32 v5, v2  }
0xc9: {  	v5 =	vld [tilespmem:s21+$0x14800];
	[tilespmem:s20+$0x19850] =	vst v6  }
0xca: {  	v6 =	vld [tilespmem:s21+$0xA810];
	v2 =	vadd.f32 v3, v2  }
0xcb: {  	v1 =	vshll.u32 v1, v0;
	v3 =	vld [tilespmem:s21+$0xF810];
	v4 =	vadd.f32 v9, v4  }
0xcc: {  	v1 =	vand.u32 $0xFFFF0000, v1;
	v7 =	vshll.u32 v7, v0;
	v9 =	vld [tilespmem:s21+$0x14810];
	[tilespmem:s20+$0x19860] =	vst v2;
	s20 =	smov.u32 s21  }
0xcd: {  	v2 =	vand.u32 $0xFFFF0000, v7;
	v7 =	vld [tilespmem:s20+$0xA820];
	v1 =	vadd.f32 v1, v4  }
0xce: {  	v4 =	vadd.f32 v5, v8;
	v5 =	vld [tilespmem:s20+$0xF820]  }
0xcf: {  	v6 =	vshll.u32 v6, v0;
	v8 =	vld [tilespmem:s20+$0x14820];
	[tilespmem:s20+$0x19870] =	vst v1  }
0xd0: {  	v1 =	vadd.f32 v2, v4;
	v2 =	vand.u32 $0xFFFF0000, v6;
	v4 =	vld [tilespmem:s20+$0xA830]  }
0xd1: {  	v3 =	vadd.f32 v9, v3;
	v6 =	vld [tilespmem:s20+$0xF830]  }
0xd2: {  	[tilespmem:s20+$0x19800] =	vst v1;
	v1 =	vshll.u32 v7, v0;
	v7 =	vld [tilespmem:s20+$0x14830]  }
0xd3: {  	v2 =	vadd.f32 v2, v3;
	v1 =	vand.u32 $0xFFFF0000, v1;
	v3 =	vld [tilespmem:s20+$0xA840]  }
0xd4: {  	v5 =	vadd.f32 v8, v5;
	v8 =	vld [tilespmem:s20+$0xF840]  }
0xd5: {  	[tilespmem:s20+$0x19810] =	vst v2;
	v2 =	vshll.u32 v4, v0;
	v4 =	vld [tilespmem:s20+$0x14840]  }
0xd6: {  	v1 =	vadd.f32 v1, v5;
	v2 =	vand.u32 $0xFFFF0000, v2;
	v5 =	vld [tilespmem:s20+$0xA850]  }
0xd7: {  	v6 =	vadd.f32 v7, v6;
	v9 =	vld [tilespmem:s20+$0xF850]  }
0xd8: {  	[tilespmem:s20+$0x19820] =	vst v1;
	v1 =	vshll.u32 v3, v0;
	v10 =	vld [tilespmem:s20+$0x14850]  }
.Ltmp7:
0xd9: {  	v6 =	vadd.f32 v2, v6;
	v7 =	vand.u32 $0xFFFF0000, v1;
	v3 =	vld [tilespmem:s20+$0xA860];
	(pc) =	sbr.rel @p0 .LBB2_7-.Ltmp7, $4  }
0xda: {  	v4 =	vadd.f32 v4, v8;
	v2 =	vld [tilespmem:s20+$0xF860]  }
0xdb: {  	s21 =	sshra.s32 s22, $0x2;
	[tilespmem:s20+$0x19830] =	vst v6;
	v6 =	vshll.u32 v5, v0;
	v5 =	vld [tilespmem:s20+$0x14860]  }
0xdc: {  	v1 =	vld [tilespmem:s21+$0xA870];
	v7 =	vadd.f32 v7, v4;
	v6 =	vand.u32 $0xFFFF0000, v6  }
0xdd: {  	s22 =	sadd.s32 $0x200, s22;
	v4 =	vld [tilespmem:s21+$0xF870];
	v8 =	vadd.f32 v10, v9  }
0xde: {  	v9 =	vld [tilespmem:s21+$0x14870];
	[tilespmem:s20+$0x19840] =	vst v7  }
0xdf: {  	v7 =	vld [tilespmem:s21+$0xA800];
	v6 =	vadd.f32 v6, v8  }
0xe0: {  	v3 =	vshll.u32 v3, v0;
	v50 =	vld [tilespmem:s21+$0xF800];
	v2 =	vadd.f32 v5, v2  }
0xe1: {  	v10 =	vld [tilespmem:s21+$0x14800];
	v3 =	vand.u32 $0xFFFF0000, v3;
	[tilespmem:s20+$0x19850] =	vst v6  }
0xe2: {  	v51 =	vld [tilespmem:s21+$0xA810];
	v2 =	vadd.f32 v3, v2  }
0xe3: {  	v3 =	vld [tilespmem:s21+$0xF810]  }
0xe4: {  	v1 =	vshll.u32 v1, v0;
	v6 =	vld [tilespmem:s21+$0x14810];
	v4 =	vadd.f32 v9, v4;
	[tilespmem:s20+$0x19860] =	vst v2  }
0xe5: {  	v1 =	vand.u32 $0xFFFF0000, v1;
	v2 =	vld [tilespmem:s21+$0xA820]  }
0xe6: {  	v7 =	vshll.u32 v7, v0;
	v8 =	vadd.f32 v10, v50;
	v1 =	vadd.f32 v1, v4;
	v52 =	vld [tilespmem:s21+$0xF820]  }
0xe7: {  	v53 =	vld [tilespmem:s21+$0x14820];
	v7 =	vand.u32 $0xFFFF0000, v7  }
0xe8: {  	v54 =	vld [tilespmem:s21+$0xA830];
	[tilespmem:s21+$0x19870] =	vst v1;
	v1 =	vadd.f32 v7, v8  }
0xe9: {  	v55 =	vld [tilespmem:s21+$0xF830];
	v5 =	vshll.u32 v51, v0;
	v3 =	vadd.f32 v6, v3  }
0xea: {  	v56 =	vld [tilespmem:s21+$0x14830];
	[tilespmem:s21+$0x19800] =	vst v1;
	v1 =	vand.u32 $0xFFFF0000, v5  }
0xeb: {  	v57 =	vld [tilespmem:s21+$0xF840];
	v1 =	vadd.f32 v1, v3  }
0xec: {  	v58 =	vld [tilespmem:s21+$0xA850];
	v2 =	vshll.u32 v2, v0;
	v4 =	vadd.f32 v53, v52  }
0xed: {  	v59 =	vld [tilespmem:s21+$0xF850];
	[tilespmem:s21+$0x19810] =	vst v1;
	v1 =	vand.u32 $0xFFFF0000, v2  }
0xee: {  	v60 =	vld [tilespmem:s21+$0x14850];
	v1 =	vadd.f32 v1, v4  }
0xef: {  	v3 =	vld [tilespmem:s21+$0xA840];
	v7 =	vshll.u32 v54, v0;
	v5 =	vadd.f32 v56, v55  }
0xf0: {  	v2 =	vld [tilespmem:s21+$0x14840];
	[tilespmem:s21+$0x19820] =	vst v1;
	v1 =	vand.u32 $0xFFFF0000, v7  }
0xf1: {  	v61 =	vld [tilespmem:s21+$0xA860];
	v1 =	vadd.f32 v1, v5  }
0xf2: {  	v62 =	vld [tilespmem:s21+$0xF860]  }
0xf3: {  	[tilespmem:s21+$0x19830] =	vst v1;
	v1 =	vld [tilespmem:s21+$0x14860];
	_ =	sdelay $0x1  }
0xf4: {  	v3 =	vshll.u32 v3, v0;
	v2 =	vadd.f32 v2, v57  }
0xf5: {  	v3 =	vand.u32 $0xFFFF0000, v3  }
0xf6: {  	v4 =	vshll.u32 v58, v0;
	v2 =	vadd.f32 v3, v2;
	v3 =	vadd.f32 v60, v59  }
0xf7: {  	v4 =	vand.u32 $0xFFFF0000, v4;
	v5 =	vshll.u32 v61, v0;
	v1 =	vadd.f32 v1, v62  }
0xf8: {  	v63 =	vand.u32 $0xFFFF0000, v5;
	v3 =	vadd.f32 v4, v3  }
0xf9: {  	s7 =	sadd.s32 s9, s19;
	p0 =	sgt.u32 s18, $0x7A;
	[tilespmem:s21+$0x19840] =	vst v2;
	v1 =	vadd.f32 v63, v1  }
0xfa: {  	s7 =	sshll.u32 s7, $0x4;
	s19 =	sadd.s32 @!p0 $0x2, s18;
	[tilespmem:s21+$0x19850] =	vst v3  }
0xfb: {  	s7 =	sadd.s32 s5, s7;
	s20 =	smul.u32 @!p0 $0x50, s19;
	[tilespmem:s21+$0x19860] =	vst v1  }
0xfc: {  	[hbm4b:s7+s2] =	stream.linear.scatter [tilespmem:s28], [sflag:$0x8], $0x2800, $0x38;
	[tilespmem:$0x1C000] =	vst v63  }
0xfd: {  	s7 =	sadd.s32 @!p0 s6, s20  }
0xfe: {  	s7 =	sshll.u32 @!p0 s7, $0x4  }
0xff: {  	s21 =	simm.s32 @!p0 $0xA800;
	s20 =	simm.s32 @!p0 $0x0;
	s7 =	sadd.s32 @!p0 s4, s7  }
0x100: {  	[tilespmem:s21], [sflag:$0x2] =	stream.linear.gather @!p0 [hbm4b:s7+s20], $0x2800, $0x38;
	[tilespmem:$0x1C000] =	vst v63  }
.Ltmp8:
0x101: {  	_ = 	snop;
	(pc) =	sbr.rel .LBB2_9-.Ltmp8, $4  }
0x102: {  	s7 =	sshll.u32 @!p0 s19, $0x7;
	s19 =	simm.s32 @!p0 $0x50;
	s20 =	simm.s32 @!p0 $0xF800  }
0x103: {  	[tilespmem:s20], [sflag:$0x4] =	stream.indirect.gather @!p0 [hbm4b:s3+s19], $0x80, s7, s19, $0xb8;
	[tilespmem:$0x1C000] =	vst v63  }
0x104: {  	s7 =	sadd.s32 @!p0 $0x4000, s7;
	s20 =	simm.s32 @!p0 $0x14800  }
0x105: {  	[tilespmem:s20], [sflag:$0x6] =	stream.indirect.gather @!p0 [hbm4b:s3+s19], $0x80, s7, s19, $0xb8;
	[tilespmem:$0x1C000] =	vst v63  }
.LBB2_11:
0x106: {  	_ =	sfence.sel $0x180000  }
0x107: {  	[bflag:$0x0] =	sbarrier.arrive $0xFFFF  }
0x108: {  	_ =	strace $0x90000050  }
0x109: {  	s0 =	stileid.u32;
	[bflag:$0x2] =	sbarrier.arrive $0xFFFF  }
0x10a: {  	p0 =	sne.s32 s0, $0x0;
	s0 =	rddreg [dreg:$0x1]  }
0x10b: {  	s0 =	sadd.s32 @!p0 $0x100000, s0  }
0x10c: {  	[sflag:s0] =	ssyncadd.tile.s32 @!p0 $0x1;
	_ =	shalt  }
.Lfunc_end2:
_tile_overlayer_lowered:
.L_overlay_start_2:
0x10d: {  	(tag) =	ssettag $0x2  }
0x10e: {  	s0 =	rddreg [dreg:$0x0];
	s2 =	stileid.u32  }
0x10f: {  	s1 =	rddreg [dreg:$0x1];
	p0 =	sne.s32 s2, $0x0  }
0x110: {  	s3 =	rddreg [dreg:$0x2];
	[bflag:$0x3] =	sbarrier.arrive $0xFFFF;
	s2 =	simm.s32 @!p0 $0x1C09  }
0x111: {  	[timem:s3], [sflag:s2] =	dma.local @!p0 [hbm:s0], s1  }
0x112: {  	s0 =	simm.s32 @!p0 $0x9  }
0x113: {  	_ =	swait.ge @!p0 [sflag:s0], s1  }
0x114: {  	s1 =	ssub.s32 @!p0 $0x0, s1;
	[sflag:s0] =	ssyncset.done @!p0 $0x0  }
0x115: {  	[sflag:s0] =	ssyncadd.s32 @!p0 s1  }
0x116: {  	[bflag:$0x3] =	sbarrier.arrive $0xFFFF  }
0x117: {  	_ =	shalt  }

</sc_bundles>
